<compile_context>
chip_gen: v7x
topology: tpu7x:2x2x1
jax: 0.10.2.dev20260603
libtpu: 0.0.44.dev20260713+nightly
codegen_flags: <defaults>
</compile_context>

<pallas_src>
import functools

import jax
import jax.numpy as jnp
from jax import lax
from jax.experimental import pallas as pl
from jax.experimental.pallas import tpu as pltpu
from jax.experimental.pallas import tpu_sc as plsc

N = 10000
E = 320000
D = 128
F = 16

NC = 2
NS = 16
NW = NC * NS
EW = E // NW
B = 128
NB = 8
S = 80
G = S // NB
RPT = 640
NR = NS * RPT
SINK = NR - N
NP = N // 8
NR8 = NR // 8
RPT8 = RPT // 8
FULLR = EW // B

_mesh = plsc.VectorSubcoreMesh(
    core_axis_name="c", subcore_axis_name="s", num_cores=NC, num_subcores=NS)
_sc_params = pltpu.CompilerParams(use_tc_tiling_on_sc=False)

_IOTA = lambda: lax.iota(jnp.int32, 16)


def _build_dst_idx(ei_hbm, wid, s, d1_v, didx_v):
    pltpu.sync_copy(ei_hbm.at[1, pl.ds(wid * EW, EW)], d1_v.at[pl.ds(0, EW)])
    _build_dst_rows(wid, s, d1_v, didx_v)


def _build_dst_rows(wid, s, d1_v, didx_v):
    def bld(r, carry):
        for k in range(8):
            didx_v[r, pl.ds(k * 16, 16)] = d1_v[pl.ds(r * B + k * 16, 16)]
        return carry

    lax.fori_loop(0, FULLR, bld, 0)
    didx_v[FULLR, pl.ds(0, 16)] = d1_v[pl.ds(FULLR * B, 16)]
    for k in range(1, 8):
        didx_v[FULLR, pl.ds(k * 16, 16)] = (
            N + (s * 31 + k * 16 + _IOTA()) % SINK)
    for k in range(8):
        didx_v[FULLR + 1, pl.ds(k * 16, 16)] = (
            N + (s * 31 + 128 + k * 16 + _IOTA()) % SINK)


def _zero_acc(stage_v, acc_sh, s):
    zero = jnp.zeros((16,), jnp.float32)

    def zr(r, carry):
        stage_v[r, :] = zero
        return carry

    lax.fori_loop(0, RPT, zr, 0)
    pltpu.sync_copy(stage_v, acc_sh.at[pl.ds(s * RPT, RPT)])


def _pack_writeout(acc_sh, stage_v, pack_v, out_hbm, c, s):
    pltpu.sync_copy(acc_sh.at[pl.ds(s * RPT, RPT)], stage_v)

    def repack(r, carry):
        for k in range(8):
            pack_v[r, pl.ds(16 * k, 16)] = stage_v[r * 8 + k, :]
        return carry

    lax.fori_loop(0, RPT8, repack, 0)
    pltpu.sync_copy(pack_v, out_hbm.at[pl.ds(c * RPT8 * NS + s * RPT8, RPT8)])


@functools.partial(
    pl.kernel,
    out_type=jax.ShapeDtypeStruct((NC * NR8, 128), jnp.float32),
    mesh=_mesh,
    scratch_types=[
        pltpu.VMEM((S * B,), jnp.int32),
        pltpu.VMEM((S, B), jnp.int32),
        pltpu.VMEM((B,), jnp.float32),
        pltpu.VMEM((RPT,), jnp.float32),
        pltpu.VMEM((RPT8, 128), jnp.float32),
        pltpu.VMEM_SHARED((NR,), jnp.float32),
        pltpu.SemaphoreType.DMA,
    ],
    compiler_params=_sc_params,
)
def _deg_pass(ei_hbm, out_hbm, d1_v, didx_v, ones_v, dz_v, pack_v, deg_sh,
              sem):
    c = lax.axis_index("c")
    s = lax.axis_index("s")
    wid = s * NC + c
    one = jnp.ones((16,), jnp.float32)
    zero = jnp.zeros((16,), jnp.float32)
    for k in range(8):
        ones_v[pl.ds(k * 16, 16)] = one

    def zr(r, carry):
        dz_v[pl.ds(r * 16, 16)] = zero
        return carry

    lax.fori_loop(0, RPT // 16, zr, 0)
    pltpu.sync_copy(dz_v, deg_sh.at[pl.ds(s * RPT, RPT)])
    _build_dst_idx(ei_hbm, wid, s, d1_v, didx_v)
    plsc.subcore_barrier()

    def step(j, carry):
        pltpu.async_copy(ones_v, deg_sh.at[didx_v.at[j]], sem, add=True)
        return carry

    lax.fori_loop(0, S, step, 0)

    def drain(j, carry):
        pltpu.make_async_copy(ones_v, deg_sh.at[didx_v.at[0]], sem).wait()
        return carry

    lax.fori_loop(0, S, drain, 0)
    plsc.subcore_barrier()
    pltpu.sync_copy(deg_sh.at[pl.ds(s * RPT, RPT)], dz_v)

    def pk(rr, carry):
        v16 = dz_v[pl.ds(rr * 16, 16)]
        for k in range(8):
            pack_v[2 * rr, pl.ds(k * 16, 16)] = jnp.full(
                (16,), v16[k], jnp.float32)
            pack_v[2 * rr + 1, pl.ds(k * 16, 16)] = jnp.full(
                (16,), v16[k + 8], jnp.float32)
        return carry

    lax.fori_loop(0, RPT8 // 2, pk, 0)
    pltpu.sync_copy(pack_v, out_hbm.at[pl.ds(c * RPT8 * NS + s * RPT8, RPT8)])


@functools.partial(
    pl.kernel,
    out_type=jax.ShapeDtypeStruct((NC * NR8, 128), jnp.float32),
    mesh=_mesh,
    scratch_types=[
        pltpu.VMEM((S * B,), jnp.int32),
        pltpu.VMEM((S * B,), jnp.int32),
        pltpu.VMEM((S, B), jnp.int32),
        pltpu.VMEM((NB, B, F), jnp.float32),
        pltpu.VMEM((RPT, F), jnp.float32),
        pltpu.VMEM((RPT8, 128), jnp.float32),
        pltpu.VMEM_SHARED((NR, F), jnp.float32),
    ] + [pltpu.SemaphoreType.DMA] * (2 * NB + 2),
    compiler_params=_sc_params,
)
def _edge_pass(g_hbm, ei_hbm, out_hbm, s1_v, d1_v, didx_v, rows_v, stage_v,
               pack_v, acc_sh, *sems):
    c = lax.axis_index("c")
    s = lax.axis_index("s")
    wid = s * NC + c
    cp_s = pltpu.async_copy(ei_hbm.at[0, pl.ds(wid * EW, EW)],
                            s1_v.at[pl.ds(0, EW)], sems[2 * NB])
    cp_d = pltpu.async_copy(ei_hbm.at[1, pl.ds(wid * EW, EW)],
                            d1_v.at[pl.ds(0, EW)], sems[2 * NB + 1])
    _zero_acc(stage_v, acc_sh, s)
    cp_s.wait()
    cp_d.wait()
    for k in range(EW // 16, S * B // 16):
        s1_v[pl.ds(k * 16, 16)] = (k * 16 + _IOTA()) % 128
    _build_dst_rows(wid, s, d1_v, didx_v)
    plsc.subcore_barrier()

    for b in range(NB):
        pltpu.async_copy(g_hbm.at[s1_v.at[pl.ds(b * B, B)]], rows_v.at[b],
                         sems[b])

    def round_body(g, carry):
        jb = g * NB
        for b in range(NB):
            pltpu.make_async_copy(
                g_hbm.at[s1_v.at[pl.ds(0, B)]], rows_v.at[b], sems[b]).wait()
            pltpu.async_copy(
                rows_v.at[b], acc_sh.at[didx_v.at[jb + b]], sems[NB + b],
                add=True)
        for b in range(NB):
            pltpu.make_async_copy(
                rows_v.at[b], acc_sh.at[didx_v.at[0]], sems[NB + b]).wait()

            @pl.when(g < G - 1)
            def _():
                pltpu.async_copy(
                    g_hbm.at[s1_v.at[pl.ds((jb + NB + b) * B, B)]],
                    rows_v.at[b], sems[b])

        return carry

    lax.fori_loop(0, G, round_body, 0)
    plsc.subcore_barrier()
    _pack_writeout(acc_sh, stage_v, pack_v, out_hbm, c, s)


def _mm1_body(x_ref, w_ref, o_ref):
    o_ref[...] = jnp.dot(x_ref[...], w_ref[...],
                         preferred_element_type=jnp.float32)


_mm1 = pl.pallas_call(
    _mm1_body,
    out_shape=jax.ShapeDtypeStruct((NP, 128), jnp.float32),
)


def _scale_body(degp_ref, h1_ref, dis_ref, g_ref):
    deg = degp_ref[0:NP] + degp_ref[NR8:NR8 + NP] + 1.0
    dis = lax.rsqrt(deg)
    dis_ref[...] = dis
    g_ref[...] = h1_ref[...] * dis


_scale = pl.pallas_call(
    _scale_body,
    out_shape=(jax.ShapeDtypeStruct((NP, 128), jnp.float32),
               jax.ShapeDtypeStruct((NP, 128), jnp.float32)),
)


def _mid_body(part_ref, g1_ref, dis_ref, w2_ref, b1_ref, g2_ref):
    dis = dis_ref[...]
    a = (dis * (g1_ref[...] + part_ref[0:NP] + part_ref[NR8:NR8 + NP])
         + b1_ref[...])
    a = jnp.maximum(a, 0.0)
    h2 = jnp.dot(a, w2_ref[...], preferred_element_type=jnp.float32)
    g2_ref[...] = h2 * dis


_mid = pl.pallas_call(
    _mid_body,
    out_shape=jax.ShapeDtypeStruct((NP, 128), jnp.float32),
)


def _out_body(part_ref, g2_ref, dis_ref, b2_ref, mgrp_ref, o_ref):
    zp = (dis_ref[...] * (g2_ref[...] + part_ref[0:NP]
                          + part_ref[NR8:NR8 + NP]) + b2_ref[...])
    m = jnp.max(zp, axis=1, keepdims=True)
    e = jnp.exp(zp - m)
    s = jnp.dot(e, mgrp_ref[...], preferred_element_type=jnp.float32)
    o_ref[...] = zp - m - jnp.log(s)


_outk = pl.pallas_call(
    _out_body,
    out_shape=jax.ShapeDtypeStruct((NP, 128), jnp.float32),
)


def kernel(x, edge_index, W1, b1, W2, b2):
    ei = edge_index.astype(jnp.int32)
    w1blk = jnp.kron(jnp.eye(8, dtype=jnp.float32), W1)
    w2blk = jnp.kron(jnp.eye(8, dtype=jnp.float32), W2)
    b1t = jnp.tile(b1, 8).reshape(1, 128)
    b2t = jnp.tile(b2, 8).reshape(1, 128)
    mgrp = jnp.kron(jnp.eye(8, dtype=jnp.float32),
                    jnp.ones((F, F), jnp.float32))

    degp = _deg_pass(ei)
    h1p = _mm1(x.reshape(NP, 8 * D), w1blk)
    dis2p, g1p = _scale(degp, h1p)
    part1 = _edge_pass(g1p.reshape(N, F), ei)
    g2p = _mid(part1, g1p, dis2p, w2blk, b1t)
    part2 = _edge_pass(g2p.reshape(N, F), ei)
    outp = _outk(part2, g2p, dis2p, b2t, mgrp)
    return outp.reshape(N, F)

# --- scband reference (transcript-rebuilt; emitter-appended) ---
"""Pipeline reference for scband-gcn-55430847922249 (READ-ONLY COPY).

The authoritative reference and input builder live on the scoring server;
editing this copy changes nothing except your own understanding.
"""

import jax, jax.numpy as jnp
import numpy as np

NUM_NODES = 10000
NUM_EDGES = 320000
D_FEAT = 128
HIDDEN = 16
NUM_CLASSES = 16


def gcn_conv(x, edge_index, W, b):
    # Faithful PyG GCNConv: linear transform, add self-loops, symmetric normalization,
    # scatter-add aggregation at the target nodes, then bias.
    N = x.shape[0]
    src = edge_index[0]
    dst = edge_index[1]
    loop = jnp.arange(N, dtype=edge_index.dtype)
    src = jnp.concatenate([src, loop])
    dst = jnp.concatenate([dst, loop])
    ones = jnp.ones(src.shape[0], dtype=x.dtype)
    deg = jax.ops.segment_sum(ones, dst, num_segments=N)
    deg_inv_sqrt = jnp.where(deg > 0, 1.0 / jnp.sqrt(deg), 0.0)
    norm = deg_inv_sqrt[src] * deg_inv_sqrt[dst]
    h = x @ W
    msg = h[src] * norm[:, None]
    out = jax.ops.segment_sum(msg, dst, num_segments=N)
    return out + b


def setup_inputs(seed: int = 0) -> dict:
    key = jax.random.key(seed)
    k1, k2, k3, k4, k5, k6 = jax.random.split(key, 6)
    x = jax.random.normal(k1, (NUM_NODES, D_FEAT), dtype=jnp.float32)
    edge_index = jax.random.randint(k2, (2, NUM_EDGES), 0, NUM_NODES, dtype=jnp.int64)
    # Glorot-style init for weights, zeros for bias (PyG GCNConv default)
    W1 = jax.random.normal(k3, (D_FEAT, HIDDEN), dtype=jnp.float32) * (1.0 / np.sqrt(D_FEAT))
    b1 = jnp.zeros((HIDDEN,), dtype=jnp.float32)
    W2 = jax.random.normal(k4, (HIDDEN, NUM_CLASSES), dtype=jnp.float32) * (1.0 / np.sqrt(HIDDEN))
    b2 = jnp.zeros((NUM_CLASSES,), dtype=jnp.float32)
    return {"x": x, "edge_index": edge_index, "W1": W1, "b1": b1, "W2": W2, "b2": b2}


def reference(x, edge_index, W1, b1, W2, b2):
    h = gcn_conv(x, edge_index, W1, b1)
    h = jax.nn.relu(h)
    # F.dropout(x, training=self.training): inference mode -> identity
    h = gcn_conv(h, edge_index, W2, b2)
    return jax.nn.log_softmax(h, axis=1)

if __name__ == "__main__":
    import jax
    _d = setup_inputs()
    print(jax.jit(kernel)(*tuple(_d.values())))

</pallas_src>

<mosaic_0001>
#map = affine_map<(d0, d1) -> (0, 0)>
module attributes {stable_mosaic.version = 14 : i64} {
  func.func @_edge_pass(%arg0: i32, %arg1: i32, %arg2: memref<10000x16xf32, #tpu.memory_space<hbm>>, %arg3: memref<2x320000xi32, #tpu.memory_space<hbm>>, %arg4: memref<2560x128xf32, #tpu.memory_space<hbm>>, %arg5: memref<10240xi32, #tpu.memory_space<vmem>>, %arg6: memref<10240xi32, #tpu.memory_space<vmem>>, %arg7: memref<80x128xi32, #tpu.memory_space<vmem>>, %arg8: memref<8x128x16xf32, #tpu.memory_space<vmem>>, %arg9: memref<640x16xf32, #tpu.memory_space<vmem>>, %arg10: memref<80x128xf32, #tpu.memory_space<vmem>>, %arg11: memref<10240x16xf32, #tpu.memory_space<vmem_shared>>, %arg12: memref<!tpu.dma_semaphore, #tpu.memory_space<semaphore_mem>>, %arg13: memref<!tpu.dma_semaphore, #tpu.memory_space<semaphore_mem>>, %arg14: memref<!tpu.dma_semaphore, #tpu.memory_space<semaphore_mem>>, %arg15: memref<!tpu.dma_semaphore, #tpu.memory_space<semaphore_mem>>, %arg16: memref<!tpu.dma_semaphore, #tpu.memory_space<semaphore_mem>>, %arg17: memref<!tpu.dma_semaphore, #tpu.memory_space<semaphore_mem>>, %arg18: memref<!tpu.dma_semaphore, #tpu.memory_space<semaphore_mem>>, %arg19: memref<!tpu.dma_semaphore, #tpu.memory_space<semaphore_mem>>, %arg20: memref<!tpu.dma_semaphore, #tpu.memory_space<semaphore_mem>>, %arg21: memref<!tpu.dma_semaphore, #tpu.memory_space<semaphore_mem>>, %arg22: memref<!tpu.dma_semaphore, #tpu.memory_space<semaphore_mem>>, %arg23: memref<!tpu.dma_semaphore, #tpu.memory_space<semaphore_mem>>, %arg24: memref<!tpu.dma_semaphore, #tpu.memory_space<semaphore_mem>>, %arg25: memref<!tpu.dma_semaphore, #tpu.memory_space<semaphore_mem>>, %arg26: memref<!tpu.dma_semaphore, #tpu.memory_space<semaphore_mem>>, %arg27: memref<!tpu.dma_semaphore, #tpu.memory_space<semaphore_mem>>, %arg28: memref<!tpu.dma_semaphore, #tpu.memory_space<semaphore_mem>>, %arg29: memref<!tpu.dma_semaphore, #tpu.memory_space<semaphore_mem>>) attributes {dimension_semantics = [#tpu.dimension_semantics<core_parallel>, #tpu.dimension_semantics<subcore_parallel>], iteration_bounds = array<i64: 2, 16>, scalar_prefetch = 0 : i64, scratch_operands = 25 : i64, tpu.core_type = #tpu.core_type<sc_vector_subcore>, window_params = [{transform_indices = #map}, {transform_indices = #map}, {transform_indices = #map}]} {
    %mul3A = arith.constant 2 : i32
    %mul3A_0 = arith.muli %arg1, %mul3A : i32
    %add3A = arith.addi %mul3A_0, %arg0 : i32
    %mul3A_1 = arith.constant 10000 : i32
    %mul3A_2 = arith.muli %add3A, %mul3A_1 : i32
    %dma_start3A = arith.constant 0 : i32
    %dma_start3A_3 = arith.constant 0 : i32
    %dma_start3A_4 = tpu.memref_slice %arg5[%dma_start3A_3] : memref<10240xi32, #tpu.memory_space<vmem>> -> memref<10000xi32, #tpu.memory_space<vmem>>
    %dma_start3A_5 = tpu.memref_slice %arg3[%dma_start3A, %mul3A_2] : memref<2x320000xi32, #tpu.memory_space<hbm>> -> memref<1x10000xi32, #tpu.memory_space<hbm>>
    %dma_start3A_6 = tpu.memref_squeeze %dma_start3A_5 : memref<1x10000xi32, #tpu.memory_space<hbm>> -> memref<10000xi32, #tpu.memory_space<hbm>>
    %dma_start3A_7 = arith.constant 0 : i32
    %dma_start3A_8 = tpu.memref_slice %arg5[%dma_start3A_7] : memref<10240xi32, #tpu.memory_space<vmem>> -> memref<10000xi32, #tpu.memory_space<vmem>>
    %dma_start3A_9 = tpu.memref_slice %arg3[%dma_start3A, %mul3A_2] : memref<2x320000xi32, #tpu.memory_space<hbm>> -> memref<1x10000xi32, #tpu.memory_space<hbm>>
    %dma_start3A_10 = tpu.memref_squeeze %dma_start3A_9 : memref<1x10000xi32, #tpu.memory_space<hbm>> -> memref<10000xi32, #tpu.memory_space<hbm>>
    tpu.enqueue_dma source(%dma_start3A_10 : memref<10000xi32, #tpu.memory_space<hbm>>) target(%dma_start3A_8 : memref<10000xi32, #tpu.memory_space<vmem>>) target_semaphore(%arg28 : memref<!tpu.dma_semaphore, #tpu.memory_space<semaphore_mem>>)
    %mul3A_11 = arith.constant 10000 : i32
    %mul3A_12 = arith.muli %add3A, %mul3A_11 : i32
    %dma_start3A_13 = arith.constant 1 : i32
    %dma_start3A_14 = arith.constant 0 : i32
    %dma_start3A_15 = tpu.memref_slice %arg6[%dma_start3A_14] : memref<10240xi32, #tpu.memory_space<vmem>> -> memref<10000xi32, #tpu.memory_space<vmem>>
    %dma_start3A_16 = tpu.memref_slice %arg3[%dma_start3A_13, %mul3A_12] : memref<2x320000xi32, #tpu.memory_space<hbm>> -> memref<1x10000xi32, #tpu.memory_space<hbm>>
    %dma_start3A_17 = tpu.memref_squeeze %dma_start3A_16 : memref<1x10000xi32, #tpu.memory_space<hbm>> -> memref<10000xi32, #tpu.memory_space<hbm>>
    %dma_start3A_18 = arith.constant 0 : i32
    %dma_start3A_19 = tpu.memref_slice %arg6[%dma_start3A_18] : memref<10240xi32, #tpu.memory_space<vmem>> -> memref<10000xi32, #tpu.memory_space<vmem>>
    %dma_start3A_20 = tpu.memref_slice %arg3[%dma_start3A_13, %mul3A_12] : memref<2x320000xi32, #tpu.memory_space<hbm>> -> memref<1x10000xi32, #tpu.memory_space<hbm>>
    %dma_start3A_21 = tpu.memref_squeeze %dma_start3A_20 : memref<1x10000xi32, #tpu.memory_space<hbm>> -> memref<10000xi32, #tpu.memory_space<hbm>>
    tpu.enqueue_dma source(%dma_start3A_21 : memref<10000xi32, #tpu.memory_space<hbm>>) target(%dma_start3A_19 : memref<10000xi32, #tpu.memory_space<vmem>>) target_semaphore(%arg29 : memref<!tpu.dma_semaphore, #tpu.memory_space<semaphore_mem>>)
    %broadcast_in_dim3A = arith.constant 0.000000e+00 : f32
    %broadcast_in_dim3A_22 = vector.broadcast %broadcast_in_dim3A : f32 to vector<16xf32>
    %scan3A = arith.constant 0 : i32
    %scan3A_23 = arith.constant 0 : i32
    %scan3A_24 = arith.constant 640 : i32
    %scan3A_25 = arith.addi %scan3A_23, %scan3A_24 : i32
    %scan3A_26 = arith.constant 1 : i32
    scf.for %scan3A_1190 = %scan3A_23 to %scan3A_25 step %scan3A_26  : i32 {
      %swap3A_1191 = arith.index_cast %scan3A_1190 : i32 to index
      %swap3A_1192 = arith.constant 0 : index
      %swap3A_1193 = tpu.vector_load %arg9[%swap3A_1191, %swap3A_1192] {strides = array<i32>} : memref<640x16xf32, #tpu.memory_space<vmem>>, vector<1x16xf32>,
      %swap3A_1194 = vector.shape_cast %swap3A_1193 : vector<1x16xf32> to vector<16xf32>
      %swap3A_1195 = vector.shape_cast %broadcast_in_dim3A_22 : vector<16xf32> to vector<1x16xf32>
      tpu.vector_store %arg9[%swap3A_1191, %swap3A_1192], %swap3A_1195 {strides = array<i32>} : memref<640x16xf32, #tpu.memory_space<vmem>>, vector<1x16xf32>,
    }
    %scan3A_27 = arith.constant 640 : i32
    %mul3A_28 = arith.constant 640 : i32
    %mul3A_29 = arith.muli %arg1, %mul3A_28 : i32
    "tpu.region"() ({
      %run_scoped3A = tpu.sem_alloc : memref<!tpu.dma_semaphore, #tpu.memory_space<semaphore_mem>>
      %dma_start3A_1190 = arith.constant 0 : i32
      %dma_start3A_1191 = tpu.memref_slice %arg11[%mul3A_29, %dma_start3A_1190] : memref<10240x16xf32, #tpu.memory_space<vmem_shared>> -> memref<640x16xf32, #tpu.memory_space<vmem_shared>>
      %dma_start3A_1192 = arith.constant 0 : i32
      %dma_start3A_1193 = tpu.memref_slice %arg11[%mul3A_29, %dma_start3A_1192] : memref<10240x16xf32, #tpu.memory_space<vmem_shared>> -> memref<640x16xf32, #tpu.memory_space<vmem_shared>>
      tpu.enqueue_dma source(%arg9 : memref<640x16xf32, #tpu.memory_space<vmem>>) target(%dma_start3A_1193 : memref<640x16xf32, #tpu.memory_space<vmem_shared>>) target_semaphore(%run_scoped3A : memref<!tpu.dma_semaphore, #tpu.memory_space<semaphore_mem>>)
      %dma_wait3A_1194 = arith.constant 0 : i32
      %dma_wait3A_1195 = tpu.memref_slice %arg11[%mul3A_29, %dma_wait3A_1194] : memref<10240x16xf32, #tpu.memory_space<vmem_shared>> -> memref<640x16xf32, #tpu.memory_space<vmem_shared>>
      %dma_wait3A_1196 = arith.constant 0 : i32
      %dma_wait3A_1197 = tpu.memref_slice %arg11[%mul3A_29, %dma_wait3A_1196] : memref<10240x16xf32, #tpu.memory_space<vmem_shared>> -> memref<640x16xf32, #tpu.memory_space<vmem_shared>>
      tpu.wait_dma2 semaphore(%run_scoped3A : memref<!tpu.dma_semaphore, #tpu.memory_space<semaphore_mem>>) src(%arg9 : memref<640x16xf32, #tpu.memory_space<vmem>>) dst(%dma_wait3A_1197 : memref<640x16xf32, #tpu.memory_space<vmem_shared>>)
      tpu.yield
    }) : () -> ()
    %dma_wait3A = arith.constant 0 : i32
    %dma_wait3A_30 = arith.constant 0 : i32
    %dma_wait3A_31 = tpu.memref_slice %arg5[%dma_wait3A_30] : memref<10240xi32, #tpu.memory_space<vmem>> -> memref<10000xi32, #tpu.memory_space<vmem>>
    %dma_wait3A_32 = tpu.memref_slice %arg3[%dma_wait3A, %mul3A_2] : memref<2x320000xi32, #tpu.memory_space<hbm>> -> memref<1x10000xi32, #tpu.memory_space<hbm>>
    %dma_wait3A_33 = tpu.memref_squeeze %dma_wait3A_32 : memref<1x10000xi32, #tpu.memory_space<hbm>> -> memref<10000xi32, #tpu.memory_space<hbm>>
    %dma_wait3A_34 = arith.constant 0 : i32
    %dma_wait3A_35 = tpu.memref_slice %arg5[%dma_wait3A_34] : memref<10240xi32, #tpu.memory_space<vmem>> -> memref<10000xi32, #tpu.memory_space<vmem>>
    %dma_wait3A_36 = tpu.memref_slice %arg3[%dma_wait3A, %mul3A_2] : memref<2x320000xi32, #tpu.memory_space<hbm>> -> memref<1x10000xi32, #tpu.memory_space<hbm>>
    %dma_wait3A_37 = tpu.memref_squeeze %dma_wait3A_36 : memref<1x10000xi32, #tpu.memory_space<hbm>> -> memref<10000xi32, #tpu.memory_space<hbm>>
    tpu.wait_dma2 semaphore(%arg28 : memref<!tpu.dma_semaphore, #tpu.memory_space<semaphore_mem>>) src(%dma_wait3A_37 : memref<10000xi32, #tpu.memory_space<hbm>>) dst(%dma_wait3A_35 : memref<10000xi32, #tpu.memory_space<vmem>>)
    %dma_wait3A_38 = arith.constant 1 : i32
    %dma_wait3A_39 = arith.constant 0 : i32
    %dma_wait3A_40 = tpu.memref_slice %arg6[%dma_wait3A_39] : memref<10240xi32, #tpu.memory_space<vmem>> -> memref<10000xi32, #tpu.memory_space<vmem>>
    %dma_wait3A_41 = tpu.memref_slice %arg3[%dma_wait3A_38, %mul3A_12] : memref<2x320000xi32, #tpu.memory_space<hbm>> -> memref<1x10000xi32, #tpu.memory_space<hbm>>
    %dma_wait3A_42 = tpu.memref_squeeze %dma_wait3A_41 : memref<1x10000xi32, #tpu.memory_space<hbm>> -> memref<10000xi32, #tpu.memory_space<hbm>>
    %dma_wait3A_43 = arith.constant 0 : i32
    %dma_wait3A_44 = tpu.memref_slice %arg6[%dma_wait3A_43] : memref<10240xi32, #tpu.memory_space<vmem>> -> memref<10000xi32, #tpu.memory_space<vmem>>
    %dma_wait3A_45 = tpu.memref_slice %arg3[%dma_wait3A_38, %mul3A_12] : memref<2x320000xi32, #tpu.memory_space<hbm>> -> memref<1x10000xi32, #tpu.memory_space<hbm>>
    %dma_wait3A_46 = tpu.memref_squeeze %dma_wait3A_45 : memref<1x10000xi32, #tpu.memory_space<hbm>> -> memref<10000xi32, #tpu.memory_space<hbm>>
    tpu.wait_dma2 semaphore(%arg29 : memref<!tpu.dma_semaphore, #tpu.memory_space<semaphore_mem>>) src(%dma_wait3A_46 : memref<10000xi32, #tpu.memory_space<hbm>>) dst(%dma_wait3A_44 : memref<10000xi32, #tpu.memory_space<vmem>>)
    %iota3A = tpu.iota {dimensions = array<i32: 0>} : vector<16xi32>
    %add3A_47 = arith.constant 10000 : i32
    %add3A_48 = vector.broadcast %add3A_47 : i32 to vector<16xi32>
    %add3A_49 = arith.addi %add3A_48, %iota3A : vector<16xi32>
    %jit3A = arith.constant 128 : i32
    %eq3A = arith.constant 0 : i32
    %eq3A_50 = arith.cmpi eq, %jit3A, %eq3A : i32
    %jit3A_51 = arith.constant 1 : i32
    %select_n3A = arith.select %eq3A_50, %jit3A_51, %jit3A : i32
    %rem3A = vector.broadcast %select_n3A : i32 to vector<16xi32>
    %rem3A_52 = arith.remsi %add3A_49, %rem3A : vector<16xi32>
    %ne3A = arith.constant 0 : i32
    %ne3A_53 = vector.broadcast %ne3A : i32 to vector<16xi32>
    %ne3A_54 = arith.cmpi ne, %rem3A_52, %ne3A_53 : vector<16xi32>
    %lt3A = arith.constant 0 : i32
    %lt3A_55 = vector.broadcast %lt3A : i32 to vector<16xi32>
    %lt3A_56 = arith.cmpi slt, %rem3A_52, %lt3A_55 : vector<16xi32>
    %lt3A_57 = arith.constant 0 : i32
    %lt3A_58 = arith.cmpi slt, %select_n3A, %lt3A_57 : i32
    %ne3A_59 = vector.broadcast %lt3A_58 : i1 to vector<16xi1>
    %ne3A_60 = vector.broadcast %ne3A_59 : vector<16xi1> to vector<16xi1>
    %ne3A_61 = arith.xori %lt3A_56, %ne3A_60 : vector<16xi1>
    %and3A = arith.andi %ne3A_61, %ne3A_54 : vector<16xi1>
    %add3A_62 = vector.broadcast %select_n3A : i32 to vector<16xi32>
    %add3A_63 = arith.addi %rem3A_52, %add3A_62 : vector<16xi32>
    %select_n3A_64 = arith.select %and3A, %add3A_63, %rem3A_52 : vector<16xi1>, vector<16xi32>
    %swap3A = arith.constant 10000 : index
    %swap3A_65 = tpu.vector_load %arg5[%swap3A] {strides = array<i32>} : memref<10240xi32, #tpu.memory_space<vmem>>, vector<16xi32>,
    %swap3A_66 = vector.shape_cast %swap3A_65 : vector<16xi32> to vector<16xi32>
    %swap3A_67 = vector.shape_cast %select_n3A_64 : vector<16xi32> to vector<16xi32>
    tpu.vector_store %arg5[%swap3A], %swap3A_67 {strides = array<i32>} : memref<10240xi32, #tpu.memory_space<vmem>>, vector<16xi32>,
    %iota3A_68 = tpu.iota {dimensions = array<i32: 0>} : vector<16xi32>
    %add3A_69 = arith.constant 10016 : i32
    %add3A_70 = vector.broadcast %add3A_69 : i32 to vector<16xi32>
    %add3A_71 = arith.addi %add3A_70, %iota3A_68 : vector<16xi32>
    %jit3A_72 = arith.constant 128 : i32
    %eq3A_73 = arith.constant 0 : i32
    %eq3A_74 = arith.cmpi eq, %jit3A_72, %eq3A_73 : i32
    %jit3A_75 = arith.constant 1 : i32
    %select_n3A_76 = arith.select %eq3A_74, %jit3A_75, %jit3A_72 : i32
    %rem3A_77 = vector.broadcast %select_n3A_76 : i32 to vector<16xi32>
    %rem3A_78 = arith.remsi %add3A_71, %rem3A_77 : vector<16xi32>
    %ne3A_79 = arith.constant 0 : i32
    %ne3A_80 = vector.broadcast %ne3A_79 : i32 to vector<16xi32>
    %ne3A_81 = arith.cmpi ne, %rem3A_78, %ne3A_80 : vector<16xi32>
    %lt3A_82 = arith.constant 0 : i32
    %lt3A_83 = vector.broadcast %lt3A_82 : i32 to vector<16xi32>
    %lt3A_84 = arith.cmpi slt, %rem3A_78, %lt3A_83 : vector<16xi32>
    %lt3A_85 = arith.constant 0 : i32
    %lt3A_86 = arith.cmpi slt, %select_n3A_76, %lt3A_85 : i32
    %ne3A_87 = vector.broadcast %lt3A_86 : i1 to vector<16xi1>
    %ne3A_88 = vector.broadcast %ne3A_87 : vector<16xi1> to vector<16xi1>
    %ne3A_89 = arith.xori %lt3A_84, %ne3A_88 : vector<16xi1>
    %and3A_90 = arith.andi %ne3A_89, %ne3A_81 : vector<16xi1>
    %add3A_91 = vector.broadcast %select_n3A_76 : i32 to vector<16xi32>
    %add3A_92 = arith.addi %rem3A_78, %add3A_91 : vector<16xi32>
    %select_n3A_93 = arith.select %and3A_90, %add3A_92, %rem3A_78 : vector<16xi1>, vector<16xi32>
    %swap3A_94 = arith.constant 10016 : index
    %swap3A_95 = tpu.vector_load %arg5[%swap3A_94] {strides = array<i32>} : memref<10240xi32, #tpu.memory_space<vmem>>, vector<16xi32>,
    %swap3A_96 = vector.shape_cast %swap3A_95 : vector<16xi32> to vector<16xi32>
    %swap3A_97 = vector.shape_cast %select_n3A_93 : vector<16xi32> to vector<16xi32>
    tpu.vector_store %arg5[%swap3A_94], %swap3A_97 {strides = array<i32>} : memref<10240xi32, #tpu.memory_space<vmem>>, vector<16xi32>,
    %iota3A_98 = tpu.iota {dimensions = array<i32: 0>} : vector<16xi32>
    %add3A_99 = arith.constant 10032 : i32
    %add3A_100 = vector.broadcast %add3A_99 : i32 to vector<16xi32>
    %add3A_101 = arith.addi %add3A_100, %iota3A_98 : vector<16xi32>
    %jit3A_102 = arith.constant 128 : i32
    %eq3A_103 = arith.constant 0 : i32
    %eq3A_104 = arith.cmpi eq, %jit3A_102, %eq3A_103 : i32
    %jit3A_105 = arith.constant 1 : i32
    %select_n3A_106 = arith.select %eq3A_104, %jit3A_105, %jit3A_102 : i32
    %rem3A_107 = vector.broadcast %select_n3A_106 : i32 to vector<16xi32>
    %rem3A_108 = arith.remsi %add3A_101, %rem3A_107 : vector<16xi32>
    %ne3A_109 = arith.constant 0 : i32
    %ne3A_110 = vector.broadcast %ne3A_109 : i32 to vector<16xi32>
    %ne3A_111 = arith.cmpi ne, %rem3A_108, %ne3A_110 : vector<16xi32>
    %lt3A_112 = arith.constant 0 : i32
    %lt3A_113 = vector.broadcast %lt3A_112 : i32 to vector<16xi32>
    %lt3A_114 = arith.cmpi slt, %rem3A_108, %lt3A_113 : vector<16xi32>
    %lt3A_115 = arith.constant 0 : i32
    %lt3A_116 = arith.cmpi slt, %select_n3A_106, %lt3A_115 : i32
    %ne3A_117 = vector.broadcast %lt3A_116 : i1 to vector<16xi1>
    %ne3A_118 = vector.broadcast %ne3A_117 : vector<16xi1> to vector<16xi1>
    %ne3A_119 = arith.xori %lt3A_114, %ne3A_118 : vector<16xi1>
    %and3A_120 = arith.andi %ne3A_119, %ne3A_111 : vector<16xi1>
    %add3A_121 = vector.broadcast %select_n3A_106 : i32 to vector<16xi32>
    %add3A_122 = arith.addi %rem3A_108, %add3A_121 : vector<16xi32>
    %select_n3A_123 = arith.select %and3A_120, %add3A_122, %rem3A_108 : vector<16xi1>, vector<16xi32>
    %swap3A_124 = arith.constant 10032 : index
    %swap3A_125 = tpu.vector_load %arg5[%swap3A_124] {strides = array<i32>} : memref<10240xi32, #tpu.memory_space<vmem>>, vector<16xi32>,
    %swap3A_126 = vector.shape_cast %swap3A_125 : vector<16xi32> to vector<16xi32>
    %swap3A_127 = vector.shape_cast %select_n3A_123 : vector<16xi32> to vector<16xi32>
    tpu.vector_store %arg5[%swap3A_124], %swap3A_127 {strides = array<i32>} : memref<10240xi32, #tpu.memory_space<vmem>>, vector<16xi32>,
    %iota3A_128 = tpu.iota {dimensions = array<i32: 0>} : vector<16xi32>
    %add3A_129 = arith.constant 10048 : i32
    %add3A_130 = vector.broadcast %add3A_129 : i32 to vector<16xi32>
    %add3A_131 = arith.addi %add3A_130, %iota3A_128 : vector<16xi32>
    %jit3A_132 = arith.constant 128 : i32
    %eq3A_133 = arith.constant 0 : i32
    %eq3A_134 = arith.cmpi eq, %jit3A_132, %eq3A_133 : i32
    %jit3A_135 = arith.constant 1 : i32
    %select_n3A_136 = arith.select %eq3A_134, %jit3A_135, %jit3A_132 : i32
    %rem3A_137 = vector.broadcast %select_n3A_136 : i32 to vector<16xi32>
    %rem3A_138 = arith.remsi %add3A_131, %rem3A_137 : vector<16xi32>
    %ne3A_139 = arith.constant 0 : i32
    %ne3A_140 = vector.broadcast %ne3A_139 : i32 to vector<16xi32>
    %ne3A_141 = arith.cmpi ne, %rem3A_138, %ne3A_140 : vector<16xi32>
    %lt3A_142 = arith.constant 0 : i32
    %lt3A_143 = vector.broadcast %lt3A_142 : i32 to vector<16xi32>
    %lt3A_144 = arith.cmpi slt, %rem3A_138, %lt3A_143 : vector<16xi32>
    %lt3A_145 = arith.constant 0 : i32
    %lt3A_146 = arith.cmpi slt, %select_n3A_136, %lt3A_145 : i32
    %ne3A_147 = vector.broadcast %lt3A_146 : i1 to vector<16xi1>
    %ne3A_148 = vector.broadcast %ne3A_147 : vector<16xi1> to vector<16xi1>
    %ne3A_149 = arith.xori %lt3A_144, %ne3A_148 : vector<16xi1>
    %and3A_150 = arith.andi %ne3A_149, %ne3A_141 : vector<16xi1>
    %add3A_151 = vector.broadcast %select_n3A_136 : i32 to vector<16xi32>
    %add3A_152 = arith.addi %rem3A_138, %add3A_151 : vector<16xi32>
    %select_n3A_153 = arith.select %and3A_150, %add3A_152, %rem3A_138 : vector<16xi1>, vector<16xi32>
    %swap3A_154 = arith.constant 10048 : index
    %swap3A_155 = tpu.vector_load %arg5[%swap3A_154] {strides = array<i32>} : memref<10240xi32, #tpu.memory_space<vmem>>, vector<16xi32>,
    %swap3A_156 = vector.shape_cast %swap3A_155 : vector<16xi32> to vector<16xi32>
    %swap3A_157 = vector.shape_cast %select_n3A_153 : vector<16xi32> to vector<16xi32>
    tpu.vector_store %arg5[%swap3A_154], %swap3A_157 {strides = array<i32>} : memref<10240xi32, #tpu.memory_space<vmem>>, vector<16xi32>,
    %iota3A_158 = tpu.iota {dimensions = array<i32: 0>} : vector<16xi32>
    %add3A_159 = arith.constant 10064 : i32
    %add3A_160 = vector.broadcast %add3A_159 : i32 to vector<16xi32>
    %add3A_161 = arith.addi %add3A_160, %iota3A_158 : vector<16xi32>
    %jit3A_162 = arith.constant 128 : i32
    %eq3A_163 = arith.constant 0 : i32
    %eq3A_164 = arith.cmpi eq, %jit3A_162, %eq3A_163 : i32
    %jit3A_165 = arith.constant 1 : i32
    %select_n3A_166 = arith.select %eq3A_164, %jit3A_165, %jit3A_162 : i32
    %rem3A_167 = vector.broadcast %select_n3A_166 : i32 to vector<16xi32>
    %rem3A_168 = arith.remsi %add3A_161, %rem3A_167 : vector<16xi32>
    %ne3A_169 = arith.constant 0 : i32
    %ne3A_170 = vector.broadcast %ne3A_169 : i32 to vector<16xi32>
    %ne3A_171 = arith.cmpi ne, %rem3A_168, %ne3A_170 : vector<16xi32>
    %lt3A_172 = arith.constant 0 : i32
    %lt3A_173 = vector.broadcast %lt3A_172 : i32 to vector<16xi32>
    %lt3A_174 = arith.cmpi slt, %rem3A_168, %lt3A_173 : vector<16xi32>
    %lt3A_175 = arith.constant 0 : i32
    %lt3A_176 = arith.cmpi slt, %select_n3A_166, %lt3A_175 : i32
    %ne3A_177 = vector.broadcast %lt3A_176 : i1 to vector<16xi1>
    %ne3A_178 = vector.broadcast %ne3A_177 : vector<16xi1> to vector<16xi1>
    %ne3A_179 = arith.xori %lt3A_174, %ne3A_178 : vector<16xi1>
    %and3A_180 = arith.andi %ne3A_179, %ne3A_171 : vector<16xi1>
    %add3A_181 = vector.broadcast %select_n3A_166 : i32 to vector<16xi32>
    %add3A_182 = arith.addi %rem3A_168, %add3A_181 : vector<16xi32>
    %select_n3A_183 = arith.select %and3A_180, %add3A_182, %rem3A_168 : vector<16xi1>, vector<16xi32>
    %swap3A_184 = arith.constant 10064 : index
    %swap3A_185 = tpu.vector_load %arg5[%swap3A_184] {strides = array<i32>} : memref<10240xi32, #tpu.memory_space<vmem>>, vector<16xi32>,
    %swap3A_186 = vector.shape_cast %swap3A_185 : vector<16xi32> to vector<16xi32>
    %swap3A_187 = vector.shape_cast %select_n3A_183 : vector<16xi32> to vector<16xi32>
    tpu.vector_store %arg5[%swap3A_184], %swap3A_187 {strides = array<i32>} : memref<10240xi32, #tpu.memory_space<vmem>>, vector<16xi32>,
    %iota3A_188 = tpu.iota {dimensions = array<i32: 0>} : vector<16xi32>
    %add3A_189 = arith.constant 10080 : i32
    %add3A_190 = vector.broadcast %add3A_189 : i32 to vector<16xi32>
    %add3A_191 = arith.addi %add3A_190, %iota3A_188 : vector<16xi32>
    %jit3A_192 = arith.constant 128 : i32
    %eq3A_193 = arith.constant 0 : i32
    %eq3A_194 = arith.cmpi eq, %jit3A_192, %eq3A_193 : i32
    %jit3A_195 = arith.constant 1 : i32
    %select_n3A_196 = arith.select %eq3A_194, %jit3A_195, %jit3A_192 : i32
    %rem3A_197 = vector.broadcast %select_n3A_196 : i32 to vector<16xi32>
    %rem3A_198 = arith.remsi %add3A_191, %rem3A_197 : vector<16xi32>
    %ne3A_199 = arith.constant 0 : i32
    %ne3A_200 = vector.broadcast %ne3A_199 : i32 to vector<16xi32>
    %ne3A_201 = arith.cmpi ne, %rem3A_198, %ne3A_200 : vector<16xi32>
    %lt3A_202 = arith.constant 0 : i32
    %lt3A_203 = vector.broadcast %lt3A_202 : i32 to vector<16xi32>
    %lt3A_204 = arith.cmpi slt, %rem3A_198, %lt3A_203 : vector<16xi32>
    %lt3A_205 = arith.constant 0 : i32
    %lt3A_206 = arith.cmpi slt, %select_n3A_196, %lt3A_205 : i32
    %ne3A_207 = vector.broadcast %lt3A_206 : i1 to vector<16xi1>
    %ne3A_208 = vector.broadcast %ne3A_207 : vector<16xi1> to vector<16xi1>
    %ne3A_209 = arith.xori %lt3A_204, %ne3A_208 : vector<16xi1>
    %and3A_210 = arith.andi %ne3A_209, %ne3A_201 : vector<16xi1>
    %add3A_211 = vector.broadcast %select_n3A_196 : i32 to vector<16xi32>
    %add3A_212 = arith.addi %rem3A_198, %add3A_211 : vector<16xi32>
    %select_n3A_213 = arith.select %and3A_210, %add3A_212, %rem3A_198 : vector<16xi1>, vector<16xi32>
    %swap3A_214 = arith.constant 10080 : index
    %swap3A_215 = tpu.vector_load %arg5[%swap3A_214] {strides = array<i32>} : memref<10240xi32, #tpu.memory_space<vmem>>, vector<16xi32>,
    %swap3A_216 = vector.shape_cast %swap3A_215 : vector<16xi32> to vector<16xi32>
    %swap3A_217 = vector.shape_cast %select_n3A_213 : vector<16xi32> to vector<16xi32>
    tpu.vector_store %arg5[%swap3A_214], %swap3A_217 {strides = array<i32>} : memref<10240xi32, #tpu.memory_space<vmem>>, vector<16xi32>,
    %iota3A_218 = tpu.iota {dimensions = array<i32: 0>} : vector<16xi32>
    %add3A_219 = arith.constant 10096 : i32
    %add3A_220 = vector.broadcast %add3A_219 : i32 to vector<16xi32>
    %add3A_221 = arith.addi %add3A_220, %iota3A_218 : vector<16xi32>
    %jit3A_222 = arith.constant 128 : i32
    %eq3A_223 = arith.constant 0 : i32
    %eq3A_224 = arith.cmpi eq, %jit3A_222, %eq3A_223 : i32
    %jit3A_225 = arith.constant 1 : i32
    %select_n3A_226 = arith.select %eq3A_224, %jit3A_225, %jit3A_222 : i32
    %rem3A_227 = vector.broadcast %select_n3A_226 : i32 to vector<16xi32>
    %rem3A_228 = arith.remsi %add3A_221, %rem3A_227 : vector<16xi32>
    %ne3A_229 = arith.constant 0 : i32
    %ne3A_230 = vector.broadcast %ne3A_229 : i32 to vector<16xi32>
    %ne3A_231 = arith.cmpi ne, %rem3A_228, %ne3A_230 : vector<16xi32>
    %lt3A_232 = arith.constant 0 : i32
    %lt3A_233 = vector.broadcast %lt3A_232 : i32 to vector<16xi32>
    %lt3A_234 = arith.cmpi slt, %rem3A_228, %lt3A_233 : vector<16xi32>
    %lt3A_235 = arith.constant 0 : i32
    %lt3A_236 = arith.cmpi slt, %select_n3A_226, %lt3A_235 : i32
    %ne3A_237 = vector.broadcast %lt3A_236 : i1 to vector<16xi1>
    %ne3A_238 = vector.broadcast %ne3A_237 : vector<16xi1> to vector<16xi1>
    %ne3A_239 = arith.xori %lt3A_234, %ne3A_238 : vector<16xi1>
    %and3A_240 = arith.andi %ne3A_239, %ne3A_231 : vector<16xi1>
    %add3A_241 = vector.broadcast %select_n3A_226 : i32 to vector<16xi32>
    %add3A_242 = arith.addi %rem3A_228, %add3A_241 : vector<16xi32>
    %select_n3A_243 = arith.select %and3A_240, %add3A_242, %rem3A_228 : vector<16xi1>, vector<16xi32>
    %swap3A_244 = arith.constant 10096 : index
    %swap3A_245 = tpu.vector_load %arg5[%swap3A_244] {strides = array<i32>} : memref<10240xi32, #tpu.memory_space<vmem>>, vector<16xi32>,
    %swap3A_246 = vector.shape_cast %swap3A_245 : vector<16xi32> to vector<16xi32>
    %swap3A_247 = vector.shape_cast %select_n3A_243 : vector<16xi32> to vector<16xi32>
    tpu.vector_store %arg5[%swap3A_244], %swap3A_247 {strides = array<i32>} : memref<10240xi32, #tpu.memory_space<vmem>>, vector<16xi32>,
    %iota3A_248 = tpu.iota {dimensions = array<i32: 0>} : vector<16xi32>
    %add3A_249 = arith.constant 10112 : i32
    %add3A_250 = vector.broadcast %add3A_249 : i32 to vector<16xi32>
    %add3A_251 = arith.addi %add3A_250, %iota3A_248 : vector<16xi32>
    %jit3A_252 = arith.constant 128 : i32
    %eq3A_253 = arith.constant 0 : i32
    %eq3A_254 = arith.cmpi eq, %jit3A_252, %eq3A_253 : i32
    %jit3A_255 = arith.constant 1 : i32
    %select_n3A_256 = arith.select %eq3A_254, %jit3A_255, %jit3A_252 : i32
    %rem3A_257 = vector.broadcast %select_n3A_256 : i32 to vector<16xi32>
    %rem3A_258 = arith.remsi %add3A_251, %rem3A_257 : vector<16xi32>
    %ne3A_259 = arith.constant 0 : i32
    %ne3A_260 = vector.broadcast %ne3A_259 : i32 to vector<16xi32>
    %ne3A_261 = arith.cmpi ne, %rem3A_258, %ne3A_260 : vector<16xi32>
    %lt3A_262 = arith.constant 0 : i32
    %lt3A_263 = vector.broadcast %lt3A_262 : i32 to vector<16xi32>
    %lt3A_264 = arith.cmpi slt, %rem3A_258, %lt3A_263 : vector<16xi32>
    %lt3A_265 = arith.constant 0 : i32
    %lt3A_266 = arith.cmpi slt, %select_n3A_256, %lt3A_265 : i32
    %ne3A_267 = vector.broadcast %lt3A_266 : i1 to vector<16xi1>
    %ne3A_268 = vector.broadcast %ne3A_267 : vector<16xi1> to vector<16xi1>
    %ne3A_269 = arith.xori %lt3A_264, %ne3A_268 : vector<16xi1>
    %and3A_270 = arith.andi %ne3A_269, %ne3A_261 : vector<16xi1>
    %add3A_271 = vector.broadcast %select_n3A_256 : i32 to vector<16xi32>
    %add3A_272 = arith.addi %rem3A_258, %add3A_271 : vector<16xi32>
    %select_n3A_273 = arith.select %and3A_270, %add3A_272, %rem3A_258 : vector<16xi1>, vector<16xi32>
    %swap3A_274 = arith.constant 10112 : index
    %swap3A_275 = tpu.vector_load %arg5[%swap3A_274] {strides = array<i32>} : memref<10240xi32, #tpu.memory_space<vmem>>, vector<16xi32>,
    %swap3A_276 = vector.shape_cast %swap3A_275 : vector<16xi32> to vector<16xi32>
    %swap3A_277 = vector.shape_cast %select_n3A_273 : vector<16xi32> to vector<16xi32>
    tpu.vector_store %arg5[%swap3A_274], %swap3A_277 {strides = array<i32>} : memref<10240xi32, #tpu.memory_space<vmem>>, vector<16xi32>,
    %iota3A_278 = tpu.iota {dimensions = array<i32: 0>} : vector<16xi32>
    %add3A_279 = arith.constant 10128 : i32
    %add3A_280 = vector.broadcast %add3A_279 : i32 to vector<16xi32>
    %add3A_281 = arith.addi %add3A_280, %iota3A_278 : vector<16xi32>
    %jit3A_282 = arith.constant 128 : i32
    %eq3A_283 = arith.constant 0 : i32
    %eq3A_284 = arith.cmpi eq, %jit3A_282, %eq3A_283 : i32
    %jit3A_285 = arith.constant 1 : i32
    %select_n3A_286 = arith.select %eq3A_284, %jit3A_285, %jit3A_282 : i32
    %rem3A_287 = vector.broadcast %select_n3A_286 : i32 to vector<16xi32>
    %rem3A_288 = arith.remsi %add3A_281, %rem3A_287 : vector<16xi32>
    %ne3A_289 = arith.constant 0 : i32
    %ne3A_290 = vector.broadcast %ne3A_289 : i32 to vector<16xi32>
    %ne3A_291 = arith.cmpi ne, %rem3A_288, %ne3A_290 : vector<16xi32>
    %lt3A_292 = arith.constant 0 : i32
    %lt3A_293 = vector.broadcast %lt3A_292 : i32 to vector<16xi32>
    %lt3A_294 = arith.cmpi slt, %rem3A_288, %lt3A_293 : vector<16xi32>
    %lt3A_295 = arith.constant 0 : i32
    %lt3A_296 = arith.cmpi slt, %select_n3A_286, %lt3A_295 : i32
    %ne3A_297 = vector.broadcast %lt3A_296 : i1 to vector<16xi1>
    %ne3A_298 = vector.broadcast %ne3A_297 : vector<16xi1> to vector<16xi1>
    %ne3A_299 = arith.xori %lt3A_294, %ne3A_298 : vector<16xi1>
    %and3A_300 = arith.andi %ne3A_299, %ne3A_291 : vector<16xi1>
    %add3A_301 = vector.broadcast %select_n3A_286 : i32 to vector<16xi32>
    %add3A_302 = arith.addi %rem3A_288, %add3A_301 : vector<16xi32>
    %select_n3A_303 = arith.select %and3A_300, %add3A_302, %rem3A_288 : vector<16xi1>, vector<16xi32>
    %swap3A_304 = arith.constant 10128 : index
    %swap3A_305 = tpu.vector_load %arg5[%swap3A_304] {strides = array<i32>} : memref<10240xi32, #tpu.memory_space<vmem>>, vector<16xi32>,
    %swap3A_306 = vector.shape_cast %swap3A_305 : vector<16xi32> to vector<16xi32>
    %swap3A_307 = vector.shape_cast %select_n3A_303 : vector<16xi32> to vector<16xi32>
    tpu.vector_store %arg5[%swap3A_304], %swap3A_307 {strides = array<i32>} : memref<10240xi32, #tpu.memory_space<vmem>>, vector<16xi32>,
    %iota3A_308 = tpu.iota {dimensions = array<i32: 0>} : vector<16xi32>
    %add3A_309 = arith.constant 10144 : i32
    %add3A_310 = vector.broadcast %add3A_309 : i32 to vector<16xi32>
    %add3A_311 = arith.addi %add3A_310, %iota3A_308 : vector<16xi32>
    %jit3A_312 = arith.constant 128 : i32
    %eq3A_313 = arith.constant 0 : i32
    %eq3A_314 = arith.cmpi eq, %jit3A_312, %eq3A_313 : i32
    %jit3A_315 = arith.constant 1 : i32
    %select_n3A_316 = arith.select %eq3A_314, %jit3A_315, %jit3A_312 : i32
    %rem3A_317 = vector.broadcast %select_n3A_316 : i32 to vector<16xi32>
    %rem3A_318 = arith.remsi %add3A_311, %rem3A_317 : vector<16xi32>
    %ne3A_319 = arith.constant 0 : i32
    %ne3A_320 = vector.broadcast %ne3A_319 : i32 to vector<16xi32>
    %ne3A_321 = arith.cmpi ne, %rem3A_318, %ne3A_320 : vector<16xi32>
    %lt3A_322 = arith.constant 0 : i32
    %lt3A_323 = vector.broadcast %lt3A_322 : i32 to vector<16xi32>
    %lt3A_324 = arith.cmpi slt, %rem3A_318, %lt3A_323 : vector<16xi32>
    %lt3A_325 = arith.constant 0 : i32
    %lt3A_326 = arith.cmpi slt, %select_n3A_316, %lt3A_325 : i32
    %ne3A_327 = vector.broadcast %lt3A_326 : i1 to vector<16xi1>
    %ne3A_328 = vector.broadcast %ne3A_327 : vector<16xi1> to vector<16xi1>
    %ne3A_329 = arith.xori %lt3A_324, %ne3A_328 : vector<16xi1>
    %and3A_330 = arith.andi %ne3A_329, %ne3A_321 : vector<16xi1>
    %add3A_331 = vector.broadcast %select_n3A_316 : i32 to vector<16xi32>
    %add3A_332 = arith.addi %rem3A_318, %add3A_331 : vector<16xi32>
    %select_n3A_333 = arith.select %and3A_330, %add3A_332, %rem3A_318 : vector<16xi1>, vector<16xi32>
    %swap3A_334 = arith.constant 10144 : index
    %swap3A_335 = tpu.vector_load %arg5[%swap3A_334] {strides = array<i32>} : memref<10240xi32, #tpu.memory_space<vmem>>, vector<16xi32>,
    %swap3A_336 = vector.shape_cast %swap3A_335 : vector<16xi32> to vector<16xi32>
    %swap3A_337 = vector.shape_cast %select_n3A_333 : vector<16xi32> to vector<16xi32>
    tpu.vector_store %arg5[%swap3A_334], %swap3A_337 {strides = array<i32>} : memref<10240xi32, #tpu.memory_space<vmem>>, vector<16xi32>,
    %iota3A_338 = tpu.iota {dimensions = array<i32: 0>} : vector<16xi32>
    %add3A_339 = arith.constant 10160 : i32
    %add3A_340 = vector.broadcast %add3A_339 : i32 to vector<16xi32>
    %add3A_341 = arith.addi %add3A_340, %iota3A_338 : vector<16xi32>
    %jit3A_342 = arith.constant 128 : i32
    %eq3A_343 = arith.constant 0 : i32
    %eq3A_344 = arith.cmpi eq, %jit3A_342, %eq3A_343 : i32
    %jit3A_345 = arith.constant 1 : i32
    %select_n3A_346 = arith.select %eq3A_344, %jit3A_345, %jit3A_342 : i32
    %rem3A_347 = vector.broadcast %select_n3A_346 : i32 to vector<16xi32>
    %rem3A_348 = arith.remsi %add3A_341, %rem3A_347 : vector<16xi32>
    %ne3A_349 = arith.constant 0 : i32
    %ne3A_350 = vector.broadcast %ne3A_349 : i32 to vector<16xi32>
    %ne3A_351 = arith.cmpi ne, %rem3A_348, %ne3A_350 : vector<16xi32>
    %lt3A_352 = arith.constant 0 : i32
    %lt3A_353 = vector.broadcast %lt3A_352 : i32 to vector<16xi32>
    %lt3A_354 = arith.cmpi slt, %rem3A_348, %lt3A_353 : vector<16xi32>
    %lt3A_355 = arith.constant 0 : i32
    %lt3A_356 = arith.cmpi slt, %select_n3A_346, %lt3A_355 : i32
    %ne3A_357 = vector.broadcast %lt3A_356 : i1 to vector<16xi1>
    %ne3A_358 = vector.broadcast %ne3A_357 : vector<16xi1> to vector<16xi1>
    %ne3A_359 = arith.xori %lt3A_354, %ne3A_358 : vector<16xi1>
    %and3A_360 = arith.andi %ne3A_359, %ne3A_351 : vector<16xi1>
    %add3A_361 = vector.broadcast %select_n3A_346 : i32 to vector<16xi32>
    %add3A_362 = arith.addi %rem3A_348, %add3A_361 : vector<16xi32>
    %select_n3A_363 = arith.select %and3A_360, %add3A_362, %rem3A_348 : vector<16xi1>, vector<16xi32>
    %swap3A_364 = arith.constant 10160 : index
    %swap3A_365 = tpu.vector_load %arg5[%swap3A_364] {strides = array<i32>} : memref<10240xi32, #tpu.memory_space<vmem>>, vector<16xi32>,
    %swap3A_366 = vector.shape_cast %swap3A_365 : vector<16xi32> to vector<16xi32>
    %swap3A_367 = vector.shape_cast %select_n3A_363 : vector<16xi32> to vector<16xi32>
    tpu.vector_store %arg5[%swap3A_364], %swap3A_367 {strides = array<i32>} : memref<10240xi32, #tpu.memory_space<vmem>>, vector<16xi32>,
    %iota3A_368 = tpu.iota {dimensions = array<i32: 0>} : vector<16xi32>
    %add3A_369 = arith.constant 10176 : i32
    %add3A_370 = vector.broadcast %add3A_369 : i32 to vector<16xi32>
    %add3A_371 = arith.addi %add3A_370, %iota3A_368 : vector<16xi32>
    %jit3A_372 = arith.constant 128 : i32
    %eq3A_373 = arith.constant 0 : i32
    %eq3A_374 = arith.cmpi eq, %jit3A_372, %eq3A_373 : i32
    %jit3A_375 = arith.constant 1 : i32
    %select_n3A_376 = arith.select %eq3A_374, %jit3A_375, %jit3A_372 : i32
    %rem3A_377 = vector.broadcast %select_n3A_376 : i32 to vector<16xi32>
    %rem3A_378 = arith.remsi %add3A_371, %rem3A_377 : vector<16xi32>
    %ne3A_379 = arith.constant 0 : i32
    %ne3A_380 = vector.broadcast %ne3A_379 : i32 to vector<16xi32>
    %ne3A_381 = arith.cmpi ne, %rem3A_378, %ne3A_380 : vector<16xi32>
    %lt3A_382 = arith.constant 0 : i32
    %lt3A_383 = vector.broadcast %lt3A_382 : i32 to vector<16xi32>
    %lt3A_384 = arith.cmpi slt, %rem3A_378, %lt3A_383 : vector<16xi32>
    %lt3A_385 = arith.constant 0 : i32
    %lt3A_386 = arith.cmpi slt, %select_n3A_376, %lt3A_385 : i32
    %ne3A_387 = vector.broadcast %lt3A_386 : i1 to vector<16xi1>
    %ne3A_388 = vector.broadcast %ne3A_387 : vector<16xi1> to vector<16xi1>
    %ne3A_389 = arith.xori %lt3A_384, %ne3A_388 : vector<16xi1>
    %and3A_390 = arith.andi %ne3A_389, %ne3A_381 : vector<16xi1>
    %add3A_391 = vector.broadcast %select_n3A_376 : i32 to vector<16xi32>
    %add3A_392 = arith.addi %rem3A_378, %add3A_391 : vector<16xi32>
    %select_n3A_393 = arith.select %and3A_390, %add3A_392, %rem3A_378 : vector<16xi1>, vector<16xi32>
    %swap3A_394 = arith.constant 10176 : index
    %swap3A_395 = tpu.vector_load %arg5[%swap3A_394] {strides = array<i32>} : memref<10240xi32, #tpu.memory_space<vmem>>, vector<16xi32>,
    %swap3A_396 = vector.shape_cast %swap3A_395 : vector<16xi32> to vector<16xi32>
    %swap3A_397 = vector.shape_cast %select_n3A_393 : vector<16xi32> to vector<16xi32>
    tpu.vector_store %arg5[%swap3A_394], %swap3A_397 {strides = array<i32>} : memref<10240xi32, #tpu.memory_space<vmem>>, vector<16xi32>,
    %iota3A_398 = tpu.iota {dimensions = array<i32: 0>} : vector<16xi32>
    %add3A_399 = arith.constant 10192 : i32
    %add3A_400 = vector.broadcast %add3A_399 : i32 to vector<16xi32>
    %add3A_401 = arith.addi %add3A_400, %iota3A_398 : vector<16xi32>
    %jit3A_402 = arith.constant 128 : i32
    %eq3A_403 = arith.constant 0 : i32
    %eq3A_404 = arith.cmpi eq, %jit3A_402, %eq3A_403 : i32
    %jit3A_405 = arith.constant 1 : i32
    %select_n3A_406 = arith.select %eq3A_404, %jit3A_405, %jit3A_402 : i32
    %rem3A_407 = vector.broadcast %select_n3A_406 : i32 to vector<16xi32>
    %rem3A_408 = arith.remsi %add3A_401, %rem3A_407 : vector<16xi32>
    %ne3A_409 = arith.constant 0 : i32
    %ne3A_410 = vector.broadcast %ne3A_409 : i32 to vector<16xi32>
    %ne3A_411 = arith.cmpi ne, %rem3A_408, %ne3A_410 : vector<16xi32>
    %lt3A_412 = arith.constant 0 : i32
    %lt3A_413 = vector.broadcast %lt3A_412 : i32 to vector<16xi32>
    %lt3A_414 = arith.cmpi slt, %rem3A_408, %lt3A_413 : vector<16xi32>
    %lt3A_415 = arith.constant 0 : i32
    %lt3A_416 = arith.cmpi slt, %select_n3A_406, %lt3A_415 : i32
    %ne3A_417 = vector.broadcast %lt3A_416 : i1 to vector<16xi1>
    %ne3A_418 = vector.broadcast %ne3A_417 : vector<16xi1> to vector<16xi1>
    %ne3A_419 = arith.xori %lt3A_414, %ne3A_418 : vector<16xi1>
    %and3A_420 = arith.andi %ne3A_419, %ne3A_411 : vector<16xi1>
    %add3A_421 = vector.broadcast %select_n3A_406 : i32 to vector<16xi32>
    %add3A_422 = arith.addi %rem3A_408, %add3A_421 : vector<16xi32>
    %select_n3A_423 = arith.select %and3A_420, %add3A_422, %rem3A_408 : vector<16xi1>, vector<16xi32>
    %swap3A_424 = arith.constant 10192 : index
    %swap3A_425 = tpu.vector_load %arg5[%swap3A_424] {strides = array<i32>} : memref<10240xi32, #tpu.memory_space<vmem>>, vector<16xi32>,
    %swap3A_426 = vector.shape_cast %swap3A_425 : vector<16xi32> to vector<16xi32>
    %swap3A_427 = vector.shape_cast %select_n3A_423 : vector<16xi32> to vector<16xi32>
    tpu.vector_store %arg5[%swap3A_424], %swap3A_427 {strides = array<i32>} : memref<10240xi32, #tpu.memory_space<vmem>>, vector<16xi32>,
    %iota3A_428 = tpu.iota {dimensions = array<i32: 0>} : vector<16xi32>
    %add3A_429 = arith.constant 10208 : i32
    %add3A_430 = vector.broadcast %add3A_429 : i32 to vector<16xi32>
    %add3A_431 = arith.addi %add3A_430, %iota3A_428 : vector<16xi32>
    %jit3A_432 = arith.constant 128 : i32
    %eq3A_433 = arith.constant 0 : i32
    %eq3A_434 = arith.cmpi eq, %jit3A_432, %eq3A_433 : i32
    %jit3A_435 = arith.constant 1 : i32
    %select_n3A_436 = arith.select %eq3A_434, %jit3A_435, %jit3A_432 : i32
    %rem3A_437 = vector.broadcast %select_n3A_436 : i32 to vector<16xi32>
    %rem3A_438 = arith.remsi %add3A_431, %rem3A_437 : vector<16xi32>
    %ne3A_439 = arith.constant 0 : i32
    %ne3A_440 = vector.broadcast %ne3A_439 : i32 to vector<16xi32>
    %ne3A_441 = arith.cmpi ne, %rem3A_438, %ne3A_440 : vector<16xi32>
    %lt3A_442 = arith.constant 0 : i32
    %lt3A_443 = vector.broadcast %lt3A_442 : i32 to vector<16xi32>
    %lt3A_444 = arith.cmpi slt, %rem3A_438, %lt3A_443 : vector<16xi32>
    %lt3A_445 = arith.constant 0 : i32
    %lt3A_446 = arith.cmpi slt, %select_n3A_436, %lt3A_445 : i32
    %ne3A_447 = vector.broadcast %lt3A_446 : i1 to vector<16xi1>
    %ne3A_448 = vector.broadcast %ne3A_447 : vector<16xi1> to vector<16xi1>
    %ne3A_449 = arith.xori %lt3A_444, %ne3A_448 : vector<16xi1>
    %and3A_450 = arith.andi %ne3A_449, %ne3A_441 : vector<16xi1>
    %add3A_451 = vector.broadcast %select_n3A_436 : i32 to vector<16xi32>
    %add3A_452 = arith.addi %rem3A_438, %add3A_451 : vector<16xi32>
    %select_n3A_453 = arith.select %and3A_450, %add3A_452, %rem3A_438 : vector<16xi1>, vector<16xi32>
    %swap3A_454 = arith.constant 10208 : index
    %swap3A_455 = tpu.vector_load %arg5[%swap3A_454] {strides = array<i32>} : memref<10240xi32, #tpu.memory_space<vmem>>, vector<16xi32>,
    %swap3A_456 = vector.shape_cast %swap3A_455 : vector<16xi32> to vector<16xi32>
    %swap3A_457 = vector.shape_cast %select_n3A_453 : vector<16xi32> to vector<16xi32>
    tpu.vector_store %arg5[%swap3A_454], %swap3A_457 {strides = array<i32>} : memref<10240xi32, #tpu.memory_space<vmem>>, vector<16xi32>,
    %iota3A_458 = tpu.iota {dimensions = array<i32: 0>} : vector<16xi32>
    %add3A_459 = arith.constant 10224 : i32
    %add3A_460 = vector.broadcast %add3A_459 : i32 to vector<16xi32>
    %add3A_461 = arith.addi %add3A_460, %iota3A_458 : vector<16xi32>
    %jit3A_462 = arith.constant 128 : i32
    %eq3A_463 = arith.constant 0 : i32
    %eq3A_464 = arith.cmpi eq, %jit3A_462, %eq3A_463 : i32
    %jit3A_465 = arith.constant 1 : i32
    %select_n3A_466 = arith.select %eq3A_464, %jit3A_465, %jit3A_462 : i32
    %rem3A_467 = vector.broadcast %select_n3A_466 : i32 to vector<16xi32>
    %rem3A_468 = arith.remsi %add3A_461, %rem3A_467 : vector<16xi32>
    %ne3A_469 = arith.constant 0 : i32
    %ne3A_470 = vector.broadcast %ne3A_469 : i32 to vector<16xi32>
    %ne3A_471 = arith.cmpi ne, %rem3A_468, %ne3A_470 : vector<16xi32>
    %lt3A_472 = arith.constant 0 : i32
    %lt3A_473 = vector.broadcast %lt3A_472 : i32 to vector<16xi32>
    %lt3A_474 = arith.cmpi slt, %rem3A_468, %lt3A_473 : vector<16xi32>
    %lt3A_475 = arith.constant 0 : i32
    %lt3A_476 = arith.cmpi slt, %select_n3A_466, %lt3A_475 : i32
    %ne3A_477 = vector.broadcast %lt3A_476 : i1 to vector<16xi1>
    %ne3A_478 = vector.broadcast %ne3A_477 : vector<16xi1> to vector<16xi1>
    %ne3A_479 = arith.xori %lt3A_474, %ne3A_478 : vector<16xi1>
    %and3A_480 = arith.andi %ne3A_479, %ne3A_471 : vector<16xi1>
    %add3A_481 = vector.broadcast %select_n3A_466 : i32 to vector<16xi32>
    %add3A_482 = arith.addi %rem3A_468, %add3A_481 : vector<16xi32>
    %select_n3A_483 = arith.select %and3A_480, %add3A_482, %rem3A_468 : vector<16xi1>, vector<16xi32>
    %swap3A_484 = arith.constant 10224 : index
    %swap3A_485 = tpu.vector_load %arg5[%swap3A_484] {strides = array<i32>} : memref<10240xi32, #tpu.memory_space<vmem>>, vector<16xi32>,
    %swap3A_486 = vector.shape_cast %swap3A_485 : vector<16xi32> to vector<16xi32>
    %swap3A_487 = vector.shape_cast %select_n3A_483 : vector<16xi32> to vector<16xi32>
    tpu.vector_store %arg5[%swap3A_484], %swap3A_487 {strides = array<i32>} : memref<10240xi32, #tpu.memory_space<vmem>>, vector<16xi32>,
    %scan3A_488 = arith.constant 0 : i32
    %scan3A_489 = arith.constant 0 : i32
    %scan3A_490 = arith.constant 78 : i32
    %scan3A_491 = arith.addi %scan3A_489, %scan3A_490 : i32
    %scan3A_492 = arith.constant 1 : i32
    scf.for %scan3A_1190 = %scan3A_489 to %scan3A_491 step %scan3A_492  : i32 {
      %mul3A_1191 = arith.constant 128 : i32
      %mul3A_1192 = arith.muli %scan3A_1190, %mul3A_1191 : i32
      %add3A_1193 = arith.constant 0 : i32
      %add3A_1194 = arith.addi %mul3A_1192, %add3A_1193 : i32
      %get3A_1195 = arith.index_cast %add3A_1194 : i32 to index
      %get3A_1196 = tpu.vector_load %arg6[%get3A_1195] {strides = array<i32>} : memref<10240xi32, #tpu.memory_space<vmem>>, vector<16xi32>,
      %get3A_1197 = vector.shape_cast %get3A_1196 : vector<16xi32> to vector<16xi32>
      %swap3A_1198 = arith.index_cast %scan3A_1190 : i32 to index
      %swap3A_1199 = arith.constant 0 : index
      %swap3A_1200 = tpu.vector_load %arg7[%swap3A_1198, %swap3A_1199] {strides = array<i32>} : memref<80x128xi32, #tpu.memory_space<vmem>>, vector<1x16xi32>,
      %swap3A_1201 = vector.shape_cast %swap3A_1200 : vector<1x16xi32> to vector<16xi32>
      %swap3A_1202 = vector.shape_cast %get3A_1197 : vector<16xi32> to vector<1x16xi32>
      tpu.vector_store %arg7[%swap3A_1198, %swap3A_1199], %swap3A_1202 {strides = array<i32>} : memref<80x128xi32, #tpu.memory_space<vmem>>, vector<1x16xi32>,
      %mul3A_1203 = arith.constant 128 : i32
      %mul3A_1204 = arith.muli %scan3A_1190, %mul3A_1203 : i32
      %add3A_1205 = arith.constant 16 : i32
      %add3A_1206 = arith.addi %mul3A_1204, %add3A_1205 : i32
      %get3A_1207 = arith.index_cast %add3A_1206 : i32 to index
      %get3A_1208 = tpu.vector_load %arg6[%get3A_1207] {strides = array<i32>} : memref<10240xi32, #tpu.memory_space<vmem>>, vector<16xi32>,
      %get3A_1209 = vector.shape_cast %get3A_1208 : vector<16xi32> to vector<16xi32>
      %swap3A_1210 = arith.index_cast %scan3A_1190 : i32 to index
      %swap3A_1211 = arith.constant 16 : index
      %swap3A_1212 = tpu.vector_load %arg7[%swap3A_1210, %swap3A_1211] {strides = array<i32>} : memref<80x128xi32, #tpu.memory_space<vmem>>, vector<1x16xi32>,
      %swap3A_1213 = vector.shape_cast %swap3A_1212 : vector<1x16xi32> to vector<16xi32>
      %swap3A_1214 = vector.shape_cast %get3A_1209 : vector<16xi32> to vector<1x16xi32>
      tpu.vector_store %arg7[%swap3A_1210, %swap3A_1211], %swap3A_1214 {strides = array<i32>} : memref<80x128xi32, #tpu.memory_space<vmem>>, vector<1x16xi32>,
      %mul3A_1215 = arith.constant 128 : i32
      %mul3A_1216 = arith.muli %scan3A_1190, %mul3A_1215 : i32
      %add3A_1217 = arith.constant 32 : i32
      %add3A_1218 = arith.addi %mul3A_1216, %add3A_1217 : i32
      %get3A_1219 = arith.index_cast %add3A_1218 : i32 to index
      %get3A_1220 = tpu.vector_load %arg6[%get3A_1219] {strides = array<i32>} : memref<10240xi32, #tpu.memory_space<vmem>>, vector<16xi32>,
      %get3A_1221 = vector.shape_cast %get3A_1220 : vector<16xi32> to vector<16xi32>
      %swap3A_1222 = arith.index_cast %scan3A_1190 : i32 to index
      %swap3A_1223 = arith.constant 32 : index
      %swap3A_1224 = tpu.vector_load %arg7[%swap3A_1222, %swap3A_1223] {strides = array<i32>} : memref<80x128xi32, #tpu.memory_space<vmem>>, vector<1x16xi32>,
      %swap3A_1225 = vector.shape_cast %swap3A_1224 : vector<1x16xi32> to vector<16xi32>
      %swap3A_1226 = vector.shape_cast %get3A_1221 : vector<16xi32> to vector<1x16xi32>
      tpu.vector_store %arg7[%swap3A_1222, %swap3A_1223], %swap3A_1226 {strides = array<i32>} : memref<80x128xi32, #tpu.memory_space<vmem>>, vector<1x16xi32>,
      %mul3A_1227 = arith.constant 128 : i32
      %mul3A_1228 = arith.muli %scan3A_1190, %mul3A_1227 : i32
      %add3A_1229 = arith.constant 48 : i32
      %add3A_1230 = arith.addi %mul3A_1228, %add3A_1229 : i32
      %get3A_1231 = arith.index_cast %add3A_1230 : i32 to index
      %get3A_1232 = tpu.vector_load %arg6[%get3A_1231] {strides = array<i32>} : memref<10240xi32, #tpu.memory_space<vmem>>, vector<16xi32>,
      %get3A_1233 = vector.shape_cast %get3A_1232 : vector<16xi32> to vector<16xi32>
      %swap3A_1234 = arith.index_cast %scan3A_1190 : i32 to index
      %swap3A_1235 = arith.constant 48 : index
      %swap3A_1236 = tpu.vector_load %arg7[%swap3A_1234, %swap3A_1235] {strides = array<i32>} : memref<80x128xi32, #tpu.memory_space<vmem>>, vector<1x16xi32>,
      %swap3A_1237 = vector.shape_cast %swap3A_1236 : vector<1x16xi32> to vector<16xi32>
      %swap3A_1238 = vector.shape_cast %get3A_1233 : vector<16xi32> to vector<1x16xi32>
      tpu.vector_store %arg7[%swap3A_1234, %swap3A_1235], %swap3A_1238 {strides = array<i32>} : memref<80x128xi32, #tpu.memory_space<vmem>>, vector<1x16xi32>,
      %mul3A_1239 = arith.constant 128 : i32
      %mul3A_1240 = arith.muli %scan3A_1190, %mul3A_1239 : i32
      %add3A_1241 = arith.constant 64 : i32
      %add3A_1242 = arith.addi %mul3A_1240, %add3A_1241 : i32
      %get3A_1243 = arith.index_cast %add3A_1242 : i32 to index
      %get3A_1244 = tpu.vector_load %arg6[%get3A_1243] {strides = array<i32>} : memref<10240xi32, #tpu.memory_space<vmem>>, vector<16xi32>,
      %get3A_1245 = vector.shape_cast %get3A_1244 : vector<16xi32> to vector<16xi32>
      %swap3A_1246 = arith.index_cast %scan3A_1190 : i32 to index
      %swap3A_1247 = arith.constant 64 : index
      %swap3A_1248 = tpu.vector_load %arg7[%swap3A_1246, %swap3A_1247] {strides = array<i32>} : memref<80x128xi32, #tpu.memory_space<vmem>>, vector<1x16xi32>,
      %swap3A_1249 = vector.shape_cast %swap3A_1248 : vector<1x16xi32> to vector<16xi32>
      %swap3A_1250 = vector.shape_cast %get3A_1245 : vector<16xi32> to vector<1x16xi32>
      tpu.vector_store %arg7[%swap3A_1246, %swap3A_1247], %swap3A_1250 {strides = array<i32>} : memref<80x128xi32, #tpu.memory_space<vmem>>, vector<1x16xi32>,
      %mul3A_1251 = arith.constant 128 : i32
      %mul3A_1252 = arith.muli %scan3A_1190, %mul3A_1251 : i32
      %add3A_1253 = arith.constant 80 : i32
      %add3A_1254 = arith.addi %mul3A_1252, %add3A_1253 : i32
      %get3A_1255 = arith.index_cast %add3A_1254 : i32 to index
      %get3A_1256 = tpu.vector_load %arg6[%get3A_1255] {strides = array<i32>} : memref<10240xi32, #tpu.memory_space<vmem>>, vector<16xi32>,
      %get3A_1257 = vector.shape_cast %get3A_1256 : vector<16xi32> to vector<16xi32>
      %swap3A_1258 = arith.index_cast %scan3A_1190 : i32 to index
      %swap3A_1259 = arith.constant 80 : index
      %swap3A_1260 = tpu.vector_load %arg7[%swap3A_1258, %swap3A_1259] {strides = array<i32>} : memref<80x128xi32, #tpu.memory_space<vmem>>, vector<1x16xi32>,
      %swap3A_1261 = vector.shape_cast %swap3A_1260 : vector<1x16xi32> to vector<16xi32>
      %swap3A_1262 = vector.shape_cast %get3A_1257 : vector<16xi32> to vector<1x16xi32>
      tpu.vector_store %arg7[%swap3A_1258, %swap3A_1259], %swap3A_1262 {strides = array<i32>} : memref<80x128xi32, #tpu.memory_space<vmem>>, vector<1x16xi32>,
      %mul3A_1263 = arith.constant 128 : i32
      %mul3A_1264 = arith.muli %scan3A_1190, %mul3A_1263 : i32
      %add3A_1265 = arith.constant 96 : i32
      %add3A_1266 = arith.addi %mul3A_1264, %add3A_1265 : i32
      %get3A_1267 = arith.index_cast %add3A_1266 : i32 to index
      %get3A_1268 = tpu.vector_load %arg6[%get3A_1267] {strides = array<i32>} : memref<10240xi32, #tpu.memory_space<vmem>>, vector<16xi32>,
      %get3A_1269 = vector.shape_cast %get3A_1268 : vector<16xi32> to vector<16xi32>
      %swap3A_1270 = arith.index_cast %scan3A_1190 : i32 to index
      %swap3A_1271 = arith.constant 96 : index
      %swap3A_1272 = tpu.vector_load %arg7[%swap3A_1270, %swap3A_1271] {strides = array<i32>} : memref<80x128xi32, #tpu.memory_space<vmem>>, vector<1x16xi32>,
      %swap3A_1273 = vector.shape_cast %swap3A_1272 : vector<1x16xi32> to vector<16xi32>
      %swap3A_1274 = vector.shape_cast %get3A_1269 : vector<16xi32> to vector<1x16xi32>
      tpu.vector_store %arg7[%swap3A_1270, %swap3A_1271], %swap3A_1274 {strides = array<i32>} : memref<80x128xi32, #tpu.memory_space<vmem>>, vector<1x16xi32>,
      %mul3A_1275 = arith.constant 128 : i32
      %mul3A_1276 = arith.muli %scan3A_1190, %mul3A_1275 : i32
      %add3A_1277 = arith.constant 112 : i32
      %add3A_1278 = arith.addi %mul3A_1276, %add3A_1277 : i32
      %get3A_1279 = arith.index_cast %add3A_1278 : i32 to index
      %get3A_1280 = tpu.vector_load %arg6[%get3A_1279] {strides = array<i32>} : memref<10240xi32, #tpu.memory_space<vmem>>, vector<16xi32>,
      %get3A_1281 = vector.shape_cast %get3A_1280 : vector<16xi32> to vector<16xi32>
      %swap3A_1282 = arith.index_cast %scan3A_1190 : i32 to index
      %swap3A_1283 = arith.constant 112 : index
      %swap3A_1284 = tpu.vector_load %arg7[%swap3A_1282, %swap3A_1283] {strides = array<i32>} : memref<80x128xi32, #tpu.memory_space<vmem>>, vector<1x16xi32>,
      %swap3A_1285 = vector.shape_cast %swap3A_1284 : vector<1x16xi32> to vector<16xi32>
      %swap3A_1286 = vector.shape_cast %get3A_1281 : vector<16xi32> to vector<1x16xi32>
      tpu.vector_store %arg7[%swap3A_1282, %swap3A_1283], %swap3A_1286 {strides = array<i32>} : memref<80x128xi32, #tpu.memory_space<vmem>>, vector<1x16xi32>,
    }
    %scan3A_493 = arith.constant 78 : i32
    %get3A = arith.constant 9984 : index
    %get3A_494 = tpu.vector_load %arg6[%get3A] {strides = array<i32>} : memref<10240xi32, #tpu.memory_space<vmem>>, vector<16xi32>,
    %get3A_495 = vector.shape_cast %get3A_494 : vector<16xi32> to vector<16xi32>
    %swap3A_496 = arith.constant 78 : i32
    %swap3A_497 = arith.index_cast %swap3A_496 : i32 to index
    %swap3A_498 = arith.constant 0 : index
    %swap3A_499 = tpu.vector_load %arg7[%swap3A_497, %swap3A_498] {strides = array<i32>} : memref<80x128xi32, #tpu.memory_space<vmem>>, vector<1x16xi32>,
    %swap3A_500 = vector.shape_cast %swap3A_499 : vector<1x16xi32> to vector<16xi32>
    %swap3A_501 = vector.shape_cast %get3A_495 : vector<16xi32> to vector<1x16xi32>
    tpu.vector_store %arg7[%swap3A_497, %swap3A_498], %swap3A_501 {strides = array<i32>} : memref<80x128xi32, #tpu.memory_space<vmem>>, vector<1x16xi32>,
    %mul3A_502 = arith.constant 31 : i32
    %mul3A_503 = arith.muli %arg1, %mul3A_502 : i32
    %add3A_504 = arith.constant 16 : i32
    %add3A_505 = arith.addi %mul3A_503, %add3A_504 : i32
    %iota3A_506 = tpu.iota {dimensions = array<i32: 0>} : vector<16xi32>
    %add3A_507 = vector.broadcast %add3A_505 : i32 to vector<16xi32>
    %add3A_508 = arith.addi %add3A_507, %iota3A_506 : vector<16xi32>
    %jit3A_509 = arith.constant 240 : i32
    %eq3A_510 = arith.constant 0 : i32
    %eq3A_511 = arith.cmpi eq, %jit3A_509, %eq3A_510 : i32
    %jit3A_512 = arith.constant 1 : i32
    %select_n3A_513 = arith.select %eq3A_511, %jit3A_512, %jit3A_509 : i32
    %rem3A_514 = vector.broadcast %select_n3A_513 : i32 to vector<16xi32>
    %rem3A_515 = arith.remsi %add3A_508, %rem3A_514 : vector<16xi32>
    %ne3A_516 = arith.constant 0 : i32
    %ne3A_517 = vector.broadcast %ne3A_516 : i32 to vector<16xi32>
    %ne3A_518 = arith.cmpi ne, %rem3A_515, %ne3A_517 : vector<16xi32>
    %lt3A_519 = arith.constant 0 : i32
    %lt3A_520 = vector.broadcast %lt3A_519 : i32 to vector<16xi32>
    %lt3A_521 = arith.cmpi slt, %rem3A_515, %lt3A_520 : vector<16xi32>
    %lt3A_522 = arith.constant 0 : i32
    %lt3A_523 = arith.cmpi slt, %select_n3A_513, %lt3A_522 : i32
    %ne3A_524 = vector.broadcast %lt3A_523 : i1 to vector<16xi1>
    %ne3A_525 = vector.broadcast %ne3A_524 : vector<16xi1> to vector<16xi1>
    %ne3A_526 = arith.xori %lt3A_521, %ne3A_525 : vector<16xi1>
    %and3A_527 = arith.andi %ne3A_526, %ne3A_518 : vector<16xi1>
    %add3A_528 = vector.broadcast %select_n3A_513 : i32 to vector<16xi32>
    %add3A_529 = arith.addi %rem3A_515, %add3A_528 : vector<16xi32>
    %select_n3A_530 = arith.select %and3A_527, %add3A_529, %rem3A_515 : vector<16xi1>, vector<16xi32>
    %add3A_531 = arith.constant 10000 : i32
    %add3A_532 = vector.broadcast %add3A_531 : i32 to vector<16xi32>
    %add3A_533 = arith.addi %add3A_532, %select_n3A_530 : vector<16xi32>
    %swap3A_534 = arith.constant 78 : i32
    %swap3A_535 = arith.index_cast %swap3A_534 : i32 to index
    %swap3A_536 = arith.constant 16 : index
    %swap3A_537 = tpu.vector_load %arg7[%swap3A_535, %swap3A_536] {strides = array<i32>} : memref<80x128xi32, #tpu.memory_space<vmem>>, vector<1x16xi32>,
    %swap3A_538 = vector.shape_cast %swap3A_537 : vector<1x16xi32> to vector<16xi32>
    %swap3A_539 = vector.shape_cast %add3A_533 : vector<16xi32> to vector<1x16xi32>
    tpu.vector_store %arg7[%swap3A_535, %swap3A_536], %swap3A_539 {strides = array<i32>} : memref<80x128xi32, #tpu.memory_space<vmem>>, vector<1x16xi32>,
    %mul3A_540 = arith.constant 31 : i32
    %mul3A_541 = arith.muli %arg1, %mul3A_540 : i32
    %add3A_542 = arith.constant 32 : i32
    %add3A_543 = arith.addi %mul3A_541, %add3A_542 : i32
    %iota3A_544 = tpu.iota {dimensions = array<i32: 0>} : vector<16xi32>
    %add3A_545 = vector.broadcast %add3A_543 : i32 to vector<16xi32>
    %add3A_546 = arith.addi %add3A_545, %iota3A_544 : vector<16xi32>
    %jit3A_547 = arith.constant 240 : i32
    %eq3A_548 = arith.constant 0 : i32
    %eq3A_549 = arith.cmpi eq, %jit3A_547, %eq3A_548 : i32
    %jit3A_550 = arith.constant 1 : i32
    %select_n3A_551 = arith.select %eq3A_549, %jit3A_550, %jit3A_547 : i32
    %rem3A_552 = vector.broadcast %select_n3A_551 : i32 to vector<16xi32>
    %rem3A_553 = arith.remsi %add3A_546, %rem3A_552 : vector<16xi32>
    %ne3A_554 = arith.constant 0 : i32
    %ne3A_555 = vector.broadcast %ne3A_554 : i32 to vector<16xi32>
    %ne3A_556 = arith.cmpi ne, %rem3A_553, %ne3A_555 : vector<16xi32>
    %lt3A_557 = arith.constant 0 : i32
    %lt3A_558 = vector.broadcast %lt3A_557 : i32 to vector<16xi32>
    %lt3A_559 = arith.cmpi slt, %rem3A_553, %lt3A_558 : vector<16xi32>
    %lt3A_560 = arith.constant 0 : i32
    %lt3A_561 = arith.cmpi slt, %select_n3A_551, %lt3A_560 : i32
    %ne3A_562 = vector.broadcast %lt3A_561 : i1 to vector<16xi1>
    %ne3A_563 = vector.broadcast %ne3A_562 : vector<16xi1> to vector<16xi1>
    %ne3A_564 = arith.xori %lt3A_559, %ne3A_563 : vector<16xi1>
    %and3A_565 = arith.andi %ne3A_564, %ne3A_556 : vector<16xi1>
    %add3A_566 = vector.broadcast %select_n3A_551 : i32 to vector<16xi32>
    %add3A_567 = arith.addi %rem3A_553, %add3A_566 : vector<16xi32>
    %select_n3A_568 = arith.select %and3A_565, %add3A_567, %rem3A_553 : vector<16xi1>, vector<16xi32>
    %add3A_569 = arith.constant 10000 : i32
    %add3A_570 = vector.broadcast %add3A_569 : i32 to vector<16xi32>
    %add3A_571 = arith.addi %add3A_570, %select_n3A_568 : vector<16xi32>
    %swap3A_572 = arith.constant 78 : i32
    %swap3A_573 = arith.index_cast %swap3A_572 : i32 to index
    %swap3A_574 = arith.constant 32 : index
    %swap3A_575 = tpu.vector_load %arg7[%swap3A_573, %swap3A_574] {strides = array<i32>} : memref<80x128xi32, #tpu.memory_space<vmem>>, vector<1x16xi32>,
    %swap3A_576 = vector.shape_cast %swap3A_575 : vector<1x16xi32> to vector<16xi32>
    %swap3A_577 = vector.shape_cast %add3A_571 : vector<16xi32> to vector<1x16xi32>
    tpu.vector_store %arg7[%swap3A_573, %swap3A_574], %swap3A_577 {strides = array<i32>} : memref<80x128xi32, #tpu.memory_space<vmem>>, vector<1x16xi32>,
    %mul3A_578 = arith.constant 31 : i32
    %mul3A_579 = arith.muli %arg1, %mul3A_578 : i32
    %add3A_580 = arith.constant 48 : i32
    %add3A_581 = arith.addi %mul3A_579, %add3A_580 : i32
    %iota3A_582 = tpu.iota {dimensions = array<i32: 0>} : vector<16xi32>
    %add3A_583 = vector.broadcast %add3A_581 : i32 to vector<16xi32>
    %add3A_584 = arith.addi %add3A_583, %iota3A_582 : vector<16xi32>
    %jit3A_585 = arith.constant 240 : i32
    %eq3A_586 = arith.constant 0 : i32
    %eq3A_587 = arith.cmpi eq, %jit3A_585, %eq3A_586 : i32
    %jit3A_588 = arith.constant 1 : i32
    %select_n3A_589 = arith.select %eq3A_587, %jit3A_588, %jit3A_585 : i32
    %rem3A_590 = vector.broadcast %select_n3A_589 : i32 to vector<16xi32>
    %rem3A_591 = arith.remsi %add3A_584, %rem3A_590 : vector<16xi32>
    %ne3A_592 = arith.constant 0 : i32
    %ne3A_593 = vector.broadcast %ne3A_592 : i32 to vector<16xi32>
    %ne3A_594 = arith.cmpi ne, %rem3A_591, %ne3A_593 : vector<16xi32>
    %lt3A_595 = arith.constant 0 : i32
    %lt3A_596 = vector.broadcast %lt3A_595 : i32 to vector<16xi32>
    %lt3A_597 = arith.cmpi slt, %rem3A_591, %lt3A_596 : vector<16xi32>
    %lt3A_598 = arith.constant 0 : i32
    %lt3A_599 = arith.cmpi slt, %select_n3A_589, %lt3A_598 : i32
    %ne3A_600 = vector.broadcast %lt3A_599 : i1 to vector<16xi1>
    %ne3A_601 = vector.broadcast %ne3A_600 : vector<16xi1> to vector<16xi1>
    %ne3A_602 = arith.xori %lt3A_597, %ne3A_601 : vector<16xi1>
    %and3A_603 = arith.andi %ne3A_602, %ne3A_594 : vector<16xi1>
    %add3A_604 = vector.broadcast %select_n3A_589 : i32 to vector<16xi32>
    %add3A_605 = arith.addi %rem3A_591, %add3A_604 : vector<16xi32>
    %select_n3A_606 = arith.select %and3A_603, %add3A_605, %rem3A_591 : vector<16xi1>, vector<16xi32>
    %add3A_607 = arith.constant 10000 : i32
    %add3A_608 = vector.broadcast %add3A_607 : i32 to vector<16xi32>
    %add3A_609 = arith.addi %add3A_608, %select_n3A_606 : vector<16xi32>
    %swap3A_610 = arith.constant 78 : i32
    %swap3A_611 = arith.index_cast %swap3A_610 : i32 to index
    %swap3A_612 = arith.constant 48 : index
    %swap3A_613 = tpu.vector_load %arg7[%swap3A_611, %swap3A_612] {strides = array<i32>} : memref<80x128xi32, #tpu.memory_space<vmem>>, vector<1x16xi32>,
    %swap3A_614 = vector.shape_cast %swap3A_613 : vector<1x16xi32> to vector<16xi32>
    %swap3A_615 = vector.shape_cast %add3A_609 : vector<16xi32> to vector<1x16xi32>
    tpu.vector_store %arg7[%swap3A_611, %swap3A_612], %swap3A_615 {strides = array<i32>} : memref<80x128xi32, #tpu.memory_space<vmem>>, vector<1x16xi32>,
    %mul3A_616 = arith.constant 31 : i32
    %mul3A_617 = arith.muli %arg1, %mul3A_616 : i32
    %add3A_618 = arith.constant 64 : i32
    %add3A_619 = arith.addi %mul3A_617, %add3A_618 : i32
    %iota3A_620 = tpu.iota {dimensions = array<i32: 0>} : vector<16xi32>
    %add3A_621 = vector.broadcast %add3A_619 : i32 to vector<16xi32>
    %add3A_622 = arith.addi %add3A_621, %iota3A_620 : vector<16xi32>
    %jit3A_623 = arith.constant 240 : i32
    %eq3A_624 = arith.constant 0 : i32
    %eq3A_625 = arith.cmpi eq, %jit3A_623, %eq3A_624 : i32
    %jit3A_626 = arith.constant 1 : i32
    %select_n3A_627 = arith.select %eq3A_625, %jit3A_626, %jit3A_623 : i32
    %rem3A_628 = vector.broadcast %select_n3A_627 : i32 to vector<16xi32>
    %rem3A_629 = arith.remsi %add3A_622, %rem3A_628 : vector<16xi32>
    %ne3A_630 = arith.constant 0 : i32
    %ne3A_631 = vector.broadcast %ne3A_630 : i32 to vector<16xi32>
    %ne3A_632 = arith.cmpi ne, %rem3A_629, %ne3A_631 : vector<16xi32>
    %lt3A_633 = arith.constant 0 : i32
    %lt3A_634 = vector.broadcast %lt3A_633 : i32 to vector<16xi32>
    %lt3A_635 = arith.cmpi slt, %rem3A_629, %lt3A_634 : vector<16xi32>
    %lt3A_636 = arith.constant 0 : i32
    %lt3A_637 = arith.cmpi slt, %select_n3A_627, %lt3A_636 : i32
    %ne3A_638 = vector.broadcast %lt3A_637 : i1 to vector<16xi1>
    %ne3A_639 = vector.broadcast %ne3A_638 : vector<16xi1> to vector<16xi1>
    %ne3A_640 = arith.xori %lt3A_635, %ne3A_639 : vector<16xi1>
    %and3A_641 = arith.andi %ne3A_640, %ne3A_632 : vector<16xi1>
    %add3A_642 = vector.broadcast %select_n3A_627 : i32 to vector<16xi32>
    %add3A_643 = arith.addi %rem3A_629, %add3A_642 : vector<16xi32>
    %select_n3A_644 = arith.select %and3A_641, %add3A_643, %rem3A_629 : vector<16xi1>, vector<16xi32>
    %add3A_645 = arith.constant 10000 : i32
    %add3A_646 = vector.broadcast %add3A_645 : i32 to vector<16xi32>
    %add3A_647 = arith.addi %add3A_646, %select_n3A_644 : vector<16xi32>
    %swap3A_648 = arith.constant 78 : i32
    %swap3A_649 = arith.index_cast %swap3A_648 : i32 to index
    %swap3A_650 = arith.constant 64 : index
    %swap3A_651 = tpu.vector_load %arg7[%swap3A_649, %swap3A_650] {strides = array<i32>} : memref<80x128xi32, #tpu.memory_space<vmem>>, vector<1x16xi32>,
    %swap3A_652 = vector.shape_cast %swap3A_651 : vector<1x16xi32> to vector<16xi32>
    %swap3A_653 = vector.shape_cast %add3A_647 : vector<16xi32> to vector<1x16xi32>
    tpu.vector_store %arg7[%swap3A_649, %swap3A_650], %swap3A_653 {strides = array<i32>} : memref<80x128xi32, #tpu.memory_space<vmem>>, vector<1x16xi32>,
    %mul3A_654 = arith.constant 31 : i32
    %mul3A_655 = arith.muli %arg1, %mul3A_654 : i32
    %add3A_656 = arith.constant 80 : i32
    %add3A_657 = arith.addi %mul3A_655, %add3A_656 : i32
    %iota3A_658 = tpu.iota {dimensions = array<i32: 0>} : vector<16xi32>
    %add3A_659 = vector.broadcast %add3A_657 : i32 to vector<16xi32>
    %add3A_660 = arith.addi %add3A_659, %iota3A_658 : vector<16xi32>
    %jit3A_661 = arith.constant 240 : i32
    %eq3A_662 = arith.constant 0 : i32
    %eq3A_663 = arith.cmpi eq, %jit3A_661, %eq3A_662 : i32
    %jit3A_664 = arith.constant 1 : i32
    %select_n3A_665 = arith.select %eq3A_663, %jit3A_664, %jit3A_661 : i32
    %rem3A_666 = vector.broadcast %select_n3A_665 : i32 to vector<16xi32>
    %rem3A_667 = arith.remsi %add3A_660, %rem3A_666 : vector<16xi32>
    %ne3A_668 = arith.constant 0 : i32
    %ne3A_669 = vector.broadcast %ne3A_668 : i32 to vector<16xi32>
    %ne3A_670 = arith.cmpi ne, %rem3A_667, %ne3A_669 : vector<16xi32>
    %lt3A_671 = arith.constant 0 : i32
    %lt3A_672 = vector.broadcast %lt3A_671 : i32 to vector<16xi32>
    %lt3A_673 = arith.cmpi slt, %rem3A_667, %lt3A_672 : vector<16xi32>
    %lt3A_674 = arith.constant 0 : i32
    %lt3A_675 = arith.cmpi slt, %select_n3A_665, %lt3A_674 : i32
    %ne3A_676 = vector.broadcast %lt3A_675 : i1 to vector<16xi1>
    %ne3A_677 = vector.broadcast %ne3A_676 : vector<16xi1> to vector<16xi1>
    %ne3A_678 = arith.xori %lt3A_673, %ne3A_677 : vector<16xi1>
    %and3A_679 = arith.andi %ne3A_678, %ne3A_670 : vector<16xi1>
    %add3A_680 = vector.broadcast %select_n3A_665 : i32 to vector<16xi32>
    %add3A_681 = arith.addi %rem3A_667, %add3A_680 : vector<16xi32>
    %select_n3A_682 = arith.select %and3A_679, %add3A_681, %rem3A_667 : vector<16xi1>, vector<16xi32>
    %add3A_683 = arith.constant 10000 : i32
    %add3A_684 = vector.broadcast %add3A_683 : i32 to vector<16xi32>
    %add3A_685 = arith.addi %add3A_684, %select_n3A_682 : vector<16xi32>
    %swap3A_686 = arith.constant 78 : i32
    %swap3A_687 = arith.index_cast %swap3A_686 : i32 to index
    %swap3A_688 = arith.constant 80 : index
    %swap3A_689 = tpu.vector_load %arg7[%swap3A_687, %swap3A_688] {strides = array<i32>} : memref<80x128xi32, #tpu.memory_space<vmem>>, vector<1x16xi32>,
    %swap3A_690 = vector.shape_cast %swap3A_689 : vector<1x16xi32> to vector<16xi32>
    %swap3A_691 = vector.shape_cast %add3A_685 : vector<16xi32> to vector<1x16xi32>
    tpu.vector_store %arg7[%swap3A_687, %swap3A_688], %swap3A_691 {strides = array<i32>} : memref<80x128xi32, #tpu.memory_space<vmem>>, vector<1x16xi32>,
    %mul3A_692 = arith.constant 31 : i32
    %mul3A_693 = arith.muli %arg1, %mul3A_692 : i32
    %add3A_694 = arith.constant 96 : i32
    %add3A_695 = arith.addi %mul3A_693, %add3A_694 : i32
    %iota3A_696 = tpu.iota {dimensions = array<i32: 0>} : vector<16xi32>
    %add3A_697 = vector.broadcast %add3A_695 : i32 to vector<16xi32>
    %add3A_698 = arith.addi %add3A_697, %iota3A_696 : vector<16xi32>
    %jit3A_699 = arith.constant 240 : i32
    %eq3A_700 = arith.constant 0 : i32
    %eq3A_701 = arith.cmpi eq, %jit3A_699, %eq3A_700 : i32
    %jit3A_702 = arith.constant 1 : i32
    %select_n3A_703 = arith.select %eq3A_701, %jit3A_702, %jit3A_699 : i32
    %rem3A_704 = vector.broadcast %select_n3A_703 : i32 to vector<16xi32>
    %rem3A_705 = arith.remsi %add3A_698, %rem3A_704 : vector<16xi32>
    %ne3A_706 = arith.constant 0 : i32
    %ne3A_707 = vector.broadcast %ne3A_706 : i32 to vector<16xi32>
    %ne3A_708 = arith.cmpi ne, %rem3A_705, %ne3A_707 : vector<16xi32>
    %lt3A_709 = arith.constant 0 : i32
    %lt3A_710 = vector.broadcast %lt3A_709 : i32 to vector<16xi32>
    %lt3A_711 = arith.cmpi slt, %rem3A_705, %lt3A_710 : vector<16xi32>
    %lt3A_712 = arith.constant 0 : i32
    %lt3A_713 = arith.cmpi slt, %select_n3A_703, %lt3A_712 : i32
    %ne3A_714 = vector.broadcast %lt3A_713 : i1 to vector<16xi1>
    %ne3A_715 = vector.broadcast %ne3A_714 : vector<16xi1> to vector<16xi1>
    %ne3A_716 = arith.xori %lt3A_711, %ne3A_715 : vector<16xi1>
    %and3A_717 = arith.andi %ne3A_716, %ne3A_708 : vector<16xi1>
    %add3A_718 = vector.broadcast %select_n3A_703 : i32 to vector<16xi32>
    %add3A_719 = arith.addi %rem3A_705, %add3A_718 : vector<16xi32>
    %select_n3A_720 = arith.select %and3A_717, %add3A_719, %rem3A_705 : vector<16xi1>, vector<16xi32>
    %add3A_721 = arith.constant 10000 : i32
    %add3A_722 = vector.broadcast %add3A_721 : i32 to vector<16xi32>
    %add3A_723 = arith.addi %add3A_722, %select_n3A_720 : vector<16xi32>
    %swap3A_724 = arith.constant 78 : i32
    %swap3A_725 = arith.index_cast %swap3A_724 : i32 to index
    %swap3A_726 = arith.constant 96 : index
    %swap3A_727 = tpu.vector_load %arg7[%swap3A_725, %swap3A_726] {strides = array<i32>} : memref<80x128xi32, #tpu.memory_space<vmem>>, vector<1x16xi32>,
    %swap3A_728 = vector.shape_cast %swap3A_727 : vector<1x16xi32> to vector<16xi32>
    %swap3A_729 = vector.shape_cast %add3A_723 : vector<16xi32> to vector<1x16xi32>
    tpu.vector_store %arg7[%swap3A_725, %swap3A_726], %swap3A_729 {strides = array<i32>} : memref<80x128xi32, #tpu.memory_space<vmem>>, vector<1x16xi32>,
    %mul3A_730 = arith.constant 31 : i32
    %mul3A_731 = arith.muli %arg1, %mul3A_730 : i32
    %add3A_732 = arith.constant 112 : i32
    %add3A_733 = arith.addi %mul3A_731, %add3A_732 : i32
    %iota3A_734 = tpu.iota {dimensions = array<i32: 0>} : vector<16xi32>
    %add3A_735 = vector.broadcast %add3A_733 : i32 to vector<16xi32>
    %add3A_736 = arith.addi %add3A_735, %iota3A_734 : vector<16xi32>
    %jit3A_737 = arith.constant 240 : i32
    %eq3A_738 = arith.constant 0 : i32
    %eq3A_739 = arith.cmpi eq, %jit3A_737, %eq3A_738 : i32
    %jit3A_740 = arith.constant 1 : i32
    %select_n3A_741 = arith.select %eq3A_739, %jit3A_740, %jit3A_737 : i32
    %rem3A_742 = vector.broadcast %select_n3A_741 : i32 to vector<16xi32>
    %rem3A_743 = arith.remsi %add3A_736, %rem3A_742 : vector<16xi32>
    %ne3A_744 = arith.constant 0 : i32
    %ne3A_745 = vector.broadcast %ne3A_744 : i32 to vector<16xi32>
    %ne3A_746 = arith.cmpi ne, %rem3A_743, %ne3A_745 : vector<16xi32>
    %lt3A_747 = arith.constant 0 : i32
    %lt3A_748 = vector.broadcast %lt3A_747 : i32 to vector<16xi32>
    %lt3A_749 = arith.cmpi slt, %rem3A_743, %lt3A_748 : vector<16xi32>
    %lt3A_750 = arith.constant 0 : i32
    %lt3A_751 = arith.cmpi slt, %select_n3A_741, %lt3A_750 : i32
    %ne3A_752 = vector.broadcast %lt3A_751 : i1 to vector<16xi1>
    %ne3A_753 = vector.broadcast %ne3A_752 : vector<16xi1> to vector<16xi1>
    %ne3A_754 = arith.xori %lt3A_749, %ne3A_753 : vector<16xi1>
    %and3A_755 = arith.andi %ne3A_754, %ne3A_746 : vector<16xi1>
    %add3A_756 = vector.broadcast %select_n3A_741 : i32 to vector<16xi32>
    %add3A_757 = arith.addi %rem3A_743, %add3A_756 : vector<16xi32>
    %select_n3A_758 = arith.select %and3A_755, %add3A_757, %rem3A_743 : vector<16xi1>, vector<16xi32>
    %add3A_759 = arith.constant 10000 : i32
    %add3A_760 = vector.broadcast %add3A_759 : i32 to vector<16xi32>
    %add3A_761 = arith.addi %add3A_760, %select_n3A_758 : vector<16xi32>
    %swap3A_762 = arith.constant 78 : i32
    %swap3A_763 = arith.index_cast %swap3A_762 : i32 to index
    %swap3A_764 = arith.constant 112 : index
    %swap3A_765 = tpu.vector_load %arg7[%swap3A_763, %swap3A_764] {strides = array<i32>} : memref<80x128xi32, #tpu.memory_space<vmem>>, vector<1x16xi32>,
    %swap3A_766 = vector.shape_cast %swap3A_765 : vector<1x16xi32> to vector<16xi32>
    %swap3A_767 = vector.shape_cast %add3A_761 : vector<16xi32> to vector<1x16xi32>
    tpu.vector_store %arg7[%swap3A_763, %swap3A_764], %swap3A_767 {strides = array<i32>} : memref<80x128xi32, #tpu.memory_space<vmem>>, vector<1x16xi32>,
    %mul3A_768 = arith.constant 31 : i32
    %mul3A_769 = arith.muli %arg1, %mul3A_768 : i32
    %add3A_770 = arith.constant 128 : i32
    %add3A_771 = arith.addi %mul3A_769, %add3A_770 : i32
    %add3A_772 = arith.constant 0 : i32
    %add3A_773 = arith.addi %add3A_771, %add3A_772 : i32
    %iota3A_774 = tpu.iota {dimensions = array<i32: 0>} : vector<16xi32>
    %add3A_775 = vector.broadcast %add3A_773 : i32 to vector<16xi32>
    %add3A_776 = arith.addi %add3A_775, %iota3A_774 : vector<16xi32>
    %jit3A_777 = arith.constant 240 : i32
    %eq3A_778 = arith.constant 0 : i32
    %eq3A_779 = arith.cmpi eq, %jit3A_777, %eq3A_778 : i32
    %jit3A_780 = arith.constant 1 : i32
    %select_n3A_781 = arith.select %eq3A_779, %jit3A_780, %jit3A_777 : i32
    %rem3A_782 = vector.broadcast %select_n3A_781 : i32 to vector<16xi32>
    %rem3A_783 = arith.remsi %add3A_776, %rem3A_782 : vector<16xi32>
    %ne3A_784 = arith.constant 0 : i32
    %ne3A_785 = vector.broadcast %ne3A_784 : i32 to vector<16xi32>
    %ne3A_786 = arith.cmpi ne, %rem3A_783, %ne3A_785 : vector<16xi32>
    %lt3A_787 = arith.constant 0 : i32
    %lt3A_788 = vector.broadcast %lt3A_787 : i32 to vector<16xi32>
    %lt3A_789 = arith.cmpi slt, %rem3A_783, %lt3A_788 : vector<16xi32>
    %lt3A_790 = arith.constant 0 : i32
    %lt3A_791 = arith.cmpi slt, %select_n3A_781, %lt3A_790 : i32
    %ne3A_792 = vector.broadcast %lt3A_791 : i1 to vector<16xi1>
    %ne3A_793 = vector.broadcast %ne3A_792 : vector<16xi1> to vector<16xi1>
    %ne3A_794 = arith.xori %lt3A_789, %ne3A_793 : vector<16xi1>
    %and3A_795 = arith.andi %ne3A_794, %ne3A_786 : vector<16xi1>
    %add3A_796 = vector.broadcast %select_n3A_781 : i32 to vector<16xi32>
    %add3A_797 = arith.addi %rem3A_783, %add3A_796 : vector<16xi32>
    %select_n3A_798 = arith.select %and3A_795, %add3A_797, %rem3A_783 : vector<16xi1>, vector<16xi32>
    %add3A_799 = arith.constant 10000 : i32
    %add3A_800 = vector.broadcast %add3A_799 : i32 to vector<16xi32>
    %add3A_801 = arith.addi %add3A_800, %select_n3A_798 : vector<16xi32>
    %swap3A_802 = arith.constant 79 : i32
    %swap3A_803 = arith.index_cast %swap3A_802 : i32 to index
    %swap3A_804 = arith.constant 0 : index
    %swap3A_805 = tpu.vector_load %arg7[%swap3A_803, %swap3A_804] {strides = array<i32>} : memref<80x128xi32, #tpu.memory_space<vmem>>, vector<1x16xi32>,
    %swap3A_806 = vector.shape_cast %swap3A_805 : vector<1x16xi32> to vector<16xi32>
    %swap3A_807 = vector.shape_cast %add3A_801 : vector<16xi32> to vector<1x16xi32>
    tpu.vector_store %arg7[%swap3A_803, %swap3A_804], %swap3A_807 {strides = array<i32>} : memref<80x128xi32, #tpu.memory_space<vmem>>, vector<1x16xi32>,
    %mul3A_808 = arith.constant 31 : i32
    %mul3A_809 = arith.muli %arg1, %mul3A_808 : i32
    %add3A_810 = arith.constant 128 : i32
    %add3A_811 = arith.addi %mul3A_809, %add3A_810 : i32
    %add3A_812 = arith.constant 16 : i32
    %add3A_813 = arith.addi %add3A_811, %add3A_812 : i32
    %iota3A_814 = tpu.iota {dimensions = array<i32: 0>} : vector<16xi32>
    %add3A_815 = vector.broadcast %add3A_813 : i32 to vector<16xi32>
    %add3A_816 = arith.addi %add3A_815, %iota3A_814 : vector<16xi32>
    %jit3A_817 = arith.constant 240 : i32
    %eq3A_818 = arith.constant 0 : i32
    %eq3A_819 = arith.cmpi eq, %jit3A_817, %eq3A_818 : i32
    %jit3A_820 = arith.constant 1 : i32
    %select_n3A_821 = arith.select %eq3A_819, %jit3A_820, %jit3A_817 : i32
    %rem3A_822 = vector.broadcast %select_n3A_821 : i32 to vector<16xi32>
    %rem3A_823 = arith.remsi %add3A_816, %rem3A_822 : vector<16xi32>
    %ne3A_824 = arith.constant 0 : i32
    %ne3A_825 = vector.broadcast %ne3A_824 : i32 to vector<16xi32>
    %ne3A_826 = arith.cmpi ne, %rem3A_823, %ne3A_825 : vector<16xi32>
    %lt3A_827 = arith.constant 0 : i32
    %lt3A_828 = vector.broadcast %lt3A_827 : i32 to vector<16xi32>
    %lt3A_829 = arith.cmpi slt, %rem3A_823, %lt3A_828 : vector<16xi32>
    %lt3A_830 = arith.constant 0 : i32
    %lt3A_831 = arith.cmpi slt, %select_n3A_821, %lt3A_830 : i32
    %ne3A_832 = vector.broadcast %lt3A_831 : i1 to vector<16xi1>
    %ne3A_833 = vector.broadcast %ne3A_832 : vector<16xi1> to vector<16xi1>
    %ne3A_834 = arith.xori %lt3A_829, %ne3A_833 : vector<16xi1>
    %and3A_835 = arith.andi %ne3A_834, %ne3A_826 : vector<16xi1>
    %add3A_836 = vector.broadcast %select_n3A_821 : i32 to vector<16xi32>
    %add3A_837 = arith.addi %rem3A_823, %add3A_836 : vector<16xi32>
    %select_n3A_838 = arith.select %and3A_835, %add3A_837, %rem3A_823 : vector<16xi1>, vector<16xi32>
    %add3A_839 = arith.constant 10000 : i32
    %add3A_840 = vector.broadcast %add3A_839 : i32 to vector<16xi32>
    %add3A_841 = arith.addi %add3A_840, %select_n3A_838 : vector<16xi32>
    %swap3A_842 = arith.constant 79 : i32
    %swap3A_843 = arith.index_cast %swap3A_842 : i32 to index
    %swap3A_844 = arith.constant 16 : index
    %swap3A_845 = tpu.vector_load %arg7[%swap3A_843, %swap3A_844] {strides = array<i32>} : memref<80x128xi32, #tpu.memory_space<vmem>>, vector<1x16xi32>,
    %swap3A_846 = vector.shape_cast %swap3A_845 : vector<1x16xi32> to vector<16xi32>
    %swap3A_847 = vector.shape_cast %add3A_841 : vector<16xi32> to vector<1x16xi32>
    tpu.vector_store %arg7[%swap3A_843, %swap3A_844], %swap3A_847 {strides = array<i32>} : memref<80x128xi32, #tpu.memory_space<vmem>>, vector<1x16xi32>,
    %mul3A_848 = arith.constant 31 : i32
    %mul3A_849 = arith.muli %arg1, %mul3A_848 : i32
    %add3A_850 = arith.constant 128 : i32
    %add3A_851 = arith.addi %mul3A_849, %add3A_850 : i32
    %add3A_852 = arith.constant 32 : i32
    %add3A_853 = arith.addi %add3A_851, %add3A_852 : i32
    %iota3A_854 = tpu.iota {dimensions = array<i32: 0>} : vector<16xi32>
    %add3A_855 = vector.broadcast %add3A_853 : i32 to vector<16xi32>
    %add3A_856 = arith.addi %add3A_855, %iota3A_854 : vector<16xi32>
    %jit3A_857 = arith.constant 240 : i32
    %eq3A_858 = arith.constant 0 : i32
    %eq3A_859 = arith.cmpi eq, %jit3A_857, %eq3A_858 : i32
    %jit3A_860 = arith.constant 1 : i32
    %select_n3A_861 = arith.select %eq3A_859, %jit3A_860, %jit3A_857 : i32
    %rem3A_862 = vector.broadcast %select_n3A_861 : i32 to vector<16xi32>
    %rem3A_863 = arith.remsi %add3A_856, %rem3A_862 : vector<16xi32>
    %ne3A_864 = arith.constant 0 : i32
    %ne3A_865 = vector.broadcast %ne3A_864 : i32 to vector<16xi32>
    %ne3A_866 = arith.cmpi ne, %rem3A_863, %ne3A_865 : vector<16xi32>
    %lt3A_867 = arith.constant 0 : i32
    %lt3A_868 = vector.broadcast %lt3A_867 : i32 to vector<16xi32>
    %lt3A_869 = arith.cmpi slt, %rem3A_863, %lt3A_868 : vector<16xi32>
    %lt3A_870 = arith.constant 0 : i32
    %lt3A_871 = arith.cmpi slt, %select_n3A_861, %lt3A_870 : i32
    %ne3A_872 = vector.broadcast %lt3A_871 : i1 to vector<16xi1>
    %ne3A_873 = vector.broadcast %ne3A_872 : vector<16xi1> to vector<16xi1>
    %ne3A_874 = arith.xori %lt3A_869, %ne3A_873 : vector<16xi1>
    %and3A_875 = arith.andi %ne3A_874, %ne3A_866 : vector<16xi1>
    %add3A_876 = vector.broadcast %select_n3A_861 : i32 to vector<16xi32>
    %add3A_877 = arith.addi %rem3A_863, %add3A_876 : vector<16xi32>
    %select_n3A_878 = arith.select %and3A_875, %add3A_877, %rem3A_863 : vector<16xi1>, vector<16xi32>
    %add3A_879 = arith.constant 10000 : i32
    %add3A_880 = vector.broadcast %add3A_879 : i32 to vector<16xi32>
    %add3A_881 = arith.addi %add3A_880, %select_n3A_878 : vector<16xi32>
    %swap3A_882 = arith.constant 79 : i32
    %swap3A_883 = arith.index_cast %swap3A_882 : i32 to index
    %swap3A_884 = arith.constant 32 : index
    %swap3A_885 = tpu.vector_load %arg7[%swap3A_883, %swap3A_884] {strides = array<i32>} : memref<80x128xi32, #tpu.memory_space<vmem>>, vector<1x16xi32>,
    %swap3A_886 = vector.shape_cast %swap3A_885 : vector<1x16xi32> to vector<16xi32>
    %swap3A_887 = vector.shape_cast %add3A_881 : vector<16xi32> to vector<1x16xi32>
    tpu.vector_store %arg7[%swap3A_883, %swap3A_884], %swap3A_887 {strides = array<i32>} : memref<80x128xi32, #tpu.memory_space<vmem>>, vector<1x16xi32>,
    %mul3A_888 = arith.constant 31 : i32
    %mul3A_889 = arith.muli %arg1, %mul3A_888 : i32
    %add3A_890 = arith.constant 128 : i32
    %add3A_891 = arith.addi %mul3A_889, %add3A_890 : i32
    %add3A_892 = arith.constant 48 : i32
    %add3A_893 = arith.addi %add3A_891, %add3A_892 : i32
    %iota3A_894 = tpu.iota {dimensions = array<i32: 0>} : vector<16xi32>
    %add3A_895 = vector.broadcast %add3A_893 : i32 to vector<16xi32>
    %add3A_896 = arith.addi %add3A_895, %iota3A_894 : vector<16xi32>
    %jit3A_897 = arith.constant 240 : i32
    %eq3A_898 = arith.constant 0 : i32
    %eq3A_899 = arith.cmpi eq, %jit3A_897, %eq3A_898 : i32
    %jit3A_900 = arith.constant 1 : i32
    %select_n3A_901 = arith.select %eq3A_899, %jit3A_900, %jit3A_897 : i32
    %rem3A_902 = vector.broadcast %select_n3A_901 : i32 to vector<16xi32>
    %rem3A_903 = arith.remsi %add3A_896, %rem3A_902 : vector<16xi32>
    %ne3A_904 = arith.constant 0 : i32
    %ne3A_905 = vector.broadcast %ne3A_904 : i32 to vector<16xi32>
    %ne3A_906 = arith.cmpi ne, %rem3A_903, %ne3A_905 : vector<16xi32>
    %lt3A_907 = arith.constant 0 : i32
    %lt3A_908 = vector.broadcast %lt3A_907 : i32 to vector<16xi32>
    %lt3A_909 = arith.cmpi slt, %rem3A_903, %lt3A_908 : vector<16xi32>
    %lt3A_910 = arith.constant 0 : i32
    %lt3A_911 = arith.cmpi slt, %select_n3A_901, %lt3A_910 : i32
    %ne3A_912 = vector.broadcast %lt3A_911 : i1 to vector<16xi1>
    %ne3A_913 = vector.broadcast %ne3A_912 : vector<16xi1> to vector<16xi1>
    %ne3A_914 = arith.xori %lt3A_909, %ne3A_913 : vector<16xi1>
    %and3A_915 = arith.andi %ne3A_914, %ne3A_906 : vector<16xi1>
    %add3A_916 = vector.broadcast %select_n3A_901 : i32 to vector<16xi32>
    %add3A_917 = arith.addi %rem3A_903, %add3A_916 : vector<16xi32>
    %select_n3A_918 = arith.select %and3A_915, %add3A_917, %rem3A_903 : vector<16xi1>, vector<16xi32>
    %add3A_919 = arith.constant 10000 : i32
    %add3A_920 = vector.broadcast %add3A_919 : i32 to vector<16xi32>
    %add3A_921 = arith.addi %add3A_920, %select_n3A_918 : vector<16xi32>
    %swap3A_922 = arith.constant 79 : i32
    %swap3A_923 = arith.index_cast %swap3A_922 : i32 to index
    %swap3A_924 = arith.constant 48 : index
    %swap3A_925 = tpu.vector_load %arg7[%swap3A_923, %swap3A_924] {strides = array<i32>} : memref<80x128xi32, #tpu.memory_space<vmem>>, vector<1x16xi32>,
    %swap3A_926 = vector.shape_cast %swap3A_925 : vector<1x16xi32> to vector<16xi32>
    %swap3A_927 = vector.shape_cast %add3A_921 : vector<16xi32> to vector<1x16xi32>
    tpu.vector_store %arg7[%swap3A_923, %swap3A_924], %swap3A_927 {strides = array<i32>} : memref<80x128xi32, #tpu.memory_space<vmem>>, vector<1x16xi32>,
    %mul3A_928 = arith.constant 31 : i32
    %mul3A_929 = arith.muli %arg1, %mul3A_928 : i32
    %add3A_930 = arith.constant 128 : i32
    %add3A_931 = arith.addi %mul3A_929, %add3A_930 : i32
    %add3A_932 = arith.constant 64 : i32
    %add3A_933 = arith.addi %add3A_931, %add3A_932 : i32
    %iota3A_934 = tpu.iota {dimensions = array<i32: 0>} : vector<16xi32>
    %add3A_935 = vector.broadcast %add3A_933 : i32 to vector<16xi32>
    %add3A_936 = arith.addi %add3A_935, %iota3A_934 : vector<16xi32>
    %jit3A_937 = arith.constant 240 : i32
    %eq3A_938 = arith.constant 0 : i32
    %eq3A_939 = arith.cmpi eq, %jit3A_937, %eq3A_938 : i32
    %jit3A_940 = arith.constant 1 : i32
    %select_n3A_941 = arith.select %eq3A_939, %jit3A_940, %jit3A_937 : i32
    %rem3A_942 = vector.broadcast %select_n3A_941 : i32 to vector<16xi32>
    %rem3A_943 = arith.remsi %add3A_936, %rem3A_942 : vector<16xi32>
    %ne3A_944 = arith.constant 0 : i32
    %ne3A_945 = vector.broadcast %ne3A_944 : i32 to vector<16xi32>
    %ne3A_946 = arith.cmpi ne, %rem3A_943, %ne3A_945 : vector<16xi32>
    %lt3A_947 = arith.constant 0 : i32
    %lt3A_948 = vector.broadcast %lt3A_947 : i32 to vector<16xi32>
    %lt3A_949 = arith.cmpi slt, %rem3A_943, %lt3A_948 : vector<16xi32>
    %lt3A_950 = arith.constant 0 : i32
    %lt3A_951 = arith.cmpi slt, %select_n3A_941, %lt3A_950 : i32
    %ne3A_952 = vector.broadcast %lt3A_951 : i1 to vector<16xi1>
    %ne3A_953 = vector.broadcast %ne3A_952 : vector<16xi1> to vector<16xi1>
    %ne3A_954 = arith.xori %lt3A_949, %ne3A_953 : vector<16xi1>
    %and3A_955 = arith.andi %ne3A_954, %ne3A_946 : vector<16xi1>
    %add3A_956 = vector.broadcast %select_n3A_941 : i32 to vector<16xi32>
    %add3A_957 = arith.addi %rem3A_943, %add3A_956 : vector<16xi32>
    %select_n3A_958 = arith.select %and3A_955, %add3A_957, %rem3A_943 : vector<16xi1>, vector<16xi32>
    %add3A_959 = arith.constant 10000 : i32
    %add3A_960 = vector.broadcast %add3A_959 : i32 to vector<16xi32>
    %add3A_961 = arith.addi %add3A_960, %select_n3A_958 : vector<16xi32>
    %swap3A_962 = arith.constant 79 : i32
    %swap3A_963 = arith.index_cast %swap3A_962 : i32 to index
    %swap3A_964 = arith.constant 64 : index
    %swap3A_965 = tpu.vector_load %arg7[%swap3A_963, %swap3A_964] {strides = array<i32>} : memref<80x128xi32, #tpu.memory_space<vmem>>, vector<1x16xi32>,
    %swap3A_966 = vector.shape_cast %swap3A_965 : vector<1x16xi32> to vector<16xi32>
    %swap3A_967 = vector.shape_cast %add3A_961 : vector<16xi32> to vector<1x16xi32>
    tpu.vector_store %arg7[%swap3A_963, %swap3A_964], %swap3A_967 {strides = array<i32>} : memref<80x128xi32, #tpu.memory_space<vmem>>, vector<1x16xi32>,
    %mul3A_968 = arith.constant 31 : i32
    %mul3A_969 = arith.muli %arg1, %mul3A_968 : i32
    %add3A_970 = arith.constant 128 : i32
    %add3A_971 = arith.addi %mul3A_969, %add3A_970 : i32
    %add3A_972 = arith.constant 80 : i32
    %add3A_973 = arith.addi %add3A_971, %add3A_972 : i32
    %iota3A_974 = tpu.iota {dimensions = array<i32: 0>} : vector<16xi32>
    %add3A_975 = vector.broadcast %add3A_973 : i32 to vector<16xi32>
    %add3A_976 = arith.addi %add3A_975, %iota3A_974 : vector<16xi32>
    %jit3A_977 = arith.constant 240 : i32
    %eq3A_978 = arith.constant 0 : i32
    %eq3A_979 = arith.cmpi eq, %jit3A_977, %eq3A_978 : i32
    %jit3A_980 = arith.constant 1 : i32
    %select_n3A_981 = arith.select %eq3A_979, %jit3A_980, %jit3A_977 : i32
    %rem3A_982 = vector.broadcast %select_n3A_981 : i32 to vector<16xi32>
    %rem3A_983 = arith.remsi %add3A_976, %rem3A_982 : vector<16xi32>
    %ne3A_984 = arith.constant 0 : i32
    %ne3A_985 = vector.broadcast %ne3A_984 : i32 to vector<16xi32>
    %ne3A_986 = arith.cmpi ne, %rem3A_983, %ne3A_985 : vector<16xi32>
    %lt3A_987 = arith.constant 0 : i32
    %lt3A_988 = vector.broadcast %lt3A_987 : i32 to vector<16xi32>
    %lt3A_989 = arith.cmpi slt, %rem3A_983, %lt3A_988 : vector<16xi32>
    %lt3A_990 = arith.constant 0 : i32
    %lt3A_991 = arith.cmpi slt, %select_n3A_981, %lt3A_990 : i32
    %ne3A_992 = vector.broadcast %lt3A_991 : i1 to vector<16xi1>
    %ne3A_993 = vector.broadcast %ne3A_992 : vector<16xi1> to vector<16xi1>
    %ne3A_994 = arith.xori %lt3A_989, %ne3A_993 : vector<16xi1>
    %and3A_995 = arith.andi %ne3A_994, %ne3A_986 : vector<16xi1>
    %add3A_996 = vector.broadcast %select_n3A_981 : i32 to vector<16xi32>
    %add3A_997 = arith.addi %rem3A_983, %add3A_996 : vector<16xi32>
    %select_n3A_998 = arith.select %and3A_995, %add3A_997, %rem3A_983 : vector<16xi1>, vector<16xi32>
    %add3A_999 = arith.constant 10000 : i32
    %add3A_1000 = vector.broadcast %add3A_999 : i32 to vector<16xi32>
    %add3A_1001 = arith.addi %add3A_1000, %select_n3A_998 : vector<16xi32>
    %swap3A_1002 = arith.constant 79 : i32
    %swap3A_1003 = arith.index_cast %swap3A_1002 : i32 to index
    %swap3A_1004 = arith.constant 80 : index
    %swap3A_1005 = tpu.vector_load %arg7[%swap3A_1003, %swap3A_1004] {strides = array<i32>} : memref<80x128xi32, #tpu.memory_space<vmem>>, vector<1x16xi32>,
    %swap3A_1006 = vector.shape_cast %swap3A_1005 : vector<1x16xi32> to vector<16xi32>
    %swap3A_1007 = vector.shape_cast %add3A_1001 : vector<16xi32> to vector<1x16xi32>
    tpu.vector_store %arg7[%swap3A_1003, %swap3A_1004], %swap3A_1007 {strides = array<i32>} : memref<80x128xi32, #tpu.memory_space<vmem>>, vector<1x16xi32>,
    %mul3A_1008 = arith.constant 31 : i32
    %mul3A_1009 = arith.muli %arg1, %mul3A_1008 : i32
    %add3A_1010 = arith.constant 128 : i32
    %add3A_1011 = arith.addi %mul3A_1009, %add3A_1010 : i32
    %add3A_1012 = arith.constant 96 : i32
    %add3A_1013 = arith.addi %add3A_1011, %add3A_1012 : i32
    %iota3A_1014 = tpu.iota {dimensions = array<i32: 0>} : vector<16xi32>
    %add3A_1015 = vector.broadcast %add3A_1013 : i32 to vector<16xi32>
    %add3A_1016 = arith.addi %add3A_1015, %iota3A_1014 : vector<16xi32>
    %jit3A_1017 = arith.constant 240 : i32
    %eq3A_1018 = arith.constant 0 : i32
    %eq3A_1019 = arith.cmpi eq, %jit3A_1017, %eq3A_1018 : i32
    %jit3A_1020 = arith.constant 1 : i32
    %select_n3A_1021 = arith.select %eq3A_1019, %jit3A_1020, %jit3A_1017 : i32
    %rem3A_1022 = vector.broadcast %select_n3A_1021 : i32 to vector<16xi32>
    %rem3A_1023 = arith.remsi %add3A_1016, %rem3A_1022 : vector<16xi32>
    %ne3A_1024 = arith.constant 0 : i32
    %ne3A_1025 = vector.broadcast %ne3A_1024 : i32 to vector<16xi32>
    %ne3A_1026 = arith.cmpi ne, %rem3A_1023, %ne3A_1025 : vector<16xi32>
    %lt3A_1027 = arith.constant 0 : i32
    %lt3A_1028 = vector.broadcast %lt3A_1027 : i32 to vector<16xi32>
    %lt3A_1029 = arith.cmpi slt, %rem3A_1023, %lt3A_1028 : vector<16xi32>
    %lt3A_1030 = arith.constant 0 : i32
    %lt3A_1031 = arith.cmpi slt, %select_n3A_1021, %lt3A_1030 : i32
    %ne3A_1032 = vector.broadcast %lt3A_1031 : i1 to vector<16xi1>
    %ne3A_1033 = vector.broadcast %ne3A_1032 : vector<16xi1> to vector<16xi1>
    %ne3A_1034 = arith.xori %lt3A_1029, %ne3A_1033 : vector<16xi1>
    %and3A_1035 = arith.andi %ne3A_1034, %ne3A_1026 : vector<16xi1>
    %add3A_1036 = vector.broadcast %select_n3A_1021 : i32 to vector<16xi32>
    %add3A_1037 = arith.addi %rem3A_1023, %add3A_1036 : vector<16xi32>
    %select_n3A_1038 = arith.select %and3A_1035, %add3A_1037, %rem3A_1023 : vector<16xi1>, vector<16xi32>
    %add3A_1039 = arith.constant 10000 : i32
    %add3A_1040 = vector.broadcast %add3A_1039 : i32 to vector<16xi32>
    %add3A_1041 = arith.addi %add3A_1040, %select_n3A_1038 : vector<16xi32>
    %swap3A_1042 = arith.constant 79 : i32
    %swap3A_1043 = arith.index_cast %swap3A_1042 : i32 to index
    %swap3A_1044 = arith.constant 96 : index
    %swap3A_1045 = tpu.vector_load %arg7[%swap3A_1043, %swap3A_1044] {strides = array<i32>} : memref<80x128xi32, #tpu.memory_space<vmem>>, vector<1x16xi32>,
    %swap3A_1046 = vector.shape_cast %swap3A_1045 : vector<1x16xi32> to vector<16xi32>
    %swap3A_1047 = vector.shape_cast %add3A_1041 : vector<16xi32> to vector<1x16xi32>
    tpu.vector_store %arg7[%swap3A_1043, %swap3A_1044], %swap3A_1047 {strides = array<i32>} : memref<80x128xi32, #tpu.memory_space<vmem>>, vector<1x16xi32>,
    %mul3A_1048 = arith.constant 31 : i32
    %mul3A_1049 = arith.muli %arg1, %mul3A_1048 : i32
    %add3A_1050 = arith.constant 128 : i32
    %add3A_1051 = arith.addi %mul3A_1049, %add3A_1050 : i32
    %add3A_1052 = arith.constant 112 : i32
    %add3A_1053 = arith.addi %add3A_1051, %add3A_1052 : i32
    %iota3A_1054 = tpu.iota {dimensions = array<i32: 0>} : vector<16xi32>
    %add3A_1055 = vector.broadcast %add3A_1053 : i32 to vector<16xi32>
    %add3A_1056 = arith.addi %add3A_1055, %iota3A_1054 : vector<16xi32>
    %jit3A_1057 = arith.constant 240 : i32
    %eq3A_1058 = arith.constant 0 : i32
    %eq3A_1059 = arith.cmpi eq, %jit3A_1057, %eq3A_1058 : i32
    %jit3A_1060 = arith.constant 1 : i32
    %select_n3A_1061 = arith.select %eq3A_1059, %jit3A_1060, %jit3A_1057 : i32
    %rem3A_1062 = vector.broadcast %select_n3A_1061 : i32 to vector<16xi32>
    %rem3A_1063 = arith.remsi %add3A_1056, %rem3A_1062 : vector<16xi32>
    %ne3A_1064 = arith.constant 0 : i32
    %ne3A_1065 = vector.broadcast %ne3A_1064 : i32 to vector<16xi32>
    %ne3A_1066 = arith.cmpi ne, %rem3A_1063, %ne3A_1065 : vector<16xi32>
    %lt3A_1067 = arith.constant 0 : i32
    %lt3A_1068 = vector.broadcast %lt3A_1067 : i32 to vector<16xi32>
    %lt3A_1069 = arith.cmpi slt, %rem3A_1063, %lt3A_1068 : vector<16xi32>
    %lt3A_1070 = arith.constant 0 : i32
    %lt3A_1071 = arith.cmpi slt, %select_n3A_1061, %lt3A_1070 : i32
    %ne3A_1072 = vector.broadcast %lt3A_1071 : i1 to vector<16xi1>
    %ne3A_1073 = vector.broadcast %ne3A_1072 : vector<16xi1> to vector<16xi1>
    %ne3A_1074 = arith.xori %lt3A_1069, %ne3A_1073 : vector<16xi1>
    %and3A_1075 = arith.andi %ne3A_1074, %ne3A_1066 : vector<16xi1>
    %add3A_1076 = vector.broadcast %select_n3A_1061 : i32 to vector<16xi32>
    %add3A_1077 = arith.addi %rem3A_1063, %add3A_1076 : vector<16xi32>
    %select_n3A_1078 = arith.select %and3A_1075, %add3A_1077, %rem3A_1063 : vector<16xi1>, vector<16xi32>
    %add3A_1079 = arith.constant 10000 : i32
    %add3A_1080 = vector.broadcast %add3A_1079 : i32 to vector<16xi32>
    %add3A_1081 = arith.addi %add3A_1080, %select_n3A_1078 : vector<16xi32>
    %swap3A_1082 = arith.constant 79 : i32
    %swap3A_1083 = arith.index_cast %swap3A_1082 : i32 to index
    %swap3A_1084 = arith.constant 112 : index
    %swap3A_1085 = tpu.vector_load %arg7[%swap3A_1083, %swap3A_1084] {strides = array<i32>} : memref<80x128xi32, #tpu.memory_space<vmem>>, vector<1x16xi32>,
    %swap3A_1086 = vector.shape_cast %swap3A_1085 : vector<1x16xi32> to vector<16xi32>
    %swap3A_1087 = vector.shape_cast %add3A_1081 : vector<16xi32> to vector<1x16xi32>
    tpu.vector_store %arg7[%swap3A_1083, %swap3A_1084], %swap3A_1087 {strides = array<i32>} : memref<80x128xi32, #tpu.memory_space<vmem>>, vector<1x16xi32>,
    %barrier3A = arith.constant 0 : index
    tpu.barrier barrier_id(%barrier3A)
    %dma_start3A_1088 = arith.constant 0 : i32
    %dma_start3A_1089 = arith.constant 0 : i32
    %dma_start3A_1090 = arith.constant 0 : i32
    %dma_start3A_1091 = tpu.memref_slice %arg8[%dma_start3A_1088, %dma_start3A_1089, %dma_start3A_1090] : memref<8x128x16xf32, #tpu.memory_space<vmem>> -> memref<1x128x16xf32, #tpu.memory_space<vmem>>
    %dma_start3A_1092 = tpu.memref_squeeze %dma_start3A_1091 : memref<1x128x16xf32, #tpu.memory_space<vmem>> -> memref<128x16xf32, #tpu.memory_space<vmem>>
    %dma_start3A_1093 = arith.constant 0 : i32
    %dma_start3A_1094 = tpu.memref_slice %arg5[%dma_start3A_1093] : memref<10240xi32, #tpu.memory_space<vmem>> -> memref<128xi32, #tpu.memory_space<vmem>>
    %dma_start3A_1095 = arith.constant 0 : i32
    %dma_start3A_1096 = arith.constant 0 : i32
    %dma_start3A_1097 = tpu.memref_slice %arg2[%dma_start3A_1095, %dma_start3A_1096] : memref<10000x16xf32, #tpu.memory_space<hbm>> -> memref<10000x16xf32, #tpu.memory_space<hbm>>
    tpu.enqueue_indirect_dma source(%dma_start3A_1097 : memref<10000x16xf32, #tpu.memory_space<hbm>>) target(%dma_start3A_1092 : memref<128x16xf32, #tpu.memory_space<vmem>>) offsets(%dma_start3A_1094 : memref<128xi32, #tpu.memory_space<vmem>>) semaphore(%arg12 : memref<!tpu.dma_semaphore, #tpu.memory_space<semaphore_mem>>)
    %dma_start3A_1098 = arith.constant 1 : i32
    %dma_start3A_1099 = arith.constant 0 : i32
    %dma_start3A_1100 = arith.constant 0 : i32
    %dma_start3A_1101 = tpu.memref_slice %arg8[%dma_start3A_1098, %dma_start3A_1099, %dma_start3A_1100] : memref<8x128x16xf32, #tpu.memory_space<vmem>> -> memref<1x128x16xf32, #tpu.memory_space<vmem>>
    %dma_start3A_1102 = tpu.memref_squeeze %dma_start3A_1101 : memref<1x128x16xf32, #tpu.memory_space<vmem>> -> memref<128x16xf32, #tpu.memory_space<vmem>>
    %dma_start3A_1103 = arith.constant 128 : i32
    %dma_start3A_1104 = tpu.memref_slice %arg5[%dma_start3A_1103] : memref<10240xi32, #tpu.memory_space<vmem>> -> memref<128xi32, #tpu.memory_space<vmem>>
    %dma_start3A_1105 = arith.constant 0 : i32
    %dma_start3A_1106 = arith.constant 0 : i32
    %dma_start3A_1107 = tpu.memref_slice %arg2[%dma_start3A_1105, %dma_start3A_1106] : memref<10000x16xf32, #tpu.memory_space<hbm>> -> memref<10000x16xf32, #tpu.memory_space<hbm>>
    tpu.enqueue_indirect_dma source(%dma_start3A_1107 : memref<10000x16xf32, #tpu.memory_space<hbm>>) target(%dma_start3A_1102 : memref<128x16xf32, #tpu.memory_space<vmem>>) offsets(%dma_start3A_1104 : memref<128xi32, #tpu.memory_space<vmem>>) semaphore(%arg13 : memref<!tpu.dma_semaphore, #tpu.memory_space<semaphore_mem>>)
    %dma_start3A_1108 = arith.constant 2 : i32
    %dma_start3A_1109 = arith.constant 0 : i32
    %dma_start3A_1110 = arith.constant 0 : i32
    %dma_start3A_1111 = tpu.memref_slice %arg8[%dma_start3A_1108, %dma_start3A_1109, %dma_start3A_1110] : memref<8x128x16xf32, #tpu.memory_space<vmem>> -> memref<1x128x16xf32, #tpu.memory_space<vmem>>
    %dma_start3A_1112 = tpu.memref_squeeze %dma_start3A_1111 : memref<1x128x16xf32, #tpu.memory_space<vmem>> -> memref<128x16xf32, #tpu.memory_space<vmem>>
    %dma_start3A_1113 = arith.constant 256 : i32
    %dma_start3A_1114 = tpu.memref_slice %arg5[%dma_start3A_1113] : memref<10240xi32, #tpu.memory_space<vmem>> -> memref<128xi32, #tpu.memory_space<vmem>>
    %dma_start3A_1115 = arith.constant 0 : i32
    %dma_start3A_1116 = arith.constant 0 : i32
    %dma_start3A_1117 = tpu.memref_slice %arg2[%dma_start3A_1115, %dma_start3A_1116] : memref<10000x16xf32, #tpu.memory_space<hbm>> -> memref<10000x16xf32, #tpu.memory_space<hbm>>
    tpu.enqueue_indirect_dma source(%dma_start3A_1117 : memref<10000x16xf32, #tpu.memory_space<hbm>>) target(%dma_start3A_1112 : memref<128x16xf32, #tpu.memory_space<vmem>>) offsets(%dma_start3A_1114 : memref<128xi32, #tpu.memory_space<vmem>>) semaphore(%arg14 : memref<!tpu.dma_semaphore, #tpu.memory_space<semaphore_mem>>)
    %dma_start3A_1118 = arith.constant 3 : i32
    %dma_start3A_1119 = arith.constant 0 : i32
    %dma_start3A_1120 = arith.constant 0 : i32
    %dma_start3A_1121 = tpu.memref_slice %arg8[%dma_start3A_1118, %dma_start3A_1119, %dma_start3A_1120] : memref<8x128x16xf32, #tpu.memory_space<vmem>> -> memref<1x128x16xf32, #tpu.memory_space<vmem>>
    %dma_start3A_1122 = tpu.memref_squeeze %dma_start3A_1121 : memref<1x128x16xf32, #tpu.memory_space<vmem>> -> memref<128x16xf32, #tpu.memory_space<vmem>>
    %dma_start3A_1123 = arith.constant 384 : i32
    %dma_start3A_1124 = tpu.memref_slice %arg5[%dma_start3A_1123] : memref<10240xi32, #tpu.memory_space<vmem>> -> memref<128xi32, #tpu.memory_space<vmem>>
    %dma_start3A_1125 = arith.constant 0 : i32
    %dma_start3A_1126 = arith.constant 0 : i32
    %dma_start3A_1127 = tpu.memref_slice %arg2[%dma_start3A_1125, %dma_start3A_1126] : memref<10000x16xf32, #tpu.memory_space<hbm>> -> memref<10000x16xf32, #tpu.memory_space<hbm>>
    tpu.enqueue_indirect_dma source(%dma_start3A_1127 : memref<10000x16xf32, #tpu.memory_space<hbm>>) target(%dma_start3A_1122 : memref<128x16xf32, #tpu.memory_space<vmem>>) offsets(%dma_start3A_1124 : memref<128xi32, #tpu.memory_space<vmem>>) semaphore(%arg15 : memref<!tpu.dma_semaphore, #tpu.memory_space<semaphore_mem>>)
    %dma_start3A_1128 = arith.constant 4 : i32
    %dma_start3A_1129 = arith.constant 0 : i32
    %dma_start3A_1130 = arith.constant 0 : i32
    %dma_start3A_1131 = tpu.memref_slice %arg8[%dma_start3A_1128, %dma_start3A_1129, %dma_start3A_1130] : memref<8x128x16xf32, #tpu.memory_space<vmem>> -> memref<1x128x16xf32, #tpu.memory_space<vmem>>
    %dma_start3A_1132 = tpu.memref_squeeze %dma_start3A_1131 : memref<1x128x16xf32, #tpu.memory_space<vmem>> -> memref<128x16xf32, #tpu.memory_space<vmem>>
    %dma_start3A_1133 = arith.constant 512 : i32
    %dma_start3A_1134 = tpu.memref_slice %arg5[%dma_start3A_1133] : memref<10240xi32, #tpu.memory_space<vmem>> -> memref<128xi32, #tpu.memory_space<vmem>>
    %dma_start3A_1135 = arith.constant 0 : i32
    %dma_start3A_1136 = arith.constant 0 : i32
    %dma_start3A_1137 = tpu.memref_slice %arg2[%dma_start3A_1135, %dma_start3A_1136] : memref<10000x16xf32, #tpu.memory_space<hbm>> -> memref<10000x16xf32, #tpu.memory_space<hbm>>
    tpu.enqueue_indirect_dma source(%dma_start3A_1137 : memref<10000x16xf32, #tpu.memory_space<hbm>>) target(%dma_start3A_1132 : memref<128x16xf32, #tpu.memory_space<vmem>>) offsets(%dma_start3A_1134 : memref<128xi32, #tpu.memory_space<vmem>>) semaphore(%arg16 : memref<!tpu.dma_semaphore, #tpu.memory_space<semaphore_mem>>)
    %dma_start3A_1138 = arith.constant 5 : i32
    %dma_start3A_1139 = arith.constant 0 : i32
    %dma_start3A_1140 = arith.constant 0 : i32
    %dma_start3A_1141 = tpu.memref_slice %arg8[%dma_start3A_1138, %dma_start3A_1139, %dma_start3A_1140] : memref<8x128x16xf32, #tpu.memory_space<vmem>> -> memref<1x128x16xf32, #tpu.memory_space<vmem>>
    %dma_start3A_1142 = tpu.memref_squeeze %dma_start3A_1141 : memref<1x128x16xf32, #tpu.memory_space<vmem>> -> memref<128x16xf32, #tpu.memory_space<vmem>>
    %dma_start3A_1143 = arith.constant 640 : i32
    %dma_start3A_1144 = tpu.memref_slice %arg5[%dma_start3A_1143] : memref<10240xi32, #tpu.memory_space<vmem>> -> memref<128xi32, #tpu.memory_space<vmem>>
    %dma_start3A_1145 = arith.constant 0 : i32
    %dma_start3A_1146 = arith.constant 0 : i32
    %dma_start3A_1147 = tpu.memref_slice %arg2[%dma_start3A_1145, %dma_start3A_1146] : memref<10000x16xf32, #tpu.memory_space<hbm>> -> memref<10000x16xf32, #tpu.memory_space<hbm>>
    tpu.enqueue_indirect_dma source(%dma_start3A_1147 : memref<10000x16xf32, #tpu.memory_space<hbm>>) target(%dma_start3A_1142 : memref<128x16xf32, #tpu.memory_space<vmem>>) offsets(%dma_start3A_1144 : memref<128xi32, #tpu.memory_space<vmem>>) semaphore(%arg17 : memref<!tpu.dma_semaphore, #tpu.memory_space<semaphore_mem>>)
    %dma_start3A_1148 = arith.constant 6 : i32
    %dma_start3A_1149 = arith.constant 0 : i32
    %dma_start3A_1150 = arith.constant 0 : i32
    %dma_start3A_1151 = tpu.memref_slice %arg8[%dma_start3A_1148, %dma_start3A_1149, %dma_start3A_1150] : memref<8x128x16xf32, #tpu.memory_space<vmem>> -> memref<1x128x16xf32, #tpu.memory_space<vmem>>
    %dma_start3A_1152 = tpu.memref_squeeze %dma_start3A_1151 : memref<1x128x16xf32, #tpu.memory_space<vmem>> -> memref<128x16xf32, #tpu.memory_space<vmem>>
    %dma_start3A_1153 = arith.constant 768 : i32
    %dma_start3A_1154 = tpu.memref_slice %arg5[%dma_start3A_1153] : memref<10240xi32, #tpu.memory_space<vmem>> -> memref<128xi32, #tpu.memory_space<vmem>>
    %dma_start3A_1155 = arith.constant 0 : i32
    %dma_start3A_1156 = arith.constant 0 : i32
    %dma_start3A_1157 = tpu.memref_slice %arg2[%dma_start3A_1155, %dma_start3A_1156] : memref<10000x16xf32, #tpu.memory_space<hbm>> -> memref<10000x16xf32, #tpu.memory_space<hbm>>
    tpu.enqueue_indirect_dma source(%dma_start3A_1157 : memref<10000x16xf32, #tpu.memory_space<hbm>>) target(%dma_start3A_1152 : memref<128x16xf32, #tpu.memory_space<vmem>>) offsets(%dma_start3A_1154 : memref<128xi32, #tpu.memory_space<vmem>>) semaphore(%arg18 : memref<!tpu.dma_semaphore, #tpu.memory_space<semaphore_mem>>)
    %dma_start3A_1158 = arith.constant 7 : i32
    %dma_start3A_1159 = arith.constant 0 : i32
    %dma_start3A_1160 = arith.constant 0 : i32
    %dma_start3A_1161 = tpu.memref_slice %arg8[%dma_start3A_1158, %dma_start3A_1159, %dma_start3A_1160] : memref<8x128x16xf32, #tpu.memory_space<vmem>> -> memref<1x128x16xf32, #tpu.memory_space<vmem>>
    %dma_start3A_1162 = tpu.memref_squeeze %dma_start3A_1161 : memref<1x128x16xf32, #tpu.memory_space<vmem>> -> memref<128x16xf32, #tpu.memory_space<vmem>>
    %dma_start3A_1163 = arith.constant 896 : i32
    %dma_start3A_1164 = tpu.memref_slice %arg5[%dma_start3A_1163] : memref<10240xi32, #tpu.memory_space<vmem>> -> memref<128xi32, #tpu.memory_space<vmem>>
    %dma_start3A_1165 = arith.constant 0 : i32
    %dma_start3A_1166 = arith.constant 0 : i32
    %dma_start3A_1167 = tpu.memref_slice %arg2[%dma_start3A_1165, %dma_start3A_1166] : memref<10000x16xf32, #tpu.memory_space<hbm>> -> memref<10000x16xf32, #tpu.memory_space<hbm>>
    tpu.enqueue_indirect_dma source(%dma_start3A_1167 : memref<10000x16xf32, #tpu.memory_space<hbm>>) target(%dma_start3A_1162 : memref<128x16xf32, #tpu.memory_space<vmem>>) offsets(%dma_start3A_1164 : memref<128xi32, #tpu.memory_space<vmem>>) semaphore(%arg19 : memref<!tpu.dma_semaphore, #tpu.memory_space<semaphore_mem>>)
    %scan3A_1168 = arith.constant 0 : i32
    %scan3A_1169 = arith.constant 0 : i32
    %scan3A_1170 = arith.constant 10 : i32
    %scan3A_1171 = arith.addi %scan3A_1169, %scan3A_1170 : i32
    %scan3A_1172 = arith.constant 1 : i32
    scf.for %scan3A_1190 = %scan3A_1169 to %scan3A_1171 step %scan3A_1172  : i32 {
      %mul3A_1191 = arith.constant 8 : i32
      %mul3A_1192 = arith.muli %scan3A_1190, %mul3A_1191 : i32
      %dma_wait3A_1193 = arith.constant 0 : i32
      %dma_wait3A_1194 = arith.constant 0 : i32
      %dma_wait3A_1195 = arith.constant 0 : i32
      %dma_wait3A_1196 = tpu.memref_slice %arg8[%dma_wait3A_1193, %dma_wait3A_1194, %dma_wait3A_1195] : memref<8x128x16xf32, #tpu.memory_space<vmem>> -> memref<1x128x16xf32, #tpu.memory_space<vmem>>
      %dma_wait3A_1197 = tpu.memref_squeeze %dma_wait3A_1196 : memref<1x128x16xf32, #tpu.memory_space<vmem>> -> memref<128x16xf32, #tpu.memory_space<vmem>>
      %dma_wait3A_1198 = arith.constant 0 : i32
      %dma_wait3A_1199 = tpu.memref_slice %arg5[%dma_wait3A_1198] : memref<10240xi32, #tpu.memory_space<vmem>> -> memref<128xi32, #tpu.memory_space<vmem>>
      %dma_wait3A_1200 = arith.constant 0 : i32
      %dma_wait3A_1201 = arith.constant 0 : i32
      %dma_wait3A_1202 = tpu.memref_slice %arg2[%dma_wait3A_1200, %dma_wait3A_1201] : memref<10000x16xf32, #tpu.memory_space<hbm>> -> memref<10000x16xf32, #tpu.memory_space<hbm>>
      tpu.wait_indirect_dma semaphore(%arg12 : memref<!tpu.dma_semaphore, #tpu.memory_space<semaphore_mem>>) src(%dma_wait3A_1202 : memref<10000x16xf32, #tpu.memory_space<hbm>>) dst(%dma_wait3A_1197 : memref<128x16xf32, #tpu.memory_space<vmem>>)
      %add3A_1203 = arith.constant 0 : i32
      %add3A_1204 = arith.addi %mul3A_1192, %add3A_1203 : i32
      %dma_start3A_1205 = arith.constant 0 : i32
      %dma_start3A_1206 = arith.constant 0 : i32
      %dma_start3A_1207 = arith.constant 0 : i32
      %dma_start3A_1208 = tpu.memref_slice %arg8[%dma_start3A_1205, %dma_start3A_1206, %dma_start3A_1207] : memref<8x128x16xf32, #tpu.memory_space<vmem>> -> memref<1x128x16xf32, #tpu.memory_space<vmem>>
      %dma_start3A_1209 = tpu.memref_squeeze %dma_start3A_1208 : memref<1x128x16xf32, #tpu.memory_space<vmem>> -> memref<128x16xf32, #tpu.memory_space<vmem>>
      %dma_start3A_1210 = arith.constant 0 : i32
      %dma_start3A_1211 = tpu.memref_slice %arg7[%add3A_1204, %dma_start3A_1210] : memref<80x128xi32, #tpu.memory_space<vmem>> -> memref<1x128xi32, #tpu.memory_space<vmem>>
      %dma_start3A_1212 = tpu.memref_squeeze %dma_start3A_1211 : memref<1x128xi32, #tpu.memory_space<vmem>> -> memref<128xi32, #tpu.memory_space<vmem>>
      %dma_start3A_1213 = arith.constant 0 : i32
      %dma_start3A_1214 = arith.constant 0 : i32
      %dma_start3A_1215 = tpu.memref_slice %arg11[%dma_start3A_1213, %dma_start3A_1214] : memref<10240x16xf32, #tpu.memory_space<vmem_shared>> -> memref<10240x16xf32, #tpu.memory_space<vmem_shared>>
      tpu.enqueue_indirect_dma source(%dma_start3A_1209 : memref<128x16xf32, #tpu.memory_space<vmem>>) target(%dma_start3A_1215 : memref<10240x16xf32, #tpu.memory_space<vmem_shared>>) offsets(%dma_start3A_1212 : memref<128xi32, #tpu.memory_space<vmem>>) semaphore(%arg20 : memref<!tpu.dma_semaphore, #tpu.memory_space<semaphore_mem>>) {add = true}
      %dma_wait3A_1216 = arith.constant 1 : i32
      %dma_wait3A_1217 = arith.constant 0 : i32
      %dma_wait3A_1218 = arith.constant 0 : i32
      %dma_wait3A_1219 = tpu.memref_slice %arg8[%dma_wait3A_1216, %dma_wait3A_1217, %dma_wait3A_1218] : memref<8x128x16xf32, #tpu.memory_space<vmem>> -> memref<1x128x16xf32, #tpu.memory_space<vmem>>
      %dma_wait3A_1220 = tpu.memref_squeeze %dma_wait3A_1219 : memref<1x128x16xf32, #tpu.memory_space<vmem>> -> memref<128x16xf32, #tpu.memory_space<vmem>>
      %dma_wait3A_1221 = arith.constant 0 : i32
      %dma_wait3A_1222 = tpu.memref_slice %arg5[%dma_wait3A_1221] : memref<10240xi32, #tpu.memory_space<vmem>> -> memref<128xi32, #tpu.memory_space<vmem>>
      %dma_wait3A_1223 = arith.constant 0 : i32
      %dma_wait3A_1224 = arith.constant 0 : i32
      %dma_wait3A_1225 = tpu.memref_slice %arg2[%dma_wait3A_1223, %dma_wait3A_1224] : memref<10000x16xf32, #tpu.memory_space<hbm>> -> memref<10000x16xf32, #tpu.memory_space<hbm>>
      tpu.wait_indirect_dma semaphore(%arg13 : memref<!tpu.dma_semaphore, #tpu.memory_space<semaphore_mem>>) src(%dma_wait3A_1225 : memref<10000x16xf32, #tpu.memory_space<hbm>>) dst(%dma_wait3A_1220 : memref<128x16xf32, #tpu.memory_space<vmem>>)
      %add3A_1226 = arith.constant 1 : i32
      %add3A_1227 = arith.addi %mul3A_1192, %add3A_1226 : i32
      %dma_start3A_1228 = arith.constant 1 : i32
      %dma_start3A_1229 = arith.constant 0 : i32
      %dma_start3A_1230 = arith.constant 0 : i32
      %dma_start3A_1231 = tpu.memref_slice %arg8[%dma_start3A_1228, %dma_start3A_1229, %dma_start3A_1230] : memref<8x128x16xf32, #tpu.memory_space<vmem>> -> memref<1x128x16xf32, #tpu.memory_space<vmem>>
      %dma_start3A_1232 = tpu.memref_squeeze %dma_start3A_1231 : memref<1x128x16xf32, #tpu.memory_space<vmem>> -> memref<128x16xf32, #tpu.memory_space<vmem>>
      %dma_start3A_1233 = arith.constant 0 : i32
      %dma_start3A_1234 = tpu.memref_slice %arg7[%add3A_1227, %dma_start3A_1233] : memref<80x128xi32, #tpu.memory_space<vmem>> -> memref<1x128xi32, #tpu.memory_space<vmem>>
      %dma_start3A_1235 = tpu.memref_squeeze %dma_start3A_1234 : memref<1x128xi32, #tpu.memory_space<vmem>> -> memref<128xi32, #tpu.memory_space<vmem>>
      %dma_start3A_1236 = arith.constant 0 : i32
      %dma_start3A_1237 = arith.constant 0 : i32
      %dma_start3A_1238 = tpu.memref_slice %arg11[%dma_start3A_1236, %dma_start3A_1237] : memref<10240x16xf32, #tpu.memory_space<vmem_shared>> -> memref<10240x16xf32, #tpu.memory_space<vmem_shared>>
      tpu.enqueue_indirect_dma source(%dma_start3A_1232 : memref<128x16xf32, #tpu.memory_space<vmem>>) target(%dma_start3A_1238 : memref<10240x16xf32, #tpu.memory_space<vmem_shared>>) offsets(%dma_start3A_1235 : memref<128xi32, #tpu.memory_space<vmem>>) semaphore(%arg21 : memref<!tpu.dma_semaphore, #tpu.memory_space<semaphore_mem>>) {add = true}
      %dma_wait3A_1239 = arith.constant 2 : i32
      %dma_wait3A_1240 = arith.constant 0 : i32
      %dma_wait3A_1241 = arith.constant 0 : i32
      %dma_wait3A_1242 = tpu.memref_slice %arg8[%dma_wait3A_1239, %dma_wait3A_1240, %dma_wait3A_1241] : memref<8x128x16xf32, #tpu.memory_space<vmem>> -> memref<1x128x16xf32, #tpu.memory_space<vmem>>
      %dma_wait3A_1243 = tpu.memref_squeeze %dma_wait3A_1242 : memref<1x128x16xf32, #tpu.memory_space<vmem>> -> memref<128x16xf32, #tpu.memory_space<vmem>>
      %dma_wait3A_1244 = arith.constant 0 : i32
      %dma_wait3A_1245 = tpu.memref_slice %arg5[%dma_wait3A_1244] : memref<10240xi32, #tpu.memory_space<vmem>> -> memref<128xi32, #tpu.memory_space<vmem>>
      %dma_wait3A_1246 = arith.constant 0 : i32
      %dma_wait3A_1247 = arith.constant 0 : i32
      %dma_wait3A_1248 = tpu.memref_slice %arg2[%dma_wait3A_1246, %dma_wait3A_1247] : memref<10000x16xf32, #tpu.memory_space<hbm>> -> memref<10000x16xf32, #tpu.memory_space<hbm>>
      tpu.wait_indirect_dma semaphore(%arg14 : memref<!tpu.dma_semaphore, #tpu.memory_space<semaphore_mem>>) src(%dma_wait3A_1248 : memref<10000x16xf32, #tpu.memory_space<hbm>>) dst(%dma_wait3A_1243 : memref<128x16xf32, #tpu.memory_space<vmem>>)
      %add3A_1249 = arith.constant 2 : i32
      %add3A_1250 = arith.addi %mul3A_1192, %add3A_1249 : i32
      %dma_start3A_1251 = arith.constant 2 : i32
      %dma_start3A_1252 = arith.constant 0 : i32
      %dma_start3A_1253 = arith.constant 0 : i32
      %dma_start3A_1254 = tpu.memref_slice %arg8[%dma_start3A_1251, %dma_start3A_1252, %dma_start3A_1253] : memref<8x128x16xf32, #tpu.memory_space<vmem>> -> memref<1x128x16xf32, #tpu.memory_space<vmem>>
      %dma_start3A_1255 = tpu.memref_squeeze %dma_start3A_1254 : memref<1x128x16xf32, #tpu.memory_space<vmem>> -> memref<128x16xf32, #tpu.memory_space<vmem>>
      %dma_start3A_1256 = arith.constant 0 : i32
      %dma_start3A_1257 = tpu.memref_slice %arg7[%add3A_1250, %dma_start3A_1256] : memref<80x128xi32, #tpu.memory_space<vmem>> -> memref<1x128xi32, #tpu.memory_space<vmem>>
      %dma_start3A_1258 = tpu.memref_squeeze %dma_start3A_1257 : memref<1x128xi32, #tpu.memory_space<vmem>> -> memref<128xi32, #tpu.memory_space<vmem>>
      %dma_start3A_1259 = arith.constant 0 : i32
      %dma_start3A_1260 = arith.constant 0 : i32
      %dma_start3A_1261 = tpu.memref_slice %arg11[%dma_start3A_1259, %dma_start3A_1260] : memref<10240x16xf32, #tpu.memory_space<vmem_shared>> -> memref<10240x16xf32, #tpu.memory_space<vmem_shared>>
      tpu.enqueue_indirect_dma source(%dma_start3A_1255 : memref<128x16xf32, #tpu.memory_space<vmem>>) target(%dma_start3A_1261 : memref<10240x16xf32, #tpu.memory_space<vmem_shared>>) offsets(%dma_start3A_1258 : memref<128xi32, #tpu.memory_space<vmem>>) semaphore(%arg22 : memref<!tpu.dma_semaphore, #tpu.memory_space<semaphore_mem>>) {add = true}
      %dma_wait3A_1262 = arith.constant 3 : i32
      %dma_wait3A_1263 = arith.constant 0 : i32
      %dma_wait3A_1264 = arith.constant 0 : i32
      %dma_wait3A_1265 = tpu.memref_slice %arg8[%dma_wait3A_1262, %dma_wait3A_1263, %dma_wait3A_1264] : memref<8x128x16xf32, #tpu.memory_space<vmem>> -> memref<1x128x16xf32, #tpu.memory_space<vmem>>
      %dma_wait3A_1266 = tpu.memref_squeeze %dma_wait3A_1265 : memref<1x128x16xf32, #tpu.memory_space<vmem>> -> memref<128x16xf32, #tpu.memory_space<vmem>>
      %dma_wait3A_1267 = arith.constant 0 : i32
      %dma_wait3A_1268 = tpu.memref_slice %arg5[%dma_wait3A_1267] : memref<10240xi32, #tpu.memory_space<vmem>> -> memref<128xi32, #tpu.memory_space<vmem>>
      %dma_wait3A_1269 = arith.constant 0 : i32
      %dma_wait3A_1270 = arith.constant 0 : i32
      %dma_wait3A_1271 = tpu.memref_slice %arg2[%dma_wait3A_1269, %dma_wait3A_1270] : memref<10000x16xf32, #tpu.memory_space<hbm>> -> memref<10000x16xf32, #tpu.memory_space<hbm>>
      tpu.wait_indirect_dma semaphore(%arg15 : memref<!tpu.dma_semaphore, #tpu.memory_space<semaphore_mem>>) src(%dma_wait3A_1271 : memref<10000x16xf32, #tpu.memory_space<hbm>>) dst(%dma_wait3A_1266 : memref<128x16xf32, #tpu.memory_space<vmem>>)
      %add3A_1272 = arith.constant 3 : i32
      %add3A_1273 = arith.addi %mul3A_1192, %add3A_1272 : i32
      %dma_start3A_1274 = arith.constant 3 : i32
      %dma_start3A_1275 = arith.constant 0 : i32
      %dma_start3A_1276 = arith.constant 0 : i32
      %dma_start3A_1277 = tpu.memref_slice %arg8[%dma_start3A_1274, %dma_start3A_1275, %dma_start3A_1276] : memref<8x128x16xf32, #tpu.memory_space<vmem>> -> memref<1x128x16xf32, #tpu.memory_space<vmem>>
      %dma_start3A_1278 = tpu.memref_squeeze %dma_start3A_1277 : memref<1x128x16xf32, #tpu.memory_space<vmem>> -> memref<128x16xf32, #tpu.memory_space<vmem>>
      %dma_start3A_1279 = arith.constant 0 : i32
      %dma_start3A_1280 = tpu.memref_slice %arg7[%add3A_1273, %dma_start3A_1279] : memref<80x128xi32, #tpu.memory_space<vmem>> -> memref<1x128xi32, #tpu.memory_space<vmem>>
      %dma_start3A_1281 = tpu.memref_squeeze %dma_start3A_1280 : memref<1x128xi32, #tpu.memory_space<vmem>> -> memref<128xi32, #tpu.memory_space<vmem>>
      %dma_start3A_1282 = arith.constant 0 : i32
      %dma_start3A_1283 = arith.constant 0 : i32
      %dma_start3A_1284 = tpu.memref_slice %arg11[%dma_start3A_1282, %dma_start3A_1283] : memref<10240x16xf32, #tpu.memory_space<vmem_shared>> -> memref<10240x16xf32, #tpu.memory_space<vmem_shared>>
      tpu.enqueue_indirect_dma source(%dma_start3A_1278 : memref<128x16xf32, #tpu.memory_space<vmem>>) target(%dma_start3A_1284 : memref<10240x16xf32, #tpu.memory_space<vmem_shared>>) offsets(%dma_start3A_1281 : memref<128xi32, #tpu.memory_space<vmem>>) semaphore(%arg23 : memref<!tpu.dma_semaphore, #tpu.memory_space<semaphore_mem>>) {add = true}
      %dma_wait3A_1285 = arith.constant 4 : i32
      %dma_wait3A_1286 = arith.constant 0 : i32
      %dma_wait3A_1287 = arith.constant 0 : i32
      %dma_wait3A_1288 = tpu.memref_slice %arg8[%dma_wait3A_1285, %dma_wait3A_1286, %dma_wait3A_1287] : memref<8x128x16xf32, #tpu.memory_space<vmem>> -> memref<1x128x16xf32, #tpu.memory_space<vmem>>
      %dma_wait3A_1289 = tpu.memref_squeeze %dma_wait3A_1288 : memref<1x128x16xf32, #tpu.memory_space<vmem>> -> memref<128x16xf32, #tpu.memory_space<vmem>>
      %dma_wait3A_1290 = arith.constant 0 : i32
      %dma_wait3A_1291 = tpu.memref_slice %arg5[%dma_wait3A_1290] : memref<10240xi32, #tpu.memory_space<vmem>> -> memref<128xi32, #tpu.memory_space<vmem>>
      %dma_wait3A_1292 = arith.constant 0 : i32
      %dma_wait3A_1293 = arith.constant 0 : i32
      %dma_wait3A_1294 = tpu.memref_slice %arg2[%dma_wait3A_1292, %dma_wait3A_1293] : memref<10000x16xf32, #tpu.memory_space<hbm>> -> memref<10000x16xf32, #tpu.memory_space<hbm>>
      tpu.wait_indirect_dma semaphore(%arg16 : memref<!tpu.dma_semaphore, #tpu.memory_space<semaphore_mem>>) src(%dma_wait3A_1294 : memref<10000x16xf32, #tpu.memory_space<hbm>>) dst(%dma_wait3A_1289 : memref<128x16xf32, #tpu.memory_space<vmem>>)
      %add3A_1295 = arith.constant 4 : i32
      %add3A_1296 = arith.addi %mul3A_1192, %add3A_1295 : i32
      %dma_start3A_1297 = arith.constant 4 : i32
      %dma_start3A_1298 = arith.constant 0 : i32
      %dma_start3A_1299 = arith.constant 0 : i32
      %dma_start3A_1300 = tpu.memref_slice %arg8[%dma_start3A_1297, %dma_start3A_1298, %dma_start3A_1299] : memref<8x128x16xf32, #tpu.memory_space<vmem>> -> memref<1x128x16xf32, #tpu.memory_space<vmem>>
      %dma_start3A_1301 = tpu.memref_squeeze %dma_start3A_1300 : memref<1x128x16xf32, #tpu.memory_space<vmem>> -> memref<128x16xf32, #tpu.memory_space<vmem>>
      %dma_start3A_1302 = arith.constant 0 : i32
      %dma_start3A_1303 = tpu.memref_slice %arg7[%add3A_1296, %dma_start3A_1302] : memref<80x128xi32, #tpu.memory_space<vmem>> -> memref<1x128xi32, #tpu.memory_space<vmem>>
      %dma_start3A_1304 = tpu.memref_squeeze %dma_start3A_1303 : memref<1x128xi32, #tpu.memory_space<vmem>> -> memref<128xi32, #tpu.memory_space<vmem>>
      %dma_start3A_1305 = arith.constant 0 : i32
      %dma_start3A_1306 = arith.constant 0 : i32
      %dma_start3A_1307 = tpu.memref_slice %arg11[%dma_start3A_1305, %dma_start3A_1306] : memref<10240x16xf32, #tpu.memory_space<vmem_shared>> -> memref<10240x16xf32, #tpu.memory_space<vmem_shared>>
      tpu.enqueue_indirect_dma source(%dma_start3A_1301 : memref<128x16xf32, #tpu.memory_space<vmem>>) target(%dma_start3A_1307 : memref<10240x16xf32, #tpu.memory_space<vmem_shared>>) offsets(%dma_start3A_1304 : memref<128xi32, #tpu.memory_space<vmem>>) semaphore(%arg24 : memref<!tpu.dma_semaphore, #tpu.memory_space<semaphore_mem>>) {add = true}
      %dma_wait3A_1308 = arith.constant 5 : i32
      %dma_wait3A_1309 = arith.constant 0 : i32
      %dma_wait3A_1310 = arith.constant 0 : i32
      %dma_wait3A_1311 = tpu.memref_slice %arg8[%dma_wait3A_1308, %dma_wait3A_1309, %dma_wait3A_1310] : memref<8x128x16xf32, #tpu.memory_space<vmem>> -> memref<1x128x16xf32, #tpu.memory_space<vmem>>
      %dma_wait3A_1312 = tpu.memref_squeeze %dma_wait3A_1311 : memref<1x128x16xf32, #tpu.memory_space<vmem>> -> memref<128x16xf32, #tpu.memory_space<vmem>>
      %dma_wait3A_1313 = arith.constant 0 : i32
      %dma_wait3A_1314 = tpu.memref_slice %arg5[%dma_wait3A_1313] : memref<10240xi32, #tpu.memory_space<vmem>> -> memref<128xi32, #tpu.memory_space<vmem>>
      %dma_wait3A_1315 = arith.constant 0 : i32
      %dma_wait3A_1316 = arith.constant 0 : i32
      %dma_wait3A_1317 = tpu.memref_slice %arg2[%dma_wait3A_1315, %dma_wait3A_1316] : memref<10000x16xf32, #tpu.memory_space<hbm>> -> memref<10000x16xf32, #tpu.memory_space<hbm>>
      tpu.wait_indirect_dma semaphore(%arg17 : memref<!tpu.dma_semaphore, #tpu.memory_space<semaphore_mem>>) src(%dma_wait3A_1317 : memref<10000x16xf32, #tpu.memory_space<hbm>>) dst(%dma_wait3A_1312 : memref<128x16xf32, #tpu.memory_space<vmem>>)
      %add3A_1318 = arith.constant 5 : i32
      %add3A_1319 = arith.addi %mul3A_1192, %add3A_1318 : i32
      %dma_start3A_1320 = arith.constant 5 : i32
      %dma_start3A_1321 = arith.constant 0 : i32
      %dma_start3A_1322 = arith.constant 0 : i32
      %dma_start3A_1323 = tpu.memref_slice %arg8[%dma_start3A_1320, %dma_start3A_1321, %dma_start3A_1322] : memref<8x128x16xf32, #tpu.memory_space<vmem>> -> memref<1x128x16xf32, #tpu.memory_space<vmem>>
      %dma_start3A_1324 = tpu.memref_squeeze %dma_start3A_1323 : memref<1x128x16xf32, #tpu.memory_space<vmem>> -> memref<128x16xf32, #tpu.memory_space<vmem>>
      %dma_start3A_1325 = arith.constant 0 : i32
      %dma_start3A_1326 = tpu.memref_slice %arg7[%add3A_1319, %dma_start3A_1325] : memref<80x128xi32, #tpu.memory_space<vmem>> -> memref<1x128xi32, #tpu.memory_space<vmem>>
      %dma_start3A_1327 = tpu.memref_squeeze %dma_start3A_1326 : memref<1x128xi32, #tpu.memory_space<vmem>> -> memref<128xi32, #tpu.memory_space<vmem>>
      %dma_start3A_1328 = arith.constant 0 : i32
      %dma_start3A_1329 = arith.constant 0 : i32
      %dma_start3A_1330 = tpu.memref_slice %arg11[%dma_start3A_1328, %dma_start3A_1329] : memref<10240x16xf32, #tpu.memory_space<vmem_shared>> -> memref<10240x16xf32, #tpu.memory_space<vmem_shared>>
      tpu.enqueue_indirect_dma source(%dma_start3A_1324 : memref<128x16xf32, #tpu.memory_space<vmem>>) target(%dma_start3A_1330 : memref<10240x16xf32, #tpu.memory_space<vmem_shared>>) offsets(%dma_start3A_1327 : memref<128xi32, #tpu.memory_space<vmem>>) semaphore(%arg25 : memref<!tpu.dma_semaphore, #tpu.memory_space<semaphore_mem>>) {add = true}
      %dma_wait3A_1331 = arith.constant 6 : i32
      %dma_wait3A_1332 = arith.constant 0 : i32
      %dma_wait3A_1333 = arith.constant 0 : i32
      %dma_wait3A_1334 = tpu.memref_slice %arg8[%dma_wait3A_1331, %dma_wait3A_1332, %dma_wait3A_1333] : memref<8x128x16xf32, #tpu.memory_space<vmem>> -> memref<1x128x16xf32, #tpu.memory_space<vmem>>
      %dma_wait3A_1335 = tpu.memref_squeeze %dma_wait3A_1334 : memref<1x128x16xf32, #tpu.memory_space<vmem>> -> memref<128x16xf32, #tpu.memory_space<vmem>>
      %dma_wait3A_1336 = arith.constant 0 : i32
      %dma_wait3A_1337 = tpu.memref_slice %arg5[%dma_wait3A_1336] : memref<10240xi32, #tpu.memory_space<vmem>> -> memref<128xi32, #tpu.memory_space<vmem>>
      %dma_wait3A_1338 = arith.constant 0 : i32
      %dma_wait3A_1339 = arith.constant 0 : i32
      %dma_wait3A_1340 = tpu.memref_slice %arg2[%dma_wait3A_1338, %dma_wait3A_1339] : memref<10000x16xf32, #tpu.memory_space<hbm>> -> memref<10000x16xf32, #tpu.memory_space<hbm>>
      tpu.wait_indirect_dma semaphore(%arg18 : memref<!tpu.dma_semaphore, #tpu.memory_space<semaphore_mem>>) src(%dma_wait3A_1340 : memref<10000x16xf32, #tpu.memory_space<hbm>>) dst(%dma_wait3A_1335 : memref<128x16xf32, #tpu.memory_space<vmem>>)
      %add3A_1341 = arith.constant 6 : i32
      %add3A_1342 = arith.addi %mul3A_1192, %add3A_1341 : i32
      %dma_start3A_1343 = arith.constant 6 : i32
      %dma_start3A_1344 = arith.constant 0 : i32
      %dma_start3A_1345 = arith.constant 0 : i32
      %dma_start3A_1346 = tpu.memref_slice %arg8[%dma_start3A_1343, %dma_start3A_1344, %dma_start3A_1345] : memref<8x128x16xf32, #tpu.memory_space<vmem>> -> memref<1x128x16xf32, #tpu.memory_space<vmem>>
      %dma_start3A_1347 = tpu.memref_squeeze %dma_start3A_1346 : memref<1x128x16xf32, #tpu.memory_space<vmem>> -> memref<128x16xf32, #tpu.memory_space<vmem>>
      %dma_start3A_1348 = arith.constant 0 : i32
      %dma_start3A_1349 = tpu.memref_slice %arg7[%add3A_1342, %dma_start3A_1348] : memref<80x128xi32, #tpu.memory_space<vmem>> -> memref<1x128xi32, #tpu.memory_space<vmem>>
      %dma_start3A_1350 = tpu.memref_squeeze %dma_start3A_1349 : memref<1x128xi32, #tpu.memory_space<vmem>> -> memref<128xi32, #tpu.memory_space<vmem>>
      %dma_start3A_1351 = arith.constant 0 : i32
      %dma_start3A_1352 = arith.constant 0 : i32
      %dma_start3A_1353 = tpu.memref_slice %arg11[%dma_start3A_1351, %dma_start3A_1352] : memref<10240x16xf32, #tpu.memory_space<vmem_shared>> -> memref<10240x16xf32, #tpu.memory_space<vmem_shared>>
      tpu.enqueue_indirect_dma source(%dma_start3A_1347 : memref<128x16xf32, #tpu.memory_space<vmem>>) target(%dma_start3A_1353 : memref<10240x16xf32, #tpu.memory_space<vmem_shared>>) offsets(%dma_start3A_1350 : memref<128xi32, #tpu.memory_space<vmem>>) semaphore(%arg26 : memref<!tpu.dma_semaphore, #tpu.memory_space<semaphore_mem>>) {add = true}
      %dma_wait3A_1354 = arith.constant 7 : i32
      %dma_wait3A_1355 = arith.constant 0 : i32
      %dma_wait3A_1356 = arith.constant 0 : i32
      %dma_wait3A_1357 = tpu.memref_slice %arg8[%dma_wait3A_1354, %dma_wait3A_1355, %dma_wait3A_1356] : memref<8x128x16xf32, #tpu.memory_space<vmem>> -> memref<1x128x16xf32, #tpu.memory_space<vmem>>
      %dma_wait3A_1358 = tpu.memref_squeeze %dma_wait3A_1357 : memref<1x128x16xf32, #tpu.memory_space<vmem>> -> memref<128x16xf32, #tpu.memory_space<vmem>>
      %dma_wait3A_1359 = arith.constant 0 : i32
      %dma_wait3A_1360 = tpu.memref_slice %arg5[%dma_wait3A_1359] : memref<10240xi32, #tpu.memory_space<vmem>> -> memref<128xi32, #tpu.memory_space<vmem>>
      %dma_wait3A_1361 = arith.constant 0 : i32
      %dma_wait3A_1362 = arith.constant 0 : i32
      %dma_wait3A_1363 = tpu.memref_slice %arg2[%dma_wait3A_1361, %dma_wait3A_1362] : memref<10000x16xf32, #tpu.memory_space<hbm>> -> memref<10000x16xf32, #tpu.memory_space<hbm>>
      tpu.wait_indirect_dma semaphore(%arg19 : memref<!tpu.dma_semaphore, #tpu.memory_space<semaphore_mem>>) src(%dma_wait3A_1363 : memref<10000x16xf32, #tpu.memory_space<hbm>>) dst(%dma_wait3A_1358 : memref<128x16xf32, #tpu.memory_space<vmem>>)
      %add3A_1364 = arith.constant 7 : i32
      %add3A_1365 = arith.addi %mul3A_1192, %add3A_1364 : i32
      %dma_start3A_1366 = arith.constant 7 : i32
      %dma_start3A_1367 = arith.constant 0 : i32
      %dma_start3A_1368 = arith.constant 0 : i32
      %dma_start3A_1369 = tpu.memref_slice %arg8[%dma_start3A_1366, %dma_start3A_1367, %dma_start3A_1368] : memref<8x128x16xf32, #tpu.memory_space<vmem>> -> memref<1x128x16xf32, #tpu.memory_space<vmem>>
      %dma_start3A_1370 = tpu.memref_squeeze %dma_start3A_1369 : memref<1x128x16xf32, #tpu.memory_space<vmem>> -> memref<128x16xf32, #tpu.memory_space<vmem>>
      %dma_start3A_1371 = arith.constant 0 : i32
      %dma_start3A_1372 = tpu.memref_slice %arg7[%add3A_1365, %dma_start3A_1371] : memref<80x128xi32, #tpu.memory_space<vmem>> -> memref<1x128xi32, #tpu.memory_space<vmem>>
      %dma_start3A_1373 = tpu.memref_squeeze %dma_start3A_1372 : memref<1x128xi32, #tpu.memory_space<vmem>> -> memref<128xi32, #tpu.memory_space<vmem>>
      %dma_start3A_1374 = arith.constant 0 : i32
      %dma_start3A_1375 = arith.constant 0 : i32
      %dma_start3A_1376 = tpu.memref_slice %arg11[%dma_start3A_1374, %dma_start3A_1375] : memref<10240x16xf32, #tpu.memory_space<vmem_shared>> -> memref<10240x16xf32, #tpu.memory_space<vmem_shared>>
      tpu.enqueue_indirect_dma source(%dma_start3A_1370 : memref<128x16xf32, #tpu.memory_space<vmem>>) target(%dma_start3A_1376 : memref<10240x16xf32, #tpu.memory_space<vmem_shared>>) offsets(%dma_start3A_1373 : memref<128xi32, #tpu.memory_space<vmem>>) semaphore(%arg27 : memref<!tpu.dma_semaphore, #tpu.memory_space<semaphore_mem>>) {add = true}
      %dma_wait3A_1377 = arith.constant 0 : i32
      %dma_wait3A_1378 = arith.constant 0 : i32
      %dma_wait3A_1379 = arith.constant 0 : i32
      %dma_wait3A_1380 = arith.constant 0 : i32
      %dma_wait3A_1381 = tpu.memref_slice %arg8[%dma_wait3A_1377, %dma_wait3A_1379, %dma_wait3A_1380] : memref<8x128x16xf32, #tpu.memory_space<vmem>> -> memref<1x128x16xf32, #tpu.memory_space<vmem>>
      %dma_wait3A_1382 = tpu.memref_squeeze %dma_wait3A_1381 : memref<1x128x16xf32, #tpu.memory_space<vmem>> -> memref<128x16xf32, #tpu.memory_space<vmem>>
      %dma_wait3A_1383 = arith.constant 0 : i32
      %dma_wait3A_1384 = tpu.memref_slice %arg7[%dma_wait3A_1378, %dma_wait3A_1383] : memref<80x128xi32, #tpu.memory_space<vmem>> -> memref<1x128xi32, #tpu.memory_space<vmem>>
      %dma_wait3A_1385 = tpu.memref_squeeze %dma_wait3A_1384 : memref<1x128xi32, #tpu.memory_space<vmem>> -> memref<128xi32, #tpu.memory_space<vmem>>
      %dma_wait3A_1386 = arith.constant 0 : i32
      %dma_wait3A_1387 = arith.constant 0 : i32
      %dma_wait3A_1388 = tpu.memref_slice %arg11[%dma_wait3A_1386, %dma_wait3A_1387] : memref<10240x16xf32, #tpu.memory_space<vmem_shared>> -> memref<10240x16xf32, #tpu.memory_space<vmem_shared>>
      tpu.wait_indirect_dma semaphore(%arg20 : memref<!tpu.dma_semaphore, #tpu.memory_space<semaphore_mem>>) src(%dma_wait3A_1382 : memref<128x16xf32, #tpu.memory_space<vmem>>) dst(%dma_wait3A_1388 : memref<10240x16xf32, #tpu.memory_space<vmem_shared>>)
      %lt3A_1389 = arith.constant 9 : i32
      %lt3A_1390 = arith.cmpi slt, %scan3A_1190, %lt3A_1389 : i32
      %convert_element_type3A = arith.extui %lt3A_1390 : i1 to i32
      %cond3A = arith.constant 0 : i32
      %cond3A_1391 = arith.cmpi ne, %convert_element_type3A, %cond3A : i32
      scf.if %cond3A_1391 {
        %add3A_1511 = arith.constant 8 : i32
        %add3A_1512 = arith.addi %mul3A_1192, %add3A_1511 : i32
        %add3A_1513 = arith.constant 0 : i32
        %add3A_1514 = arith.addi %add3A_1512, %add3A_1513 : i32
        %mul3A_1515 = arith.constant 128 : i32
        %mul3A_1516 = arith.muli %add3A_1514, %mul3A_1515 : i32
        %dma_start3A_1517 = arith.constant 0 : i32
        %dma_start3A_1518 = arith.constant 0 : i32
        %dma_start3A_1519 = arith.constant 0 : i32
        %dma_start3A_1520 = tpu.memref_slice %arg8[%dma_start3A_1517, %dma_start3A_1518, %dma_start3A_1519] : memref<8x128x16xf32, #tpu.memory_space<vmem>> -> memref<1x128x16xf32, #tpu.memory_space<vmem>>
        %dma_start3A_1521 = tpu.memref_squeeze %dma_start3A_1520 : memref<1x128x16xf32, #tpu.memory_space<vmem>> -> memref<128x16xf32, #tpu.memory_space<vmem>>
        %dma_start3A_1522 = tpu.memref_slice %arg5[%mul3A_1516] : memref<10240xi32, #tpu.memory_space<vmem>> -> memref<128xi32, #tpu.memory_space<vmem>>
        %dma_start3A_1523 = arith.constant 0 : i32
        %dma_start3A_1524 = arith.constant 0 : i32
        %dma_start3A_1525 = tpu.memref_slice %arg2[%dma_start3A_1523, %dma_start3A_1524] : memref<10000x16xf32, #tpu.memory_space<hbm>> -> memref<10000x16xf32, #tpu.memory_space<hbm>>
        tpu.enqueue_indirect_dma source(%dma_start3A_1525 : memref<10000x16xf32, #tpu.memory_space<hbm>>) target(%dma_start3A_1521 : memref<128x16xf32, #tpu.memory_space<vmem>>) offsets(%dma_start3A_1522 : memref<128xi32, #tpu.memory_space<vmem>>) semaphore(%arg12 : memref<!tpu.dma_semaphore, #tpu.memory_space<semaphore_mem>>)
      } else {
      }
      %dma_wait3A_1392 = arith.constant 1 : i32
      %dma_wait3A_1393 = arith.constant 0 : i32
      %dma_wait3A_1394 = arith.constant 0 : i32
      %dma_wait3A_1395 = arith.constant 0 : i32
      %dma_wait3A_1396 = tpu.memref_slice %arg8[%dma_wait3A_1392, %dma_wait3A_1394, %dma_wait3A_1395] : memref<8x128x16xf32, #tpu.memory_space<vmem>> -> memref<1x128x16xf32, #tpu.memory_space<vmem>>
      %dma_wait3A_1397 = tpu.memref_squeeze %dma_wait3A_1396 : memref<1x128x16xf32, #tpu.memory_space<vmem>> -> memref<128x16xf32, #tpu.memory_space<vmem>>
      %dma_wait3A_1398 = arith.constant 0 : i32
      %dma_wait3A_1399 = tpu.memref_slice %arg7[%dma_wait3A_1393, %dma_wait3A_1398] : memref<80x128xi32, #tpu.memory_space<vmem>> -> memref<1x128xi32, #tpu.memory_space<vmem>>
      %dma_wait3A_1400 = tpu.memref_squeeze %dma_wait3A_1399 : memref<1x128xi32, #tpu.memory_space<vmem>> -> memref<128xi32, #tpu.memory_space<vmem>>
      %dma_wait3A_1401 = arith.constant 0 : i32
      %dma_wait3A_1402 = arith.constant 0 : i32
      %dma_wait3A_1403 = tpu.memref_slice %arg11[%dma_wait3A_1401, %dma_wait3A_1402] : memref<10240x16xf32, #tpu.memory_space<vmem_shared>> -> memref<10240x16xf32, #tpu.memory_space<vmem_shared>>
      tpu.wait_indirect_dma semaphore(%arg21 : memref<!tpu.dma_semaphore, #tpu.memory_space<semaphore_mem>>) src(%dma_wait3A_1397 : memref<128x16xf32, #tpu.memory_space<vmem>>) dst(%dma_wait3A_1403 : memref<10240x16xf32, #tpu.memory_space<vmem_shared>>)
      %lt3A_1404 = arith.constant 9 : i32
      %lt3A_1405 = arith.cmpi slt, %scan3A_1190, %lt3A_1404 : i32
      %convert_element_type3A_1406 = arith.extui %lt3A_1405 : i1 to i32
      %cond3A_1407 = arith.constant 0 : i32
      %cond3A_1408 = arith.cmpi ne, %convert_element_type3A_1406, %cond3A_1407 : i32
      scf.if %cond3A_1408 {
        %add3A_1511 = arith.constant 8 : i32
        %add3A_1512 = arith.addi %mul3A_1192, %add3A_1511 : i32
        %add3A_1513 = arith.constant 1 : i32
        %add3A_1514 = arith.addi %add3A_1512, %add3A_1513 : i32
        %mul3A_1515 = arith.constant 128 : i32
        %mul3A_1516 = arith.muli %add3A_1514, %mul3A_1515 : i32
        %dma_start3A_1517 = arith.constant 1 : i32
        %dma_start3A_1518 = arith.constant 0 : i32
        %dma_start3A_1519 = arith.constant 0 : i32
        %dma_start3A_1520 = tpu.memref_slice %arg8[%dma_start3A_1517, %dma_start3A_1518, %dma_start3A_1519] : memref<8x128x16xf32, #tpu.memory_space<vmem>> -> memref<1x128x16xf32, #tpu.memory_space<vmem>>
        %dma_start3A_1521 = tpu.memref_squeeze %dma_start3A_1520 : memref<1x128x16xf32, #tpu.memory_space<vmem>> -> memref<128x16xf32, #tpu.memory_space<vmem>>
        %dma_start3A_1522 = tpu.memref_slice %arg5[%mul3A_1516] : memref<10240xi32, #tpu.memory_space<vmem>> -> memref<128xi32, #tpu.memory_space<vmem>>
        %dma_start3A_1523 = arith.constant 0 : i32
        %dma_start3A_1524 = arith.constant 0 : i32
        %dma_start3A_1525 = tpu.memref_slice %arg2[%dma_start3A_1523, %dma_start3A_1524] : memref<10000x16xf32, #tpu.memory_space<hbm>> -> memref<10000x16xf32, #tpu.memory_space<hbm>>
        tpu.enqueue_indirect_dma source(%dma_start3A_1525 : memref<10000x16xf32, #tpu.memory_space<hbm>>) target(%dma_start3A_1521 : memref<128x16xf32, #tpu.memory_space<vmem>>) offsets(%dma_start3A_1522 : memref<128xi32, #tpu.memory_space<vmem>>) semaphore(%arg13 : memref<!tpu.dma_semaphore, #tpu.memory_space<semaphore_mem>>)
      } else {
      }
      %dma_wait3A_1409 = arith.constant 2 : i32
      %dma_wait3A_1410 = arith.constant 0 : i32
      %dma_wait3A_1411 = arith.constant 0 : i32
      %dma_wait3A_1412 = arith.constant 0 : i32
      %dma_wait3A_1413 = tpu.memref_slice %arg8[%dma_wait3A_1409, %dma_wait3A_1411, %dma_wait3A_1412] : memref<8x128x16xf32, #tpu.memory_space<vmem>> -> memref<1x128x16xf32, #tpu.memory_space<vmem>>
      %dma_wait3A_1414 = tpu.memref_squeeze %dma_wait3A_1413 : memref<1x128x16xf32, #tpu.memory_space<vmem>> -> memref<128x16xf32, #tpu.memory_space<vmem>>
      %dma_wait3A_1415 = arith.constant 0 : i32
      %dma_wait3A_1416 = tpu.memref_slice %arg7[%dma_wait3A_1410, %dma_wait3A_1415] : memref<80x128xi32, #tpu.memory_space<vmem>> -> memref<1x128xi32, #tpu.memory_space<vmem>>
      %dma_wait3A_1417 = tpu.memref_squeeze %dma_wait3A_1416 : memref<1x128xi32, #tpu.memory_space<vmem>> -> memref<128xi32, #tpu.memory_space<vmem>>
      %dma_wait3A_1418 = arith.constant 0 : i32
      %dma_wait3A_1419 = arith.constant 0 : i32
      %dma_wait3A_1420 = tpu.memref_slice %arg11[%dma_wait3A_1418, %dma_wait3A_1419] : memref<10240x16xf32, #tpu.memory_space<vmem_shared>> -> memref<10240x16xf32, #tpu.memory_space<vmem_shared>>
      tpu.wait_indirect_dma semaphore(%arg22 : memref<!tpu.dma_semaphore, #tpu.memory_space<semaphore_mem>>) src(%dma_wait3A_1414 : memref<128x16xf32, #tpu.memory_space<vmem>>) dst(%dma_wait3A_1420 : memref<10240x16xf32, #tpu.memory_space<vmem_shared>>)
      %lt3A_1421 = arith.constant 9 : i32
      %lt3A_1422 = arith.cmpi slt, %scan3A_1190, %lt3A_1421 : i32
      %convert_element_type3A_1423 = arith.extui %lt3A_1422 : i1 to i32
      %cond3A_1424 = arith.constant 0 : i32
      %cond3A_1425 = arith.cmpi ne, %convert_element_type3A_1423, %cond3A_1424 : i32
      scf.if %cond3A_1425 {
        %add3A_1511 = arith.constant 8 : i32
        %add3A_1512 = arith.addi %mul3A_1192, %add3A_1511 : i32
        %add3A_1513 = arith.constant 2 : i32
        %add3A_1514 = arith.addi %add3A_1512, %add3A_1513 : i32
        %mul3A_1515 = arith.constant 128 : i32
        %mul3A_1516 = arith.muli %add3A_1514, %mul3A_1515 : i32
        %dma_start3A_1517 = arith.constant 2 : i32
        %dma_start3A_1518 = arith.constant 0 : i32
        %dma_start3A_1519 = arith.constant 0 : i32
        %dma_start3A_1520 = tpu.memref_slice %arg8[%dma_start3A_1517, %dma_start3A_1518, %dma_start3A_1519] : memref<8x128x16xf32, #tpu.memory_space<vmem>> -> memref<1x128x16xf32, #tpu.memory_space<vmem>>
        %dma_start3A_1521 = tpu.memref_squeeze %dma_start3A_1520 : memref<1x128x16xf32, #tpu.memory_space<vmem>> -> memref<128x16xf32, #tpu.memory_space<vmem>>
        %dma_start3A_1522 = tpu.memref_slice %arg5[%mul3A_1516] : memref<10240xi32, #tpu.memory_space<vmem>> -> memref<128xi32, #tpu.memory_space<vmem>>
        %dma_start3A_1523 = arith.constant 0 : i32
        %dma_start3A_1524 = arith.constant 0 : i32
        %dma_start3A_1525 = tpu.memref_slice %arg2[%dma_start3A_1523, %dma_start3A_1524] : memref<10000x16xf32, #tpu.memory_space<hbm>> -> memref<10000x16xf32, #tpu.memory_space<hbm>>
        tpu.enqueue_indirect_dma source(%dma_start3A_1525 : memref<10000x16xf32, #tpu.memory_space<hbm>>) target(%dma_start3A_1521 : memref<128x16xf32, #tpu.memory_space<vmem>>) offsets(%dma_start3A_1522 : memref<128xi32, #tpu.memory_space<vmem>>) semaphore(%arg14 : memref<!tpu.dma_semaphore, #tpu.memory_space<semaphore_mem>>)
      } else {
      }
      %dma_wait3A_1426 = arith.constant 3 : i32
      %dma_wait3A_1427 = arith.constant 0 : i32
      %dma_wait3A_1428 = arith.constant 0 : i32
      %dma_wait3A_1429 = arith.constant 0 : i32
      %dma_wait3A_1430 = tpu.memref_slice %arg8[%dma_wait3A_1426, %dma_wait3A_1428, %dma_wait3A_1429] : memref<8x128x16xf32, #tpu.memory_space<vmem>> -> memref<1x128x16xf32, #tpu.memory_space<vmem>>
      %dma_wait3A_1431 = tpu.memref_squeeze %dma_wait3A_1430 : memref<1x128x16xf32, #tpu.memory_space<vmem>> -> memref<128x16xf32, #tpu.memory_space<vmem>>
      %dma_wait3A_1432 = arith.constant 0 : i32
      %dma_wait3A_1433 = tpu.memref_slice %arg7[%dma_wait3A_1427, %dma_wait3A_1432] : memref<80x128xi32, #tpu.memory_space<vmem>> -> memref<1x128xi32, #tpu.memory_space<vmem>>
      %dma_wait3A_1434 = tpu.memref_squeeze %dma_wait3A_1433 : memref<1x128xi32, #tpu.memory_space<vmem>> -> memref<128xi32, #tpu.memory_space<vmem>>
      %dma_wait3A_1435 = arith.constant 0 : i32
      %dma_wait3A_1436 = arith.constant 0 : i32
      %dma_wait3A_1437 = tpu.memref_slice %arg11[%dma_wait3A_1435, %dma_wait3A_1436] : memref<10240x16xf32, #tpu.memory_space<vmem_shared>> -> memref<10240x16xf32, #tpu.memory_space<vmem_shared>>
      tpu.wait_indirect_dma semaphore(%arg23 : memref<!tpu.dma_semaphore, #tpu.memory_space<semaphore_mem>>) src(%dma_wait3A_1431 : memref<128x16xf32, #tpu.memory_space<vmem>>) dst(%dma_wait3A_1437 : memref<10240x16xf32, #tpu.memory_space<vmem_shared>>)
      %lt3A_1438 = arith.constant 9 : i32
      %lt3A_1439 = arith.cmpi slt, %scan3A_1190, %lt3A_1438 : i32
      %convert_element_type3A_1440 = arith.extui %lt3A_1439 : i1 to i32
      %cond3A_1441 = arith.constant 0 : i32
      %cond3A_1442 = arith.cmpi ne, %convert_element_type3A_1440, %cond3A_1441 : i32
      scf.if %cond3A_1442 {
        %add3A_1511 = arith.constant 8 : i32
        %add3A_1512 = arith.addi %mul3A_1192, %add3A_1511 : i32
        %add3A_1513 = arith.constant 3 : i32
        %add3A_1514 = arith.addi %add3A_1512, %add3A_1513 : i32
        %mul3A_1515 = arith.constant 128 : i32
        %mul3A_1516 = arith.muli %add3A_1514, %mul3A_1515 : i32
        %dma_start3A_1517 = arith.constant 3 : i32
        %dma_start3A_1518 = arith.constant 0 : i32
        %dma_start3A_1519 = arith.constant 0 : i32
        %dma_start3A_1520 = tpu.memref_slice %arg8[%dma_start3A_1517, %dma_start3A_1518, %dma_start3A_1519] : memref<8x128x16xf32, #tpu.memory_space<vmem>> -> memref<1x128x16xf32, #tpu.memory_space<vmem>>
        %dma_start3A_1521 = tpu.memref_squeeze %dma_start3A_1520 : memref<1x128x16xf32, #tpu.memory_space<vmem>> -> memref<128x16xf32, #tpu.memory_space<vmem>>
        %dma_start3A_1522 = tpu.memref_slice %arg5[%mul3A_1516] : memref<10240xi32, #tpu.memory_space<vmem>> -> memref<128xi32, #tpu.memory_space<vmem>>
        %dma_start3A_1523 = arith.constant 0 : i32
        %dma_start3A_1524 = arith.constant 0 : i32
        %dma_start3A_1525 = tpu.memref_slice %arg2[%dma_start3A_1523, %dma_start3A_1524] : memref<10000x16xf32, #tpu.memory_space<hbm>> -> memref<10000x16xf32, #tpu.memory_space<hbm>>
        tpu.enqueue_indirect_dma source(%dma_start3A_1525 : memref<10000x16xf32, #tpu.memory_space<hbm>>) target(%dma_start3A_1521 : memref<128x16xf32, #tpu.memory_space<vmem>>) offsets(%dma_start3A_1522 : memref<128xi32, #tpu.memory_space<vmem>>) semaphore(%arg15 : memref<!tpu.dma_semaphore, #tpu.memory_space<semaphore_mem>>)
      } else {
      }
      %dma_wait3A_1443 = arith.constant 4 : i32
      %dma_wait3A_1444 = arith.constant 0 : i32
      %dma_wait3A_1445 = arith.constant 0 : i32
      %dma_wait3A_1446 = arith.constant 0 : i32
      %dma_wait3A_1447 = tpu.memref_slice %arg8[%dma_wait3A_1443, %dma_wait3A_1445, %dma_wait3A_1446] : memref<8x128x16xf32, #tpu.memory_space<vmem>> -> memref<1x128x16xf32, #tpu.memory_space<vmem>>
      %dma_wait3A_1448 = tpu.memref_squeeze %dma_wait3A_1447 : memref<1x128x16xf32, #tpu.memory_space<vmem>> -> memref<128x16xf32, #tpu.memory_space<vmem>>
      %dma_wait3A_1449 = arith.constant 0 : i32
      %dma_wait3A_1450 = tpu.memref_slice %arg7[%dma_wait3A_1444, %dma_wait3A_1449] : memref<80x128xi32, #tpu.memory_space<vmem>> -> memref<1x128xi32, #tpu.memory_space<vmem>>
      %dma_wait3A_1451 = tpu.memref_squeeze %dma_wait3A_1450 : memref<1x128xi32, #tpu.memory_space<vmem>> -> memref<128xi32, #tpu.memory_space<vmem>>
      %dma_wait3A_1452 = arith.constant 0 : i32
      %dma_wait3A_1453 = arith.constant 0 : i32
      %dma_wait3A_1454 = tpu.memref_slice %arg11[%dma_wait3A_1452, %dma_wait3A_1453] : memref<10240x16xf32, #tpu.memory_space<vmem_shared>> -> memref<10240x16xf32, #tpu.memory_space<vmem_shared>>
      tpu.wait_indirect_dma semaphore(%arg24 : memref<!tpu.dma_semaphore, #tpu.memory_space<semaphore_mem>>) src(%dma_wait3A_1448 : memref<128x16xf32, #tpu.memory_space<vmem>>) dst(%dma_wait3A_1454 : memref<10240x16xf32, #tpu.memory_space<vmem_shared>>)
      %lt3A_1455 = arith.constant 9 : i32
      %lt3A_1456 = arith.cmpi slt, %scan3A_1190, %lt3A_1455 : i32
      %convert_element_type3A_1457 = arith.extui %lt3A_1456 : i1 to i32
      %cond3A_1458 = arith.constant 0 : i32
      %cond3A_1459 = arith.cmpi ne, %convert_element_type3A_1457, %cond3A_1458 : i32
      scf.if %cond3A_1459 {
        %add3A_1511 = arith.constant 8 : i32
        %add3A_1512 = arith.addi %mul3A_1192, %add3A_1511 : i32
        %add3A_1513 = arith.constant 4 : i32
        %add3A_1514 = arith.addi %add3A_1512, %add3A_1513 : i32
        %mul3A_1515 = arith.constant 128 : i32
        %mul3A_1516 = arith.muli %add3A_1514, %mul3A_1515 : i32
        %dma_start3A_1517 = arith.constant 4 : i32
        %dma_start3A_1518 = arith.constant 0 : i32
        %dma_start3A_1519 = arith.constant 0 : i32
        %dma_start3A_1520 = tpu.memref_slice %arg8[%dma_start3A_1517, %dma_start3A_1518, %dma_start3A_1519] : memref<8x128x16xf32, #tpu.memory_space<vmem>> -> memref<1x128x16xf32, #tpu.memory_space<vmem>>
        %dma_start3A_1521 = tpu.memref_squeeze %dma_start3A_1520 : memref<1x128x16xf32, #tpu.memory_space<vmem>> -> memref<128x16xf32, #tpu.memory_space<vmem>>
        %dma_start3A_1522 = tpu.memref_slice %arg5[%mul3A_1516] : memref<10240xi32, #tpu.memory_space<vmem>> -> memref<128xi32, #tpu.memory_space<vmem>>
        %dma_start3A_1523 = arith.constant 0 : i32
        %dma_start3A_1524 = arith.constant 0 : i32
        %dma_start3A_1525 = tpu.memref_slice %arg2[%dma_start3A_1523, %dma_start3A_1524] : memref<10000x16xf32, #tpu.memory_space<hbm>> -> memref<10000x16xf32, #tpu.memory_space<hbm>>
        tpu.enqueue_indirect_dma source(%dma_start3A_1525 : memref<10000x16xf32, #tpu.memory_space<hbm>>) target(%dma_start3A_1521 : memref<128x16xf32, #tpu.memory_space<vmem>>) offsets(%dma_start3A_1522 : memref<128xi32, #tpu.memory_space<vmem>>) semaphore(%arg16 : memref<!tpu.dma_semaphore, #tpu.memory_space<semaphore_mem>>)
      } else {
      }
      %dma_wait3A_1460 = arith.constant 5 : i32
      %dma_wait3A_1461 = arith.constant 0 : i32
      %dma_wait3A_1462 = arith.constant 0 : i32
      %dma_wait3A_1463 = arith.constant 0 : i32
      %dma_wait3A_1464 = tpu.memref_slice %arg8[%dma_wait3A_1460, %dma_wait3A_1462, %dma_wait3A_1463] : memref<8x128x16xf32, #tpu.memory_space<vmem>> -> memref<1x128x16xf32, #tpu.memory_space<vmem>>
      %dma_wait3A_1465 = tpu.memref_squeeze %dma_wait3A_1464 : memref<1x128x16xf32, #tpu.memory_space<vmem>> -> memref<128x16xf32, #tpu.memory_space<vmem>>
      %dma_wait3A_1466 = arith.constant 0 : i32
      %dma_wait3A_1467 = tpu.memref_slice %arg7[%dma_wait3A_1461, %dma_wait3A_1466] : memref<80x128xi32, #tpu.memory_space<vmem>> -> memref<1x128xi32, #tpu.memory_space<vmem>>
      %dma_wait3A_1468 = tpu.memref_squeeze %dma_wait3A_1467 : memref<1x128xi32, #tpu.memory_space<vmem>> -> memref<128xi32, #tpu.memory_space<vmem>>
      %dma_wait3A_1469 = arith.constant 0 : i32
      %dma_wait3A_1470 = arith.constant 0 : i32
      %dma_wait3A_1471 = tpu.memref_slice %arg11[%dma_wait3A_1469, %dma_wait3A_1470] : memref<10240x16xf32, #tpu.memory_space<vmem_shared>> -> memref<10240x16xf32, #tpu.memory_space<vmem_shared>>
      tpu.wait_indirect_dma semaphore(%arg25 : memref<!tpu.dma_semaphore, #tpu.memory_space<semaphore_mem>>) src(%dma_wait3A_1465 : memref<128x16xf32, #tpu.memory_space<vmem>>) dst(%dma_wait3A_1471 : memref<10240x16xf32, #tpu.memory_space<vmem_shared>>)
      %lt3A_1472 = arith.constant 9 : i32
      %lt3A_1473 = arith.cmpi slt, %scan3A_1190, %lt3A_1472 : i32
      %convert_element_type3A_1474 = arith.extui %lt3A_1473 : i1 to i32
      %cond3A_1475 = arith.constant 0 : i32
      %cond3A_1476 = arith.cmpi ne, %convert_element_type3A_1474, %cond3A_1475 : i32
      scf.if %cond3A_1476 {
        %add3A_1511 = arith.constant 8 : i32
        %add3A_1512 = arith.addi %mul3A_1192, %add3A_1511 : i32
        %add3A_1513 = arith.constant 5 : i32
        %add3A_1514 = arith.addi %add3A_1512, %add3A_1513 : i32
        %mul3A_1515 = arith.constant 128 : i32
        %mul3A_1516 = arith.muli %add3A_1514, %mul3A_1515 : i32
        %dma_start3A_1517 = arith.constant 5 : i32
        %dma_start3A_1518 = arith.constant 0 : i32
        %dma_start3A_1519 = arith.constant 0 : i32
        %dma_start3A_1520 = tpu.memref_slice %arg8[%dma_start3A_1517, %dma_start3A_1518, %dma_start3A_1519] : memref<8x128x16xf32, #tpu.memory_space<vmem>> -> memref<1x128x16xf32, #tpu.memory_space<vmem>>
        %dma_start3A_1521 = tpu.memref_squeeze %dma_start3A_1520 : memref<1x128x16xf32, #tpu.memory_space<vmem>> -> memref<128x16xf32, #tpu.memory_space<vmem>>
        %dma_start3A_1522 = tpu.memref_slice %arg5[%mul3A_1516] : memref<10240xi32, #tpu.memory_space<vmem>> -> memref<128xi32, #tpu.memory_space<vmem>>
        %dma_start3A_1523 = arith.constant 0 : i32
        %dma_start3A_1524 = arith.constant 0 : i32
        %dma_start3A_1525 = tpu.memref_slice %arg2[%dma_start3A_1523, %dma_start3A_1524] : memref<10000x16xf32, #tpu.memory_space<hbm>> -> memref<10000x16xf32, #tpu.memory_space<hbm>>
        tpu.enqueue_indirect_dma source(%dma_start3A_1525 : memref<10000x16xf32, #tpu.memory_space<hbm>>) target(%dma_start3A_1521 : memref<128x16xf32, #tpu.memory_space<vmem>>) offsets(%dma_start3A_1522 : memref<128xi32, #tpu.memory_space<vmem>>) semaphore(%arg17 : memref<!tpu.dma_semaphore, #tpu.memory_space<semaphore_mem>>)
      } else {
      }
      %dma_wait3A_1477 = arith.constant 6 : i32
      %dma_wait3A_1478 = arith.constant 0 : i32
      %dma_wait3A_1479 = arith.constant 0 : i32
      %dma_wait3A_1480 = arith.constant 0 : i32
      %dma_wait3A_1481 = tpu.memref_slice %arg8[%dma_wait3A_1477, %dma_wait3A_1479, %dma_wait3A_1480] : memref<8x128x16xf32, #tpu.memory_space<vmem>> -> memref<1x128x16xf32, #tpu.memory_space<vmem>>
      %dma_wait3A_1482 = tpu.memref_squeeze %dma_wait3A_1481 : memref<1x128x16xf32, #tpu.memory_space<vmem>> -> memref<128x16xf32, #tpu.memory_space<vmem>>
      %dma_wait3A_1483 = arith.constant 0 : i32
      %dma_wait3A_1484 = tpu.memref_slice %arg7[%dma_wait3A_1478, %dma_wait3A_1483] : memref<80x128xi32, #tpu.memory_space<vmem>> -> memref<1x128xi32, #tpu.memory_space<vmem>>
      %dma_wait3A_1485 = tpu.memref_squeeze %dma_wait3A_1484 : memref<1x128xi32, #tpu.memory_space<vmem>> -> memref<128xi32, #tpu.memory_space<vmem>>
      %dma_wait3A_1486 = arith.constant 0 : i32
      %dma_wait3A_1487 = arith.constant 0 : i32
      %dma_wait3A_1488 = tpu.memref_slice %arg11[%dma_wait3A_1486, %dma_wait3A_1487] : memref<10240x16xf32, #tpu.memory_space<vmem_shared>> -> memref<10240x16xf32, #tpu.memory_space<vmem_shared>>
      tpu.wait_indirect_dma semaphore(%arg26 : memref<!tpu.dma_semaphore, #tpu.memory_space<semaphore_mem>>) src(%dma_wait3A_1482 : memref<128x16xf32, #tpu.memory_space<vmem>>) dst(%dma_wait3A_1488 : memref<10240x16xf32, #tpu.memory_space<vmem_shared>>)
      %lt3A_1489 = arith.constant 9 : i32
      %lt3A_1490 = arith.cmpi slt, %scan3A_1190, %lt3A_1489 : i32
      %convert_element_type3A_1491 = arith.extui %lt3A_1490 : i1 to i32
      %cond3A_1492 = arith.constant 0 : i32
      %cond3A_1493 = arith.cmpi ne, %convert_element_type3A_1491, %cond3A_1492 : i32
      scf.if %cond3A_1493 {
        %add3A_1511 = arith.constant 8 : i32
        %add3A_1512 = arith.addi %mul3A_1192, %add3A_1511 : i32
        %add3A_1513 = arith.constant 6 : i32
        %add3A_1514 = arith.addi %add3A_1512, %add3A_1513 : i32
        %mul3A_1515 = arith.constant 128 : i32
        %mul3A_1516 = arith.muli %add3A_1514, %mul3A_1515 : i32
        %dma_start3A_1517 = arith.constant 6 : i32
        %dma_start3A_1518 = arith.constant 0 : i32
        %dma_start3A_1519 = arith.constant 0 : i32
        %dma_start3A_1520 = tpu.memref_slice %arg8[%dma_start3A_1517, %dma_start3A_1518, %dma_start3A_1519] : memref<8x128x16xf32, #tpu.memory_space<vmem>> -> memref<1x128x16xf32, #tpu.memory_space<vmem>>
        %dma_start3A_1521 = tpu.memref_squeeze %dma_start3A_1520 : memref<1x128x16xf32, #tpu.memory_space<vmem>> -> memref<128x16xf32, #tpu.memory_space<vmem>>
        %dma_start3A_1522 = tpu.memref_slice %arg5[%mul3A_1516] : memref<10240xi32, #tpu.memory_space<vmem>> -> memref<128xi32, #tpu.memory_space<vmem>>
        %dma_start3A_1523 = arith.constant 0 : i32
        %dma_start3A_1524 = arith.constant 0 : i32
        %dma_start3A_1525 = tpu.memref_slice %arg2[%dma_start3A_1523, %dma_start3A_1524] : memref<10000x16xf32, #tpu.memory_space<hbm>> -> memref<10000x16xf32, #tpu.memory_space<hbm>>
        tpu.enqueue_indirect_dma source(%dma_start3A_1525 : memref<10000x16xf32, #tpu.memory_space<hbm>>) target(%dma_start3A_1521 : memref<128x16xf32, #tpu.memory_space<vmem>>) offsets(%dma_start3A_1522 : memref<128xi32, #tpu.memory_space<vmem>>) semaphore(%arg18 : memref<!tpu.dma_semaphore, #tpu.memory_space<semaphore_mem>>)
      } else {
      }
      %dma_wait3A_1494 = arith.constant 7 : i32
      %dma_wait3A_1495 = arith.constant 0 : i32
      %dma_wait3A_1496 = arith.constant 0 : i32
      %dma_wait3A_1497 = arith.constant 0 : i32
      %dma_wait3A_1498 = tpu.memref_slice %arg8[%dma_wait3A_1494, %dma_wait3A_1496, %dma_wait3A_1497] : memref<8x128x16xf32, #tpu.memory_space<vmem>> -> memref<1x128x16xf32, #tpu.memory_space<vmem>>
      %dma_wait3A_1499 = tpu.memref_squeeze %dma_wait3A_1498 : memref<1x128x16xf32, #tpu.memory_space<vmem>> -> memref<128x16xf32, #tpu.memory_space<vmem>>
      %dma_wait3A_1500 = arith.constant 0 : i32
      %dma_wait3A_1501 = tpu.memref_slice %arg7[%dma_wait3A_1495, %dma_wait3A_1500] : memref<80x128xi32, #tpu.memory_space<vmem>> -> memref<1x128xi32, #tpu.memory_space<vmem>>
      %dma_wait3A_1502 = tpu.memref_squeeze %dma_wait3A_1501 : memref<1x128xi32, #tpu.memory_space<vmem>> -> memref<128xi32, #tpu.memory_space<vmem>>
      %dma_wait3A_1503 = arith.constant 0 : i32
      %dma_wait3A_1504 = arith.constant 0 : i32
      %dma_wait3A_1505 = tpu.memref_slice %arg11[%dma_wait3A_1503, %dma_wait3A_1504] : memref<10240x16xf32, #tpu.memory_space<vmem_shared>> -> memref<10240x16xf32, #tpu.memory_space<vmem_shared>>
      tpu.wait_indirect_dma semaphore(%arg27 : memref<!tpu.dma_semaphore, #tpu.memory_space<semaphore_mem>>) src(%dma_wait3A_1499 : memref<128x16xf32, #tpu.memory_space<vmem>>) dst(%dma_wait3A_1505 : memref<10240x16xf32, #tpu.memory_space<vmem_shared>>)
      %lt3A_1506 = arith.constant 9 : i32
      %lt3A_1507 = arith.cmpi slt, %scan3A_1190, %lt3A_1506 : i32
      %convert_element_type3A_1508 = arith.extui %lt3A_1507 : i1 to i32
      %cond3A_1509 = arith.constant 0 : i32
      %cond3A_1510 = arith.cmpi ne, %convert_element_type3A_1508, %cond3A_1509 : i32
      scf.if %cond3A_1510 {
        %add3A_1511 = arith.constant 8 : i32
        %add3A_1512 = arith.addi %mul3A_1192, %add3A_1511 : i32
        %add3A_1513 = arith.constant 7 : i32
        %add3A_1514 = arith.addi %add3A_1512, %add3A_1513 : i32
        %mul3A_1515 = arith.constant 128 : i32
        %mul3A_1516 = arith.muli %add3A_1514, %mul3A_1515 : i32
        %dma_start3A_1517 = arith.constant 7 : i32
        %dma_start3A_1518 = arith.constant 0 : i32
        %dma_start3A_1519 = arith.constant 0 : i32
        %dma_start3A_1520 = tpu.memref_slice %arg8[%dma_start3A_1517, %dma_start3A_1518, %dma_start3A_1519] : memref<8x128x16xf32, #tpu.memory_space<vmem>> -> memref<1x128x16xf32, #tpu.memory_space<vmem>>
        %dma_start3A_1521 = tpu.memref_squeeze %dma_start3A_1520 : memref<1x128x16xf32, #tpu.memory_space<vmem>> -> memref<128x16xf32, #tpu.memory_space<vmem>>
        %dma_start3A_1522 = tpu.memref_slice %arg5[%mul3A_1516] : memref<10240xi32, #tpu.memory_space<vmem>> -> memref<128xi32, #tpu.memory_space<vmem>>
        %dma_start3A_1523 = arith.constant 0 : i32
        %dma_start3A_1524 = arith.constant 0 : i32
        %dma_start3A_1525 = tpu.memref_slice %arg2[%dma_start3A_1523, %dma_start3A_1524] : memref<10000x16xf32, #tpu.memory_space<hbm>> -> memref<10000x16xf32, #tpu.memory_space<hbm>>
        tpu.enqueue_indirect_dma source(%dma_start3A_1525 : memref<10000x16xf32, #tpu.memory_space<hbm>>) target(%dma_start3A_1521 : memref<128x16xf32, #tpu.memory_space<vmem>>) offsets(%dma_start3A_1522 : memref<128xi32, #tpu.memory_space<vmem>>) semaphore(%arg19 : memref<!tpu.dma_semaphore, #tpu.memory_space<semaphore_mem>>)
      } else {
      }
    }
    %scan3A_1173 = arith.constant 10 : i32
    %barrier3A_1174 = arith.constant 0 : index
    tpu.barrier barrier_id(%barrier3A_1174)
    %mul3A_1175 = arith.constant 640 : i32
    %mul3A_1176 = arith.muli %arg1, %mul3A_1175 : i32
    "tpu.region"() ({
      %run_scoped3A = tpu.sem_alloc : memref<!tpu.dma_semaphore, #tpu.memory_space<semaphore_mem>>
      %dma_start3A_1190 = arith.constant 0 : i32
      %dma_start3A_1191 = tpu.memref_slice %arg11[%mul3A_1176, %dma_start3A_1190] : memref<10240x16xf32, #tpu.memory_space<vmem_shared>> -> memref<640x16xf32, #tpu.memory_space<vmem_shared>>
      %dma_start3A_1192 = arith.constant 0 : i32
      %dma_start3A_1193 = tpu.memref_slice %arg11[%mul3A_1176, %dma_start3A_1192] : memref<10240x16xf32, #tpu.memory_space<vmem_shared>> -> memref<640x16xf32, #tpu.memory_space<vmem_shared>>
      tpu.enqueue_dma source(%dma_start3A_1193 : memref<640x16xf32, #tpu.memory_space<vmem_shared>>) target(%arg9 : memref<640x16xf32, #tpu.memory_space<vmem>>) target_semaphore(%run_scoped3A : memref<!tpu.dma_semaphore, #tpu.memory_space<semaphore_mem>>)
      %dma_wait3A_1194 = arith.constant 0 : i32
      %dma_wait3A_1195 = tpu.memref_slice %arg11[%mul3A_1176, %dma_wait3A_1194] : memref<10240x16xf32, #tpu.memory_space<vmem_shared>> -> memref<640x16xf32, #tpu.memory_space<vmem_shared>>
      %dma_wait3A_1196 = arith.constant 0 : i32
      %dma_wait3A_1197 = tpu.memref_slice %arg11[%mul3A_1176, %dma_wait3A_1196] : memref<10240x16xf32, #tpu.memory_space<vmem_shared>> -> memref<640x16xf32, #tpu.memory_space<vmem_shared>>
      tpu.wait_dma2 semaphore(%run_scoped3A : memref<!tpu.dma_semaphore, #tpu.memory_space<semaphore_mem>>) src(%dma_wait3A_1197 : memref<640x16xf32, #tpu.memory_space<vmem_shared>>) dst(%arg9 : memref<640x16xf32, #tpu.memory_space<vmem>>)
      tpu.yield
    }) : () -> ()
    %scan3A_1177 = arith.constant 0 : i32
    %scan3A_1178 = arith.constant 0 : i32
    %scan3A_1179 = arith.constant 80 : i32
    %scan3A_1180 = arith.addi %scan3A_1178, %scan3A_1179 : i32
    %scan3A_1181 = arith.constant 1 : i32
    scf.for %scan3A_1190 = %scan3A_1178 to %scan3A_1180 step %scan3A_1181  : i32 {
      %mul3A_1191 = arith.constant 8 : i32
      %mul3A_1192 = arith.muli %scan3A_1190, %mul3A_1191 : i32
      %add3A_1193 = arith.constant 0 : i32
      %add3A_1194 = arith.addi %mul3A_1192, %add3A_1193 : i32
      %get3A_1195 = arith.index_cast %add3A_1194 : i32 to index
      %get3A_1196 = arith.constant 0 : index
      %get3A_1197 = tpu.vector_load %arg9[%get3A_1195, %get3A_1196] {strides = array<i32>} : memref<640x16xf32, #tpu.memory_space<vmem>>, vector<1x16xf32>,
      %get3A_1198 = vector.shape_cast %get3A_1197 : vector<1x16xf32> to vector<16xf32>
      %swap3A_1199 = arith.index_cast %scan3A_1190 : i32 to index
      %swap3A_1200 = arith.constant 0 : index
      %swap3A_1201 = tpu.vector_load %arg10[%swap3A_1199, %swap3A_1200] {strides = array<i32>} : memref<80x128xf32, #tpu.memory_space<vmem>>, vector<1x16xf32>,
      %swap3A_1202 = vector.shape_cast %swap3A_1201 : vector<1x16xf32> to vector<16xf32>
      %swap3A_1203 = vector.shape_cast %get3A_1198 : vector<16xf32> to vector<1x16xf32>
      tpu.vector_store %arg10[%swap3A_1199, %swap3A_1200], %swap3A_1203 {strides = array<i32>} : memref<80x128xf32, #tpu.memory_space<vmem>>, vector<1x16xf32>,
      %mul3A_1204 = arith.constant 8 : i32
      %mul3A_1205 = arith.muli %scan3A_1190, %mul3A_1204 : i32
      %add3A_1206 = arith.constant 1 : i32
      %add3A_1207 = arith.addi %mul3A_1205, %add3A_1206 : i32
      %get3A_1208 = arith.index_cast %add3A_1207 : i32 to index
      %get3A_1209 = arith.constant 0 : index
      %get3A_1210 = tpu.vector_load %arg9[%get3A_1208, %get3A_1209] {strides = array<i32>} : memref<640x16xf32, #tpu.memory_space<vmem>>, vector<1x16xf32>,
      %get3A_1211 = vector.shape_cast %get3A_1210 : vector<1x16xf32> to vector<16xf32>
      %swap3A_1212 = arith.index_cast %scan3A_1190 : i32 to index
      %swap3A_1213 = arith.constant 16 : index
      %swap3A_1214 = tpu.vector_load %arg10[%swap3A_1212, %swap3A_1213] {strides = array<i32>} : memref<80x128xf32, #tpu.memory_space<vmem>>, vector<1x16xf32>,
      %swap3A_1215 = vector.shape_cast %swap3A_1214 : vector<1x16xf32> to vector<16xf32>
      %swap3A_1216 = vector.shape_cast %get3A_1211 : vector<16xf32> to vector<1x16xf32>
      tpu.vector_store %arg10[%swap3A_1212, %swap3A_1213], %swap3A_1216 {strides = array<i32>} : memref<80x128xf32, #tpu.memory_space<vmem>>, vector<1x16xf32>,
      %mul3A_1217 = arith.constant 8 : i32
      %mul3A_1218 = arith.muli %scan3A_1190, %mul3A_1217 : i32
      %add3A_1219 = arith.constant 2 : i32
      %add3A_1220 = arith.addi %mul3A_1218, %add3A_1219 : i32
      %get3A_1221 = arith.index_cast %add3A_1220 : i32 to index
      %get3A_1222 = arith.constant 0 : index
      %get3A_1223 = tpu.vector_load %arg9[%get3A_1221, %get3A_1222] {strides = array<i32>} : memref<640x16xf32, #tpu.memory_space<vmem>>, vector<1x16xf32>,
      %get3A_1224 = vector.shape_cast %get3A_1223 : vector<1x16xf32> to vector<16xf32>
      %swap3A_1225 = arith.index_cast %scan3A_1190 : i32 to index
      %swap3A_1226 = arith.constant 32 : index
      %swap3A_1227 = tpu.vector_load %arg10[%swap3A_1225, %swap3A_1226] {strides = array<i32>} : memref<80x128xf32, #tpu.memory_space<vmem>>, vector<1x16xf32>,
      %swap3A_1228 = vector.shape_cast %swap3A_1227 : vector<1x16xf32> to vector<16xf32>
      %swap3A_1229 = vector.shape_cast %get3A_1224 : vector<16xf32> to vector<1x16xf32>
      tpu.vector_store %arg10[%swap3A_1225, %swap3A_1226], %swap3A_1229 {strides = array<i32>} : memref<80x128xf32, #tpu.memory_space<vmem>>, vector<1x16xf32>,
      %mul3A_1230 = arith.constant 8 : i32
      %mul3A_1231 = arith.muli %scan3A_1190, %mul3A_1230 : i32
      %add3A_1232 = arith.constant 3 : i32
      %add3A_1233 = arith.addi %mul3A_1231, %add3A_1232 : i32
      %get3A_1234 = arith.index_cast %add3A_1233 : i32 to index
      %get3A_1235 = arith.constant 0 : index
      %get3A_1236 = tpu.vector_load %arg9[%get3A_1234, %get3A_1235] {strides = array<i32>} : memref<640x16xf32, #tpu.memory_space<vmem>>, vector<1x16xf32>,
      %get3A_1237 = vector.shape_cast %get3A_1236 : vector<1x16xf32> to vector<16xf32>
      %swap3A_1238 = arith.index_cast %scan3A_1190 : i32 to index
      %swap3A_1239 = arith.constant 48 : index
      %swap3A_1240 = tpu.vector_load %arg10[%swap3A_1238, %swap3A_1239] {strides = array<i32>} : memref<80x128xf32, #tpu.memory_space<vmem>>, vector<1x16xf32>,
      %swap3A_1241 = vector.shape_cast %swap3A_1240 : vector<1x16xf32> to vector<16xf32>
      %swap3A_1242 = vector.shape_cast %get3A_1237 : vector<16xf32> to vector<1x16xf32>
      tpu.vector_store %arg10[%swap3A_1238, %swap3A_1239], %swap3A_1242 {strides = array<i32>} : memref<80x128xf32, #tpu.memory_space<vmem>>, vector<1x16xf32>,
      %mul3A_1243 = arith.constant 8 : i32
      %mul3A_1244 = arith.muli %scan3A_1190, %mul3A_1243 : i32
      %add3A_1245 = arith.constant 4 : i32
      %add3A_1246 = arith.addi %mul3A_1244, %add3A_1245 : i32
      %get3A_1247 = arith.index_cast %add3A_1246 : i32 to index
      %get3A_1248 = arith.constant 0 : index
      %get3A_1249 = tpu.vector_load %arg9[%get3A_1247, %get3A_1248] {strides = array<i32>} : memref<640x16xf32, #tpu.memory_space<vmem>>, vector<1x16xf32>,
      %get3A_1250 = vector.shape_cast %get3A_1249 : vector<1x16xf32> to vector<16xf32>
      %swap3A_1251 = arith.index_cast %scan3A_1190 : i32 to index
      %swap3A_1252 = arith.constant 64 : index
      %swap3A_1253 = tpu.vector_load %arg10[%swap3A_1251, %swap3A_1252] {strides = array<i32>} : memref<80x128xf32, #tpu.memory_space<vmem>>, vector<1x16xf32>,
      %swap3A_1254 = vector.shape_cast %swap3A_1253 : vector<1x16xf32> to vector<16xf32>
      %swap3A_1255 = vector.shape_cast %get3A_1250 : vector<16xf32> to vector<1x16xf32>
      tpu.vector_store %arg10[%swap3A_1251, %swap3A_1252], %swap3A_1255 {strides = array<i32>} : memref<80x128xf32, #tpu.memory_space<vmem>>, vector<1x16xf32>,
      %mul3A_1256 = arith.constant 8 : i32
      %mul3A_1257 = arith.muli %scan3A_1190, %mul3A_1256 : i32
      %add3A_1258 = arith.constant 5 : i32
      %add3A_1259 = arith.addi %mul3A_1257, %add3A_1258 : i32
      %get3A_1260 = arith.index_cast %add3A_1259 : i32 to index
      %get3A_1261 = arith.constant 0 : index
      %get3A_1262 = tpu.vector_load %arg9[%get3A_1260, %get3A_1261] {strides = array<i32>} : memref<640x16xf32, #tpu.memory_space<vmem>>, vector<1x16xf32>,
      %get3A_1263 = vector.shape_cast %get3A_1262 : vector<1x16xf32> to vector<16xf32>
      %swap3A_1264 = arith.index_cast %scan3A_1190 : i32 to index
      %swap3A_1265 = arith.constant 80 : index
      %swap3A_1266 = tpu.vector_load %arg10[%swap3A_1264, %swap3A_1265] {strides = array<i32>} : memref<80x128xf32, #tpu.memory_space<vmem>>, vector<1x16xf32>,
      %swap3A_1267 = vector.shape_cast %swap3A_1266 : vector<1x16xf32> to vector<16xf32>
      %swap3A_1268 = vector.shape_cast %get3A_1263 : vector<16xf32> to vector<1x16xf32>
      tpu.vector_store %arg10[%swap3A_1264, %swap3A_1265], %swap3A_1268 {strides = array<i32>} : memref<80x128xf32, #tpu.memory_space<vmem>>, vector<1x16xf32>,
      %mul3A_1269 = arith.constant 8 : i32
      %mul3A_1270 = arith.muli %scan3A_1190, %mul3A_1269 : i32
      %add3A_1271 = arith.constant 6 : i32
      %add3A_1272 = arith.addi %mul3A_1270, %add3A_1271 : i32
      %get3A_1273 = arith.index_cast %add3A_1272 : i32 to index
      %get3A_1274 = arith.constant 0 : index
      %get3A_1275 = tpu.vector_load %arg9[%get3A_1273, %get3A_1274] {strides = array<i32>} : memref<640x16xf32, #tpu.memory_space<vmem>>, vector<1x16xf32>,
      %get3A_1276 = vector.shape_cast %get3A_1275 : vector<1x16xf32> to vector<16xf32>
      %swap3A_1277 = arith.index_cast %scan3A_1190 : i32 to index
      %swap3A_1278 = arith.constant 96 : index
      %swap3A_1279 = tpu.vector_load %arg10[%swap3A_1277, %swap3A_1278] {strides = array<i32>} : memref<80x128xf32, #tpu.memory_space<vmem>>, vector<1x16xf32>,
      %swap3A_1280 = vector.shape_cast %swap3A_1279 : vector<1x16xf32> to vector<16xf32>
      %swap3A_1281 = vector.shape_cast %get3A_1276 : vector<16xf32> to vector<1x16xf32>
      tpu.vector_store %arg10[%swap3A_1277, %swap3A_1278], %swap3A_1281 {strides = array<i32>} : memref<80x128xf32, #tpu.memory_space<vmem>>, vector<1x16xf32>,
      %mul3A_1282 = arith.constant 8 : i32
      %mul3A_1283 = arith.muli %scan3A_1190, %mul3A_1282 : i32
      %add3A_1284 = arith.constant 7 : i32
      %add3A_1285 = arith.addi %mul3A_1283, %add3A_1284 : i32
      %get3A_1286 = arith.index_cast %add3A_1285 : i32 to index
      %get3A_1287 = arith.constant 0 : index
      %get3A_1288 = tpu.vector_load %arg9[%get3A_1286, %get3A_1287] {strides = array<i32>} : memref<640x16xf32, #tpu.memory_space<vmem>>, vector<1x16xf32>,
      %get3A_1289 = vector.shape_cast %get3A_1288 : vector<1x16xf32> to vector<16xf32>
      %swap3A_1290 = arith.index_cast %scan3A_1190 : i32 to index
      %swap3A_1291 = arith.constant 112 : index
      %swap3A_1292 = tpu.vector_load %arg10[%swap3A_1290, %swap3A_1291] {strides = array<i32>} : memref<80x128xf32, #tpu.memory_space<vmem>>, vector<1x16xf32>,
      %swap3A_1293 = vector.shape_cast %swap3A_1292 : vector<1x16xf32> to vector<16xf32>
      %swap3A_1294 = vector.shape_cast %get3A_1289 : vector<16xf32> to vector<1x16xf32>
      tpu.vector_store %arg10[%swap3A_1290, %swap3A_1291], %swap3A_1294 {strides = array<i32>} : memref<80x128xf32, #tpu.memory_space<vmem>>, vector<1x16xf32>,
    }
    %scan3A_1182 = arith.constant 80 : i32
    %mul3A_1183 = arith.constant 80 : i32
    %mul3A_1184 = arith.muli %arg0, %mul3A_1183 : i32
    %mul3A_1185 = arith.constant 16 : i32
    %mul3A_1186 = arith.muli %mul3A_1184, %mul3A_1185 : i32
    %mul3A_1187 = arith.constant 80 : i32
    %mul3A_1188 = arith.muli %arg1, %mul3A_1187 : i32
    %add3A_1189 = arith.addi %mul3A_1186, %mul3A_1188 : i32
    "tpu.region"() ({
      %run_scoped3A = tpu.sem_alloc : memref<!tpu.dma_semaphore, #tpu.memory_space<semaphore_mem>>
      %dma_start3A_1190 = arith.constant 0 : i32
      %dma_start3A_1191 = tpu.memref_slice %arg4[%add3A_1189, %dma_start3A_1190] : memref<2560x128xf32, #tpu.memory_space<hbm>> -> memref<80x128xf32, #tpu.memory_space<hbm>>
      %dma_start3A_1192 = arith.constant 0 : i32
      %dma_start3A_1193 = tpu.memref_slice %arg4[%add3A_1189, %dma_start3A_1192] : memref<2560x128xf32, #tpu.memory_space<hbm>> -> memref<80x128xf32, #tpu.memory_space<hbm>>
      tpu.enqueue_dma source(%arg10 : memref<80x128xf32, #tpu.memory_space<vmem>>) target(%dma_start3A_1193 : memref<80x128xf32, #tpu.memory_space<hbm>>) target_semaphore(%run_scoped3A : memref<!tpu.dma_semaphore, #tpu.memory_space<semaphore_mem>>)
      %dma_wait3A_1194 = arith.constant 0 : i32
      %dma_wait3A_1195 = tpu.memref_slice %arg4[%add3A_1189, %dma_wait3A_1194] : memref<2560x128xf32, #tpu.memory_space<hbm>> -> memref<80x128xf32, #tpu.memory_space<hbm>>
      %dma_wait3A_1196 = arith.constant 0 : i32
      %dma_wait3A_1197 = tpu.memref_slice %arg4[%add3A_1189, %dma_wait3A_1196] : memref<2560x128xf32, #tpu.memory_space<hbm>> -> memref<80x128xf32, #tpu.memory_space<hbm>>
      tpu.wait_dma2 semaphore(%run_scoped3A : memref<!tpu.dma_semaphore, #tpu.memory_space<semaphore_mem>>) src(%arg10 : memref<80x128xf32, #tpu.memory_space<vmem>>) dst(%dma_wait3A_1197 : memref<80x128xf32, #tpu.memory_space<hbm>>)
      tpu.yield
    }) : () -> ()
    return
  }
}

#map = affine_map<(d0, d1) -> (0, 0)>
module attributes {stable_mosaic.version = 14 : i64} {
  func.func @_deg_pass(%arg0: i32, %arg1: i32, %arg2: memref<2x320000xi32, #tpu.memory_space<hbm>>, %arg3: memref<2560x128xf32, #tpu.memory_space<hbm>>, %arg4: memref<10240xi32, #tpu.memory_space<vmem>>, %arg5: memref<80x128xi32, #tpu.memory_space<vmem>>, %arg6: memref<128xf32, #tpu.memory_space<vmem>>, %arg7: memref<640xf32, #tpu.memory_space<vmem>>, %arg8: memref<80x128xf32, #tpu.memory_space<vmem>>, %arg9: memref<10240xf32, #tpu.memory_space<vmem_shared>>, %arg10: memref<!tpu.dma_semaphore, #tpu.memory_space<semaphore_mem>>) attributes {dimension_semantics = [#tpu.dimension_semantics<core_parallel>, #tpu.dimension_semantics<subcore_parallel>], iteration_bounds = array<i64: 2, 16>, scalar_prefetch = 0 : i64, scratch_operands = 7 : i64, tpu.core_type = #tpu.core_type<sc_vector_subcore>, window_params = [{transform_indices = #map}, {transform_indices = #map}]} {
    %mul3A = arith.constant 2 : i32
    %mul3A_0 = arith.muli %arg1, %mul3A : i32
    %add3A = arith.addi %mul3A_0, %arg0 : i32
    %broadcast_in_dim3A = arith.constant 1.000000e+00 : f32
    %broadcast_in_dim3A_1 = vector.broadcast %broadcast_in_dim3A : f32 to vector<16xf32>
    %broadcast_in_dim3A_2 = arith.constant 0.000000e+00 : f32
    %broadcast_in_dim3A_3 = vector.broadcast %broadcast_in_dim3A_2 : f32 to vector<16xf32>
    %swap3A = arith.constant 0 : index
    %swap3A_4 = tpu.vector_load %arg6[%swap3A] {strides = array<i32>} : memref<128xf32, #tpu.memory_space<vmem>>, vector<16xf32>,
    %swap3A_5 = vector.shape_cast %swap3A_4 : vector<16xf32> to vector<16xf32>
    %swap3A_6 = vector.shape_cast %broadcast_in_dim3A_1 : vector<16xf32> to vector<16xf32>
    tpu.vector_store %arg6[%swap3A], %swap3A_6 {strides = array<i32>} : memref<128xf32, #tpu.memory_space<vmem>>, vector<16xf32>,
    %swap3A_7 = arith.constant 16 : index
    %swap3A_8 = tpu.vector_load %arg6[%swap3A_7] {strides = array<i32>} : memref<128xf32, #tpu.memory_space<vmem>>, vector<16xf32>,
    %swap3A_9 = vector.shape_cast %swap3A_8 : vector<16xf32> to vector<16xf32>
    %swap3A_10 = vector.shape_cast %broadcast_in_dim3A_1 : vector<16xf32> to vector<16xf32>
    tpu.vector_store %arg6[%swap3A_7], %swap3A_10 {strides = array<i32>} : memref<128xf32, #tpu.memory_space<vmem>>, vector<16xf32>,
    %swap3A_11 = arith.constant 32 : index
    %swap3A_12 = tpu.vector_load %arg6[%swap3A_11] {strides = array<i32>} : memref<128xf32, #tpu.memory_space<vmem>>, vector<16xf32>,
    %swap3A_13 = vector.shape_cast %swap3A_12 : vector<16xf32> to vector<16xf32>
    %swap3A_14 = vector.shape_cast %broadcast_in_dim3A_1 : vector<16xf32> to vector<16xf32>
    tpu.vector_store %arg6[%swap3A_11], %swap3A_14 {strides = array<i32>} : memref<128xf32, #tpu.memory_space<vmem>>, vector<16xf32>,
    %swap3A_15 = arith.constant 48 : index
    %swap3A_16 = tpu.vector_load %arg6[%swap3A_15] {strides = array<i32>} : memref<128xf32, #tpu.memory_space<vmem>>, vector<16xf32>,
    %swap3A_17 = vector.shape_cast %swap3A_16 : vector<16xf32> to vector<16xf32>
    %swap3A_18 = vector.shape_cast %broadcast_in_dim3A_1 : vector<16xf32> to vector<16xf32>
    tpu.vector_store %arg6[%swap3A_15], %swap3A_18 {strides = array<i32>} : memref<128xf32, #tpu.memory_space<vmem>>, vector<16xf32>,
    %swap3A_19 = arith.constant 64 : index
    %swap3A_20 = tpu.vector_load %arg6[%swap3A_19] {strides = array<i32>} : memref<128xf32, #tpu.memory_space<vmem>>, vector<16xf32>,
    %swap3A_21 = vector.shape_cast %swap3A_20 : vector<16xf32> to vector<16xf32>
    %swap3A_22 = vector.shape_cast %broadcast_in_dim3A_1 : vector<16xf32> to vector<16xf32>
    tpu.vector_store %arg6[%swap3A_19], %swap3A_22 {strides = array<i32>} : memref<128xf32, #tpu.memory_space<vmem>>, vector<16xf32>,
    %swap3A_23 = arith.constant 80 : index
    %swap3A_24 = tpu.vector_load %arg6[%swap3A_23] {strides = array<i32>} : memref<128xf32, #tpu.memory_space<vmem>>, vector<16xf32>,
    %swap3A_25 = vector.shape_cast %swap3A_24 : vector<16xf32> to vector<16xf32>
    %swap3A_26 = vector.shape_cast %broadcast_in_dim3A_1 : vector<16xf32> to vector<16xf32>
    tpu.vector_store %arg6[%swap3A_23], %swap3A_26 {strides = array<i32>} : memref<128xf32, #tpu.memory_space<vmem>>, vector<16xf32>,
    %swap3A_27 = arith.constant 96 : index
    %swap3A_28 = tpu.vector_load %arg6[%swap3A_27] {strides = array<i32>} : memref<128xf32, #tpu.memory_space<vmem>>, vector<16xf32>,
    %swap3A_29 = vector.shape_cast %swap3A_28 : vector<16xf32> to vector<16xf32>
    %swap3A_30 = vector.shape_cast %broadcast_in_dim3A_1 : vector<16xf32> to vector<16xf32>
    tpu.vector_store %arg6[%swap3A_27], %swap3A_30 {strides = array<i32>} : memref<128xf32, #tpu.memory_space<vmem>>, vector<16xf32>,
    %swap3A_31 = arith.constant 112 : index
    %swap3A_32 = tpu.vector_load %arg6[%swap3A_31] {strides = array<i32>} : memref<128xf32, #tpu.memory_space<vmem>>, vector<16xf32>,
    %swap3A_33 = vector.shape_cast %swap3A_32 : vector<16xf32> to vector<16xf32>
    %swap3A_34 = vector.shape_cast %broadcast_in_dim3A_1 : vector<16xf32> to vector<16xf32>
    tpu.vector_store %arg6[%swap3A_31], %swap3A_34 {strides = array<i32>} : memref<128xf32, #tpu.memory_space<vmem>>, vector<16xf32>,
    %scan3A = arith.constant 0 : i32
    %scan3A_35 = arith.constant 0 : i32
    %scan3A_36 = arith.constant 40 : i32
    %scan3A_37 = arith.addi %scan3A_35, %scan3A_36 : i32
    %scan3A_38 = arith.constant 1 : i32
    scf.for %scan3A_664 = %scan3A_35 to %scan3A_37 step %scan3A_38  : i32 {
      %mul3A_665 = arith.constant 16 : i32
      %mul3A_666 = arith.muli %scan3A_664, %mul3A_665 : i32
      %swap3A_667 = arith.index_cast %mul3A_666 : i32 to index
      %swap3A_668 = tpu.vector_load %arg7[%swap3A_667] {strides = array<i32>} : memref<640xf32, #tpu.memory_space<vmem>>, vector<16xf32>,
      %swap3A_669 = vector.shape_cast %swap3A_668 : vector<16xf32> to vector<16xf32>
      %swap3A_670 = vector.shape_cast %broadcast_in_dim3A_3 : vector<16xf32> to vector<16xf32>
      tpu.vector_store %arg7[%swap3A_667], %swap3A_670 {strides = array<i32>} : memref<640xf32, #tpu.memory_space<vmem>>, vector<16xf32>,
    }
    %scan3A_39 = arith.constant 40 : i32
    %mul3A_40 = arith.constant 640 : i32
    %mul3A_41 = arith.muli %arg1, %mul3A_40 : i32
    "tpu.region"() ({
      %run_scoped3A_664 = tpu.sem_alloc : memref<!tpu.dma_semaphore, #tpu.memory_space<semaphore_mem>>
      %dma_start3A = tpu.memref_slice %arg9[%mul3A_41] : memref<10240xf32, #tpu.memory_space<vmem_shared>> -> memref<640xf32, #tpu.memory_space<vmem_shared>>
      %dma_start3A_665 = tpu.memref_slice %arg9[%mul3A_41] : memref<10240xf32, #tpu.memory_space<vmem_shared>> -> memref<640xf32, #tpu.memory_space<vmem_shared>>
      tpu.enqueue_dma source(%arg7 : memref<640xf32, #tpu.memory_space<vmem>>) target(%dma_start3A_665 : memref<640xf32, #tpu.memory_space<vmem_shared>>) target_semaphore(%run_scoped3A_664 : memref<!tpu.dma_semaphore, #tpu.memory_space<semaphore_mem>>)
      %dma_wait3A = tpu.memref_slice %arg9[%mul3A_41] : memref<10240xf32, #tpu.memory_space<vmem_shared>> -> memref<640xf32, #tpu.memory_space<vmem_shared>>
      %dma_wait3A_666 = tpu.memref_slice %arg9[%mul3A_41] : memref<10240xf32, #tpu.memory_space<vmem_shared>> -> memref<640xf32, #tpu.memory_space<vmem_shared>>
      tpu.wait_dma2 semaphore(%run_scoped3A_664 : memref<!tpu.dma_semaphore, #tpu.memory_space<semaphore_mem>>) src(%arg7 : memref<640xf32, #tpu.memory_space<vmem>>) dst(%dma_wait3A_666 : memref<640xf32, #tpu.memory_space<vmem_shared>>)
      tpu.yield
    }) : () -> ()
    %mul3A_42 = arith.constant 10000 : i32
    %mul3A_43 = arith.muli %add3A, %mul3A_42 : i32
    %run_scoped3A = arith.constant 1 : i32
    "tpu.region"() ({
      %run_scoped3A_664 = tpu.sem_alloc : memref<!tpu.dma_semaphore, #tpu.memory_space<semaphore_mem>>
      %dma_start3A = arith.constant 0 : i32
      %dma_start3A_665 = tpu.memref_slice %arg4[%dma_start3A] : memref<10240xi32, #tpu.memory_space<vmem>> -> memref<10000xi32, #tpu.memory_space<vmem>>
      %dma_start3A_666 = tpu.memref_slice %arg2[%run_scoped3A, %mul3A_43] : memref<2x320000xi32, #tpu.memory_space<hbm>> -> memref<1x10000xi32, #tpu.memory_space<hbm>>
      %dma_start3A_667 = tpu.memref_squeeze %dma_start3A_666 : memref<1x10000xi32, #tpu.memory_space<hbm>> -> memref<10000xi32, #tpu.memory_space<hbm>>
      %dma_start3A_668 = arith.constant 0 : i32
      %dma_start3A_669 = tpu.memref_slice %arg4[%dma_start3A_668] : memref<10240xi32, #tpu.memory_space<vmem>> -> memref<10000xi32, #tpu.memory_space<vmem>>
      %dma_start3A_670 = tpu.memref_slice %arg2[%run_scoped3A, %mul3A_43] : memref<2x320000xi32, #tpu.memory_space<hbm>> -> memref<1x10000xi32, #tpu.memory_space<hbm>>
      %dma_start3A_671 = tpu.memref_squeeze %dma_start3A_670 : memref<1x10000xi32, #tpu.memory_space<hbm>> -> memref<10000xi32, #tpu.memory_space<hbm>>
      tpu.enqueue_dma source(%dma_start3A_671 : memref<10000xi32, #tpu.memory_space<hbm>>) target(%dma_start3A_669 : memref<10000xi32, #tpu.memory_space<vmem>>) target_semaphore(%run_scoped3A_664 : memref<!tpu.dma_semaphore, #tpu.memory_space<semaphore_mem>>)
      %dma_wait3A = arith.constant 0 : i32
      %dma_wait3A_672 = tpu.memref_slice %arg4[%dma_wait3A] : memref<10240xi32, #tpu.memory_space<vmem>> -> memref<10000xi32, #tpu.memory_space<vmem>>
      %dma_wait3A_673 = tpu.memref_slice %arg2[%run_scoped3A, %mul3A_43] : memref<2x320000xi32, #tpu.memory_space<hbm>> -> memref<1x10000xi32, #tpu.memory_space<hbm>>
      %dma_wait3A_674 = tpu.memref_squeeze %dma_wait3A_673 : memref<1x10000xi32, #tpu.memory_space<hbm>> -> memref<10000xi32, #tpu.memory_space<hbm>>
      %dma_wait3A_675 = arith.constant 0 : i32
      %dma_wait3A_676 = tpu.memref_slice %arg4[%dma_wait3A_675] : memref<10240xi32, #tpu.memory_space<vmem>> -> memref<10000xi32, #tpu.memory_space<vmem>>
      %dma_wait3A_677 = tpu.memref_slice %arg2[%run_scoped3A, %mul3A_43] : memref<2x320000xi32, #tpu.memory_space<hbm>> -> memref<1x10000xi32, #tpu.memory_space<hbm>>
      %dma_wait3A_678 = tpu.memref_squeeze %dma_wait3A_677 : memref<1x10000xi32, #tpu.memory_space<hbm>> -> memref<10000xi32, #tpu.memory_space<hbm>>
      tpu.wait_dma2 semaphore(%run_scoped3A_664 : memref<!tpu.dma_semaphore, #tpu.memory_space<semaphore_mem>>) src(%dma_wait3A_678 : memref<10000xi32, #tpu.memory_space<hbm>>) dst(%dma_wait3A_676 : memref<10000xi32, #tpu.memory_space<vmem>>)
      tpu.yield
    }) : () -> ()
    %scan3A_44 = arith.constant 0 : i32
    %scan3A_45 = arith.constant 0 : i32
    %scan3A_46 = arith.constant 78 : i32
    %scan3A_47 = arith.addi %scan3A_45, %scan3A_46 : i32
    %scan3A_48 = arith.constant 1 : i32
    scf.for %scan3A_664 = %scan3A_45 to %scan3A_47 step %scan3A_48  : i32 {
      %mul3A_665 = arith.constant 128 : i32
      %mul3A_666 = arith.muli %scan3A_664, %mul3A_665 : i32
      %add3A_667 = arith.constant 0 : i32
      %add3A_668 = arith.addi %mul3A_666, %add3A_667 : i32
      %get3A_669 = arith.index_cast %add3A_668 : i32 to index
      %get3A_670 = tpu.vector_load %arg4[%get3A_669] {strides = array<i32>} : memref<10240xi32, #tpu.memory_space<vmem>>, vector<16xi32>,
      %get3A_671 = vector.shape_cast %get3A_670 : vector<16xi32> to vector<16xi32>
      %swap3A_672 = arith.index_cast %scan3A_664 : i32 to index
      %swap3A_673 = arith.constant 0 : index
      %swap3A_674 = tpu.vector_load %arg5[%swap3A_672, %swap3A_673] {strides = array<i32>} : memref<80x128xi32, #tpu.memory_space<vmem>>, vector<1x16xi32>,
      %swap3A_675 = vector.shape_cast %swap3A_674 : vector<1x16xi32> to vector<16xi32>
      %swap3A_676 = vector.shape_cast %get3A_671 : vector<16xi32> to vector<1x16xi32>
      tpu.vector_store %arg5[%swap3A_672, %swap3A_673], %swap3A_676 {strides = array<i32>} : memref<80x128xi32, #tpu.memory_space<vmem>>, vector<1x16xi32>,
      %mul3A_677 = arith.constant 128 : i32
      %mul3A_678 = arith.muli %scan3A_664, %mul3A_677 : i32
      %add3A_679 = arith.constant 16 : i32
      %add3A_680 = arith.addi %mul3A_678, %add3A_679 : i32
      %get3A_681 = arith.index_cast %add3A_680 : i32 to index
      %get3A_682 = tpu.vector_load %arg4[%get3A_681] {strides = array<i32>} : memref<10240xi32, #tpu.memory_space<vmem>>, vector<16xi32>,
      %get3A_683 = vector.shape_cast %get3A_682 : vector<16xi32> to vector<16xi32>
      %swap3A_684 = arith.index_cast %scan3A_664 : i32 to index
      %swap3A_685 = arith.constant 16 : index
      %swap3A_686 = tpu.vector_load %arg5[%swap3A_684, %swap3A_685] {strides = array<i32>} : memref<80x128xi32, #tpu.memory_space<vmem>>, vector<1x16xi32>,
      %swap3A_687 = vector.shape_cast %swap3A_686 : vector<1x16xi32> to vector<16xi32>
      %swap3A_688 = vector.shape_cast %get3A_683 : vector<16xi32> to vector<1x16xi32>
      tpu.vector_store %arg5[%swap3A_684, %swap3A_685], %swap3A_688 {strides = array<i32>} : memref<80x128xi32, #tpu.memory_space<vmem>>, vector<1x16xi32>,
      %mul3A_689 = arith.constant 128 : i32
      %mul3A_690 = arith.muli %scan3A_664, %mul3A_689 : i32
      %add3A_691 = arith.constant 32 : i32
      %add3A_692 = arith.addi %mul3A_690, %add3A_691 : i32
      %get3A_693 = arith.index_cast %add3A_692 : i32 to index
      %get3A_694 = tpu.vector_load %arg4[%get3A_693] {strides = array<i32>} : memref<10240xi32, #tpu.memory_space<vmem>>, vector<16xi32>,
      %get3A_695 = vector.shape_cast %get3A_694 : vector<16xi32> to vector<16xi32>
      %swap3A_696 = arith.index_cast %scan3A_664 : i32 to index
      %swap3A_697 = arith.constant 32 : index
      %swap3A_698 = tpu.vector_load %arg5[%swap3A_696, %swap3A_697] {strides = array<i32>} : memref<80x128xi32, #tpu.memory_space<vmem>>, vector<1x16xi32>,
      %swap3A_699 = vector.shape_cast %swap3A_698 : vector<1x16xi32> to vector<16xi32>
      %swap3A_700 = vector.shape_cast %get3A_695 : vector<16xi32> to vector<1x16xi32>
      tpu.vector_store %arg5[%swap3A_696, %swap3A_697], %swap3A_700 {strides = array<i32>} : memref<80x128xi32, #tpu.memory_space<vmem>>, vector<1x16xi32>,
      %mul3A_701 = arith.constant 128 : i32
      %mul3A_702 = arith.muli %scan3A_664, %mul3A_701 : i32
      %add3A_703 = arith.constant 48 : i32
      %add3A_704 = arith.addi %mul3A_702, %add3A_703 : i32
      %get3A_705 = arith.index_cast %add3A_704 : i32 to index
      %get3A_706 = tpu.vector_load %arg4[%get3A_705] {strides = array<i32>} : memref<10240xi32, #tpu.memory_space<vmem>>, vector<16xi32>,
      %get3A_707 = vector.shape_cast %get3A_706 : vector<16xi32> to vector<16xi32>
      %swap3A_708 = arith.index_cast %scan3A_664 : i32 to index
      %swap3A_709 = arith.constant 48 : index
      %swap3A_710 = tpu.vector_load %arg5[%swap3A_708, %swap3A_709] {strides = array<i32>} : memref<80x128xi32, #tpu.memory_space<vmem>>, vector<1x16xi32>,
      %swap3A_711 = vector.shape_cast %swap3A_710 : vector<1x16xi32> to vector<16xi32>
      %swap3A_712 = vector.shape_cast %get3A_707 : vector<16xi32> to vector<1x16xi32>
      tpu.vector_store %arg5[%swap3A_708, %swap3A_709], %swap3A_712 {strides = array<i32>} : memref<80x128xi32, #tpu.memory_space<vmem>>, vector<1x16xi32>,
      %mul3A_713 = arith.constant 128 : i32
      %mul3A_714 = arith.muli %scan3A_664, %mul3A_713 : i32
      %add3A_715 = arith.constant 64 : i32
      %add3A_716 = arith.addi %mul3A_714, %add3A_715 : i32
      %get3A_717 = arith.index_cast %add3A_716 : i32 to index
      %get3A_718 = tpu.vector_load %arg4[%get3A_717] {strides = array<i32>} : memref<10240xi32, #tpu.memory_space<vmem>>, vector<16xi32>,
      %get3A_719 = vector.shape_cast %get3A_718 : vector<16xi32> to vector<16xi32>
      %swap3A_720 = arith.index_cast %scan3A_664 : i32 to index
      %swap3A_721 = arith.constant 64 : index
      %swap3A_722 = tpu.vector_load %arg5[%swap3A_720, %swap3A_721] {strides = array<i32>} : memref<80x128xi32, #tpu.memory_space<vmem>>, vector<1x16xi32>,
      %swap3A_723 = vector.shape_cast %swap3A_722 : vector<1x16xi32> to vector<16xi32>
      %swap3A_724 = vector.shape_cast %get3A_719 : vector<16xi32> to vector<1x16xi32>
      tpu.vector_store %arg5[%swap3A_720, %swap3A_721], %swap3A_724 {strides = array<i32>} : memref<80x128xi32, #tpu.memory_space<vmem>>, vector<1x16xi32>,
      %mul3A_725 = arith.constant 128 : i32
      %mul3A_726 = arith.muli %scan3A_664, %mul3A_725 : i32
      %add3A_727 = arith.constant 80 : i32
      %add3A_728 = arith.addi %mul3A_726, %add3A_727 : i32
      %get3A_729 = arith.index_cast %add3A_728 : i32 to index
      %get3A_730 = tpu.vector_load %arg4[%get3A_729] {strides = array<i32>} : memref<10240xi32, #tpu.memory_space<vmem>>, vector<16xi32>,
      %get3A_731 = vector.shape_cast %get3A_730 : vector<16xi32> to vector<16xi32>
      %swap3A_732 = arith.index_cast %scan3A_664 : i32 to index
      %swap3A_733 = arith.constant 80 : index
      %swap3A_734 = tpu.vector_load %arg5[%swap3A_732, %swap3A_733] {strides = array<i32>} : memref<80x128xi32, #tpu.memory_space<vmem>>, vector<1x16xi32>,
      %swap3A_735 = vector.shape_cast %swap3A_734 : vector<1x16xi32> to vector<16xi32>
      %swap3A_736 = vector.shape_cast %get3A_731 : vector<16xi32> to vector<1x16xi32>
      tpu.vector_store %arg5[%swap3A_732, %swap3A_733], %swap3A_736 {strides = array<i32>} : memref<80x128xi32, #tpu.memory_space<vmem>>, vector<1x16xi32>,
      %mul3A_737 = arith.constant 128 : i32
      %mul3A_738 = arith.muli %scan3A_664, %mul3A_737 : i32
      %add3A_739 = arith.constant 96 : i32
      %add3A_740 = arith.addi %mul3A_738, %add3A_739 : i32
      %get3A_741 = arith.index_cast %add3A_740 : i32 to index
      %get3A_742 = tpu.vector_load %arg4[%get3A_741] {strides = array<i32>} : memref<10240xi32, #tpu.memory_space<vmem>>, vector<16xi32>,
      %get3A_743 = vector.shape_cast %get3A_742 : vector<16xi32> to vector<16xi32>
      %swap3A_744 = arith.index_cast %scan3A_664 : i32 to index
      %swap3A_745 = arith.constant 96 : index
      %swap3A_746 = tpu.vector_load %arg5[%swap3A_744, %swap3A_745] {strides = array<i32>} : memref<80x128xi32, #tpu.memory_space<vmem>>, vector<1x16xi32>,
      %swap3A_747 = vector.shape_cast %swap3A_746 : vector<1x16xi32> to vector<16xi32>
      %swap3A_748 = vector.shape_cast %get3A_743 : vector<16xi32> to vector<1x16xi32>
      tpu.vector_store %arg5[%swap3A_744, %swap3A_745], %swap3A_748 {strides = array<i32>} : memref<80x128xi32, #tpu.memory_space<vmem>>, vector<1x16xi32>,
      %mul3A_749 = arith.constant 128 : i32
      %mul3A_750 = arith.muli %scan3A_664, %mul3A_749 : i32
      %add3A_751 = arith.constant 112 : i32
      %add3A_752 = arith.addi %mul3A_750, %add3A_751 : i32
      %get3A_753 = arith.index_cast %add3A_752 : i32 to index
      %get3A_754 = tpu.vector_load %arg4[%get3A_753] {strides = array<i32>} : memref<10240xi32, #tpu.memory_space<vmem>>, vector<16xi32>,
      %get3A_755 = vector.shape_cast %get3A_754 : vector<16xi32> to vector<16xi32>
      %swap3A_756 = arith.index_cast %scan3A_664 : i32 to index
      %swap3A_757 = arith.constant 112 : index
      %swap3A_758 = tpu.vector_load %arg5[%swap3A_756, %swap3A_757] {strides = array<i32>} : memref<80x128xi32, #tpu.memory_space<vmem>>, vector<1x16xi32>,
      %swap3A_759 = vector.shape_cast %swap3A_758 : vector<1x16xi32> to vector<16xi32>
      %swap3A_760 = vector.shape_cast %get3A_755 : vector<16xi32> to vector<1x16xi32>
      tpu.vector_store %arg5[%swap3A_756, %swap3A_757], %swap3A_760 {strides = array<i32>} : memref<80x128xi32, #tpu.memory_space<vmem>>, vector<1x16xi32>,
    }
    %scan3A_49 = arith.constant 78 : i32
    %get3A = arith.constant 9984 : index
    %get3A_50 = tpu.vector_load %arg4[%get3A] {strides = array<i32>} : memref<10240xi32, #tpu.memory_space<vmem>>, vector<16xi32>,
    %get3A_51 = vector.shape_cast %get3A_50 : vector<16xi32> to vector<16xi32>
    %swap3A_52 = arith.constant 78 : i32
    %swap3A_53 = arith.index_cast %swap3A_52 : i32 to index
    %swap3A_54 = arith.constant 0 : index
    %swap3A_55 = tpu.vector_load %arg5[%swap3A_53, %swap3A_54] {strides = array<i32>} : memref<80x128xi32, #tpu.memory_space<vmem>>, vector<1x16xi32>,
    %swap3A_56 = vector.shape_cast %swap3A_55 : vector<1x16xi32> to vector<16xi32>
    %swap3A_57 = vector.shape_cast %get3A_51 : vector<16xi32> to vector<1x16xi32>
    tpu.vector_store %arg5[%swap3A_53, %swap3A_54], %swap3A_57 {strides = array<i32>} : memref<80x128xi32, #tpu.memory_space<vmem>>, vector<1x16xi32>,
    %mul3A_58 = arith.constant 31 : i32
    %mul3A_59 = arith.muli %arg1, %mul3A_58 : i32
    %add3A_60 = arith.constant 16 : i32
    %add3A_61 = arith.addi %mul3A_59, %add3A_60 : i32
    %iota3A = tpu.iota {dimensions = array<i32: 0>} : vector<16xi32>
    %add3A_62 = vector.broadcast %add3A_61 : i32 to vector<16xi32>
    %add3A_63 = arith.addi %add3A_62, %iota3A : vector<16xi32>
    %jit3A = arith.constant 240 : i32
    %eq3A = arith.constant 0 : i32
    %eq3A_64 = arith.cmpi eq, %jit3A, %eq3A : i32
    %jit3A_65 = arith.constant 1 : i32
    %select_n3A = arith.select %eq3A_64, %jit3A_65, %jit3A : i32
    %rem3A = vector.broadcast %select_n3A : i32 to vector<16xi32>
    %rem3A_66 = arith.remsi %add3A_63, %rem3A : vector<16xi32>
    %ne3A = arith.constant 0 : i32
    %ne3A_67 = vector.broadcast %ne3A : i32 to vector<16xi32>
    %ne3A_68 = arith.cmpi ne, %rem3A_66, %ne3A_67 : vector<16xi32>
    %lt3A = arith.constant 0 : i32
    %lt3A_69 = vector.broadcast %lt3A : i32 to vector<16xi32>
    %lt3A_70 = arith.cmpi slt, %rem3A_66, %lt3A_69 : vector<16xi32>
    %lt3A_71 = arith.constant 0 : i32
    %lt3A_72 = arith.cmpi slt, %select_n3A, %lt3A_71 : i32
    %ne3A_73 = vector.broadcast %lt3A_72 : i1 to vector<16xi1>
    %ne3A_74 = vector.broadcast %ne3A_73 : vector<16xi1> to vector<16xi1>
    %ne3A_75 = arith.xori %lt3A_70, %ne3A_74 : vector<16xi1>
    %and3A = arith.andi %ne3A_75, %ne3A_68 : vector<16xi1>
    %add3A_76 = vector.broadcast %select_n3A : i32 to vector<16xi32>
    %add3A_77 = arith.addi %rem3A_66, %add3A_76 : vector<16xi32>
    %select_n3A_78 = arith.select %and3A, %add3A_77, %rem3A_66 : vector<16xi1>, vector<16xi32>
    %add3A_79 = arith.constant 10000 : i32
    %add3A_80 = vector.broadcast %add3A_79 : i32 to vector<16xi32>
    %add3A_81 = arith.addi %add3A_80, %select_n3A_78 : vector<16xi32>
    %swap3A_82 = arith.constant 78 : i32
    %swap3A_83 = arith.index_cast %swap3A_82 : i32 to index
    %swap3A_84 = arith.constant 16 : index
    %swap3A_85 = tpu.vector_load %arg5[%swap3A_83, %swap3A_84] {strides = array<i32>} : memref<80x128xi32, #tpu.memory_space<vmem>>, vector<1x16xi32>,
    %swap3A_86 = vector.shape_cast %swap3A_85 : vector<1x16xi32> to vector<16xi32>
    %swap3A_87 = vector.shape_cast %add3A_81 : vector<16xi32> to vector<1x16xi32>
    tpu.vector_store %arg5[%swap3A_83, %swap3A_84], %swap3A_87 {strides = array<i32>} : memref<80x128xi32, #tpu.memory_space<vmem>>, vector<1x16xi32>,
    %mul3A_88 = arith.constant 31 : i32
    %mul3A_89 = arith.muli %arg1, %mul3A_88 : i32
    %add3A_90 = arith.constant 32 : i32
    %add3A_91 = arith.addi %mul3A_89, %add3A_90 : i32
    %iota3A_92 = tpu.iota {dimensions = array<i32: 0>} : vector<16xi32>
    %add3A_93 = vector.broadcast %add3A_91 : i32 to vector<16xi32>
    %add3A_94 = arith.addi %add3A_93, %iota3A_92 : vector<16xi32>
    %jit3A_95 = arith.constant 240 : i32
    %eq3A_96 = arith.constant 0 : i32
    %eq3A_97 = arith.cmpi eq, %jit3A_95, %eq3A_96 : i32
    %jit3A_98 = arith.constant 1 : i32
    %select_n3A_99 = arith.select %eq3A_97, %jit3A_98, %jit3A_95 : i32
    %rem3A_100 = vector.broadcast %select_n3A_99 : i32 to vector<16xi32>
    %rem3A_101 = arith.remsi %add3A_94, %rem3A_100 : vector<16xi32>
    %ne3A_102 = arith.constant 0 : i32
    %ne3A_103 = vector.broadcast %ne3A_102 : i32 to vector<16xi32>
    %ne3A_104 = arith.cmpi ne, %rem3A_101, %ne3A_103 : vector<16xi32>
    %lt3A_105 = arith.constant 0 : i32
    %lt3A_106 = vector.broadcast %lt3A_105 : i32 to vector<16xi32>
    %lt3A_107 = arith.cmpi slt, %rem3A_101, %lt3A_106 : vector<16xi32>
    %lt3A_108 = arith.constant 0 : i32
    %lt3A_109 = arith.cmpi slt, %select_n3A_99, %lt3A_108 : i32
    %ne3A_110 = vector.broadcast %lt3A_109 : i1 to vector<16xi1>
    %ne3A_111 = vector.broadcast %ne3A_110 : vector<16xi1> to vector<16xi1>
    %ne3A_112 = arith.xori %lt3A_107, %ne3A_111 : vector<16xi1>
    %and3A_113 = arith.andi %ne3A_112, %ne3A_104 : vector<16xi1>
    %add3A_114 = vector.broadcast %select_n3A_99 : i32 to vector<16xi32>
    %add3A_115 = arith.addi %rem3A_101, %add3A_114 : vector<16xi32>
    %select_n3A_116 = arith.select %and3A_113, %add3A_115, %rem3A_101 : vector<16xi1>, vector<16xi32>
    %add3A_117 = arith.constant 10000 : i32
    %add3A_118 = vector.broadcast %add3A_117 : i32 to vector<16xi32>
    %add3A_119 = arith.addi %add3A_118, %select_n3A_116 : vector<16xi32>
    %swap3A_120 = arith.constant 78 : i32
    %swap3A_121 = arith.index_cast %swap3A_120 : i32 to index
    %swap3A_122 = arith.constant 32 : index
    %swap3A_123 = tpu.vector_load %arg5[%swap3A_121, %swap3A_122] {strides = array<i32>} : memref<80x128xi32, #tpu.memory_space<vmem>>, vector<1x16xi32>,
    %swap3A_124 = vector.shape_cast %swap3A_123 : vector<1x16xi32> to vector<16xi32>
    %swap3A_125 = vector.shape_cast %add3A_119 : vector<16xi32> to vector<1x16xi32>
    tpu.vector_store %arg5[%swap3A_121, %swap3A_122], %swap3A_125 {strides = array<i32>} : memref<80x128xi32, #tpu.memory_space<vmem>>, vector<1x16xi32>,
    %mul3A_126 = arith.constant 31 : i32
    %mul3A_127 = arith.muli %arg1, %mul3A_126 : i32
    %add3A_128 = arith.constant 48 : i32
    %add3A_129 = arith.addi %mul3A_127, %add3A_128 : i32
    %iota3A_130 = tpu.iota {dimensions = array<i32: 0>} : vector<16xi32>
    %add3A_131 = vector.broadcast %add3A_129 : i32 to vector<16xi32>
    %add3A_132 = arith.addi %add3A_131, %iota3A_130 : vector<16xi32>
    %jit3A_133 = arith.constant 240 : i32
    %eq3A_134 = arith.constant 0 : i32
    %eq3A_135 = arith.cmpi eq, %jit3A_133, %eq3A_134 : i32
    %jit3A_136 = arith.constant 1 : i32
    %select_n3A_137 = arith.select %eq3A_135, %jit3A_136, %jit3A_133 : i32
    %rem3A_138 = vector.broadcast %select_n3A_137 : i32 to vector<16xi32>
    %rem3A_139 = arith.remsi %add3A_132, %rem3A_138 : vector<16xi32>
    %ne3A_140 = arith.constant 0 : i32
    %ne3A_141 = vector.broadcast %ne3A_140 : i32 to vector<16xi32>
    %ne3A_142 = arith.cmpi ne, %rem3A_139, %ne3A_141 : vector<16xi32>
    %lt3A_143 = arith.constant 0 : i32
    %lt3A_144 = vector.broadcast %lt3A_143 : i32 to vector<16xi32>
    %lt3A_145 = arith.cmpi slt, %rem3A_139, %lt3A_144 : vector<16xi32>
    %lt3A_146 = arith.constant 0 : i32
    %lt3A_147 = arith.cmpi slt, %select_n3A_137, %lt3A_146 : i32
    %ne3A_148 = vector.broadcast %lt3A_147 : i1 to vector<16xi1>
    %ne3A_149 = vector.broadcast %ne3A_148 : vector<16xi1> to vector<16xi1>
    %ne3A_150 = arith.xori %lt3A_145, %ne3A_149 : vector<16xi1>
    %and3A_151 = arith.andi %ne3A_150, %ne3A_142 : vector<16xi1>
    %add3A_152 = vector.broadcast %select_n3A_137 : i32 to vector<16xi32>
    %add3A_153 = arith.addi %rem3A_139, %add3A_152 : vector<16xi32>
    %select_n3A_154 = arith.select %and3A_151, %add3A_153, %rem3A_139 : vector<16xi1>, vector<16xi32>
    %add3A_155 = arith.constant 10000 : i32
    %add3A_156 = vector.broadcast %add3A_155 : i32 to vector<16xi32>
    %add3A_157 = arith.addi %add3A_156, %select_n3A_154 : vector<16xi32>
    %swap3A_158 = arith.constant 78 : i32
    %swap3A_159 = arith.index_cast %swap3A_158 : i32 to index
    %swap3A_160 = arith.constant 48 : index
    %swap3A_161 = tpu.vector_load %arg5[%swap3A_159, %swap3A_160] {strides = array<i32>} : memref<80x128xi32, #tpu.memory_space<vmem>>, vector<1x16xi32>,
    %swap3A_162 = vector.shape_cast %swap3A_161 : vector<1x16xi32> to vector<16xi32>
    %swap3A_163 = vector.shape_cast %add3A_157 : vector<16xi32> to vector<1x16xi32>
    tpu.vector_store %arg5[%swap3A_159, %swap3A_160], %swap3A_163 {strides = array<i32>} : memref<80x128xi32, #tpu.memory_space<vmem>>, vector<1x16xi32>,
    %mul3A_164 = arith.constant 31 : i32
    %mul3A_165 = arith.muli %arg1, %mul3A_164 : i32
    %add3A_166 = arith.constant 64 : i32
    %add3A_167 = arith.addi %mul3A_165, %add3A_166 : i32
    %iota3A_168 = tpu.iota {dimensions = array<i32: 0>} : vector<16xi32>
    %add3A_169 = vector.broadcast %add3A_167 : i32 to vector<16xi32>
    %add3A_170 = arith.addi %add3A_169, %iota3A_168 : vector<16xi32>
    %jit3A_171 = arith.constant 240 : i32
    %eq3A_172 = arith.constant 0 : i32
    %eq3A_173 = arith.cmpi eq, %jit3A_171, %eq3A_172 : i32
    %jit3A_174 = arith.constant 1 : i32
    %select_n3A_175 = arith.select %eq3A_173, %jit3A_174, %jit3A_171 : i32
    %rem3A_176 = vector.broadcast %select_n3A_175 : i32 to vector<16xi32>
    %rem3A_177 = arith.remsi %add3A_170, %rem3A_176 : vector<16xi32>
    %ne3A_178 = arith.constant 0 : i32
    %ne3A_179 = vector.broadcast %ne3A_178 : i32 to vector<16xi32>
    %ne3A_180 = arith.cmpi ne, %rem3A_177, %ne3A_179 : vector<16xi32>
    %lt3A_181 = arith.constant 0 : i32
    %lt3A_182 = vector.broadcast %lt3A_181 : i32 to vector<16xi32>
    %lt3A_183 = arith.cmpi slt, %rem3A_177, %lt3A_182 : vector<16xi32>
    %lt3A_184 = arith.constant 0 : i32
    %lt3A_185 = arith.cmpi slt, %select_n3A_175, %lt3A_184 : i32
    %ne3A_186 = vector.broadcast %lt3A_185 : i1 to vector<16xi1>
    %ne3A_187 = vector.broadcast %ne3A_186 : vector<16xi1> to vector<16xi1>
    %ne3A_188 = arith.xori %lt3A_183, %ne3A_187 : vector<16xi1>
    %and3A_189 = arith.andi %ne3A_188, %ne3A_180 : vector<16xi1>
    %add3A_190 = vector.broadcast %select_n3A_175 : i32 to vector<16xi32>
    %add3A_191 = arith.addi %rem3A_177, %add3A_190 : vector<16xi32>
    %select_n3A_192 = arith.select %and3A_189, %add3A_191, %rem3A_177 : vector<16xi1>, vector<16xi32>
    %add3A_193 = arith.constant 10000 : i32
    %add3A_194 = vector.broadcast %add3A_193 : i32 to vector<16xi32>
    %add3A_195 = arith.addi %add3A_194, %select_n3A_192 : vector<16xi32>
    %swap3A_196 = arith.constant 78 : i32
    %swap3A_197 = arith.index_cast %swap3A_196 : i32 to index
    %swap3A_198 = arith.constant 64 : index
    %swap3A_199 = tpu.vector_load %arg5[%swap3A_197, %swap3A_198] {strides = array<i32>} : memref<80x128xi32, #tpu.memory_space<vmem>>, vector<1x16xi32>,
    %swap3A_200 = vector.shape_cast %swap3A_199 : vector<1x16xi32> to vector<16xi32>
    %swap3A_201 = vector.shape_cast %add3A_195 : vector<16xi32> to vector<1x16xi32>
    tpu.vector_store %arg5[%swap3A_197, %swap3A_198], %swap3A_201 {strides = array<i32>} : memref<80x128xi32, #tpu.memory_space<vmem>>, vector<1x16xi32>,
    %mul3A_202 = arith.constant 31 : i32
    %mul3A_203 = arith.muli %arg1, %mul3A_202 : i32
    %add3A_204 = arith.constant 80 : i32
    %add3A_205 = arith.addi %mul3A_203, %add3A_204 : i32
    %iota3A_206 = tpu.iota {dimensions = array<i32: 0>} : vector<16xi32>
    %add3A_207 = vector.broadcast %add3A_205 : i32 to vector<16xi32>
    %add3A_208 = arith.addi %add3A_207, %iota3A_206 : vector<16xi32>
    %jit3A_209 = arith.constant 240 : i32
    %eq3A_210 = arith.constant 0 : i32
    %eq3A_211 = arith.cmpi eq, %jit3A_209, %eq3A_210 : i32
    %jit3A_212 = arith.constant 1 : i32
    %select_n3A_213 = arith.select %eq3A_211, %jit3A_212, %jit3A_209 : i32
    %rem3A_214 = vector.broadcast %select_n3A_213 : i32 to vector<16xi32>
    %rem3A_215 = arith.remsi %add3A_208, %rem3A_214 : vector<16xi32>
    %ne3A_216 = arith.constant 0 : i32
    %ne3A_217 = vector.broadcast %ne3A_216 : i32 to vector<16xi32>
    %ne3A_218 = arith.cmpi ne, %rem3A_215, %ne3A_217 : vector<16xi32>
    %lt3A_219 = arith.constant 0 : i32
    %lt3A_220 = vector.broadcast %lt3A_219 : i32 to vector<16xi32>
    %lt3A_221 = arith.cmpi slt, %rem3A_215, %lt3A_220 : vector<16xi32>
    %lt3A_222 = arith.constant 0 : i32
    %lt3A_223 = arith.cmpi slt, %select_n3A_213, %lt3A_222 : i32
    %ne3A_224 = vector.broadcast %lt3A_223 : i1 to vector<16xi1>
    %ne3A_225 = vector.broadcast %ne3A_224 : vector<16xi1> to vector<16xi1>
    %ne3A_226 = arith.xori %lt3A_221, %ne3A_225 : vector<16xi1>
    %and3A_227 = arith.andi %ne3A_226, %ne3A_218 : vector<16xi1>
    %add3A_228 = vector.broadcast %select_n3A_213 : i32 to vector<16xi32>
    %add3A_229 = arith.addi %rem3A_215, %add3A_228 : vector<16xi32>
    %select_n3A_230 = arith.select %and3A_227, %add3A_229, %rem3A_215 : vector<16xi1>, vector<16xi32>
    %add3A_231 = arith.constant 10000 : i32
    %add3A_232 = vector.broadcast %add3A_231 : i32 to vector<16xi32>
    %add3A_233 = arith.addi %add3A_232, %select_n3A_230 : vector<16xi32>
    %swap3A_234 = arith.constant 78 : i32
    %swap3A_235 = arith.index_cast %swap3A_234 : i32 to index
    %swap3A_236 = arith.constant 80 : index
    %swap3A_237 = tpu.vector_load %arg5[%swap3A_235, %swap3A_236] {strides = array<i32>} : memref<80x128xi32, #tpu.memory_space<vmem>>, vector<1x16xi32>,
    %swap3A_238 = vector.shape_cast %swap3A_237 : vector<1x16xi32> to vector<16xi32>
    %swap3A_239 = vector.shape_cast %add3A_233 : vector<16xi32> to vector<1x16xi32>
    tpu.vector_store %arg5[%swap3A_235, %swap3A_236], %swap3A_239 {strides = array<i32>} : memref<80x128xi32, #tpu.memory_space<vmem>>, vector<1x16xi32>,
    %mul3A_240 = arith.constant 31 : i32
    %mul3A_241 = arith.muli %arg1, %mul3A_240 : i32
    %add3A_242 = arith.constant 96 : i32
    %add3A_243 = arith.addi %mul3A_241, %add3A_242 : i32
    %iota3A_244 = tpu.iota {dimensions = array<i32: 0>} : vector<16xi32>
    %add3A_245 = vector.broadcast %add3A_243 : i32 to vector<16xi32>
    %add3A_246 = arith.addi %add3A_245, %iota3A_244 : vector<16xi32>
    %jit3A_247 = arith.constant 240 : i32
    %eq3A_248 = arith.constant 0 : i32
    %eq3A_249 = arith.cmpi eq, %jit3A_247, %eq3A_248 : i32
    %jit3A_250 = arith.constant 1 : i32
    %select_n3A_251 = arith.select %eq3A_249, %jit3A_250, %jit3A_247 : i32
    %rem3A_252 = vector.broadcast %select_n3A_251 : i32 to vector<16xi32>
    %rem3A_253 = arith.remsi %add3A_246, %rem3A_252 : vector<16xi32>
    %ne3A_254 = arith.constant 0 : i32
    %ne3A_255 = vector.broadcast %ne3A_254 : i32 to vector<16xi32>
    %ne3A_256 = arith.cmpi ne, %rem3A_253, %ne3A_255 : vector<16xi32>
    %lt3A_257 = arith.constant 0 : i32
    %lt3A_258 = vector.broadcast %lt3A_257 : i32 to vector<16xi32>
    %lt3A_259 = arith.cmpi slt, %rem3A_253, %lt3A_258 : vector<16xi32>
    %lt3A_260 = arith.constant 0 : i32
    %lt3A_261 = arith.cmpi slt, %select_n3A_251, %lt3A_260 : i32
    %ne3A_262 = vector.broadcast %lt3A_261 : i1 to vector<16xi1>
    %ne3A_263 = vector.broadcast %ne3A_262 : vector<16xi1> to vector<16xi1>
    %ne3A_264 = arith.xori %lt3A_259, %ne3A_263 : vector<16xi1>
    %and3A_265 = arith.andi %ne3A_264, %ne3A_256 : vector<16xi1>
    %add3A_266 = vector.broadcast %select_n3A_251 : i32 to vector<16xi32>
    %add3A_267 = arith.addi %rem3A_253, %add3A_266 : vector<16xi32>
    %select_n3A_268 = arith.select %and3A_265, %add3A_267, %rem3A_253 : vector<16xi1>, vector<16xi32>
    %add3A_269 = arith.constant 10000 : i32
    %add3A_270 = vector.broadcast %add3A_269 : i32 to vector<16xi32>
    %add3A_271 = arith.addi %add3A_270, %select_n3A_268 : vector<16xi32>
    %swap3A_272 = arith.constant 78 : i32
    %swap3A_273 = arith.index_cast %swap3A_272 : i32 to index
    %swap3A_274 = arith.constant 96 : index
    %swap3A_275 = tpu.vector_load %arg5[%swap3A_273, %swap3A_274] {strides = array<i32>} : memref<80x128xi32, #tpu.memory_space<vmem>>, vector<1x16xi32>,
    %swap3A_276 = vector.shape_cast %swap3A_275 : vector<1x16xi32> to vector<16xi32>
    %swap3A_277 = vector.shape_cast %add3A_271 : vector<16xi32> to vector<1x16xi32>
    tpu.vector_store %arg5[%swap3A_273, %swap3A_274], %swap3A_277 {strides = array<i32>} : memref<80x128xi32, #tpu.memory_space<vmem>>, vector<1x16xi32>,
    %mul3A_278 = arith.constant 31 : i32
    %mul3A_279 = arith.muli %arg1, %mul3A_278 : i32
    %add3A_280 = arith.constant 112 : i32
    %add3A_281 = arith.addi %mul3A_279, %add3A_280 : i32
    %iota3A_282 = tpu.iota {dimensions = array<i32: 0>} : vector<16xi32>
    %add3A_283 = vector.broadcast %add3A_281 : i32 to vector<16xi32>
    %add3A_284 = arith.addi %add3A_283, %iota3A_282 : vector<16xi32>
    %jit3A_285 = arith.constant 240 : i32
    %eq3A_286 = arith.constant 0 : i32
    %eq3A_287 = arith.cmpi eq, %jit3A_285, %eq3A_286 : i32
    %jit3A_288 = arith.constant 1 : i32
    %select_n3A_289 = arith.select %eq3A_287, %jit3A_288, %jit3A_285 : i32
    %rem3A_290 = vector.broadcast %select_n3A_289 : i32 to vector<16xi32>
    %rem3A_291 = arith.remsi %add3A_284, %rem3A_290 : vector<16xi32>
    %ne3A_292 = arith.constant 0 : i32
    %ne3A_293 = vector.broadcast %ne3A_292 : i32 to vector<16xi32>
    %ne3A_294 = arith.cmpi ne, %rem3A_291, %ne3A_293 : vector<16xi32>
    %lt3A_295 = arith.constant 0 : i32
    %lt3A_296 = vector.broadcast %lt3A_295 : i32 to vector<16xi32>
    %lt3A_297 = arith.cmpi slt, %rem3A_291, %lt3A_296 : vector<16xi32>
    %lt3A_298 = arith.constant 0 : i32
    %lt3A_299 = arith.cmpi slt, %select_n3A_289, %lt3A_298 : i32
    %ne3A_300 = vector.broadcast %lt3A_299 : i1 to vector<16xi1>
    %ne3A_301 = vector.broadcast %ne3A_300 : vector<16xi1> to vector<16xi1>
    %ne3A_302 = arith.xori %lt3A_297, %ne3A_301 : vector<16xi1>
    %and3A_303 = arith.andi %ne3A_302, %ne3A_294 : vector<16xi1>
    %add3A_304 = vector.broadcast %select_n3A_289 : i32 to vector<16xi32>
    %add3A_305 = arith.addi %rem3A_291, %add3A_304 : vector<16xi32>
    %select_n3A_306 = arith.select %and3A_303, %add3A_305, %rem3A_291 : vector<16xi1>, vector<16xi32>
    %add3A_307 = arith.constant 10000 : i32
    %add3A_308 = vector.broadcast %add3A_307 : i32 to vector<16xi32>
    %add3A_309 = arith.addi %add3A_308, %select_n3A_306 : vector<16xi32>
    %swap3A_310 = arith.constant 78 : i32
    %swap3A_311 = arith.index_cast %swap3A_310 : i32 to index
    %swap3A_312 = arith.constant 112 : index
    %swap3A_313 = tpu.vector_load %arg5[%swap3A_311, %swap3A_312] {strides = array<i32>} : memref<80x128xi32, #tpu.memory_space<vmem>>, vector<1x16xi32>,
    %swap3A_314 = vector.shape_cast %swap3A_313 : vector<1x16xi32> to vector<16xi32>
    %swap3A_315 = vector.shape_cast %add3A_309 : vector<16xi32> to vector<1x16xi32>
    tpu.vector_store %arg5[%swap3A_311, %swap3A_312], %swap3A_315 {strides = array<i32>} : memref<80x128xi32, #tpu.memory_space<vmem>>, vector<1x16xi32>,
    %mul3A_316 = arith.constant 31 : i32
    %mul3A_317 = arith.muli %arg1, %mul3A_316 : i32
    %add3A_318 = arith.constant 128 : i32
    %add3A_319 = arith.addi %mul3A_317, %add3A_318 : i32
    %add3A_320 = arith.constant 0 : i32
    %add3A_321 = arith.addi %add3A_319, %add3A_320 : i32
    %iota3A_322 = tpu.iota {dimensions = array<i32: 0>} : vector<16xi32>
    %add3A_323 = vector.broadcast %add3A_321 : i32 to vector<16xi32>
    %add3A_324 = arith.addi %add3A_323, %iota3A_322 : vector<16xi32>
    %jit3A_325 = arith.constant 240 : i32
    %eq3A_326 = arith.constant 0 : i32
    %eq3A_327 = arith.cmpi eq, %jit3A_325, %eq3A_326 : i32
    %jit3A_328 = arith.constant 1 : i32
    %select_n3A_329 = arith.select %eq3A_327, %jit3A_328, %jit3A_325 : i32
    %rem3A_330 = vector.broadcast %select_n3A_329 : i32 to vector<16xi32>
    %rem3A_331 = arith.remsi %add3A_324, %rem3A_330 : vector<16xi32>
    %ne3A_332 = arith.constant 0 : i32
    %ne3A_333 = vector.broadcast %ne3A_332 : i32 to vector<16xi32>
    %ne3A_334 = arith.cmpi ne, %rem3A_331, %ne3A_333 : vector<16xi32>
    %lt3A_335 = arith.constant 0 : i32
    %lt3A_336 = vector.broadcast %lt3A_335 : i32 to vector<16xi32>
    %lt3A_337 = arith.cmpi slt, %rem3A_331, %lt3A_336 : vector<16xi32>
    %lt3A_338 = arith.constant 0 : i32
    %lt3A_339 = arith.cmpi slt, %select_n3A_329, %lt3A_338 : i32
    %ne3A_340 = vector.broadcast %lt3A_339 : i1 to vector<16xi1>
    %ne3A_341 = vector.broadcast %ne3A_340 : vector<16xi1> to vector<16xi1>
    %ne3A_342 = arith.xori %lt3A_337, %ne3A_341 : vector<16xi1>
    %and3A_343 = arith.andi %ne3A_342, %ne3A_334 : vector<16xi1>
    %add3A_344 = vector.broadcast %select_n3A_329 : i32 to vector<16xi32>
    %add3A_345 = arith.addi %rem3A_331, %add3A_344 : vector<16xi32>
    %select_n3A_346 = arith.select %and3A_343, %add3A_345, %rem3A_331 : vector<16xi1>, vector<16xi32>
    %add3A_347 = arith.constant 10000 : i32
    %add3A_348 = vector.broadcast %add3A_347 : i32 to vector<16xi32>
    %add3A_349 = arith.addi %add3A_348, %select_n3A_346 : vector<16xi32>
    %swap3A_350 = arith.constant 79 : i32
    %swap3A_351 = arith.index_cast %swap3A_350 : i32 to index
    %swap3A_352 = arith.constant 0 : index
    %swap3A_353 = tpu.vector_load %arg5[%swap3A_351, %swap3A_352] {strides = array<i32>} : memref<80x128xi32, #tpu.memory_space<vmem>>, vector<1x16xi32>,
    %swap3A_354 = vector.shape_cast %swap3A_353 : vector<1x16xi32> to vector<16xi32>
    %swap3A_355 = vector.shape_cast %add3A_349 : vector<16xi32> to vector<1x16xi32>
    tpu.vector_store %arg5[%swap3A_351, %swap3A_352], %swap3A_355 {strides = array<i32>} : memref<80x128xi32, #tpu.memory_space<vmem>>, vector<1x16xi32>,
    %mul3A_356 = arith.constant 31 : i32
    %mul3A_357 = arith.muli %arg1, %mul3A_356 : i32
    %add3A_358 = arith.constant 128 : i32
    %add3A_359 = arith.addi %mul3A_357, %add3A_358 : i32
    %add3A_360 = arith.constant 16 : i32
    %add3A_361 = arith.addi %add3A_359, %add3A_360 : i32
    %iota3A_362 = tpu.iota {dimensions = array<i32: 0>} : vector<16xi32>
    %add3A_363 = vector.broadcast %add3A_361 : i32 to vector<16xi32>
    %add3A_364 = arith.addi %add3A_363, %iota3A_362 : vector<16xi32>
    %jit3A_365 = arith.constant 240 : i32
    %eq3A_366 = arith.constant 0 : i32
    %eq3A_367 = arith.cmpi eq, %jit3A_365, %eq3A_366 : i32
    %jit3A_368 = arith.constant 1 : i32
    %select_n3A_369 = arith.select %eq3A_367, %jit3A_368, %jit3A_365 : i32
    %rem3A_370 = vector.broadcast %select_n3A_369 : i32 to vector<16xi32>
    %rem3A_371 = arith.remsi %add3A_364, %rem3A_370 : vector<16xi32>
    %ne3A_372 = arith.constant 0 : i32
    %ne3A_373 = vector.broadcast %ne3A_372 : i32 to vector<16xi32>
    %ne3A_374 = arith.cmpi ne, %rem3A_371, %ne3A_373 : vector<16xi32>
    %lt3A_375 = arith.constant 0 : i32
    %lt3A_376 = vector.broadcast %lt3A_375 : i32 to vector<16xi32>
    %lt3A_377 = arith.cmpi slt, %rem3A_371, %lt3A_376 : vector<16xi32>
    %lt3A_378 = arith.constant 0 : i32
    %lt3A_379 = arith.cmpi slt, %select_n3A_369, %lt3A_378 : i32
    %ne3A_380 = vector.broadcast %lt3A_379 : i1 to vector<16xi1>
    %ne3A_381 = vector.broadcast %ne3A_380 : vector<16xi1> to vector<16xi1>
    %ne3A_382 = arith.xori %lt3A_377, %ne3A_381 : vector<16xi1>
    %and3A_383 = arith.andi %ne3A_382, %ne3A_374 : vector<16xi1>
    %add3A_384 = vector.broadcast %select_n3A_369 : i32 to vector<16xi32>
    %add3A_385 = arith.addi %rem3A_371, %add3A_384 : vector<16xi32>
    %select_n3A_386 = arith.select %and3A_383, %add3A_385, %rem3A_371 : vector<16xi1>, vector<16xi32>
    %add3A_387 = arith.constant 10000 : i32
    %add3A_388 = vector.broadcast %add3A_387 : i32 to vector<16xi32>
    %add3A_389 = arith.addi %add3A_388, %select_n3A_386 : vector<16xi32>
    %swap3A_390 = arith.constant 79 : i32
    %swap3A_391 = arith.index_cast %swap3A_390 : i32 to index
    %swap3A_392 = arith.constant 16 : index
    %swap3A_393 = tpu.vector_load %arg5[%swap3A_391, %swap3A_392] {strides = array<i32>} : memref<80x128xi32, #tpu.memory_space<vmem>>, vector<1x16xi32>,
    %swap3A_394 = vector.shape_cast %swap3A_393 : vector<1x16xi32> to vector<16xi32>
    %swap3A_395 = vector.shape_cast %add3A_389 : vector<16xi32> to vector<1x16xi32>
    tpu.vector_store %arg5[%swap3A_391, %swap3A_392], %swap3A_395 {strides = array<i32>} : memref<80x128xi32, #tpu.memory_space<vmem>>, vector<1x16xi32>,
    %mul3A_396 = arith.constant 31 : i32
    %mul3A_397 = arith.muli %arg1, %mul3A_396 : i32
    %add3A_398 = arith.constant 128 : i32
    %add3A_399 = arith.addi %mul3A_397, %add3A_398 : i32
    %add3A_400 = arith.constant 32 : i32
    %add3A_401 = arith.addi %add3A_399, %add3A_400 : i32
    %iota3A_402 = tpu.iota {dimensions = array<i32: 0>} : vector<16xi32>
    %add3A_403 = vector.broadcast %add3A_401 : i32 to vector<16xi32>
    %add3A_404 = arith.addi %add3A_403, %iota3A_402 : vector<16xi32>
    %jit3A_405 = arith.constant 240 : i32
    %eq3A_406 = arith.constant 0 : i32
    %eq3A_407 = arith.cmpi eq, %jit3A_405, %eq3A_406 : i32
    %jit3A_408 = arith.constant 1 : i32
    %select_n3A_409 = arith.select %eq3A_407, %jit3A_408, %jit3A_405 : i32
    %rem3A_410 = vector.broadcast %select_n3A_409 : i32 to vector<16xi32>
    %rem3A_411 = arith.remsi %add3A_404, %rem3A_410 : vector<16xi32>
    %ne3A_412 = arith.constant 0 : i32
    %ne3A_413 = vector.broadcast %ne3A_412 : i32 to vector<16xi32>
    %ne3A_414 = arith.cmpi ne, %rem3A_411, %ne3A_413 : vector<16xi32>
    %lt3A_415 = arith.constant 0 : i32
    %lt3A_416 = vector.broadcast %lt3A_415 : i32 to vector<16xi32>
    %lt3A_417 = arith.cmpi slt, %rem3A_411, %lt3A_416 : vector<16xi32>
    %lt3A_418 = arith.constant 0 : i32
    %lt3A_419 = arith.cmpi slt, %select_n3A_409, %lt3A_418 : i32
    %ne3A_420 = vector.broadcast %lt3A_419 : i1 to vector<16xi1>
    %ne3A_421 = vector.broadcast %ne3A_420 : vector<16xi1> to vector<16xi1>
    %ne3A_422 = arith.xori %lt3A_417, %ne3A_421 : vector<16xi1>
    %and3A_423 = arith.andi %ne3A_422, %ne3A_414 : vector<16xi1>
    %add3A_424 = vector.broadcast %select_n3A_409 : i32 to vector<16xi32>
    %add3A_425 = arith.addi %rem3A_411, %add3A_424 : vector<16xi32>
    %select_n3A_426 = arith.select %and3A_423, %add3A_425, %rem3A_411 : vector<16xi1>, vector<16xi32>
    %add3A_427 = arith.constant 10000 : i32
    %add3A_428 = vector.broadcast %add3A_427 : i32 to vector<16xi32>
    %add3A_429 = arith.addi %add3A_428, %select_n3A_426 : vector<16xi32>
    %swap3A_430 = arith.constant 79 : i32
    %swap3A_431 = arith.index_cast %swap3A_430 : i32 to index
    %swap3A_432 = arith.constant 32 : index
    %swap3A_433 = tpu.vector_load %arg5[%swap3A_431, %swap3A_432] {strides = array<i32>} : memref<80x128xi32, #tpu.memory_space<vmem>>, vector<1x16xi32>,
    %swap3A_434 = vector.shape_cast %swap3A_433 : vector<1x16xi32> to vector<16xi32>
    %swap3A_435 = vector.shape_cast %add3A_429 : vector<16xi32> to vector<1x16xi32>
    tpu.vector_store %arg5[%swap3A_431, %swap3A_432], %swap3A_435 {strides = array<i32>} : memref<80x128xi32, #tpu.memory_space<vmem>>, vector<1x16xi32>,
    %mul3A_436 = arith.constant 31 : i32
    %mul3A_437 = arith.muli %arg1, %mul3A_436 : i32
    %add3A_438 = arith.constant 128 : i32
    %add3A_439 = arith.addi %mul3A_437, %add3A_438 : i32
    %add3A_440 = arith.constant 48 : i32
    %add3A_441 = arith.addi %add3A_439, %add3A_440 : i32
    %iota3A_442 = tpu.iota {dimensions = array<i32: 0>} : vector<16xi32>
    %add3A_443 = vector.broadcast %add3A_441 : i32 to vector<16xi32>
    %add3A_444 = arith.addi %add3A_443, %iota3A_442 : vector<16xi32>
    %jit3A_445 = arith.constant 240 : i32
    %eq3A_446 = arith.constant 0 : i32
    %eq3A_447 = arith.cmpi eq, %jit3A_445, %eq3A_446 : i32
    %jit3A_448 = arith.constant 1 : i32
    %select_n3A_449 = arith.select %eq3A_447, %jit3A_448, %jit3A_445 : i32
    %rem3A_450 = vector.broadcast %select_n3A_449 : i32 to vector<16xi32>
    %rem3A_451 = arith.remsi %add3A_444, %rem3A_450 : vector<16xi32>
    %ne3A_452 = arith.constant 0 : i32
    %ne3A_453 = vector.broadcast %ne3A_452 : i32 to vector<16xi32>
    %ne3A_454 = arith.cmpi ne, %rem3A_451, %ne3A_453 : vector<16xi32>
    %lt3A_455 = arith.constant 0 : i32
    %lt3A_456 = vector.broadcast %lt3A_455 : i32 to vector<16xi32>
    %lt3A_457 = arith.cmpi slt, %rem3A_451, %lt3A_456 : vector<16xi32>
    %lt3A_458 = arith.constant 0 : i32
    %lt3A_459 = arith.cmpi slt, %select_n3A_449, %lt3A_458 : i32
    %ne3A_460 = vector.broadcast %lt3A_459 : i1 to vector<16xi1>
    %ne3A_461 = vector.broadcast %ne3A_460 : vector<16xi1> to vector<16xi1>
    %ne3A_462 = arith.xori %lt3A_457, %ne3A_461 : vector<16xi1>
    %and3A_463 = arith.andi %ne3A_462, %ne3A_454 : vector<16xi1>
    %add3A_464 = vector.broadcast %select_n3A_449 : i32 to vector<16xi32>
    %add3A_465 = arith.addi %rem3A_451, %add3A_464 : vector<16xi32>
    %select_n3A_466 = arith.select %and3A_463, %add3A_465, %rem3A_451 : vector<16xi1>, vector<16xi32>
    %add3A_467 = arith.constant 10000 : i32
    %add3A_468 = vector.broadcast %add3A_467 : i32 to vector<16xi32>
    %add3A_469 = arith.addi %add3A_468, %select_n3A_466 : vector<16xi32>
    %swap3A_470 = arith.constant 79 : i32
    %swap3A_471 = arith.index_cast %swap3A_470 : i32 to index
    %swap3A_472 = arith.constant 48 : index
    %swap3A_473 = tpu.vector_load %arg5[%swap3A_471, %swap3A_472] {strides = array<i32>} : memref<80x128xi32, #tpu.memory_space<vmem>>, vector<1x16xi32>,
    %swap3A_474 = vector.shape_cast %swap3A_473 : vector<1x16xi32> to vector<16xi32>
    %swap3A_475 = vector.shape_cast %add3A_469 : vector<16xi32> to vector<1x16xi32>
    tpu.vector_store %arg5[%swap3A_471, %swap3A_472], %swap3A_475 {strides = array<i32>} : memref<80x128xi32, #tpu.memory_space<vmem>>, vector<1x16xi32>,
    %mul3A_476 = arith.constant 31 : i32
    %mul3A_477 = arith.muli %arg1, %mul3A_476 : i32
    %add3A_478 = arith.constant 128 : i32
    %add3A_479 = arith.addi %mul3A_477, %add3A_478 : i32
    %add3A_480 = arith.constant 64 : i32
    %add3A_481 = arith.addi %add3A_479, %add3A_480 : i32
    %iota3A_482 = tpu.iota {dimensions = array<i32: 0>} : vector<16xi32>
    %add3A_483 = vector.broadcast %add3A_481 : i32 to vector<16xi32>
    %add3A_484 = arith.addi %add3A_483, %iota3A_482 : vector<16xi32>
    %jit3A_485 = arith.constant 240 : i32
    %eq3A_486 = arith.constant 0 : i32
    %eq3A_487 = arith.cmpi eq, %jit3A_485, %eq3A_486 : i32
    %jit3A_488 = arith.constant 1 : i32
    %select_n3A_489 = arith.select %eq3A_487, %jit3A_488, %jit3A_485 : i32
    %rem3A_490 = vector.broadcast %select_n3A_489 : i32 to vector<16xi32>
    %rem3A_491 = arith.remsi %add3A_484, %rem3A_490 : vector<16xi32>
    %ne3A_492 = arith.constant 0 : i32
    %ne3A_493 = vector.broadcast %ne3A_492 : i32 to vector<16xi32>
    %ne3A_494 = arith.cmpi ne, %rem3A_491, %ne3A_493 : vector<16xi32>
    %lt3A_495 = arith.constant 0 : i32
    %lt3A_496 = vector.broadcast %lt3A_495 : i32 to vector<16xi32>
    %lt3A_497 = arith.cmpi slt, %rem3A_491, %lt3A_496 : vector<16xi32>
    %lt3A_498 = arith.constant 0 : i32
    %lt3A_499 = arith.cmpi slt, %select_n3A_489, %lt3A_498 : i32
    %ne3A_500 = vector.broadcast %lt3A_499 : i1 to vector<16xi1>
    %ne3A_501 = vector.broadcast %ne3A_500 : vector<16xi1> to vector<16xi1>
    %ne3A_502 = arith.xori %lt3A_497, %ne3A_501 : vector<16xi1>
    %and3A_503 = arith.andi %ne3A_502, %ne3A_494 : vector<16xi1>
    %add3A_504 = vector.broadcast %select_n3A_489 : i32 to vector<16xi32>
    %add3A_505 = arith.addi %rem3A_491, %add3A_504 : vector<16xi32>
    %select_n3A_506 = arith.select %and3A_503, %add3A_505, %rem3A_491 : vector<16xi1>, vector<16xi32>
    %add3A_507 = arith.constant 10000 : i32
    %add3A_508 = vector.broadcast %add3A_507 : i32 to vector<16xi32>
    %add3A_509 = arith.addi %add3A_508, %select_n3A_506 : vector<16xi32>
    %swap3A_510 = arith.constant 79 : i32
    %swap3A_511 = arith.index_cast %swap3A_510 : i32 to index
    %swap3A_512 = arith.constant 64 : index
    %swap3A_513 = tpu.vector_load %arg5[%swap3A_511, %swap3A_512] {strides = array<i32>} : memref<80x128xi32, #tpu.memory_space<vmem>>, vector<1x16xi32>,
    %swap3A_514 = vector.shape_cast %swap3A_513 : vector<1x16xi32> to vector<16xi32>
    %swap3A_515 = vector.shape_cast %add3A_509 : vector<16xi32> to vector<1x16xi32>
    tpu.vector_store %arg5[%swap3A_511, %swap3A_512], %swap3A_515 {strides = array<i32>} : memref<80x128xi32, #tpu.memory_space<vmem>>, vector<1x16xi32>,
    %mul3A_516 = arith.constant 31 : i32
    %mul3A_517 = arith.muli %arg1, %mul3A_516 : i32
    %add3A_518 = arith.constant 128 : i32
    %add3A_519 = arith.addi %mul3A_517, %add3A_518 : i32
    %add3A_520 = arith.constant 80 : i32
    %add3A_521 = arith.addi %add3A_519, %add3A_520 : i32
    %iota3A_522 = tpu.iota {dimensions = array<i32: 0>} : vector<16xi32>
    %add3A_523 = vector.broadcast %add3A_521 : i32 to vector<16xi32>
    %add3A_524 = arith.addi %add3A_523, %iota3A_522 : vector<16xi32>
    %jit3A_525 = arith.constant 240 : i32
    %eq3A_526 = arith.constant 0 : i32
    %eq3A_527 = arith.cmpi eq, %jit3A_525, %eq3A_526 : i32
    %jit3A_528 = arith.constant 1 : i32
    %select_n3A_529 = arith.select %eq3A_527, %jit3A_528, %jit3A_525 : i32
    %rem3A_530 = vector.broadcast %select_n3A_529 : i32 to vector<16xi32>
    %rem3A_531 = arith.remsi %add3A_524, %rem3A_530 : vector<16xi32>
    %ne3A_532 = arith.constant 0 : i32
    %ne3A_533 = vector.broadcast %ne3A_532 : i32 to vector<16xi32>
    %ne3A_534 = arith.cmpi ne, %rem3A_531, %ne3A_533 : vector<16xi32>
    %lt3A_535 = arith.constant 0 : i32
    %lt3A_536 = vector.broadcast %lt3A_535 : i32 to vector<16xi32>
    %lt3A_537 = arith.cmpi slt, %rem3A_531, %lt3A_536 : vector<16xi32>
    %lt3A_538 = arith.constant 0 : i32
    %lt3A_539 = arith.cmpi slt, %select_n3A_529, %lt3A_538 : i32
    %ne3A_540 = vector.broadcast %lt3A_539 : i1 to vector<16xi1>
    %ne3A_541 = vector.broadcast %ne3A_540 : vector<16xi1> to vector<16xi1>
    %ne3A_542 = arith.xori %lt3A_537, %ne3A_541 : vector<16xi1>
    %and3A_543 = arith.andi %ne3A_542, %ne3A_534 : vector<16xi1>
    %add3A_544 = vector.broadcast %select_n3A_529 : i32 to vector<16xi32>
    %add3A_545 = arith.addi %rem3A_531, %add3A_544 : vector<16xi32>
    %select_n3A_546 = arith.select %and3A_543, %add3A_545, %rem3A_531 : vector<16xi1>, vector<16xi32>
    %add3A_547 = arith.constant 10000 : i32
    %add3A_548 = vector.broadcast %add3A_547 : i32 to vector<16xi32>
    %add3A_549 = arith.addi %add3A_548, %select_n3A_546 : vector<16xi32>
    %swap3A_550 = arith.constant 79 : i32
    %swap3A_551 = arith.index_cast %swap3A_550 : i32 to index
    %swap3A_552 = arith.constant 80 : index
    %swap3A_553 = tpu.vector_load %arg5[%swap3A_551, %swap3A_552] {strides = array<i32>} : memref<80x128xi32, #tpu.memory_space<vmem>>, vector<1x16xi32>,
    %swap3A_554 = vector.shape_cast %swap3A_553 : vector<1x16xi32> to vector<16xi32>
    %swap3A_555 = vector.shape_cast %add3A_549 : vector<16xi32> to vector<1x16xi32>
    tpu.vector_store %arg5[%swap3A_551, %swap3A_552], %swap3A_555 {strides = array<i32>} : memref<80x128xi32, #tpu.memory_space<vmem>>, vector<1x16xi32>,
    %mul3A_556 = arith.constant 31 : i32
    %mul3A_557 = arith.muli %arg1, %mul3A_556 : i32
    %add3A_558 = arith.constant 128 : i32
    %add3A_559 = arith.addi %mul3A_557, %add3A_558 : i32
    %add3A_560 = arith.constant 96 : i32
    %add3A_561 = arith.addi %add3A_559, %add3A_560 : i32
    %iota3A_562 = tpu.iota {dimensions = array<i32: 0>} : vector<16xi32>
    %add3A_563 = vector.broadcast %add3A_561 : i32 to vector<16xi32>
    %add3A_564 = arith.addi %add3A_563, %iota3A_562 : vector<16xi32>
    %jit3A_565 = arith.constant 240 : i32
    %eq3A_566 = arith.constant 0 : i32
    %eq3A_567 = arith.cmpi eq, %jit3A_565, %eq3A_566 : i32
    %jit3A_568 = arith.constant 1 : i32
    %select_n3A_569 = arith.select %eq3A_567, %jit3A_568, %jit3A_565 : i32
    %rem3A_570 = vector.broadcast %select_n3A_569 : i32 to vector<16xi32>
    %rem3A_571 = arith.remsi %add3A_564, %rem3A_570 : vector<16xi32>
    %ne3A_572 = arith.constant 0 : i32
    %ne3A_573 = vector.broadcast %ne3A_572 : i32 to vector<16xi32>
    %ne3A_574 = arith.cmpi ne, %rem3A_571, %ne3A_573 : vector<16xi32>
    %lt3A_575 = arith.constant 0 : i32
    %lt3A_576 = vector.broadcast %lt3A_575 : i32 to vector<16xi32>
    %lt3A_577 = arith.cmpi slt, %rem3A_571, %lt3A_576 : vector<16xi32>
    %lt3A_578 = arith.constant 0 : i32
    %lt3A_579 = arith.cmpi slt, %select_n3A_569, %lt3A_578 : i32
    %ne3A_580 = vector.broadcast %lt3A_579 : i1 to vector<16xi1>
    %ne3A_581 = vector.broadcast %ne3A_580 : vector<16xi1> to vector<16xi1>
    %ne3A_582 = arith.xori %lt3A_577, %ne3A_581 : vector<16xi1>
    %and3A_583 = arith.andi %ne3A_582, %ne3A_574 : vector<16xi1>
    %add3A_584 = vector.broadcast %select_n3A_569 : i32 to vector<16xi32>
    %add3A_585 = arith.addi %rem3A_571, %add3A_584 : vector<16xi32>
    %select_n3A_586 = arith.select %and3A_583, %add3A_585, %rem3A_571 : vector<16xi1>, vector<16xi32>
    %add3A_587 = arith.constant 10000 : i32
    %add3A_588 = vector.broadcast %add3A_587 : i32 to vector<16xi32>
    %add3A_589 = arith.addi %add3A_588, %select_n3A_586 : vector<16xi32>
    %swap3A_590 = arith.constant 79 : i32
    %swap3A_591 = arith.index_cast %swap3A_590 : i32 to index
    %swap3A_592 = arith.constant 96 : index
    %swap3A_593 = tpu.vector_load %arg5[%swap3A_591, %swap3A_592] {strides = array<i32>} : memref<80x128xi32, #tpu.memory_space<vmem>>, vector<1x16xi32>,
    %swap3A_594 = vector.shape_cast %swap3A_593 : vector<1x16xi32> to vector<16xi32>
    %swap3A_595 = vector.shape_cast %add3A_589 : vector<16xi32> to vector<1x16xi32>
    tpu.vector_store %arg5[%swap3A_591, %swap3A_592], %swap3A_595 {strides = array<i32>} : memref<80x128xi32, #tpu.memory_space<vmem>>, vector<1x16xi32>,
    %mul3A_596 = arith.constant 31 : i32
    %mul3A_597 = arith.muli %arg1, %mul3A_596 : i32
    %add3A_598 = arith.constant 128 : i32
    %add3A_599 = arith.addi %mul3A_597, %add3A_598 : i32
    %add3A_600 = arith.constant 112 : i32
    %add3A_601 = arith.addi %add3A_599, %add3A_600 : i32
    %iota3A_602 = tpu.iota {dimensions = array<i32: 0>} : vector<16xi32>
    %add3A_603 = vector.broadcast %add3A_601 : i32 to vector<16xi32>
    %add3A_604 = arith.addi %add3A_603, %iota3A_602 : vector<16xi32>
    %jit3A_605 = arith.constant 240 : i32
    %eq3A_606 = arith.constant 0 : i32
    %eq3A_607 = arith.cmpi eq, %jit3A_605, %eq3A_606 : i32
    %jit3A_608 = arith.constant 1 : i32
    %select_n3A_609 = arith.select %eq3A_607, %jit3A_608, %jit3A_605 : i32
    %rem3A_610 = vector.broadcast %select_n3A_609 : i32 to vector<16xi32>
    %rem3A_611 = arith.remsi %add3A_604, %rem3A_610 : vector<16xi32>
    %ne3A_612 = arith.constant 0 : i32
    %ne3A_613 = vector.broadcast %ne3A_612 : i32 to vector<16xi32>
    %ne3A_614 = arith.cmpi ne, %rem3A_611, %ne3A_613 : vector<16xi32>
    %lt3A_615 = arith.constant 0 : i32
    %lt3A_616 = vector.broadcast %lt3A_615 : i32 to vector<16xi32>
    %lt3A_617 = arith.cmpi slt, %rem3A_611, %lt3A_616 : vector<16xi32>
    %lt3A_618 = arith.constant 0 : i32
    %lt3A_619 = arith.cmpi slt, %select_n3A_609, %lt3A_618 : i32
    %ne3A_620 = vector.broadcast %lt3A_619 : i1 to vector<16xi1>
    %ne3A_621 = vector.broadcast %ne3A_620 : vector<16xi1> to vector<16xi1>
    %ne3A_622 = arith.xori %lt3A_617, %ne3A_621 : vector<16xi1>
    %and3A_623 = arith.andi %ne3A_622, %ne3A_614 : vector<16xi1>
    %add3A_624 = vector.broadcast %select_n3A_609 : i32 to vector<16xi32>
    %add3A_625 = arith.addi %rem3A_611, %add3A_624 : vector<16xi32>
    %select_n3A_626 = arith.select %and3A_623, %add3A_625, %rem3A_611 : vector<16xi1>, vector<16xi32>
    %add3A_627 = arith.constant 10000 : i32
    %add3A_628 = vector.broadcast %add3A_627 : i32 to vector<16xi32>
    %add3A_629 = arith.addi %add3A_628, %select_n3A_626 : vector<16xi32>
    %swap3A_630 = arith.constant 79 : i32
    %swap3A_631 = arith.index_cast %swap3A_630 : i32 to index
    %swap3A_632 = arith.constant 112 : index
    %swap3A_633 = tpu.vector_load %arg5[%swap3A_631, %swap3A_632] {strides = array<i32>} : memref<80x128xi32, #tpu.memory_space<vmem>>, vector<1x16xi32>,
    %swap3A_634 = vector.shape_cast %swap3A_633 : vector<1x16xi32> to vector<16xi32>
    %swap3A_635 = vector.shape_cast %add3A_629 : vector<16xi32> to vector<1x16xi32>
    tpu.vector_store %arg5[%swap3A_631, %swap3A_632], %swap3A_635 {strides = array<i32>} : memref<80x128xi32, #tpu.memory_space<vmem>>, vector<1x16xi32>,
    %barrier3A = arith.constant 0 : index
    tpu.barrier barrier_id(%barrier3A)
    %scan3A_636 = arith.constant 0 : i32
    %scan3A_637 = arith.constant 0 : i32
    %scan3A_638 = arith.constant 80 : i32
    %scan3A_639 = arith.addi %scan3A_637, %scan3A_638 : i32
    %scan3A_640 = arith.constant 1 : i32
    scf.for %scan3A_664 = %scan3A_637 to %scan3A_639 step %scan3A_640  : i32 {
      %dma_start3A = arith.constant 0 : i32
      %dma_start3A_665 = tpu.memref_slice %arg5[%scan3A_664, %dma_start3A] : memref<80x128xi32, #tpu.memory_space<vmem>> -> memref<1x128xi32, #tpu.memory_space<vmem>>
      %dma_start3A_666 = tpu.memref_squeeze %dma_start3A_665 : memref<1x128xi32, #tpu.memory_space<vmem>> -> memref<128xi32, #tpu.memory_space<vmem>>
      %dma_start3A_667 = arith.constant 0 : i32
      %dma_start3A_668 = tpu.memref_slice %arg9[%dma_start3A_667] : memref<10240xf32, #tpu.memory_space<vmem_shared>> -> memref<10240xf32, #tpu.memory_space<vmem_shared>>
      tpu.enqueue_indirect_dma source(%arg6 : memref<128xf32, #tpu.memory_space<vmem>>) target(%dma_start3A_668 : memref<10240xf32, #tpu.memory_space<vmem_shared>>) offsets(%dma_start3A_666 : memref<128xi32, #tpu.memory_space<vmem>>) semaphore(%arg10 : memref<!tpu.dma_semaphore, #tpu.memory_space<semaphore_mem>>) {add = true}
    }
    %scan3A_641 = arith.constant 80 : i32
    %scan3A_642 = arith.constant 0 : i32
    %scan3A_643 = arith.constant 0 : i32
    %scan3A_644 = arith.constant 80 : i32
    %scan3A_645 = arith.addi %scan3A_643, %scan3A_644 : i32
    %scan3A_646 = arith.constant 1 : i32
    scf.for %scan3A_664 = %scan3A_643 to %scan3A_645 step %scan3A_646  : i32 {
      %dma_wait3A = arith.constant 0 : i32
      %dma_wait3A_665 = arith.constant 0 : i32
      %dma_wait3A_666 = tpu.memref_slice %arg5[%dma_wait3A, %dma_wait3A_665] : memref<80x128xi32, #tpu.memory_space<vmem>> -> memref<1x128xi32, #tpu.memory_space<vmem>>
      %dma_wait3A_667 = tpu.memref_squeeze %dma_wait3A_666 : memref<1x128xi32, #tpu.memory_space<vmem>> -> memref<128xi32, #tpu.memory_space<vmem>>
      %dma_wait3A_668 = arith.constant 0 : i32
      %dma_wait3A_669 = tpu.memref_slice %arg9[%dma_wait3A_668] : memref<10240xf32, #tpu.memory_space<vmem_shared>> -> memref<10240xf32, #tpu.memory_space<vmem_shared>>
      tpu.wait_indirect_dma semaphore(%arg10 : memref<!tpu.dma_semaphore, #tpu.memory_space<semaphore_mem>>) src(%arg6 : memref<128xf32, #tpu.memory_space<vmem>>) dst(%dma_wait3A_669 : memref<10240xf32, #tpu.memory_space<vmem_shared>>)
    }
    %scan3A_647 = arith.constant 80 : i32
    %barrier3A_648 = arith.constant 0 : index
    tpu.barrier barrier_id(%barrier3A_648)
    %mul3A_649 = arith.constant 640 : i32
    %mul3A_650 = arith.muli %arg1, %mul3A_649 : i32
    "tpu.region"() ({
      %run_scoped3A_664 = tpu.sem_alloc : memref<!tpu.dma_semaphore, #tpu.memory_space<semaphore_mem>>
      %dma_start3A = tpu.memref_slice %arg9[%mul3A_650] : memref<10240xf32, #tpu.memory_space<vmem_shared>> -> memref<640xf32, #tpu.memory_space<vmem_shared>>
      %dma_start3A_665 = tpu.memref_slice %arg9[%mul3A_650] : memref<10240xf32, #tpu.memory_space<vmem_shared>> -> memref<640xf32, #tpu.memory_space<vmem_shared>>
      tpu.enqueue_dma source(%dma_start3A_665 : memref<640xf32, #tpu.memory_space<vmem_shared>>) target(%arg7 : memref<640xf32, #tpu.memory_space<vmem>>) target_semaphore(%run_scoped3A_664 : memref<!tpu.dma_semaphore, #tpu.memory_space<semaphore_mem>>)
      %dma_wait3A = tpu.memref_slice %arg9[%mul3A_650] : memref<10240xf32, #tpu.memory_space<vmem_shared>> -> memref<640xf32, #tpu.memory_space<vmem_shared>>
      %dma_wait3A_666 = tpu.memref_slice %arg9[%mul3A_650] : memref<10240xf32, #tpu.memory_space<vmem_shared>> -> memref<640xf32, #tpu.memory_space<vmem_shared>>
      tpu.wait_dma2 semaphore(%run_scoped3A_664 : memref<!tpu.dma_semaphore, #tpu.memory_space<semaphore_mem>>) src(%dma_wait3A_666 : memref<640xf32, #tpu.memory_space<vmem_shared>>) dst(%arg7 : memref<640xf32, #tpu.memory_space<vmem>>)
      tpu.yield
    }) : () -> ()
    %scan3A_651 = arith.constant 0 : i32
    %scan3A_652 = arith.constant 0 : i32
    %scan3A_653 = arith.constant 40 : i32
    %scan3A_654 = arith.addi %scan3A_652, %scan3A_653 : i32
    %scan3A_655 = arith.constant 1 : i32
    scf.for %scan3A_664 = %scan3A_652 to %scan3A_654 step %scan3A_655  : i32 {
      %mul3A_665 = arith.constant 16 : i32
      %mul3A_666 = arith.muli %scan3A_664, %mul3A_665 : i32
      %get3A_667 = arith.index_cast %mul3A_666 : i32 to index
      %get3A_668 = tpu.vector_load %arg7[%get3A_667] {strides = array<i32>} : memref<640xf32, #tpu.memory_space<vmem>>, vector<16xf32>,
      %get3A_669 = vector.shape_cast %get3A_668 : vector<16xf32> to vector<16xf32>
      %slice3A = vector.extract_strided_slice %get3A_669 {offsets = [0], sizes = [1], strides = [1]} : vector<16xf32> to vector<1xf32>
      %squeeze3A = vector.extract %slice3A[0] : f32 from vector<1xf32>
      %broadcast_in_dim3A_670 = vector.broadcast %squeeze3A : f32 to vector<16xf32>
      %mul3A_671 = arith.constant 2 : i32
      %mul3A_672 = arith.muli %mul3A_671, %scan3A_664 : i32
      %swap3A_673 = arith.index_cast %mul3A_672 : i32 to index
      %swap3A_674 = arith.constant 0 : index
      %swap3A_675 = tpu.vector_load %arg8[%swap3A_673, %swap3A_674] {strides = array<i32>} : memref<80x128xf32, #tpu.memory_space<vmem>>, vector<1x16xf32>,
      %swap3A_676 = vector.shape_cast %swap3A_675 : vector<1x16xf32> to vector<16xf32>
      %swap3A_677 = vector.shape_cast %broadcast_in_dim3A_670 : vector<16xf32> to vector<1x16xf32>
      tpu.vector_store %arg8[%swap3A_673, %swap3A_674], %swap3A_677 {strides = array<i32>} : memref<80x128xf32, #tpu.memory_space<vmem>>, vector<1x16xf32>,
      %slice3A_678 = vector.extract_strided_slice %get3A_669 {offsets = [8], sizes = [1], strides = [1]} : vector<16xf32> to vector<1xf32>
      %squeeze3A_679 = vector.extract %slice3A_678[0] : f32 from vector<1xf32>
      %broadcast_in_dim3A_680 = vector.broadcast %squeeze3A_679 : f32 to vector<16xf32>
      %mul3A_681 = arith.constant 2 : i32
      %mul3A_682 = arith.muli %mul3A_681, %scan3A_664 : i32
      %add3A_683 = arith.constant 1 : i32
      %add3A_684 = arith.addi %mul3A_682, %add3A_683 : i32
      %swap3A_685 = arith.index_cast %add3A_684 : i32 to index
      %swap3A_686 = arith.constant 0 : index
      %swap3A_687 = tpu.vector_load %arg8[%swap3A_685, %swap3A_686] {strides = array<i32>} : memref<80x128xf32, #tpu.memory_space<vmem>>, vector<1x16xf32>,
      %swap3A_688 = vector.shape_cast %swap3A_687 : vector<1x16xf32> to vector<16xf32>
      %swap3A_689 = vector.shape_cast %broadcast_in_dim3A_680 : vector<16xf32> to vector<1x16xf32>
      tpu.vector_store %arg8[%swap3A_685, %swap3A_686], %swap3A_689 {strides = array<i32>} : memref<80x128xf32, #tpu.memory_space<vmem>>, vector<1x16xf32>,
      %slice3A_690 = vector.extract_strided_slice %get3A_669 {offsets = [1], sizes = [1], strides = [1]} : vector<16xf32> to vector<1xf32>
      %squeeze3A_691 = vector.extract %slice3A_690[0] : f32 from vector<1xf32>
      %broadcast_in_dim3A_692 = vector.broadcast %squeeze3A_691 : f32 to vector<16xf32>
      %mul3A_693 = arith.constant 2 : i32
      %mul3A_694 = arith.muli %mul3A_693, %scan3A_664 : i32
      %swap3A_695 = arith.index_cast %mul3A_694 : i32 to index
      %swap3A_696 = arith.constant 16 : index
      %swap3A_697 = tpu.vector_load %arg8[%swap3A_695, %swap3A_696] {strides = array<i32>} : memref<80x128xf32, #tpu.memory_space<vmem>>, vector<1x16xf32>,
      %swap3A_698 = vector.shape_cast %swap3A_697 : vector<1x16xf32> to vector<16xf32>
      %swap3A_699 = vector.shape_cast %broadcast_in_dim3A_692 : vector<16xf32> to vector<1x16xf32>
      tpu.vector_store %arg8[%swap3A_695, %swap3A_696], %swap3A_699 {strides = array<i32>} : memref<80x128xf32, #tpu.memory_space<vmem>>, vector<1x16xf32>,
      %slice3A_700 = vector.extract_strided_slice %get3A_669 {offsets = [9], sizes = [1], strides = [1]} : vector<16xf32> to vector<1xf32>
      %squeeze3A_701 = vector.extract %slice3A_700[0] : f32 from vector<1xf32>
      %broadcast_in_dim3A_702 = vector.broadcast %squeeze3A_701 : f32 to vector<16xf32>
      %mul3A_703 = arith.constant 2 : i32
      %mul3A_704 = arith.muli %mul3A_703, %scan3A_664 : i32
      %add3A_705 = arith.constant 1 : i32
      %add3A_706 = arith.addi %mul3A_704, %add3A_705 : i32
      %swap3A_707 = arith.index_cast %add3A_706 : i32 to index
      %swap3A_708 = arith.constant 16 : index
      %swap3A_709 = tpu.vector_load %arg8[%swap3A_707, %swap3A_708] {strides = array<i32>} : memref<80x128xf32, #tpu.memory_space<vmem>>, vector<1x16xf32>,
      %swap3A_710 = vector.shape_cast %swap3A_709 : vector<1x16xf32> to vector<16xf32>
      %swap3A_711 = vector.shape_cast %broadcast_in_dim3A_702 : vector<16xf32> to vector<1x16xf32>
      tpu.vector_store %arg8[%swap3A_707, %swap3A_708], %swap3A_711 {strides = array<i32>} : memref<80x128xf32, #tpu.memory_space<vmem>>, vector<1x16xf32>,
      %slice3A_712 = vector.extract_strided_slice %get3A_669 {offsets = [2], sizes = [1], strides = [1]} : vector<16xf32> to vector<1xf32>
      %squeeze3A_713 = vector.extract %slice3A_712[0] : f32 from vector<1xf32>
      %broadcast_in_dim3A_714 = vector.broadcast %squeeze3A_713 : f32 to vector<16xf32>
      %mul3A_715 = arith.constant 2 : i32
      %mul3A_716 = arith.muli %mul3A_715, %scan3A_664 : i32
      %swap3A_717 = arith.index_cast %mul3A_716 : i32 to index
      %swap3A_718 = arith.constant 32 : index
      %swap3A_719 = tpu.vector_load %arg8[%swap3A_717, %swap3A_718] {strides = array<i32>} : memref<80x128xf32, #tpu.memory_space<vmem>>, vector<1x16xf32>,
      %swap3A_720 = vector.shape_cast %swap3A_719 : vector<1x16xf32> to vector<16xf32>
      %swap3A_721 = vector.shape_cast %broadcast_in_dim3A_714 : vector<16xf32> to vector<1x16xf32>
      tpu.vector_store %arg8[%swap3A_717, %swap3A_718], %swap3A_721 {strides = array<i32>} : memref<80x128xf32, #tpu.memory_space<vmem>>, vector<1x16xf32>,
      %slice3A_722 = vector.extract_strided_slice %get3A_669 {offsets = [10], sizes = [1], strides = [1]} : vector<16xf32> to vector<1xf32>
      %squeeze3A_723 = vector.extract %slice3A_722[0] : f32 from vector<1xf32>
      %broadcast_in_dim3A_724 = vector.broadcast %squeeze3A_723 : f32 to vector<16xf32>
      %mul3A_725 = arith.constant 2 : i32
      %mul3A_726 = arith.muli %mul3A_725, %scan3A_664 : i32
      %add3A_727 = arith.constant 1 : i32
      %add3A_728 = arith.addi %mul3A_726, %add3A_727 : i32
      %swap3A_729 = arith.index_cast %add3A_728 : i32 to index
      %swap3A_730 = arith.constant 32 : index
      %swap3A_731 = tpu.vector_load %arg8[%swap3A_729, %swap3A_730] {strides = array<i32>} : memref<80x128xf32, #tpu.memory_space<vmem>>, vector<1x16xf32>,
      %swap3A_732 = vector.shape_cast %swap3A_731 : vector<1x16xf32> to vector<16xf32>
      %swap3A_733 = vector.shape_cast %broadcast_in_dim3A_724 : vector<16xf32> to vector<1x16xf32>
      tpu.vector_store %arg8[%swap3A_729, %swap3A_730], %swap3A_733 {strides = array<i32>} : memref<80x128xf32, #tpu.memory_space<vmem>>, vector<1x16xf32>,
      %slice3A_734 = vector.extract_strided_slice %get3A_669 {offsets = [3], sizes = [1], strides = [1]} : vector<16xf32> to vector<1xf32>
      %squeeze3A_735 = vector.extract %slice3A_734[0] : f32 from vector<1xf32>
      %broadcast_in_dim3A_736 = vector.broadcast %squeeze3A_735 : f32 to vector<16xf32>
      %mul3A_737 = arith.constant 2 : i32
      %mul3A_738 = arith.muli %mul3A_737, %scan3A_664 : i32
      %swap3A_739 = arith.index_cast %mul3A_738 : i32 to index
      %swap3A_740 = arith.constant 48 : index
      %swap3A_741 = tpu.vector_load %arg8[%swap3A_739, %swap3A_740] {strides = array<i32>} : memref<80x128xf32, #tpu.memory_space<vmem>>, vector<1x16xf32>,
      %swap3A_742 = vector.shape_cast %swap3A_741 : vector<1x16xf32> to vector<16xf32>
      %swap3A_743 = vector.shape_cast %broadcast_in_dim3A_736 : vector<16xf32> to vector<1x16xf32>
      tpu.vector_store %arg8[%swap3A_739, %swap3A_740], %swap3A_743 {strides = array<i32>} : memref<80x128xf32, #tpu.memory_space<vmem>>, vector<1x16xf32>,
      %slice3A_744 = vector.extract_strided_slice %get3A_669 {offsets = [11], sizes = [1], strides = [1]} : vector<16xf32> to vector<1xf32>
      %squeeze3A_745 = vector.extract %slice3A_744[0] : f32 from vector<1xf32>
      %broadcast_in_dim3A_746 = vector.broadcast %squeeze3A_745 : f32 to vector<16xf32>
      %mul3A_747 = arith.constant 2 : i32
      %mul3A_748 = arith.muli %mul3A_747, %scan3A_664 : i32
      %add3A_749 = arith.constant 1 : i32
      %add3A_750 = arith.addi %mul3A_748, %add3A_749 : i32
      %swap3A_751 = arith.index_cast %add3A_750 : i32 to index
      %swap3A_752 = arith.constant 48 : index
      %swap3A_753 = tpu.vector_load %arg8[%swap3A_751, %swap3A_752] {strides = array<i32>} : memref<80x128xf32, #tpu.memory_space<vmem>>, vector<1x16xf32>,
      %swap3A_754 = vector.shape_cast %swap3A_753 : vector<1x16xf32> to vector<16xf32>
      %swap3A_755 = vector.shape_cast %broadcast_in_dim3A_746 : vector<16xf32> to vector<1x16xf32>
      tpu.vector_store %arg8[%swap3A_751, %swap3A_752], %swap3A_755 {strides = array<i32>} : memref<80x128xf32, #tpu.memory_space<vmem>>, vector<1x16xf32>,
      %slice3A_756 = vector.extract_strided_slice %get3A_669 {offsets = [4], sizes = [1], strides = [1]} : vector<16xf32> to vector<1xf32>
      %squeeze3A_757 = vector.extract %slice3A_756[0] : f32 from vector<1xf32>
      %broadcast_in_dim3A_758 = vector.broadcast %squeeze3A_757 : f32 to vector<16xf32>
      %mul3A_759 = arith.constant 2 : i32
      %mul3A_760 = arith.muli %mul3A_759, %scan3A_664 : i32
      %swap3A_761 = arith.index_cast %mul3A_760 : i32 to index
      %swap3A_762 = arith.constant 64 : index
      %swap3A_763 = tpu.vector_load %arg8[%swap3A_761, %swap3A_762] {strides = array<i32>} : memref<80x128xf32, #tpu.memory_space<vmem>>, vector<1x16xf32>,
      %swap3A_764 = vector.shape_cast %swap3A_763 : vector<1x16xf32> to vector<16xf32>
      %swap3A_765 = vector.shape_cast %broadcast_in_dim3A_758 : vector<16xf32> to vector<1x16xf32>
      tpu.vector_store %arg8[%swap3A_761, %swap3A_762], %swap3A_765 {strides = array<i32>} : memref<80x128xf32, #tpu.memory_space<vmem>>, vector<1x16xf32>,
      %slice3A_766 = vector.extract_strided_slice %get3A_669 {offsets = [12], sizes = [1], strides = [1]} : vector<16xf32> to vector<1xf32>
      %squeeze3A_767 = vector.extract %slice3A_766[0] : f32 from vector<1xf32>
      %broadcast_in_dim3A_768 = vector.broadcast %squeeze3A_767 : f32 to vector<16xf32>
      %mul3A_769 = arith.constant 2 : i32
      %mul3A_770 = arith.muli %mul3A_769, %scan3A_664 : i32
      %add3A_771 = arith.constant 1 : i32
      %add3A_772 = arith.addi %mul3A_770, %add3A_771 : i32
      %swap3A_773 = arith.index_cast %add3A_772 : i32 to index
      %swap3A_774 = arith.constant 64 : index
      %swap3A_775 = tpu.vector_load %arg8[%swap3A_773, %swap3A_774] {strides = array<i32>} : memref<80x128xf32, #tpu.memory_space<vmem>>, vector<1x16xf32>,
      %swap3A_776 = vector.shape_cast %swap3A_775 : vector<1x16xf32> to vector<16xf32>
      %swap3A_777 = vector.shape_cast %broadcast_in_dim3A_768 : vector<16xf32> to vector<1x16xf32>
      tpu.vector_store %arg8[%swap3A_773, %swap3A_774], %swap3A_777 {strides = array<i32>} : memref<80x128xf32, #tpu.memory_space<vmem>>, vector<1x16xf32>,
      %slice3A_778 = vector.extract_strided_slice %get3A_669 {offsets = [5], sizes = [1], strides = [1]} : vector<16xf32> to vector<1xf32>
      %squeeze3A_779 = vector.extract %slice3A_778[0] : f32 from vector<1xf32>
      %broadcast_in_dim3A_780 = vector.broadcast %squeeze3A_779 : f32 to vector<16xf32>
      %mul3A_781 = arith.constant 2 : i32
      %mul3A_782 = arith.muli %mul3A_781, %scan3A_664 : i32
      %swap3A_783 = arith.index_cast %mul3A_782 : i32 to index
      %swap3A_784 = arith.constant 80 : index
      %swap3A_785 = tpu.vector_load %arg8[%swap3A_783, %swap3A_784] {strides = array<i32>} : memref<80x128xf32, #tpu.memory_space<vmem>>, vector<1x16xf32>,
      %swap3A_786 = vector.shape_cast %swap3A_785 : vector<1x16xf32> to vector<16xf32>
      %swap3A_787 = vector.shape_cast %broadcast_in_dim3A_780 : vector<16xf32> to vector<1x16xf32>
      tpu.vector_store %arg8[%swap3A_783, %swap3A_784], %swap3A_787 {strides = array<i32>} : memref<80x128xf32, #tpu.memory_space<vmem>>, vector<1x16xf32>,
      %slice3A_788 = vector.extract_strided_slice %get3A_669 {offsets = [13], sizes = [1], strides = [1]} : vector<16xf32> to vector<1xf32>
      %squeeze3A_789 = vector.extract %slice3A_788[0] : f32 from vector<1xf32>
      %broadcast_in_dim3A_790 = vector.broadcast %squeeze3A_789 : f32 to vector<16xf32>
      %mul3A_791 = arith.constant 2 : i32
      %mul3A_792 = arith.muli %mul3A_791, %scan3A_664 : i32
      %add3A_793 = arith.constant 1 : i32
      %add3A_794 = arith.addi %mul3A_792, %add3A_793 : i32
      %swap3A_795 = arith.index_cast %add3A_794 : i32 to index
      %swap3A_796 = arith.constant 80 : index
      %swap3A_797 = tpu.vector_load %arg8[%swap3A_795, %swap3A_796] {strides = array<i32>} : memref<80x128xf32, #tpu.memory_space<vmem>>, vector<1x16xf32>,
      %swap3A_798 = vector.shape_cast %swap3A_797 : vector<1x16xf32> to vector<16xf32>
      %swap3A_799 = vector.shape_cast %broadcast_in_dim3A_790 : vector<16xf32> to vector<1x16xf32>
      tpu.vector_store %arg8[%swap3A_795, %swap3A_796], %swap3A_799 {strides = array<i32>} : memref<80x128xf32, #tpu.memory_space<vmem>>, vector<1x16xf32>,
      %slice3A_800 = vector.extract_strided_slice %get3A_669 {offsets = [6], sizes = [1], strides = [1]} : vector<16xf32> to vector<1xf32>
      %squeeze3A_801 = vector.extract %slice3A_800[0] : f32 from vector<1xf32>
      %broadcast_in_dim3A_802 = vector.broadcast %squeeze3A_801 : f32 to vector<16xf32>
      %mul3A_803 = arith.constant 2 : i32
      %mul3A_804 = arith.muli %mul3A_803, %scan3A_664 : i32
      %swap3A_805 = arith.index_cast %mul3A_804 : i32 to index
      %swap3A_806 = arith.constant 96 : index
      %swap3A_807 = tpu.vector_load %arg8[%swap3A_805, %swap3A_806] {strides = array<i32>} : memref<80x128xf32, #tpu.memory_space<vmem>>, vector<1x16xf32>,
      %swap3A_808 = vector.shape_cast %swap3A_807 : vector<1x16xf32> to vector<16xf32>
      %swap3A_809 = vector.shape_cast %broadcast_in_dim3A_802 : vector<16xf32> to vector<1x16xf32>
      tpu.vector_store %arg8[%swap3A_805, %swap3A_806], %swap3A_809 {strides = array<i32>} : memref<80x128xf32, #tpu.memory_space<vmem>>, vector<1x16xf32>,
      %slice3A_810 = vector.extract_strided_slice %get3A_669 {offsets = [14], sizes = [1], strides = [1]} : vector<16xf32> to vector<1xf32>
      %squeeze3A_811 = vector.extract %slice3A_810[0] : f32 from vector<1xf32>
      %broadcast_in_dim3A_812 = vector.broadcast %squeeze3A_811 : f32 to vector<16xf32>
      %mul3A_813 = arith.constant 2 : i32
      %mul3A_814 = arith.muli %mul3A_813, %scan3A_664 : i32
      %add3A_815 = arith.constant 1 : i32
      %add3A_816 = arith.addi %mul3A_814, %add3A_815 : i32
      %swap3A_817 = arith.index_cast %add3A_816 : i32 to index
      %swap3A_818 = arith.constant 96 : index
      %swap3A_819 = tpu.vector_load %arg8[%swap3A_817, %swap3A_818] {strides = array<i32>} : memref<80x128xf32, #tpu.memory_space<vmem>>, vector<1x16xf32>,
      %swap3A_820 = vector.shape_cast %swap3A_819 : vector<1x16xf32> to vector<16xf32>
      %swap3A_821 = vector.shape_cast %broadcast_in_dim3A_812 : vector<16xf32> to vector<1x16xf32>
      tpu.vector_store %arg8[%swap3A_817, %swap3A_818], %swap3A_821 {strides = array<i32>} : memref<80x128xf32, #tpu.memory_space<vmem>>, vector<1x16xf32>,
      %slice3A_822 = vector.extract_strided_slice %get3A_669 {offsets = [7], sizes = [1], strides = [1]} : vector<16xf32> to vector<1xf32>
      %squeeze3A_823 = vector.extract %slice3A_822[0] : f32 from vector<1xf32>
      %broadcast_in_dim3A_824 = vector.broadcast %squeeze3A_823 : f32 to vector<16xf32>
      %mul3A_825 = arith.constant 2 : i32
      %mul3A_826 = arith.muli %mul3A_825, %scan3A_664 : i32
      %swap3A_827 = arith.index_cast %mul3A_826 : i32 to index
      %swap3A_828 = arith.constant 112 : index
      %swap3A_829 = tpu.vector_load %arg8[%swap3A_827, %swap3A_828] {strides = array<i32>} : memref<80x128xf32, #tpu.memory_space<vmem>>, vector<1x16xf32>,
      %swap3A_830 = vector.shape_cast %swap3A_829 : vector<1x16xf32> to vector<16xf32>
      %swap3A_831 = vector.shape_cast %broadcast_in_dim3A_824 : vector<16xf32> to vector<1x16xf32>
      tpu.vector_store %arg8[%swap3A_827, %swap3A_828], %swap3A_831 {strides = array<i32>} : memref<80x128xf32, #tpu.memory_space<vmem>>, vector<1x16xf32>,
      %slice3A_832 = vector.extract_strided_slice %get3A_669 {offsets = [15], sizes = [1], strides = [1]} : vector<16xf32> to vector<1xf32>
      %squeeze3A_833 = vector.extract %slice3A_832[0] : f32 from vector<1xf32>
      %broadcast_in_dim3A_834 = vector.broadcast %squeeze3A_833 : f32 to vector<16xf32>
      %mul3A_835 = arith.constant 2 : i32
      %mul3A_836 = arith.muli %mul3A_835, %scan3A_664 : i32
      %add3A_837 = arith.constant 1 : i32
      %add3A_838 = arith.addi %mul3A_836, %add3A_837 : i32
      %swap3A_839 = arith.index_cast %add3A_838 : i32 to index
      %swap3A_840 = arith.constant 112 : index
      %swap3A_841 = tpu.vector_load %arg8[%swap3A_839, %swap3A_840] {strides = array<i32>} : memref<80x128xf32, #tpu.memory_space<vmem>>, vector<1x16xf32>,
      %swap3A_842 = vector.shape_cast %swap3A_841 : vector<1x16xf32> to vector<16xf32>
      %swap3A_843 = vector.shape_cast %broadcast_in_dim3A_834 : vector<16xf32> to vector<1x16xf32>
      tpu.vector_store %arg8[%swap3A_839, %swap3A_840], %swap3A_843 {strides = array<i32>} : memref<80x128xf32, #tpu.memory_space<vmem>>, vector<1x16xf32>,
    }
    %scan3A_656 = arith.constant 40 : i32
    %mul3A_657 = arith.constant 80 : i32
    %mul3A_658 = arith.muli %arg0, %mul3A_657 : i32
    %mul3A_659 = arith.constant 16 : i32
    %mul3A_660 = arith.muli %mul3A_658, %mul3A_659 : i32
    %mul3A_661 = arith.constant 80 : i32
    %mul3A_662 = arith.muli %arg1, %mul3A_661 : i32
    %add3A_663 = arith.addi %mul3A_660, %mul3A_662 : i32
    "tpu.region"() ({
      %run_scoped3A_664 = tpu.sem_alloc : memref<!tpu.dma_semaphore, #tpu.memory_space<semaphore_mem>>
      %dma_start3A = arith.constant 0 : i32
      %dma_start3A_665 = tpu.memref_slice %arg3[%add3A_663, %dma_start3A] : memref<2560x128xf32, #tpu.memory_space<hbm>> -> memref<80x128xf32, #tpu.memory_space<hbm>>
      %dma_start3A_666 = arith.constant 0 : i32
      %dma_start3A_667 = tpu.memref_slice %arg3[%add3A_663, %dma_start3A_666] : memref<2560x128xf32, #tpu.memory_space<hbm>> -> memref<80x128xf32, #tpu.memory_space<hbm>>
      tpu.enqueue_dma source(%arg8 : memref<80x128xf32, #tpu.memory_space<vmem>>) target(%dma_start3A_667 : memref<80x128xf32, #tpu.memory_space<hbm>>) target_semaphore(%run_scoped3A_664 : memref<!tpu.dma_semaphore, #tpu.memory_space<semaphore_mem>>)
      %dma_wait3A = arith.constant 0 : i32
      %dma_wait3A_668 = tpu.memref_slice %arg3[%add3A_663, %dma_wait3A] : memref<2560x128xf32, #tpu.memory_space<hbm>> -> memref<80x128xf32, #tpu.memory_space<hbm>>
      %dma_wait3A_669 = arith.constant 0 : i32
      %dma_wait3A_670 = tpu.memref_slice %arg3[%add3A_663, %dma_wait3A_669] : memref<2560x128xf32, #tpu.memory_space<hbm>> -> memref<80x128xf32, #tpu.memory_space<hbm>>
      tpu.wait_dma2 semaphore(%run_scoped3A_664 : memref<!tpu.dma_semaphore, #tpu.memory_space<semaphore_mem>>) src(%arg8 : memref<80x128xf32, #tpu.memory_space<vmem>>) dst(%dma_wait3A_670 : memref<80x128xf32, #tpu.memory_space<hbm>>)
      tpu.yield
    }) : () -> ()
    return
  }
}

#map = affine_map<(d0, d1) -> (0, 0)>
module attributes {stable_mosaic.version = 14 : i64} {
  func.func @_edge_pass(%arg0: i32, %arg1: i32, %arg2: memref<10000x16xf32, #tpu.memory_space<hbm>>, %arg3: memref<2x320000xi32, #tpu.memory_space<hbm>>, %arg4: memref<2560x128xf32, #tpu.memory_space<hbm>>, %arg5: memref<10240xi32, #tpu.memory_space<vmem>>, %arg6: memref<10240xi32, #tpu.memory_space<vmem>>, %arg7: memref<80x128xi32, #tpu.memory_space<vmem>>, %arg8: memref<8x128x16xf32, #tpu.memory_space<vmem>>, %arg9: memref<640x16xf32, #tpu.memory_space<vmem>>, %arg10: memref<80x128xf32, #tpu.memory_space<vmem>>, %arg11: memref<10240x16xf32, #tpu.memory_space<vmem_shared>>, %arg12: memref<!tpu.dma_semaphore, #tpu.memory_space<semaphore_mem>>, %arg13: memref<!tpu.dma_semaphore, #tpu.memory_space<semaphore_mem>>, %arg14: memref<!tpu.dma_semaphore, #tpu.memory_space<semaphore_mem>>, %arg15: memref<!tpu.dma_semaphore, #tpu.memory_space<semaphore_mem>>, %arg16: memref<!tpu.dma_semaphore, #tpu.memory_space<semaphore_mem>>, %arg17: memref<!tpu.dma_semaphore, #tpu.memory_space<semaphore_mem>>, %arg18: memref<!tpu.dma_semaphore, #tpu.memory_space<semaphore_mem>>, %arg19: memref<!tpu.dma_semaphore, #tpu.memory_space<semaphore_mem>>, %arg20: memref<!tpu.dma_semaphore, #tpu.memory_space<semaphore_mem>>, %arg21: memref<!tpu.dma_semaphore, #tpu.memory_space<semaphore_mem>>, %arg22: memref<!tpu.dma_semaphore, #tpu.memory_space<semaphore_mem>>, %arg23: memref<!tpu.dma_semaphore, #tpu.memory_space<semaphore_mem>>, %arg24: memref<!tpu.dma_semaphore, #tpu.memory_space<semaphore_mem>>, %arg25: memref<!tpu.dma_semaphore, #tpu.memory_space<semaphore_mem>>, %arg26: memref<!tpu.dma_semaphore, #tpu.memory_space<semaphore_mem>>, %arg27: memref<!tpu.dma_semaphore, #tpu.memory_space<semaphore_mem>>, %arg28: memref<!tpu.dma_semaphore, #tpu.memory_space<semaphore_mem>>, %arg29: memref<!tpu.dma_semaphore, #tpu.memory_space<semaphore_mem>>) attributes {dimension_semantics = [#tpu.dimension_semantics<core_parallel>, #tpu.dimension_semantics<subcore_parallel>], iteration_bounds = array<i64: 2, 16>, scalar_prefetch = 0 : i64, scratch_operands = 25 : i64, tpu.core_type = #tpu.core_type<sc_vector_subcore>, window_params = [{transform_indices = #map}, {transform_indices = #map}, {transform_indices = #map}]} {
    %mul3A = arith.constant 2 : i32
    %mul3A_0 = arith.muli %arg1, %mul3A : i32
    %add3A = arith.addi %mul3A_0, %arg0 : i32
    %mul3A_1 = arith.constant 10000 : i32
    %mul3A_2 = arith.muli %add3A, %mul3A_1 : i32
    %dma_start3A = arith.constant 0 : i32
    %dma_start3A_3 = arith.constant 0 : i32
    %dma_start3A_4 = tpu.memref_slice %arg5[%dma_start3A_3] : memref<10240xi32, #tpu.memory_space<vmem>> -> memref<10000xi32, #tpu.memory_space<vmem>>
    %dma_start3A_5 = tpu.memref_slice %arg3[%dma_start3A, %mul3A_2] : memref<2x320000xi32, #tpu.memory_space<hbm>> -> memref<1x10000xi32, #tpu.memory_space<hbm>>
    %dma_start3A_6 = tpu.memref_squeeze %dma_start3A_5 : memref<1x10000xi32, #tpu.memory_space<hbm>> -> memref<10000xi32, #tpu.memory_space<hbm>>
    %dma_start3A_7 = arith.constant 0 : i32
    %dma_start3A_8 = tpu.memref_slice %arg5[%dma_start3A_7] : memref<10240xi32, #tpu.memory_space<vmem>> -> memref<10000xi32, #tpu.memory_space<vmem>>
    %dma_start3A_9 = tpu.memref_slice %arg3[%dma_start3A, %mul3A_2] : memref<2x320000xi32, #tpu.memory_space<hbm>> -> memref<1x10000xi32, #tpu.memory_space<hbm>>
    %dma_start3A_10 = tpu.memref_squeeze %dma_start3A_9 : memref<1x10000xi32, #tpu.memory_space<hbm>> -> memref<10000xi32, #tpu.memory_space<hbm>>
    tpu.enqueue_dma source(%dma_start3A_10 : memref<10000xi32, #tpu.memory_space<hbm>>) target(%dma_start3A_8 : memref<10000xi32, #tpu.memory_space<vmem>>) target_semaphore(%arg28 : memref<!tpu.dma_semaphore, #tpu.memory_space<semaphore_mem>>)
    %mul3A_11 = arith.constant 10000 : i32
    %mul3A_12 = arith.muli %add3A, %mul3A_11 : i32
    %dma_start3A_13 = arith.constant 1 : i32
    %dma_start3A_14 = arith.constant 0 : i32
    %dma_start3A_15 = tpu.memref_slice %arg6[%dma_start3A_14] : memref<10240xi32, #tpu.memory_space<vmem>> -> memref<10000xi32, #tpu.memory_space<vmem>>
    %dma_start3A_16 = tpu.memref_slice %arg3[%dma_start3A_13, %mul3A_12] : memref<2x320000xi32, #tpu.memory_space<hbm>> -> memref<1x10000xi32, #tpu.memory_space<hbm>>
    %dma_start3A_17 = tpu.memref_squeeze %dma_start3A_16 : memref<1x10000xi32, #tpu.memory_space<hbm>> -> memref<10000xi32, #tpu.memory_space<hbm>>
    %dma_start3A_18 = arith.constant 0 : i32
    %dma_start3A_19 = tpu.memref_slice %arg6[%dma_start3A_18] : memref<10240xi32, #tpu.memory_space<vmem>> -> memref<10000xi32, #tpu.memory_space<vmem>>
    %dma_start3A_20 = tpu.memref_slice %arg3[%dma_start3A_13, %mul3A_12] : memref<2x320000xi32, #tpu.memory_space<hbm>> -> memref<1x10000xi32, #tpu.memory_space<hbm>>
    %dma_start3A_21 = tpu.memref_squeeze %dma_start3A_20 : memref<1x10000xi32, #tpu.memory_space<hbm>> -> memref<10000xi32, #tpu.memory_space<hbm>>
    tpu.enqueue_dma source(%dma_start3A_21 : memref<10000xi32, #tpu.memory_space<hbm>>) target(%dma_start3A_19 : memref<10000xi32, #tpu.memory_space<vmem>>) target_semaphore(%arg29 : memref<!tpu.dma_semaphore, #tpu.memory_space<semaphore_mem>>)
    %broadcast_in_dim3A = arith.constant 0.000000e+00 : f32
    %broadcast_in_dim3A_22 = vector.broadcast %broadcast_in_dim3A : f32 to vector<16xf32>
    %scan3A = arith.constant 0 : i32
    %scan3A_23 = arith.constant 0 : i32
    %scan3A_24 = arith.constant 640 : i32
    %scan3A_25 = arith.addi %scan3A_23, %scan3A_24 : i32
    %scan3A_26 = arith.constant 1 : i32
    scf.for %scan3A_1190 = %scan3A_23 to %scan3A_25 step %scan3A_26  : i32 {
      %swap3A_1191 = arith.index_cast %scan3A_1190 : i32 to index
      %swap3A_1192 = arith.constant 0 : index
      %swap3A_1193 = tpu.vector_load %arg9[%swap3A_1191, %swap3A_1192] {strides = array<i32>} : memref<640x16xf32, #tpu.memory_space<vmem>>, vector<1x16xf32>,
      %swap3A_1194 = vector.shape_cast %swap3A_1193 : vector<1x16xf32> to vector<16xf32>
      %swap3A_1195 = vector.shape_cast %broadcast_in_dim3A_22 : vector<16xf32> to vector<1x16xf32>
      tpu.vector_store %arg9[%swap3A_1191, %swap3A_1192], %swap3A_1195 {strides = array<i32>} : memref<640x16xf32, #tpu.memory_space<vmem>>, vector<1x16xf32>,
    }
    %scan3A_27 = arith.constant 640 : i32
    %mul3A_28 = arith.constant 640 : i32
    %mul3A_29 = arith.muli %arg1, %mul3A_28 : i32
    "tpu.region"() ({
      %run_scoped3A = tpu.sem_alloc : memref<!tpu.dma_semaphore, #tpu.memory_space<semaphore_mem>>
      %dma_start3A_1190 = arith.constant 0 : i32
      %dma_start3A_1191 = tpu.memref_slice %arg11[%mul3A_29, %dma_start3A_1190] : memref<10240x16xf32, #tpu.memory_space<vmem_shared>> -> memref<640x16xf32, #tpu.memory_space<vmem_shared>>
      %dma_start3A_1192 = arith.constant 0 : i32
      %dma_start3A_1193 = tpu.memref_slice %arg11[%mul3A_29, %dma_start3A_1192] : memref<10240x16xf32, #tpu.memory_space<vmem_shared>> -> memref<640x16xf32, #tpu.memory_space<vmem_shared>>
      tpu.enqueue_dma source(%arg9 : memref<640x16xf32, #tpu.memory_space<vmem>>) target(%dma_start3A_1193 : memref<640x16xf32, #tpu.memory_space<vmem_shared>>) target_semaphore(%run_scoped3A : memref<!tpu.dma_semaphore, #tpu.memory_space<semaphore_mem>>)
      %dma_wait3A_1194 = arith.constant 0 : i32
      %dma_wait3A_1195 = tpu.memref_slice %arg11[%mul3A_29, %dma_wait3A_1194] : memref<10240x16xf32, #tpu.memory_space<vmem_shared>> -> memref<640x16xf32, #tpu.memory_space<vmem_shared>>
      %dma_wait3A_1196 = arith.constant 0 : i32
      %dma_wait3A_1197 = tpu.memref_slice %arg11[%mul3A_29, %dma_wait3A_1196] : memref<10240x16xf32, #tpu.memory_space<vmem_shared>> -> memref<640x16xf32, #tpu.memory_space<vmem_shared>>
      tpu.wait_dma2 semaphore(%run_scoped3A : memref<!tpu.dma_semaphore, #tpu.memory_space<semaphore_mem>>) src(%arg9 : memref<640x16xf32, #tpu.memory_space<vmem>>) dst(%dma_wait3A_1197 : memref<640x16xf32, #tpu.memory_space<vmem_shared>>)
      tpu.yield
    }) : () -> ()
    %dma_wait3A = arith.constant 0 : i32
    %dma_wait3A_30 = arith.constant 0 : i32
    %dma_wait3A_31 = tpu.memref_slice %arg5[%dma_wait3A_30] : memref<10240xi32, #tpu.memory_space<vmem>> -> memref<10000xi32, #tpu.memory_space<vmem>>
    %dma_wait3A_32 = tpu.memref_slice %arg3[%dma_wait3A, %mul3A_2] : memref<2x320000xi32, #tpu.memory_space<hbm>> -> memref<1x10000xi32, #tpu.memory_space<hbm>>
    %dma_wait3A_33 = tpu.memref_squeeze %dma_wait3A_32 : memref<1x10000xi32, #tpu.memory_space<hbm>> -> memref<10000xi32, #tpu.memory_space<hbm>>
    %dma_wait3A_34 = arith.constant 0 : i32
    %dma_wait3A_35 = tpu.memref_slice %arg5[%dma_wait3A_34] : memref<10240xi32, #tpu.memory_space<vmem>> -> memref<10000xi32, #tpu.memory_space<vmem>>
    %dma_wait3A_36 = tpu.memref_slice %arg3[%dma_wait3A, %mul3A_2] : memref<2x320000xi32, #tpu.memory_space<hbm>> -> memref<1x10000xi32, #tpu.memory_space<hbm>>
    %dma_wait3A_37 = tpu.memref_squeeze %dma_wait3A_36 : memref<1x10000xi32, #tpu.memory_space<hbm>> -> memref<10000xi32, #tpu.memory_space<hbm>>
    tpu.wait_dma2 semaphore(%arg28 : memref<!tpu.dma_semaphore, #tpu.memory_space<semaphore_mem>>) src(%dma_wait3A_37 : memref<10000xi32, #tpu.memory_space<hbm>>) dst(%dma_wait3A_35 : memref<10000xi32, #tpu.memory_space<vmem>>)
    %dma_wait3A_38 = arith.constant 1 : i32
    %dma_wait3A_39 = arith.constant 0 : i32
    %dma_wait3A_40 = tpu.memref_slice %arg6[%dma_wait3A_39] : memref<10240xi32, #tpu.memory_space<vmem>> -> memref<10000xi32, #tpu.memory_space<vmem>>
    %dma_wait3A_41 = tpu.memref_slice %arg3[%dma_wait3A_38, %mul3A_12] : memref<2x320000xi32, #tpu.memory_space<hbm>> -> memref<1x10000xi32, #tpu.memory_space<hbm>>
    %dma_wait3A_42 = tpu.memref_squeeze %dma_wait3A_41 : memref<1x10000xi32, #tpu.memory_space<hbm>> -> memref<10000xi32, #tpu.memory_space<hbm>>
    %dma_wait3A_43 = arith.constant 0 : i32
    %dma_wait3A_44 = tpu.memref_slice %arg6[%dma_wait3A_43] : memref<10240xi32, #tpu.memory_space<vmem>> -> memref<10000xi32, #tpu.memory_space<vmem>>
    %dma_wait3A_45 = tpu.memref_slice %arg3[%dma_wait3A_38, %mul3A_12] : memref<2x320000xi32, #tpu.memory_space<hbm>> -> memref<1x10000xi32, #tpu.memory_space<hbm>>
    %dma_wait3A_46 = tpu.memref_squeeze %dma_wait3A_45 : memref<1x10000xi32, #tpu.memory_space<hbm>> -> memref<10000xi32, #tpu.memory_space<hbm>>
    tpu.wait_dma2 semaphore(%arg29 : memref<!tpu.dma_semaphore, #tpu.memory_space<semaphore_mem>>) src(%dma_wait3A_46 : memref<10000xi32, #tpu.memory_space<hbm>>) dst(%dma_wait3A_44 : memref<10000xi32, #tpu.memory_space<vmem>>)
    %iota3A = tpu.iota {dimensions = array<i32: 0>} : vector<16xi32>
    %add3A_47 = arith.constant 10000 : i32
    %add3A_48 = vector.broadcast %add3A_47 : i32 to vector<16xi32>
    %add3A_49 = arith.addi %add3A_48, %iota3A : vector<16xi32>
    %jit3A = arith.constant 128 : i32
    %eq3A = arith.constant 0 : i32
    %eq3A_50 = arith.cmpi eq, %jit3A, %eq3A : i32
    %jit3A_51 = arith.constant 1 : i32
    %select_n3A = arith.select %eq3A_50, %jit3A_51, %jit3A : i32
    %rem3A = vector.broadcast %select_n3A : i32 to vector<16xi32>
    %rem3A_52 = arith.remsi %add3A_49, %rem3A : vector<16xi32>
    %ne3A = arith.constant 0 : i32
    %ne3A_53 = vector.broadcast %ne3A : i32 to vector<16xi32>
    %ne3A_54 = arith.cmpi ne, %rem3A_52, %ne3A_53 : vector<16xi32>
    %lt3A = arith.constant 0 : i32
    %lt3A_55 = vector.broadcast %lt3A : i32 to vector<16xi32>
    %lt3A_56 = arith.cmpi slt, %rem3A_52, %lt3A_55 : vector<16xi32>
    %lt3A_57 = arith.constant 0 : i32
    %lt3A_58 = arith.cmpi slt, %select_n3A, %lt3A_57 : i32
    %ne3A_59 = vector.broadcast %lt3A_58 : i1 to vector<16xi1>
    %ne3A_60 = vector.broadcast %ne3A_59 : vector<16xi1> to vector<16xi1>
    %ne3A_61 = arith.xori %lt3A_56, %ne3A_60 : vector<16xi1>
    %and3A = arith.andi %ne3A_61, %ne3A_54 : vector<16xi1>
    %add3A_62 = vector.broadcast %select_n3A : i32 to vector<16xi32>
    %add3A_63 = arith.addi %rem3A_52, %add3A_62 : vector<16xi32>
    %select_n3A_64 = arith.select %and3A, %add3A_63, %rem3A_52 : vector<16xi1>, vector<16xi32>
    %swap3A = arith.constant 10000 : index
    %swap3A_65 = tpu.vector_load %arg5[%swap3A] {strides = array<i32>} : memref<10240xi32, #tpu.memory_space<vmem>>, vector<16xi32>,
    %swap3A_66 = vector.shape_cast %swap3A_65 : vector<16xi32> to vector<16xi32>
    %swap3A_67 = vector.shape_cast %select_n3A_64 : vector<16xi32> to vector<16xi32>
    tpu.vector_store %arg5[%swap3A], %swap3A_67 {strides = array<i32>} : memref<10240xi32, #tpu.memory_space<vmem>>, vector<16xi32>,
    %iota3A_68 = tpu.iota {dimensions = array<i32: 0>} : vector<16xi32>
    %add3A_69 = arith.constant 10016 : i32
    %add3A_70 = vector.broadcast %add3A_69 : i32 to vector<16xi32>
    %add3A_71 = arith.addi %add3A_70, %iota3A_68 : vector<16xi32>
    %jit3A_72 = arith.constant 128 : i32
    %eq3A_73 = arith.constant 0 : i32
    %eq3A_74 = arith.cmpi eq, %jit3A_72, %eq3A_73 : i32
    %jit3A_75 = arith.constant 1 : i32
    %select_n3A_76 = arith.select %eq3A_74, %jit3A_75, %jit3A_72 : i32
    %rem3A_77 = vector.broadcast %select_n3A_76 : i32 to vector<16xi32>
    %rem3A_78 = arith.remsi %add3A_71, %rem3A_77 : vector<16xi32>
    %ne3A_79 = arith.constant 0 : i32
    %ne3A_80 = vector.broadcast %ne3A_79 : i32 to vector<16xi32>
    %ne3A_81 = arith.cmpi ne, %rem3A_78, %ne3A_80 : vector<16xi32>
    %lt3A_82 = arith.constant 0 : i32
    %lt3A_83 = vector.broadcast %lt3A_82 : i32 to vector<16xi32>
    %lt3A_84 = arith.cmpi slt, %rem3A_78, %lt3A_83 : vector<16xi32>
    %lt3A_85 = arith.constant 0 : i32
    %lt3A_86 = arith.cmpi slt, %select_n3A_76, %lt3A_85 : i32
    %ne3A_87 = vector.broadcast %lt3A_86 : i1 to vector<16xi1>
    %ne3A_88 = vector.broadcast %ne3A_87 : vector<16xi1> to vector<16xi1>
    %ne3A_89 = arith.xori %lt3A_84, %ne3A_88 : vector<16xi1>
    %and3A_90 = arith.andi %ne3A_89, %ne3A_81 : vector<16xi1>
    %add3A_91 = vector.broadcast %select_n3A_76 : i32 to vector<16xi32>
    %add3A_92 = arith.addi %rem3A_78, %add3A_91 : vector<16xi32>
    %select_n3A_93 = arith.select %and3A_90, %add3A_92, %rem3A_78 : vector<16xi1>, vector<16xi32>
    %swap3A_94 = arith.constant 10016 : index
    %swap3A_95 = tpu.vector_load %arg5[%swap3A_94] {strides = array<i32>} : memref<10240xi32, #tpu.memory_space<vmem>>, vector<16xi32>,
    %swap3A_96 = vector.shape_cast %swap3A_95 : vector<16xi32> to vector<16xi32>
    %swap3A_97 = vector.shape_cast %select_n3A_93 : vector<16xi32> to vector<16xi32>
    tpu.vector_store %arg5[%swap3A_94], %swap3A_97 {strides = array<i32>} : memref<10240xi32, #tpu.memory_space<vmem>>, vector<16xi32>,
    %iota3A_98 = tpu.iota {dimensions = array<i32: 0>} : vector<16xi32>
    %add3A_99 = arith.constant 10032 : i32
    %add3A_100 = vector.broadcast %add3A_99 : i32 to vector<16xi32>
    %add3A_101 = arith.addi %add3A_100, %iota3A_98 : vector<16xi32>
    %jit3A_102 = arith.constant 128 : i32
    %eq3A_103 = arith.constant 0 : i32
    %eq3A_104 = arith.cmpi eq, %jit3A_102, %eq3A_103 : i32
    %jit3A_105 = arith.constant 1 : i32
    %select_n3A_106 = arith.select %eq3A_104, %jit3A_105, %jit3A_102 : i32
    %rem3A_107 = vector.broadcast %select_n3A_106 : i32 to vector<16xi32>
    %rem3A_108 = arith.remsi %add3A_101, %rem3A_107 : vector<16xi32>
    %ne3A_109 = arith.constant 0 : i32
    %ne3A_110 = vector.broadcast %ne3A_109 : i32 to vector<16xi32>
    %ne3A_111 = arith.cmpi ne, %rem3A_108, %ne3A_110 : vector<16xi32>
    %lt3A_112 = arith.constant 0 : i32
    %lt3A_113 = vector.broadcast %lt3A_112 : i32 to vector<16xi32>
    %lt3A_114 = arith.cmpi slt, %rem3A_108, %lt3A_113 : vector<16xi32>
    %lt3A_115 = arith.constant 0 : i32
    %lt3A_116 = arith.cmpi slt, %select_n3A_106, %lt3A_115 : i32
    %ne3A_117 = vector.broadcast %lt3A_116 : i1 to vector<16xi1>
    %ne3A_118 = vector.broadcast %ne3A_117 : vector<16xi1> to vector<16xi1>
    %ne3A_119 = arith.xori %lt3A_114, %ne3A_118 : vector<16xi1>
    %and3A_120 = arith.andi %ne3A_119, %ne3A_111 : vector<16xi1>
    %add3A_121 = vector.broadcast %select_n3A_106 : i32 to vector<16xi32>
    %add3A_122 = arith.addi %rem3A_108, %add3A_121 : vector<16xi32>
    %select_n3A_123 = arith.select %and3A_120, %add3A_122, %rem3A_108 : vector<16xi1>, vector<16xi32>
    %swap3A_124 = arith.constant 10032 : index
    %swap3A_125 = tpu.vector_load %arg5[%swap3A_124] {strides = array<i32>} : memref<10240xi32, #tpu.memory_space<vmem>>, vector<16xi32>,
    %swap3A_126 = vector.shape_cast %swap3A_125 : vector<16xi32> to vector<16xi32>
    %swap3A_127 = vector.shape_cast %select_n3A_123 : vector<16xi32> to vector<16xi32>
    tpu.vector_store %arg5[%swap3A_124], %swap3A_127 {strides = array<i32>} : memref<10240xi32, #tpu.memory_space<vmem>>, vector<16xi32>,
    %iota3A_128 = tpu.iota {dimensions = array<i32: 0>} : vector<16xi32>
    %add3A_129 = arith.constant 10048 : i32
    %add3A_130 = vector.broadcast %add3A_129 : i32 to vector<16xi32>
    %add3A_131 = arith.addi %add3A_130, %iota3A_128 : vector<16xi32>
    %jit3A_132 = arith.constant 128 : i32
    %eq3A_133 = arith.constant 0 : i32
    %eq3A_134 = arith.cmpi eq, %jit3A_132, %eq3A_133 : i32
    %jit3A_135 = arith.constant 1 : i32
    %select_n3A_136 = arith.select %eq3A_134, %jit3A_135, %jit3A_132 : i32
    %rem3A_137 = vector.broadcast %select_n3A_136 : i32 to vector<16xi32>
    %rem3A_138 = arith.remsi %add3A_131, %rem3A_137 : vector<16xi32>
    %ne3A_139 = arith.constant 0 : i32
    %ne3A_140 = vector.broadcast %ne3A_139 : i32 to vector<16xi32>
    %ne3A_141 = arith.cmpi ne, %rem3A_138, %ne3A_140 : vector<16xi32>
    %lt3A_142 = arith.constant 0 : i32
    %lt3A_143 = vector.broadcast %lt3A_142 : i32 to vector<16xi32>
    %lt3A_144 = arith.cmpi slt, %rem3A_138, %lt3A_143 : vector<16xi32>
    %lt3A_145 = arith.constant 0 : i32
    %lt3A_146 = arith.cmpi slt, %select_n3A_136, %lt3A_145 : i32
    %ne3A_147 = vector.broadcast %lt3A_146 : i1 to vector<16xi1>
    %ne3A_148 = vector.broadcast %ne3A_147 : vector<16xi1> to vector<16xi1>
    %ne3A_149 = arith.xori %lt3A_144, %ne3A_148 : vector<16xi1>
    %and3A_150 = arith.andi %ne3A_149, %ne3A_141 : vector<16xi1>
    %add3A_151 = vector.broadcast %select_n3A_136 : i32 to vector<16xi32>
    %add3A_152 = arith.addi %rem3A_138, %add3A_151 : vector<16xi32>
    %select_n3A_153 = arith.select %and3A_150, %add3A_152, %rem3A_138 : vector<16xi1>, vector<16xi32>
    %swap3A_154 = arith.constant 10048 : index
    %swap3A_155 = tpu.vector_load %arg5[%swap3A_154] {strides = array<i32>} : memref<10240xi32, #tpu.memory_space<vmem>>, vector<16xi32>,
    %swap3A_156 = vector.shape_cast %swap3A_155 : vector<16xi32> to vector<16xi32>
    %swap3A_157 = vector.shape_cast %select_n3A_153 : vector<16xi32> to vector<16xi32>
    tpu.vector_store %arg5[%swap3A_154], %swap3A_157 {strides = array<i32>} : memref<10240xi32, #tpu.memory_space<vmem>>, vector<16xi32>,
    %iota3A_158 = tpu.iota {dimensions = array<i32: 0>} : vector<16xi32>
    %add3A_159 = arith.constant 10064 : i32
    %add3A_160 = vector.broadcast %add3A_159 : i32 to vector<16xi32>
    %add3A_161 = arith.addi %add3A_160, %iota3A_158 : vector<16xi32>
    %jit3A_162 = arith.constant 128 : i32
    %eq3A_163 = arith.constant 0 : i32
    %eq3A_164 = arith.cmpi eq, %jit3A_162, %eq3A_163 : i32
    %jit3A_165 = arith.constant 1 : i32
    %select_n3A_166 = arith.select %eq3A_164, %jit3A_165, %jit3A_162 : i32
    %rem3A_167 = vector.broadcast %select_n3A_166 : i32 to vector<16xi32>
    %rem3A_168 = arith.remsi %add3A_161, %rem3A_167 : vector<16xi32>
    %ne3A_169 = arith.constant 0 : i32
    %ne3A_170 = vector.broadcast %ne3A_169 : i32 to vector<16xi32>
    %ne3A_171 = arith.cmpi ne, %rem3A_168, %ne3A_170 : vector<16xi32>
    %lt3A_172 = arith.constant 0 : i32
    %lt3A_173 = vector.broadcast %lt3A_172 : i32 to vector<16xi32>
    %lt3A_174 = arith.cmpi slt, %rem3A_168, %lt3A_173 : vector<16xi32>
    %lt3A_175 = arith.constant 0 : i32
    %lt3A_176 = arith.cmpi slt, %select_n3A_166, %lt3A_175 : i32
    %ne3A_177 = vector.broadcast %lt3A_176 : i1 to vector<16xi1>
    %ne3A_178 = vector.broadcast %ne3A_177 : vector<16xi1> to vector<16xi1>
    %ne3A_179 = arith.xori %lt3A_174, %ne3A_178 : vector<16xi1>
    %and3A_180 = arith.andi %ne3A_179, %ne3A_171 : vector<16xi1>
    %add3A_181 = vector.broadcast %select_n3A_166 : i32 to vector<16xi32>
    %add3A_182 = arith.addi %rem3A_168, %add3A_181 : vector<16xi32>
    %select_n3A_183 = arith.select %and3A_180, %add3A_182, %rem3A_168 : vector<16xi1>, vector<16xi32>
    %swap3A_184 = arith.constant 10064 : index
    %swap3A_185 = tpu.vector_load %arg5[%swap3A_184] {strides = array<i32>} : memref<10240xi32, #tpu.memory_space<vmem>>, vector<16xi32>,
    %swap3A_186 = vector.shape_cast %swap3A_185 : vector<16xi32> to vector<16xi32>
    %swap3A_187 = vector.shape_cast %select_n3A_183 : vector<16xi32> to vector<16xi32>
    tpu.vector_store %arg5[%swap3A_184], %swap3A_187 {strides = array<i32>} : memref<10240xi32, #tpu.memory_space<vmem>>, vector<16xi32>,
    %iota3A_188 = tpu.iota {dimensions = array<i32: 0>} : vector<16xi32>
    %add3A_189 = arith.constant 10080 : i32
    %add3A_190 = vector.broadcast %add3A_189 : i32 to vector<16xi32>
    %add3A_191 = arith.addi %add3A_190, %iota3A_188 : vector<16xi32>
    %jit3A_192 = arith.constant 128 : i32
    %eq3A_193 = arith.constant 0 : i32
    %eq3A_194 = arith.cmpi eq, %jit3A_192, %eq3A_193 : i32
    %jit3A_195 = arith.constant 1 : i32
    %select_n3A_196 = arith.select %eq3A_194, %jit3A_195, %jit3A_192 : i32
    %rem3A_197 = vector.broadcast %select_n3A_196 : i32 to vector<16xi32>
    %rem3A_198 = arith.remsi %add3A_191, %rem3A_197 : vector<16xi32>
    %ne3A_199 = arith.constant 0 : i32
    %ne3A_200 = vector.broadcast %ne3A_199 : i32 to vector<16xi32>
    %ne3A_201 = arith.cmpi ne, %rem3A_198, %ne3A_200 : vector<16xi32>
    %lt3A_202 = arith.constant 0 : i32
    %lt3A_203 = vector.broadcast %lt3A_202 : i32 to vector<16xi32>
    %lt3A_204 = arith.cmpi slt, %rem3A_198, %lt3A_203 : vector<16xi32>
    %lt3A_205 = arith.constant 0 : i32
    %lt3A_206 = arith.cmpi slt, %select_n3A_196, %lt3A_205 : i32
    %ne3A_207 = vector.broadcast %lt3A_206 : i1 to vector<16xi1>
    %ne3A_208 = vector.broadcast %ne3A_207 : vector<16xi1> to vector<16xi1>
    %ne3A_209 = arith.xori %lt3A_204, %ne3A_208 : vector<16xi1>
    %and3A_210 = arith.andi %ne3A_209, %ne3A_201 : vector<16xi1>
    %add3A_211 = vector.broadcast %select_n3A_196 : i32 to vector<16xi32>
    %add3A_212 = arith.addi %rem3A_198, %add3A_211 : vector<16xi32>
    %select_n3A_213 = arith.select %and3A_210, %add3A_212, %rem3A_198 : vector<16xi1>, vector<16xi32>
    %swap3A_214 = arith.constant 10080 : index
    %swap3A_215 = tpu.vector_load %arg5[%swap3A_214] {strides = array<i32>} : memref<10240xi32, #tpu.memory_space<vmem>>, vector<16xi32>,
    %swap3A_216 = vector.shape_cast %swap3A_215 : vector<16xi32> to vector<16xi32>
    %swap3A_217 = vector.shape_cast %select_n3A_213 : vector<16xi32> to vector<16xi32>
    tpu.vector_store %arg5[%swap3A_214], %swap3A_217 {strides = array<i32>} : memref<10240xi32, #tpu.memory_space<vmem>>, vector<16xi32>,
    %iota3A_218 = tpu.iota {dimensions = array<i32: 0>} : vector<16xi32>
    %add3A_219 = arith.constant 10096 : i32
    %add3A_220 = vector.broadcast %add3A_219 : i32 to vector<16xi32>
    %add3A_221 = arith.addi %add3A_220, %iota3A_218 : vector<16xi32>
    %jit3A_222 = arith.constant 128 : i32
    %eq3A_223 = arith.constant 0 : i32
    %eq3A_224 = arith.cmpi eq, %jit3A_222, %eq3A_223 : i32
    %jit3A_225 = arith.constant 1 : i32
    %select_n3A_226 = arith.select %eq3A_224, %jit3A_225, %jit3A_222 : i32
    %rem3A_227 = vector.broadcast %select_n3A_226 : i32 to vector<16xi32>
    %rem3A_228 = arith.remsi %add3A_221, %rem3A_227 : vector<16xi32>
    %ne3A_229 = arith.constant 0 : i32
    %ne3A_230 = vector.broadcast %ne3A_229 : i32 to vector<16xi32>
    %ne3A_231 = arith.cmpi ne, %rem3A_228, %ne3A_230 : vector<16xi32>
    %lt3A_232 = arith.constant 0 : i32
    %lt3A_233 = vector.broadcast %lt3A_232 : i32 to vector<16xi32>
    %lt3A_234 = arith.cmpi slt, %rem3A_228, %lt3A_233 : vector<16xi32>
    %lt3A_235 = arith.constant 0 : i32
    %lt3A_236 = arith.cmpi slt, %select_n3A_226, %lt3A_235 : i32
    %ne3A_237 = vector.broadcast %lt3A_236 : i1 to vector<16xi1>
    %ne3A_238 = vector.broadcast %ne3A_237 : vector<16xi1> to vector<16xi1>
    %ne3A_239 = arith.xori %lt3A_234, %ne3A_238 : vector<16xi1>
    %and3A_240 = arith.andi %ne3A_239, %ne3A_231 : vector<16xi1>
    %add3A_241 = vector.broadcast %select_n3A_226 : i32 to vector<16xi32>
    %add3A_242 = arith.addi %rem3A_228, %add3A_241 : vector<16xi32>
    %select_n3A_243 = arith.select %and3A_240, %add3A_242, %rem3A_228 : vector<16xi1>, vector<16xi32>
    %swap3A_244 = arith.constant 10096 : index
    %swap3A_245 = tpu.vector_load %arg5[%swap3A_244] {strides = array<i32>} : memref<10240xi32, #tpu.memory_space<vmem>>, vector<16xi32>,
    %swap3A_246 = vector.shape_cast %swap3A_245 : vector<16xi32> to vector<16xi32>
    %swap3A_247 = vector.shape_cast %select_n3A_243 : vector<16xi32> to vector<16xi32>
    tpu.vector_store %arg5[%swap3A_244], %swap3A_247 {strides = array<i32>} : memref<10240xi32, #tpu.memory_space<vmem>>, vector<16xi32>,
    %iota3A_248 = tpu.iota {dimensions = array<i32: 0>} : vector<16xi32>
    %add3A_249 = arith.constant 10112 : i32
    %add3A_250 = vector.broadcast %add3A_249 : i32 to vector<16xi32>
    %add3A_251 = arith.addi %add3A_250, %iota3A_248 : vector<16xi32>
    %jit3A_252 = arith.constant 128 : i32
    %eq3A_253 = arith.constant 0 : i32
    %eq3A_254 = arith.cmpi eq, %jit3A_252, %eq3A_253 : i32
    %jit3A_255 = arith.constant 1 : i32
    %select_n3A_256 = arith.select %eq3A_254, %jit3A_255, %jit3A_252 : i32
    %rem3A_257 = vector.broadcast %select_n3A_256 : i32 to vector<16xi32>
    %rem3A_258 = arith.remsi %add3A_251, %rem3A_257 : vector<16xi32>
    %ne3A_259 = arith.constant 0 : i32
    %ne3A_260 = vector.broadcast %ne3A_259 : i32 to vector<16xi32>
    %ne3A_261 = arith.cmpi ne, %rem3A_258, %ne3A_260 : vector<16xi32>
    %lt3A_262 = arith.constant 0 : i32
    %lt3A_263 = vector.broadcast %lt3A_262 : i32 to vector<16xi32>
    %lt3A_264 = arith.cmpi slt, %rem3A_258, %lt3A_263 : vector<16xi32>
    %lt3A_265 = arith.constant 0 : i32
    %lt3A_266 = arith.cmpi slt, %select_n3A_256, %lt3A_265 : i32
    %ne3A_267 = vector.broadcast %lt3A_266 : i1 to vector<16xi1>
    %ne3A_268 = vector.broadcast %ne3A_267 : vector<16xi1> to vector<16xi1>
    %ne3A_269 = arith.xori %lt3A_264, %ne3A_268 : vector<16xi1>
    %and3A_270 = arith.andi %ne3A_269, %ne3A_261 : vector<16xi1>
    %add3A_271 = vector.broadcast %select_n3A_256 : i32 to vector<16xi32>
    %add3A_272 = arith.addi %rem3A_258, %add3A_271 : vector<16xi32>
    %select_n3A_273 = arith.select %and3A_270, %add3A_272, %rem3A_258 : vector<16xi1>, vector<16xi32>
    %swap3A_274 = arith.constant 10112 : index
    %swap3A_275 = tpu.vector_load %arg5[%swap3A_274] {strides = array<i32>} : memref<10240xi32, #tpu.memory_space<vmem>>, vector<16xi32>,
    %swap3A_276 = vector.shape_cast %swap3A_275 : vector<16xi32> to vector<16xi32>
    %swap3A_277 = vector.shape_cast %select_n3A_273 : vector<16xi32> to vector<16xi32>
    tpu.vector_store %arg5[%swap3A_274], %swap3A_277 {strides = array<i32>} : memref<10240xi32, #tpu.memory_space<vmem>>, vector<16xi32>,
    %iota3A_278 = tpu.iota {dimensions = array<i32: 0>} : vector<16xi32>
    %add3A_279 = arith.constant 10128 : i32
    %add3A_280 = vector.broadcast %add3A_279 : i32 to vector<16xi32>
    %add3A_281 = arith.addi %add3A_280, %iota3A_278 : vector<16xi32>
    %jit3A_282 = arith.constant 128 : i32
    %eq3A_283 = arith.constant 0 : i32
    %eq3A_284 = arith.cmpi eq, %jit3A_282, %eq3A_283 : i32
    %jit3A_285 = arith.constant 1 : i32
    %select_n3A_286 = arith.select %eq3A_284, %jit3A_285, %jit3A_282 : i32
    %rem3A_287 = vector.broadcast %select_n3A_286 : i32 to vector<16xi32>
    %rem3A_288 = arith.remsi %add3A_281, %rem3A_287 : vector<16xi32>
    %ne3A_289 = arith.constant 0 : i32
    %ne3A_290 = vector.broadcast %ne3A_289 : i32 to vector<16xi32>
    %ne3A_291 = arith.cmpi ne, %rem3A_288, %ne3A_290 : vector<16xi32>
    %lt3A_292 = arith.constant 0 : i32
    %lt3A_293 = vector.broadcast %lt3A_292 : i32 to vector<16xi32>
    %lt3A_294 = arith.cmpi slt, %rem3A_288, %lt3A_293 : vector<16xi32>
    %lt3A_295 = arith.constant 0 : i32
    %lt3A_296 = arith.cmpi slt, %select_n3A_286, %lt3A_295 : i32
    %ne3A_297 = vector.broadcast %lt3A_296 : i1 to vector<16xi1>
    %ne3A_298 = vector.broadcast %ne3A_297 : vector<16xi1> to vector<16xi1>
    %ne3A_299 = arith.xori %lt3A_294, %ne3A_298 : vector<16xi1>
    %and3A_300 = arith.andi %ne3A_299, %ne3A_291 : vector<16xi1>
    %add3A_301 = vector.broadcast %select_n3A_286 : i32 to vector<16xi32>
    %add3A_302 = arith.addi %rem3A_288, %add3A_301 : vector<16xi32>
    %select_n3A_303 = arith.select %and3A_300, %add3A_302, %rem3A_288 : vector<16xi1>, vector<16xi32>
    %swap3A_304 = arith.constant 10128 : index
    %swap3A_305 = tpu.vector_load %arg5[%swap3A_304] {strides = array<i32>} : memref<10240xi32, #tpu.memory_space<vmem>>, vector<16xi32>,
    %swap3A_306 = vector.shape_cast %swap3A_305 : vector<16xi32> to vector<16xi32>
    %swap3A_307 = vector.shape_cast %select_n3A_303 : vector<16xi32> to vector<16xi32>
    tpu.vector_store %arg5[%swap3A_304], %swap3A_307 {strides = array<i32>} : memref<10240xi32, #tpu.memory_space<vmem>>, vector<16xi32>,
    %iota3A_308 = tpu.iota {dimensions = array<i32: 0>} : vector<16xi32>
    %add3A_309 = arith.constant 10144 : i32
    %add3A_310 = vector.broadcast %add3A_309 : i32 to vector<16xi32>
    %add3A_311 = arith.addi %add3A_310, %iota3A_308 : vector<16xi32>
    %jit3A_312 = arith.constant 128 : i32
    %eq3A_313 = arith.constant 0 : i32
    %eq3A_314 = arith.cmpi eq, %jit3A_312, %eq3A_313 : i32
    %jit3A_315 = arith.constant 1 : i32
    %select_n3A_316 = arith.select %eq3A_314, %jit3A_315, %jit3A_312 : i32
    %rem3A_317 = vector.broadcast %select_n3A_316 : i32 to vector<16xi32>
    %rem3A_318 = arith.remsi %add3A_311, %rem3A_317 : vector<16xi32>
    %ne3A_319 = arith.constant 0 : i32
    %ne3A_320 = vector.broadcast %ne3A_319 : i32 to vector<16xi32>
    %ne3A_321 = arith.cmpi ne, %rem3A_318, %ne3A_320 : vector<16xi32>
    %lt3A_322 = arith.constant 0 : i32
    %lt3A_323 = vector.broadcast %lt3A_322 : i32 to vector<16xi32>
    %lt3A_324 = arith.cmpi slt, %rem3A_318, %lt3A_323 : vector<16xi32>
    %lt3A_325 = arith.constant 0 : i32
    %lt3A_326 = arith.cmpi slt, %select_n3A_316, %lt3A_325 : i32
    %ne3A_327 = vector.broadcast %lt3A_326 : i1 to vector<16xi1>
    %ne3A_328 = vector.broadcast %ne3A_327 : vector<16xi1> to vector<16xi1>
    %ne3A_329 = arith.xori %lt3A_324, %ne3A_328 : vector<16xi1>
    %and3A_330 = arith.andi %ne3A_329, %ne3A_321 : vector<16xi1>
    %add3A_331 = vector.broadcast %select_n3A_316 : i32 to vector<16xi32>
    %add3A_332 = arith.addi %rem3A_318, %add3A_331 : vector<16xi32>
    %select_n3A_333 = arith.select %and3A_330, %add3A_332, %rem3A_318 : vector<16xi1>, vector<16xi32>
    %swap3A_334 = arith.constant 10144 : index
    %swap3A_335 = tpu.vector_load %arg5[%swap3A_334] {strides = array<i32>} : memref<10240xi32, #tpu.memory_space<vmem>>, vector<16xi32>,
    %swap3A_336 = vector.shape_cast %swap3A_335 : vector<16xi32> to vector<16xi32>
    %swap3A_337 = vector.shape_cast %select_n3A_333 : vector<16xi32> to vector<16xi32>
    tpu.vector_store %arg5[%swap3A_334], %swap3A_337 {strides = array<i32>} : memref<10240xi32, #tpu.memory_space<vmem>>, vector<16xi32>,
    %iota3A_338 = tpu.iota {dimensions = array<i32: 0>} : vector<16xi32>
    %add3A_339 = arith.constant 10160 : i32
    %add3A_340 = vector.broadcast %add3A_339 : i32 to vector<16xi32>
    %add3A_341 = arith.addi %add3A_340, %iota3A_338 : vector<16xi32>
    %jit3A_342 = arith.constant 128 : i32
    %eq3A_343 = arith.constant 0 : i32
    %eq3A_344 = arith.cmpi eq, %jit3A_342, %eq3A_343 : i32
    %jit3A_345 = arith.constant 1 : i32
    %select_n3A_346 = arith.select %eq3A_344, %jit3A_345, %jit3A_342 : i32
    %rem3A_347 = vector.broadcast %select_n3A_346 : i32 to vector<16xi32>
    %rem3A_348 = arith.remsi %add3A_341, %rem3A_347 : vector<16xi32>
    %ne3A_349 = arith.constant 0 : i32
    %ne3A_350 = vector.broadcast %ne3A_349 : i32 to vector<16xi32>
    %ne3A_351 = arith.cmpi ne, %rem3A_348, %ne3A_350 : vector<16xi32>
    %lt3A_352 = arith.constant 0 : i32
    %lt3A_353 = vector.broadcast %lt3A_352 : i32 to vector<16xi32>
    %lt3A_354 = arith.cmpi slt, %rem3A_348, %lt3A_353 : vector<16xi32>
    %lt3A_355 = arith.constant 0 : i32
    %lt3A_356 = arith.cmpi slt, %select_n3A_346, %lt3A_355 : i32
    %ne3A_357 = vector.broadcast %lt3A_356 : i1 to vector<16xi1>
    %ne3A_358 = vector.broadcast %ne3A_357 : vector<16xi1> to vector<16xi1>
    %ne3A_359 = arith.xori %lt3A_354, %ne3A_358 : vector<16xi1>
    %and3A_360 = arith.andi %ne3A_359, %ne3A_351 : vector<16xi1>
    %add3A_361 = vector.broadcast %select_n3A_346 : i32 to vector<16xi32>
    %add3A_362 = arith.addi %rem3A_348, %add3A_361 : vector<16xi32>
    %select_n3A_363 = arith.select %and3A_360, %add3A_362, %rem3A_348 : vector<16xi1>, vector<16xi32>
    %swap3A_364 = arith.constant 10160 : index
    %swap3A_365 = tpu.vector_load %arg5[%swap3A_364] {strides = array<i32>} : memref<10240xi32, #tpu.memory_space<vmem>>, vector<16xi32>,
    %swap3A_366 = vector.shape_cast %swap3A_365 : vector<16xi32> to vector<16xi32>
    %swap3A_367 = vector.shape_cast %select_n3A_363 : vector<16xi32> to vector<16xi32>
    tpu.vector_store %arg5[%swap3A_364], %swap3A_367 {strides = array<i32>} : memref<10240xi32, #tpu.memory_space<vmem>>, vector<16xi32>,
    %iota3A_368 = tpu.iota {dimensions = array<i32: 0>} : vector<16xi32>
    %add3A_369 = arith.constant 10176 : i32
    %add3A_370 = vector.broadcast %add3A_369 : i32 to vector<16xi32>
    %add3A_371 = arith.addi %add3A_370, %iota3A_368 : vector<16xi32>
    %jit3A_372 = arith.constant 128 : i32
    %eq3A_373 = arith.constant 0 : i32
    %eq3A_374 = arith.cmpi eq, %jit3A_372, %eq3A_373 : i32
    %jit3A_375 = arith.constant 1 : i32
    %select_n3A_376 = arith.select %eq3A_374, %jit3A_375, %jit3A_372 : i32
    %rem3A_377 = vector.broadcast %select_n3A_376 : i32 to vector<16xi32>
    %rem3A_378 = arith.remsi %add3A_371, %rem3A_377 : vector<16xi32>
    %ne3A_379 = arith.constant 0 : i32
    %ne3A_380 = vector.broadcast %ne3A_379 : i32 to vector<16xi32>
    %ne3A_381 = arith.cmpi ne, %rem3A_378, %ne3A_380 : vector<16xi32>
    %lt3A_382 = arith.constant 0 : i32
    %lt3A_383 = vector.broadcast %lt3A_382 : i32 to vector<16xi32>
    %lt3A_384 = arith.cmpi slt, %rem3A_378, %lt3A_383 : vector<16xi32>
    %lt3A_385 = arith.constant 0 : i32
    %lt3A_386 = arith.cmpi slt, %select_n3A_376, %lt3A_385 : i32
    %ne3A_387 = vector.broadcast %lt3A_386 : i1 to vector<16xi1>
    %ne3A_388 = vector.broadcast %ne3A_387 : vector<16xi1> to vector<16xi1>
    %ne3A_389 = arith.xori %lt3A_384, %ne3A_388 : vector<16xi1>
    %and3A_390 = arith.andi %ne3A_389, %ne3A_381 : vector<16xi1>
    %add3A_391 = vector.broadcast %select_n3A_376 : i32 to vector<16xi32>
    %add3A_392 = arith.addi %rem3A_378, %add3A_391 : vector<16xi32>
    %select_n3A_393 = arith.select %and3A_390, %add3A_392, %rem3A_378 : vector<16xi1>, vector<16xi32>
    %swap3A_394 = arith.constant 10176 : index
    %swap3A_395 = tpu.vector_load %arg5[%swap3A_394] {strides = array<i32>} : memref<10240xi32, #tpu.memory_space<vmem>>, vector<16xi32>,
    %swap3A_396 = vector.shape_cast %swap3A_395 : vector<16xi32> to vector<16xi32>
    %swap3A_397 = vector.shape_cast %select_n3A_393 : vector<16xi32> to vector<16xi32>
    tpu.vector_store %arg5[%swap3A_394], %swap3A_397 {strides = array<i32>} : memref<10240xi32, #tpu.memory_space<vmem>>, vector<16xi32>,
    %iota3A_398 = tpu.iota {dimensions = array<i32: 0>} : vector<16xi32>
    %add3A_399 = arith.constant 10192 : i32
    %add3A_400 = vector.broadcast %add3A_399 : i32 to vector<16xi32>
    %add3A_401 = arith.addi %add3A_400, %iota3A_398 : vector<16xi32>
    %jit3A_402 = arith.constant 128 : i32
    %eq3A_403 = arith.constant 0 : i32
    %eq3A_404 = arith.cmpi eq, %jit3A_402, %eq3A_403 : i32
    %jit3A_405 = arith.constant 1 : i32
    %select_n3A_406 = arith.select %eq3A_404, %jit3A_405, %jit3A_402 : i32
    %rem3A_407 = vector.broadcast %select_n3A_406 : i32 to vector<16xi32>
    %rem3A_408 = arith.remsi %add3A_401, %rem3A_407 : vector<16xi32>
    %ne3A_409 = arith.constant 0 : i32
    %ne3A_410 = vector.broadcast %ne3A_409 : i32 to vector<16xi32>
    %ne3A_411 = arith.cmpi ne, %rem3A_408, %ne3A_410 : vector<16xi32>
    %lt3A_412 = arith.constant 0 : i32
    %lt3A_413 = vector.broadcast %lt3A_412 : i32 to vector<16xi32>
    %lt3A_414 = arith.cmpi slt, %rem3A_408, %lt3A_413 : vector<16xi32>
    %lt3A_415 = arith.constant 0 : i32
    %lt3A_416 = arith.cmpi slt, %select_n3A_406, %lt3A_415 : i32
    %ne3A_417 = vector.broadcast %lt3A_416 : i1 to vector<16xi1>
    %ne3A_418 = vector.broadcast %ne3A_417 : vector<16xi1> to vector<16xi1>
    %ne3A_419 = arith.xori %lt3A_414, %ne3A_418 : vector<16xi1>
    %and3A_420 = arith.andi %ne3A_419, %ne3A_411 : vector<16xi1>
    %add3A_421 = vector.broadcast %select_n3A_406 : i32 to vector<16xi32>
    %add3A_422 = arith.addi %rem3A_408, %add3A_421 : vector<16xi32>
    %select_n3A_423 = arith.select %and3A_420, %add3A_422, %rem3A_408 : vector<16xi1>, vector<16xi32>
    %swap3A_424 = arith.constant 10192 : index
    %swap3A_425 = tpu.vector_load %arg5[%swap3A_424] {strides = array<i32>} : memref<10240xi32, #tpu.memory_space<vmem>>, vector<16xi32>,
    %swap3A_426 = vector.shape_cast %swap3A_425 : vector<16xi32> to vector<16xi32>
    %swap3A_427 = vector.shape_cast %select_n3A_423 : vector<16xi32> to vector<16xi32>
    tpu.vector_store %arg5[%swap3A_424], %swap3A_427 {strides = array<i32>} : memref<10240xi32, #tpu.memory_space<vmem>>, vector<16xi32>,
    %iota3A_428 = tpu.iota {dimensions = array<i32: 0>} : vector<16xi32>
    %add3A_429 = arith.constant 10208 : i32
    %add3A_430 = vector.broadcast %add3A_429 : i32 to vector<16xi32>
    %add3A_431 = arith.addi %add3A_430, %iota3A_428 : vector<16xi32>
    %jit3A_432 = arith.constant 128 : i32
    %eq3A_433 = arith.constant 0 : i32
    %eq3A_434 = arith.cmpi eq, %jit3A_432, %eq3A_433 : i32
    %jit3A_435 = arith.constant 1 : i32
    %select_n3A_436 = arith.select %eq3A_434, %jit3A_435, %jit3A_432 : i32
    %rem3A_437 = vector.broadcast %select_n3A_436 : i32 to vector<16xi32>
    %rem3A_438 = arith.remsi %add3A_431, %rem3A_437 : vector<16xi32>
    %ne3A_439 = arith.constant 0 : i32
    %ne3A_440 = vector.broadcast %ne3A_439 : i32 to vector<16xi32>
    %ne3A_441 = arith.cmpi ne, %rem3A_438, %ne3A_440 : vector<16xi32>
    %lt3A_442 = arith.constant 0 : i32
    %lt3A_443 = vector.broadcast %lt3A_442 : i32 to vector<16xi32>
    %lt3A_444 = arith.cmpi slt, %rem3A_438, %lt3A_443 : vector<16xi32>
    %lt3A_445 = arith.constant 0 : i32
    %lt3A_446 = arith.cmpi slt, %select_n3A_436, %lt3A_445 : i32
    %ne3A_447 = vector.broadcast %lt3A_446 : i1 to vector<16xi1>
    %ne3A_448 = vector.broadcast %ne3A_447 : vector<16xi1> to vector<16xi1>
    %ne3A_449 = arith.xori %lt3A_444, %ne3A_448 : vector<16xi1>
    %and3A_450 = arith.andi %ne3A_449, %ne3A_441 : vector<16xi1>
    %add3A_451 = vector.broadcast %select_n3A_436 : i32 to vector<16xi32>
    %add3A_452 = arith.addi %rem3A_438, %add3A_451 : vector<16xi32>
    %select_n3A_453 = arith.select %and3A_450, %add3A_452, %rem3A_438 : vector<16xi1>, vector<16xi32>
    %swap3A_454 = arith.constant 10208 : index
    %swap3A_455 = tpu.vector_load %arg5[%swap3A_454] {strides = array<i32>} : memref<10240xi32, #tpu.memory_space<vmem>>, vector<16xi32>,
    %swap3A_456 = vector.shape_cast %swap3A_455 : vector<16xi32> to vector<16xi32>
    %swap3A_457 = vector.shape_cast %select_n3A_453 : vector<16xi32> to vector<16xi32>
    tpu.vector_store %arg5[%swap3A_454], %swap3A_457 {strides = array<i32>} : memref<10240xi32, #tpu.memory_space<vmem>>, vector<16xi32>,
    %iota3A_458 = tpu.iota {dimensions = array<i32: 0>} : vector<16xi32>
    %add3A_459 = arith.constant 10224 : i32
    %add3A_460 = vector.broadcast %add3A_459 : i32 to vector<16xi32>
    %add3A_461 = arith.addi %add3A_460, %iota3A_458 : vector<16xi32>
    %jit3A_462 = arith.constant 128 : i32
    %eq3A_463 = arith.constant 0 : i32
    %eq3A_464 = arith.cmpi eq, %jit3A_462, %eq3A_463 : i32
    %jit3A_465 = arith.constant 1 : i32
    %select_n3A_466 = arith.select %eq3A_464, %jit3A_465, %jit3A_462 : i32
    %rem3A_467 = vector.broadcast %select_n3A_466 : i32 to vector<16xi32>
    %rem3A_468 = arith.remsi %add3A_461, %rem3A_467 : vector<16xi32>
    %ne3A_469 = arith.constant 0 : i32
    %ne3A_470 = vector.broadcast %ne3A_469 : i32 to vector<16xi32>
    %ne3A_471 = arith.cmpi ne, %rem3A_468, %ne3A_470 : vector<16xi32>
    %lt3A_472 = arith.constant 0 : i32
    %lt3A_473 = vector.broadcast %lt3A_472 : i32 to vector<16xi32>
    %lt3A_474 = arith.cmpi slt, %rem3A_468, %lt3A_473 : vector<16xi32>
    %lt3A_475 = arith.constant 0 : i32
    %lt3A_476 = arith.cmpi slt, %select_n3A_466, %lt3A_475 : i32
    %ne3A_477 = vector.broadcast %lt3A_476 : i1 to vector<16xi1>
    %ne3A_478 = vector.broadcast %ne3A_477 : vector<16xi1> to vector<16xi1>
    %ne3A_479 = arith.xori %lt3A_474, %ne3A_478 : vector<16xi1>
    %and3A_480 = arith.andi %ne3A_479, %ne3A_471 : vector<16xi1>
    %add3A_481 = vector.broadcast %select_n3A_466 : i32 to vector<16xi32>
    %add3A_482 = arith.addi %rem3A_468, %add3A_481 : vector<16xi32>
    %select_n3A_483 = arith.select %and3A_480, %add3A_482, %rem3A_468 : vector<16xi1>, vector<16xi32>
    %swap3A_484 = arith.constant 10224 : index
    %swap3A_485 = tpu.vector_load %arg5[%swap3A_484] {strides = array<i32>} : memref<10240xi32, #tpu.memory_space<vmem>>, vector<16xi32>,
    %swap3A_486 = vector.shape_cast %swap3A_485 : vector<16xi32> to vector<16xi32>
    %swap3A_487 = vector.shape_cast %select_n3A_483 : vector<16xi32> to vector<16xi32>
    tpu.vector_store %arg5[%swap3A_484], %swap3A_487 {strides = array<i32>} : memref<10240xi32, #tpu.memory_space<vmem>>, vector<16xi32>,
    %scan3A_488 = arith.constant 0 : i32
    %scan3A_489 = arith.constant 0 : i32
    %scan3A_490 = arith.constant 78 : i32
    %scan3A_491 = arith.addi %scan3A_489, %scan3A_490 : i32
    %scan3A_492 = arith.constant 1 : i32
    scf.for %scan3A_1190 = %scan3A_489 to %scan3A_491 step %scan3A_492  : i32 {
      %mul3A_1191 = arith.constant 128 : i32
      %mul3A_1192 = arith.muli %scan3A_1190, %mul3A_1191 : i32
      %add3A_1193 = arith.constant 0 : i32
      %add3A_1194 = arith.addi %mul3A_1192, %add3A_1193 : i32
      %get3A_1195 = arith.index_cast %add3A_1194 : i32 to index
      %get3A_1196 = tpu.vector_load %arg6[%get3A_1195] {strides = array<i32>} : memref<10240xi32, #tpu.memory_space<vmem>>, vector<16xi32>,
      %get3A_1197 = vector.shape_cast %get3A_1196 : vector<16xi32> to vector<16xi32>
      %swap3A_1198 = arith.index_cast %scan3A_1190 : i32 to index
      %swap3A_1199 = arith.constant 0 : index
      %swap3A_1200 = tpu.vector_load %arg7[%swap3A_1198, %swap3A_1199] {strides = array<i32>} : memref<80x128xi32, #tpu.memory_space<vmem>>, vector<1x16xi32>,
      %swap3A_1201 = vector.shape_cast %swap3A_1200 : vector<1x16xi32> to vector<16xi32>
      %swap3A_1202 = vector.shape_cast %get3A_1197 : vector<16xi32> to vector<1x16xi32>
      tpu.vector_store %arg7[%swap3A_1198, %swap3A_1199], %swap3A_1202 {strides = array<i32>} : memref<80x128xi32, #tpu.memory_space<vmem>>, vector<1x16xi32>,
      %mul3A_1203 = arith.constant 128 : i32
      %mul3A_1204 = arith.muli %scan3A_1190, %mul3A_1203 : i32
      %add3A_1205 = arith.constant 16 : i32
      %add3A_1206 = arith.addi %mul3A_1204, %add3A_1205 : i32
      %get3A_1207 = arith.index_cast %add3A_1206 : i32 to index
      %get3A_1208 = tpu.vector_load %arg6[%get3A_1207] {strides = array<i32>} : memref<10240xi32, #tpu.memory_space<vmem>>, vector<16xi32>,
      %get3A_1209 = vector.shape_cast %get3A_1208 : vector<16xi32> to vector<16xi32>
      %swap3A_1210 = arith.index_cast %scan3A_1190 : i32 to index
      %swap3A_1211 = arith.constant 16 : index
      %swap3A_1212 = tpu.vector_load %arg7[%swap3A_1210, %swap3A_1211] {strides = array<i32>} : memref<80x128xi32, #tpu.memory_space<vmem>>, vector<1x16xi32>,
      %swap3A_1213 = vector.shape_cast %swap3A_1212 : vector<1x16xi32> to vector<16xi32>
      %swap3A_1214 = vector.shape_cast %get3A_1209 : vector<16xi32> to vector<1x16xi32>
      tpu.vector_store %arg7[%swap3A_1210, %swap3A_1211], %swap3A_1214 {strides = array<i32>} : memref<80x128xi32, #tpu.memory_space<vmem>>, vector<1x16xi32>,
      %mul3A_1215 = arith.constant 128 : i32
      %mul3A_1216 = arith.muli %scan3A_1190, %mul3A_1215 : i32
      %add3A_1217 = arith.constant 32 : i32
      %add3A_1218 = arith.addi %mul3A_1216, %add3A_1217 : i32
      %get3A_1219 = arith.index_cast %add3A_1218 : i32 to index
      %get3A_1220 = tpu.vector_load %arg6[%get3A_1219] {strides = array<i32>} : memref<10240xi32, #tpu.memory_space<vmem>>, vector<16xi32>,
      %get3A_1221 = vector.shape_cast %get3A_1220 : vector<16xi32> to vector<16xi32>
      %swap3A_1222 = arith.index_cast %scan3A_1190 : i32 to index
      %swap3A_1223 = arith.constant 32 : index
      %swap3A_1224 = tpu.vector_load %arg7[%swap3A_1222, %swap3A_1223] {strides = array<i32>} : memref<80x128xi32, #tpu.memory_space<vmem>>, vector<1x16xi32>,
      %swap3A_1225 = vector.shape_cast %swap3A_1224 : vector<1x16xi32> to vector<16xi32>
      %swap3A_1226 = vector.shape_cast %get3A_1221 : vector<16xi32> to vector<1x16xi32>
      tpu.vector_store %arg7[%swap3A_1222, %swap3A_1223], %swap3A_1226 {strides = array<i32>} : memref<80x128xi32, #tpu.memory_space<vmem>>, vector<1x16xi32>,
      %mul3A_1227 = arith.constant 128 : i32
      %mul3A_1228 = arith.muli %scan3A_1190, %mul3A_1227 : i32
      %add3A_1229 = arith.constant 48 : i32
      %add3A_1230 = arith.addi %mul3A_1228, %add3A_1229 : i32
      %get3A_1231 = arith.index_cast %add3A_1230 : i32 to index
      %get3A_1232 = tpu.vector_load %arg6[%get3A_1231] {strides = array<i32>} : memref<10240xi32, #tpu.memory_space<vmem>>, vector<16xi32>,
      %get3A_1233 = vector.shape_cast %get3A_1232 : vector<16xi32> to vector<16xi32>
      %swap3A_1234 = arith.index_cast %scan3A_1190 : i32 to index
      %swap3A_1235 = arith.constant 48 : index
      %swap3A_1236 = tpu.vector_load %arg7[%swap3A_1234, %swap3A_1235] {strides = array<i32>} : memref<80x128xi32, #tpu.memory_space<vmem>>, vector<1x16xi32>,
      %swap3A_1237 = vector.shape_cast %swap3A_1236 : vector<1x16xi32> to vector<16xi32>
      %swap3A_1238 = vector.shape_cast %get3A_1233 : vector<16xi32> to vector<1x16xi32>
      tpu.vector_store %arg7[%swap3A_1234, %swap3A_1235], %swap3A_1238 {strides = array<i32>} : memref<80x128xi32, #tpu.memory_space<vmem>>, vector<1x16xi32>,
      %mul3A_1239 = arith.constant 128 : i32
      %mul3A_1240 = arith.muli %scan3A_1190, %mul3A_1239 : i32
      %add3A_1241 = arith.constant 64 : i32
      %add3A_1242 = arith.addi %mul3A_1240, %add3A_1241 : i32
      %get3A_1243 = arith.index_cast %add3A_1242 : i32 to index
      %get3A_1244 = tpu.vector_load %arg6[%get3A_1243] {strides = array<i32>} : memref<10240xi32, #tpu.memory_space<vmem>>, vector<16xi32>,
      %get3A_1245 = vector.shape_cast %get3A_1244 : vector<16xi32> to vector<16xi32>
      %swap3A_1246 = arith.index_cast %scan3A_1190 : i32 to index
      %swap3A_1247 = arith.constant 64 : index
      %swap3A_1248 = tpu.vector_load %arg7[%swap3A_1246, %swap3A_1247] {strides = array<i32>} : memref<80x128xi32, #tpu.memory_space<vmem>>, vector<1x16xi32>,
      %swap3A_1249 = vector.shape_cast %swap3A_1248 : vector<1x16xi32> to vector<16xi32>
      %swap3A_1250 = vector.shape_cast %get3A_1245 : vector<16xi32> to vector<1x16xi32>
      tpu.vector_store %arg7[%swap3A_1246, %swap3A_1247], %swap3A_1250 {strides = array<i32>} : memref<80x128xi32, #tpu.memory_space<vmem>>, vector<1x16xi32>,
      %mul3A_1251 = arith.constant 128 : i32
      %mul3A_1252 = arith.muli %scan3A_1190, %mul3A_1251 : i32
      %add3A_1253 = arith.constant 80 : i32
      %add3A_1254 = arith.addi %mul3A_1252, %add3A_1253 : i32
      %get3A_1255 = arith.index_cast %add3A_1254 : i32 to index
      %get3A_1256 = tpu.vector_load %arg6[%get3A_1255] {strides = array<i32>} : memref<10240xi32, #tpu.memory_space<vmem>>, vector<16xi32>,
      %get3A_1257 = vector.shape_cast %get3A_1256 : vector<16xi32> to vector<16xi32>
      %swap3A_1258 = arith.index_cast %scan3A_1190 : i32 to index
      %swap3A_1259 = arith.constant 80 : index
      %swap3A_1260 = tpu.vector_load %arg7[%swap3A_1258, %swap3A_1259] {strides = array<i32>} : memref<80x128xi32, #tpu.memory_space<vmem>>, vector<1x16xi32>,
      %swap3A_1261 = vector.shape_cast %swap3A_1260 : vector<1x16xi32> to vector<16xi32>
      %swap3A_1262 = vector.shape_cast %get3A_1257 : vector<16xi32> to vector<1x16xi32>
      tpu.vector_store %arg7[%swap3A_1258, %swap3A_1259], %swap3A_1262 {strides = array<i32>} : memref<80x128xi32, #tpu.memory_space<vmem>>, vector<1x16xi32>,
      %mul3A_1263 = arith.constant 128 : i32
      %mul3A_1264 = arith.muli %scan3A_1190, %mul3A_1263 : i32
      %add3A_1265 = arith.constant 96 : i32
      %add3A_1266 = arith.addi %mul3A_1264, %add3A_1265 : i32
      %get3A_1267 = arith.index_cast %add3A_1266 : i32 to index
      %get3A_1268 = tpu.vector_load %arg6[%get3A_1267] {strides = array<i32>} : memref<10240xi32, #tpu.memory_space<vmem>>, vector<16xi32>,
      %get3A_1269 = vector.shape_cast %get3A_1268 : vector<16xi32> to vector<16xi32>
      %swap3A_1270 = arith.index_cast %scan3A_1190 : i32 to index
      %swap3A_1271 = arith.constant 96 : index
      %swap3A_1272 = tpu.vector_load %arg7[%swap3A_1270, %swap3A_1271] {strides = array<i32>} : memref<80x128xi32, #tpu.memory_space<vmem>>, vector<1x16xi32>,
      %swap3A_1273 = vector.shape_cast %swap3A_1272 : vector<1x16xi32> to vector<16xi32>
      %swap3A_1274 = vector.shape_cast %get3A_1269 : vector<16xi32> to vector<1x16xi32>
      tpu.vector_store %arg7[%swap3A_1270, %swap3A_1271], %swap3A_1274 {strides = array<i32>} : memref<80x128xi32, #tpu.memory_space<vmem>>, vector<1x16xi32>,
      %mul3A_1275 = arith.constant 128 : i32
      %mul3A_1276 = arith.muli %scan3A_1190, %mul3A_1275 : i32
      %add3A_1277 = arith.constant 112 : i32
      %add3A_1278 = arith.addi %mul3A_1276, %add3A_1277 : i32
      %get3A_1279 = arith.index_cast %add3A_1278 : i32 to index
      %get3A_1280 = tpu.vector_load %arg6[%get3A_1279] {strides = array<i32>} : memref<10240xi32, #tpu.memory_space<vmem>>, vector<16xi32>,
      %get3A_1281 = vector.shape_cast %get3A_1280 : vector<16xi32> to vector<16xi32>
      %swap3A_1282 = arith.index_cast %scan3A_1190 : i32 to index
      %swap3A_1283 = arith.constant 112 : index
      %swap3A_1284 = tpu.vector_load %arg7[%swap3A_1282, %swap3A_1283] {strides = array<i32>} : memref<80x128xi32, #tpu.memory_space<vmem>>, vector<1x16xi32>,
      %swap3A_1285 = vector.shape_cast %swap3A_1284 : vector<1x16xi32> to vector<16xi32>
      %swap3A_1286 = vector.shape_cast %get3A_1281 : vector<16xi32> to vector<1x16xi32>
      tpu.vector_store %arg7[%swap3A_1282, %swap3A_1283], %swap3A_1286 {strides = array<i32>} : memref<80x128xi32, #tpu.memory_space<vmem>>, vector<1x16xi32>,
    }
    %scan3A_493 = arith.constant 78 : i32
    %get3A = arith.constant 9984 : index
    %get3A_494 = tpu.vector_load %arg6[%get3A] {strides = array<i32>} : memref<10240xi32, #tpu.memory_space<vmem>>, vector<16xi32>,
    %get3A_495 = vector.shape_cast %get3A_494 : vector<16xi32> to vector<16xi32>
    %swap3A_496 = arith.constant 78 : i32
    %swap3A_497 = arith.index_cast %swap3A_496 : i32 to index
    %swap3A_498 = arith.constant 0 : index
    %swap3A_499 = tpu.vector_load %arg7[%swap3A_497, %swap3A_498] {strides = array<i32>} : memref<80x128xi32, #tpu.memory_space<vmem>>, vector<1x16xi32>,
    %swap3A_500 = vector.shape_cast %swap3A_499 : vector<1x16xi32> to vector<16xi32>
    %swap3A_501 = vector.shape_cast %get3A_495 : vector<16xi32> to vector<1x16xi32>
    tpu.vector_store %arg7[%swap3A_497, %swap3A_498], %swap3A_501 {strides = array<i32>} : memref<80x128xi32, #tpu.memory_space<vmem>>, vector<1x16xi32>,
    %mul3A_502 = arith.constant 31 : i32
    %mul3A_503 = arith.muli %arg1, %mul3A_502 : i32
    %add3A_504 = arith.constant 16 : i32
    %add3A_505 = arith.addi %mul3A_503, %add3A_504 : i32
    %iota3A_506 = tpu.iota {dimensions = array<i32: 0>} : vector<16xi32>
    %add3A_507 = vector.broadcast %add3A_505 : i32 to vector<16xi32>
    %add3A_508 = arith.addi %add3A_507, %iota3A_506 : vector<16xi32>
    %jit3A_509 = arith.constant 240 : i32
    %eq3A_510 = arith.constant 0 : i32
    %eq3A_511 = arith.cmpi eq, %jit3A_509, %eq3A_510 : i32
    %jit3A_512 = arith.constant 1 : i32
    %select_n3A_513 = arith.select %eq3A_511, %jit3A_512, %jit3A_509 : i32
    %rem3A_514 = vector.broadcast %select_n3A_513 : i32 to vector<16xi32>
    %rem3A_515 = arith.remsi %add3A_508, %rem3A_514 : vector<16xi32>
    %ne3A_516 = arith.constant 0 : i32
    %ne3A_517 = vector.broadcast %ne3A_516 : i32 to vector<16xi32>
    %ne3A_518 = arith.cmpi ne, %rem3A_515, %ne3A_517 : vector<16xi32>
    %lt3A_519 = arith.constant 0 : i32
    %lt3A_520 = vector.broadcast %lt3A_519 : i32 to vector<16xi32>
    %lt3A_521 = arith.cmpi slt, %rem3A_515, %lt3A_520 : vector<16xi32>
    %lt3A_522 = arith.constant 0 : i32
    %lt3A_523 = arith.cmpi slt, %select_n3A_513, %lt3A_522 : i32
    %ne3A_524 = vector.broadcast %lt3A_523 : i1 to vector<16xi1>
    %ne3A_525 = vector.broadcast %ne3A_524 : vector<16xi1> to vector<16xi1>
    %ne3A_526 = arith.xori %lt3A_521, %ne3A_525 : vector<16xi1>
    %and3A_527 = arith.andi %ne3A_526, %ne3A_518 : vector<16xi1>
    %add3A_528 = vector.broadcast %select_n3A_513 : i32 to vector<16xi32>
    %add3A_529 = arith.addi %rem3A_515, %add3A_528 : vector<16xi32>
    %select_n3A_530 = arith.select %and3A_527, %add3A_529, %rem3A_515 : vector<16xi1>, vector<16xi32>
    %add3A_531 = arith.constant 10000 : i32
    %add3A_532 = vector.broadcast %add3A_531 : i32 to vector<16xi32>
    %add3A_533 = arith.addi %add3A_532, %select_n3A_530 : vector<16xi32>
    %swap3A_534 = arith.constant 78 : i32
    %swap3A_535 = arith.index_cast %swap3A_534 : i32 to index
    %swap3A_536 = arith.constant 16 : index
    %swap3A_537 = tpu.vector_load %arg7[%swap3A_535, %swap3A_536] {strides = array<i32>} : memref<80x128xi32, #tpu.memory_space<vmem>>, vector<1x16xi32>,
    %swap3A_538 = vector.shape_cast %swap3A_537 : vector<1x16xi32> to vector<16xi32>
    %swap3A_539 = vector.shape_cast %add3A_533 : vector<16xi32> to vector<1x16xi32>
    tpu.vector_store %arg7[%swap3A_535, %swap3A_536], %swap3A_539 {strides = array<i32>} : memref<80x128xi32, #tpu.memory_space<vmem>>, vector<1x16xi32>,
    %mul3A_540 = arith.constant 31 : i32
    %mul3A_541 = arith.muli %arg1, %mul3A_540 : i32
    %add3A_542 = arith.constant 32 : i32
    %add3A_543 = arith.addi %mul3A_541, %add3A_542 : i32
    %iota3A_544 = tpu.iota {dimensions = array<i32: 0>} : vector<16xi32>
    %add3A_545 = vector.broadcast %add3A_543 : i32 to vector<16xi32>
    %add3A_546 = arith.addi %add3A_545, %iota3A_544 : vector<16xi32>
    %jit3A_547 = arith.constant 240 : i32
    %eq3A_548 = arith.constant 0 : i32
    %eq3A_549 = arith.cmpi eq, %jit3A_547, %eq3A_548 : i32
    %jit3A_550 = arith.constant 1 : i32
    %select_n3A_551 = arith.select %eq3A_549, %jit3A_550, %jit3A_547 : i32
    %rem3A_552 = vector.broadcast %select_n3A_551 : i32 to vector<16xi32>
    %rem3A_553 = arith.remsi %add3A_546, %rem3A_552 : vector<16xi32>
    %ne3A_554 = arith.constant 0 : i32
    %ne3A_555 = vector.broadcast %ne3A_554 : i32 to vector<16xi32>
    %ne3A_556 = arith.cmpi ne, %rem3A_553, %ne3A_555 : vector<16xi32>
    %lt3A_557 = arith.constant 0 : i32
    %lt3A_558 = vector.broadcast %lt3A_557 : i32 to vector<16xi32>
    %lt3A_559 = arith.cmpi slt, %rem3A_553, %lt3A_558 : vector<16xi32>
    %lt3A_560 = arith.constant 0 : i32
    %lt3A_561 = arith.cmpi slt, %select_n3A_551, %lt3A_560 : i32
    %ne3A_562 = vector.broadcast %lt3A_561 : i1 to vector<16xi1>
    %ne3A_563 = vector.broadcast %ne3A_562 : vector<16xi1> to vector<16xi1>
    %ne3A_564 = arith.xori %lt3A_559, %ne3A_563 : vector<16xi1>
    %and3A_565 = arith.andi %ne3A_564, %ne3A_556 : vector<16xi1>
    %add3A_566 = vector.broadcast %select_n3A_551 : i32 to vector<16xi32>
    %add3A_567 = arith.addi %rem3A_553, %add3A_566 : vector<16xi32>
    %select_n3A_568 = arith.select %and3A_565, %add3A_567, %rem3A_553 : vector<16xi1>, vector<16xi32>
    %add3A_569 = arith.constant 10000 : i32
    %add3A_570 = vector.broadcast %add3A_569 : i32 to vector<16xi32>
    %add3A_571 = arith.addi %add3A_570, %select_n3A_568 : vector<16xi32>
    %swap3A_572 = arith.constant 78 : i32
    %swap3A_573 = arith.index_cast %swap3A_572 : i32 to index
    %swap3A_574 = arith.constant 32 : index
    %swap3A_575 = tpu.vector_load %arg7[%swap3A_573, %swap3A_574] {strides = array<i32>} : memref<80x128xi32, #tpu.memory_space<vmem>>, vector<1x16xi32>,
    %swap3A_576 = vector.shape_cast %swap3A_575 : vector<1x16xi32> to vector<16xi32>
    %swap3A_577 = vector.shape_cast %add3A_571 : vector<16xi32> to vector<1x16xi32>
    tpu.vector_store %arg7[%swap3A_573, %swap3A_574], %swap3A_577 {strides = array<i32>} : memref<80x128xi32, #tpu.memory_space<vmem>>, vector<1x16xi32>,
    %mul3A_578 = arith.constant 31 : i32
    %mul3A_579 = arith.muli %arg1, %mul3A_578 : i32
    %add3A_580 = arith.constant 48 : i32
    %add3A_581 = arith.addi %mul3A_579, %add3A_580 : i32
    %iota3A_582 = tpu.iota {dimensions = array<i32: 0>} : vector<16xi32>
    %add3A_583 = vector.broadcast %add3A_581 : i32 to vector<16xi32>
    %add3A_584 = arith.addi %add3A_583, %iota3A_582 : vector<16xi32>
    %jit3A_585 = arith.constant 240 : i32
    %eq3A_586 = arith.constant 0 : i32
    %eq3A_587 = arith.cmpi eq, %jit3A_585, %eq3A_586 : i32
    %jit3A_588 = arith.constant 1 : i32
    %select_n3A_589 = arith.select %eq3A_587, %jit3A_588, %jit3A_585 : i32
    %rem3A_590 = vector.broadcast %select_n3A_589 : i32 to vector<16xi32>
    %rem3A_591 = arith.remsi %add3A_584, %rem3A_590 : vector<16xi32>
    %ne3A_592 = arith.constant 0 : i32
    %ne3A_593 = vector.broadcast %ne3A_592 : i32 to vector<16xi32>
    %ne3A_594 = arith.cmpi ne, %rem3A_591, %ne3A_593 : vector<16xi32>
    %lt3A_595 = arith.constant 0 : i32
    %lt3A_596 = vector.broadcast %lt3A_595 : i32 to vector<16xi32>
    %lt3A_597 = arith.cmpi slt, %rem3A_591, %lt3A_596 : vector<16xi32>
    %lt3A_598 = arith.constant 0 : i32
    %lt3A_599 = arith.cmpi slt, %select_n3A_589, %lt3A_598 : i32
    %ne3A_600 = vector.broadcast %lt3A_599 : i1 to vector<16xi1>
    %ne3A_601 = vector.broadcast %ne3A_600 : vector<16xi1> to vector<16xi1>
    %ne3A_602 = arith.xori %lt3A_597, %ne3A_601 : vector<16xi1>
    %and3A_603 = arith.andi %ne3A_602, %ne3A_594 : vector<16xi1>
    %add3A_604 = vector.broadcast %select_n3A_589 : i32 to vector<16xi32>
    %add3A_605 = arith.addi %rem3A_591, %add3A_604 : vector<16xi32>
    %select_n3A_606 = arith.select %and3A_603, %add3A_605, %rem3A_591 : vector<16xi1>, vector<16xi32>
    %add3A_607 = arith.constant 10000 : i32
    %add3A_608 = vector.broadcast %add3A_607 : i32 to vector<16xi32>
    %add3A_609 = arith.addi %add3A_608, %select_n3A_606 : vector<16xi32>
    %swap3A_610 = arith.constant 78 : i32
    %swap3A_611 = arith.index_cast %swap3A_610 : i32 to index
    %swap3A_612 = arith.constant 48 : index
    %swap3A_613 = tpu.vector_load %arg7[%swap3A_611, %swap3A_612] {strides = array<i32>} : memref<80x128xi32, #tpu.memory_space<vmem>>, vector<1x16xi32>,
    %swap3A_614 = vector.shape_cast %swap3A_613 : vector<1x16xi32> to vector<16xi32>
    %swap3A_615 = vector.shape_cast %add3A_609 : vector<16xi32> to vector<1x16xi32>
    tpu.vector_store %arg7[%swap3A_611, %swap3A_612], %swap3A_615 {strides = array<i32>} : memref<80x128xi32, #tpu.memory_space<vmem>>, vector<1x16xi32>,
    %mul3A_616 = arith.constant 31 : i32
    %mul3A_617 = arith.muli %arg1, %mul3A_616 : i32
    %add3A_618 = arith.constant 64 : i32
    %add3A_619 = arith.addi %mul3A_617, %add3A_618 : i32
    %iota3A_620 = tpu.iota {dimensions = array<i32: 0>} : vector<16xi32>
    %add3A_621 = vector.broadcast %add3A_619 : i32 to vector<16xi32>
    %add3A_622 = arith.addi %add3A_621, %iota3A_620 : vector<16xi32>
    %jit3A_623 = arith.constant 240 : i32
    %eq3A_624 = arith.constant 0 : i32
    %eq3A_625 = arith.cmpi eq, %jit3A_623, %eq3A_624 : i32
    %jit3A_626 = arith.constant 1 : i32
    %select_n3A_627 = arith.select %eq3A_625, %jit3A_626, %jit3A_623 : i32
    %rem3A_628 = vector.broadcast %select_n3A_627 : i32 to vector<16xi32>
    %rem3A_629 = arith.remsi %add3A_622, %rem3A_628 : vector<16xi32>
    %ne3A_630 = arith.constant 0 : i32
    %ne3A_631 = vector.broadcast %ne3A_630 : i32 to vector<16xi32>
    %ne3A_632 = arith.cmpi ne, %rem3A_629, %ne3A_631 : vector<16xi32>
    %lt3A_633 = arith.constant 0 : i32
    %lt3A_634 = vector.broadcast %lt3A_633 : i32 to vector<16xi32>
    %lt3A_635 = arith.cmpi slt, %rem3A_629, %lt3A_634 : vector<16xi32>
    %lt3A_636 = arith.constant 0 : i32
    %lt3A_637 = arith.cmpi slt, %select_n3A_627, %lt3A_636 : i32
    %ne3A_638 = vector.broadcast %lt3A_637 : i1 to vector<16xi1>
    %ne3A_639 = vector.broadcast %ne3A_638 : vector<16xi1> to vector<16xi1>
    %ne3A_640 = arith.xori %lt3A_635, %ne3A_639 : vector<16xi1>
    %and3A_641 = arith.andi %ne3A_640, %ne3A_632 : vector<16xi1>
    %add3A_642 = vector.broadcast %select_n3A_627 : i32 to vector<16xi32>
    %add3A_643 = arith.addi %rem3A_629, %add3A_642 : vector<16xi32>
    %select_n3A_644 = arith.select %and3A_641, %add3A_643, %rem3A_629 : vector<16xi1>, vector<16xi32>
    %add3A_645 = arith.constant 10000 : i32
    %add3A_646 = vector.broadcast %add3A_645 : i32 to vector<16xi32>
    %add3A_647 = arith.addi %add3A_646, %select_n3A_644 : vector<16xi32>
    %swap3A_648 = arith.constant 78 : i32
    %swap3A_649 = arith.index_cast %swap3A_648 : i32 to index
    %swap3A_650 = arith.constant 64 : index
    %swap3A_651 = tpu.vector_load %arg7[%swap3A_649, %swap3A_650] {strides = array<i32>} : memref<80x128xi32, #tpu.memory_space<vmem>>, vector<1x16xi32>,
    %swap3A_652 = vector.shape_cast %swap3A_651 : vector<1x16xi32> to vector<16xi32>
    %swap3A_653 = vector.shape_cast %add3A_647 : vector<16xi32> to vector<1x16xi32>
    tpu.vector_store %arg7[%swap3A_649, %swap3A_650], %swap3A_653 {strides = array<i32>} : memref<80x128xi32, #tpu.memory_space<vmem>>, vector<1x16xi32>,
    %mul3A_654 = arith.constant 31 : i32
    %mul3A_655 = arith.muli %arg1, %mul3A_654 : i32
    %add3A_656 = arith.constant 80 : i32
    %add3A_657 = arith.addi %mul3A_655, %add3A_656 : i32
    %iota3A_658 = tpu.iota {dimensions = array<i32: 0>} : vector<16xi32>
    %add3A_659 = vector.broadcast %add3A_657 : i32 to vector<16xi32>
    %add3A_660 = arith.addi %add3A_659, %iota3A_658 : vector<16xi32>
    %jit3A_661 = arith.constant 240 : i32
    %eq3A_662 = arith.constant 0 : i32
    %eq3A_663 = arith.cmpi eq, %jit3A_661, %eq3A_662 : i32
    %jit3A_664 = arith.constant 1 : i32
    %select_n3A_665 = arith.select %eq3A_663, %jit3A_664, %jit3A_661 : i32
    %rem3A_666 = vector.broadcast %select_n3A_665 : i32 to vector<16xi32>
    %rem3A_667 = arith.remsi %add3A_660, %rem3A_666 : vector<16xi32>
    %ne3A_668 = arith.constant 0 : i32
    %ne3A_669 = vector.broadcast %ne3A_668 : i32 to vector<16xi32>
    %ne3A_670 = arith.cmpi ne, %rem3A_667, %ne3A_669 : vector<16xi32>
    %lt3A_671 = arith.constant 0 : i32
    %lt3A_672 = vector.broadcast %lt3A_671 : i32 to vector<16xi32>
    %lt3A_673 = arith.cmpi slt, %rem3A_667, %lt3A_672 : vector<16xi32>
    %lt3A_674 = arith.constant 0 : i32
    %lt3A_675 = arith.cmpi slt, %select_n3A_665, %lt3A_674 : i32
    %ne3A_676 = vector.broadcast %lt3A_675 : i1 to vector<16xi1>
    %ne3A_677 = vector.broadcast %ne3A_676 : vector<16xi1> to vector<16xi1>
    %ne3A_678 = arith.xori %lt3A_673, %ne3A_677 : vector<16xi1>
    %and3A_679 = arith.andi %ne3A_678, %ne3A_670 : vector<16xi1>
    %add3A_680 = vector.broadcast %select_n3A_665 : i32 to vector<16xi32>
    %add3A_681 = arith.addi %rem3A_667, %add3A_680 : vector<16xi32>
    %select_n3A_682 = arith.select %and3A_679, %add3A_681, %rem3A_667 : vector<16xi1>, vector<16xi32>
    %add3A_683 = arith.constant 10000 : i32
    %add3A_684 = vector.broadcast %add3A_683 : i32 to vector<16xi32>
    %add3A_685 = arith.addi %add3A_684, %select_n3A_682 : vector<16xi32>
    %swap3A_686 = arith.constant 78 : i32
    %swap3A_687 = arith.index_cast %swap3A_686 : i32 to index
    %swap3A_688 = arith.constant 80 : index
    %swap3A_689 = tpu.vector_load %arg7[%swap3A_687, %swap3A_688] {strides = array<i32>} : memref<80x128xi32, #tpu.memory_space<vmem>>, vector<1x16xi32>,
    %swap3A_690 = vector.shape_cast %swap3A_689 : vector<1x16xi32> to vector<16xi32>
    %swap3A_691 = vector.shape_cast %add3A_685 : vector<16xi32> to vector<1x16xi32>
    tpu.vector_store %arg7[%swap3A_687, %swap3A_688], %swap3A_691 {strides = array<i32>} : memref<80x128xi32, #tpu.memory_space<vmem>>, vector<1x16xi32>,
    %mul3A_692 = arith.constant 31 : i32
    %mul3A_693 = arith.muli %arg1, %mul3A_692 : i32
    %add3A_694 = arith.constant 96 : i32
    %add3A_695 = arith.addi %mul3A_693, %add3A_694 : i32
    %iota3A_696 = tpu.iota {dimensions = array<i32: 0>} : vector<16xi32>
    %add3A_697 = vector.broadcast %add3A_695 : i32 to vector<16xi32>
    %add3A_698 = arith.addi %add3A_697, %iota3A_696 : vector<16xi32>
    %jit3A_699 = arith.constant 240 : i32
    %eq3A_700 = arith.constant 0 : i32
    %eq3A_701 = arith.cmpi eq, %jit3A_699, %eq3A_700 : i32
    %jit3A_702 = arith.constant 1 : i32
    %select_n3A_703 = arith.select %eq3A_701, %jit3A_702, %jit3A_699 : i32
    %rem3A_704 = vector.broadcast %select_n3A_703 : i32 to vector<16xi32>
    %rem3A_705 = arith.remsi %add3A_698, %rem3A_704 : vector<16xi32>
    %ne3A_706 = arith.constant 0 : i32
    %ne3A_707 = vector.broadcast %ne3A_706 : i32 to vector<16xi32>
    %ne3A_708 = arith.cmpi ne, %rem3A_705, %ne3A_707 : vector<16xi32>
    %lt3A_709 = arith.constant 0 : i32
    %lt3A_710 = vector.broadcast %lt3A_709 : i32 to vector<16xi32>
    %lt3A_711 = arith.cmpi slt, %rem3A_705, %lt3A_710 : vector<16xi32>
    %lt3A_712 = arith.constant 0 : i32
    %lt3A_713 = arith.cmpi slt, %select_n3A_703, %lt3A_712 : i32
    %ne3A_714 = vector.broadcast %lt3A_713 : i1 to vector<16xi1>
    %ne3A_715 = vector.broadcast %ne3A_714 : vector<16xi1> to vector<16xi1>
    %ne3A_716 = arith.xori %lt3A_711, %ne3A_715 : vector<16xi1>
    %and3A_717 = arith.andi %ne3A_716, %ne3A_708 : vector<16xi1>
    %add3A_718 = vector.broadcast %select_n3A_703 : i32 to vector<16xi32>
    %add3A_719 = arith.addi %rem3A_705, %add3A_718 : vector<16xi32>
    %select_n3A_720 = arith.select %and3A_717, %add3A_719, %rem3A_705 : vector<16xi1>, vector<16xi32>
    %add3A_721 = arith.constant 10000 : i32
    %add3A_722 = vector.broadcast %add3A_721 : i32 to vector<16xi32>
    %add3A_723 = arith.addi %add3A_722, %select_n3A_720 : vector<16xi32>
    %swap3A_724 = arith.constant 78 : i32
    %swap3A_725 = arith.index_cast %swap3A_724 : i32 to index
    %swap3A_726 = arith.constant 96 : index
    %swap3A_727 = tpu.vector_load %arg7[%swap3A_725, %swap3A_726] {strides = array<i32>} : memref<80x128xi32, #tpu.memory_space<vmem>>, vector<1x16xi32>,
    %swap3A_728 = vector.shape_cast %swap3A_727 : vector<1x16xi32> to vector<16xi32>
    %swap3A_729 = vector.shape_cast %add3A_723 : vector<16xi32> to vector<1x16xi32>
    tpu.vector_store %arg7[%swap3A_725, %swap3A_726], %swap3A_729 {strides = array<i32>} : memref<80x128xi32, #tpu.memory_space<vmem>>, vector<1x16xi32>,
    %mul3A_730 = arith.constant 31 : i32
    %mul3A_731 = arith.muli %arg1, %mul3A_730 : i32
    %add3A_732 = arith.constant 112 : i32
    %add3A_733 = arith.addi %mul3A_731, %add3A_732 : i32
    %iota3A_734 = tpu.iota {dimensions = array<i32: 0>} : vector<16xi32>
    %add3A_735 = vector.broadcast %add3A_733 : i32 to vector<16xi32>
    %add3A_736 = arith.addi %add3A_735, %iota3A_734 : vector<16xi32>
    %jit3A_737 = arith.constant 240 : i32
    %eq3A_738 = arith.constant 0 : i32
    %eq3A_739 = arith.cmpi eq, %jit3A_737, %eq3A_738 : i32
    %jit3A_740 = arith.constant 1 : i32
    %select_n3A_741 = arith.select %eq3A_739, %jit3A_740, %jit3A_737 : i32
    %rem3A_742 = vector.broadcast %select_n3A_741 : i32 to vector<16xi32>
    %rem3A_743 = arith.remsi %add3A_736, %rem3A_742 : vector<16xi32>
    %ne3A_744 = arith.constant 0 : i32
    %ne3A_745 = vector.broadcast %ne3A_744 : i32 to vector<16xi32>
    %ne3A_746 = arith.cmpi ne, %rem3A_743, %ne3A_745 : vector<16xi32>
    %lt3A_747 = arith.constant 0 : i32
    %lt3A_748 = vector.broadcast %lt3A_747 : i32 to vector<16xi32>
    %lt3A_749 = arith.cmpi slt, %rem3A_743, %lt3A_748 : vector<16xi32>
    %lt3A_750 = arith.constant 0 : i32
    %lt3A_751 = arith.cmpi slt, %select_n3A_741, %lt3A_750 : i32
    %ne3A_752 = vector.broadcast %lt3A_751 : i1 to vector<16xi1>
    %ne3A_753 = vector.broadcast %ne3A_752 : vector<16xi1> to vector<16xi1>
    %ne3A_754 = arith.xori %lt3A_749, %ne3A_753 : vector<16xi1>
    %and3A_755 = arith.andi %ne3A_754, %ne3A_746 : vector<16xi1>
    %add3A_756 = vector.broadcast %select_n3A_741 : i32 to vector<16xi32>
    %add3A_757 = arith.addi %rem3A_743, %add3A_756 : vector<16xi32>
    %select_n3A_758 = arith.select %and3A_755, %add3A_757, %rem3A_743 : vector<16xi1>, vector<16xi32>
    %add3A_759 = arith.constant 10000 : i32
    %add3A_760 = vector.broadcast %add3A_759 : i32 to vector<16xi32>
    %add3A_761 = arith.addi %add3A_760, %select_n3A_758 : vector<16xi32>
    %swap3A_762 = arith.constant 78 : i32
    %swap3A_763 = arith.index_cast %swap3A_762 : i32 to index
    %swap3A_764 = arith.constant 112 : index
    %swap3A_765 = tpu.vector_load %arg7[%swap3A_763, %swap3A_764] {strides = array<i32>} : memref<80x128xi32, #tpu.memory_space<vmem>>, vector<1x16xi32>,
    %swap3A_766 = vector.shape_cast %swap3A_765 : vector<1x16xi32> to vector<16xi32>
    %swap3A_767 = vector.shape_cast %add3A_761 : vector<16xi32> to vector<1x16xi32>
    tpu.vector_store %arg7[%swap3A_763, %swap3A_764], %swap3A_767 {strides = array<i32>} : memref<80x128xi32, #tpu.memory_space<vmem>>, vector<1x16xi32>,
    %mul3A_768 = arith.constant 31 : i32
    %mul3A_769 = arith.muli %arg1, %mul3A_768 : i32
    %add3A_770 = arith.constant 128 : i32
    %add3A_771 = arith.addi %mul3A_769, %add3A_770 : i32
    %add3A_772 = arith.constant 0 : i32
    %add3A_773 = arith.addi %add3A_771, %add3A_772 : i32
    %iota3A_774 = tpu.iota {dimensions = array<i32: 0>} : vector<16xi32>
    %add3A_775 = vector.broadcast %add3A_773 : i32 to vector<16xi32>
    %add3A_776 = arith.addi %add3A_775, %iota3A_774 : vector<16xi32>
    %jit3A_777 = arith.constant 240 : i32
    %eq3A_778 = arith.constant 0 : i32
    %eq3A_779 = arith.cmpi eq, %jit3A_777, %eq3A_778 : i32
    %jit3A_780 = arith.constant 1 : i32
    %select_n3A_781 = arith.select %eq3A_779, %jit3A_780, %jit3A_777 : i32
    %rem3A_782 = vector.broadcast %select_n3A_781 : i32 to vector<16xi32>
    %rem3A_783 = arith.remsi %add3A_776, %rem3A_782 : vector<16xi32>
    %ne3A_784 = arith.constant 0 : i32
    %ne3A_785 = vector.broadcast %ne3A_784 : i32 to vector<16xi32>
    %ne3A_786 = arith.cmpi ne, %rem3A_783, %ne3A_785 : vector<16xi32>
    %lt3A_787 = arith.constant 0 : i32
    %lt3A_788 = vector.broadcast %lt3A_787 : i32 to vector<16xi32>
    %lt3A_789 = arith.cmpi slt, %rem3A_783, %lt3A_788 : vector<16xi32>
    %lt3A_790 = arith.constant 0 : i32
    %lt3A_791 = arith.cmpi slt, %select_n3A_781, %lt3A_790 : i32
    %ne3A_792 = vector.broadcast %lt3A_791 : i1 to vector<16xi1>
    %ne3A_793 = vector.broadcast %ne3A_792 : vector<16xi1> to vector<16xi1>
    %ne3A_794 = arith.xori %lt3A_789, %ne3A_793 : vector<16xi1>
    %and3A_795 = arith.andi %ne3A_794, %ne3A_786 : vector<16xi1>
    %add3A_796 = vector.broadcast %select_n3A_781 : i32 to vector<16xi32>
    %add3A_797 = arith.addi %rem3A_783, %add3A_796 : vector<16xi32>
    %select_n3A_798 = arith.select %and3A_795, %add3A_797, %rem3A_783 : vector<16xi1>, vector<16xi32>
    %add3A_799 = arith.constant 10000 : i32
    %add3A_800 = vector.broadcast %add3A_799 : i32 to vector<16xi32>
    %add3A_801 = arith.addi %add3A_800, %select_n3A_798 : vector<16xi32>
    %swap3A_802 = arith.constant 79 : i32
    %swap3A_803 = arith.index_cast %swap3A_802 : i32 to index
    %swap3A_804 = arith.constant 0 : index
    %swap3A_805 = tpu.vector_load %arg7[%swap3A_803, %swap3A_804] {strides = array<i32>} : memref<80x128xi32, #tpu.memory_space<vmem>>, vector<1x16xi32>,
    %swap3A_806 = vector.shape_cast %swap3A_805 : vector<1x16xi32> to vector<16xi32>
    %swap3A_807 = vector.shape_cast %add3A_801 : vector<16xi32> to vector<1x16xi32>
    tpu.vector_store %arg7[%swap3A_803, %swap3A_804], %swap3A_807 {strides = array<i32>} : memref<80x128xi32, #tpu.memory_space<vmem>>, vector<1x16xi32>,
    %mul3A_808 = arith.constant 31 : i32
    %mul3A_809 = arith.muli %arg1, %mul3A_808 : i32
    %add3A_810 = arith.constant 128 : i32
    %add3A_811 = arith.addi %mul3A_809, %add3A_810 : i32
    %add3A_812 = arith.constant 16 : i32
    %add3A_813 = arith.addi %add3A_811, %add3A_812 : i32
    %iota3A_814 = tpu.iota {dimensions = array<i32: 0>} : vector<16xi32>
    %add3A_815 = vector.broadcast %add3A_813 : i32 to vector<16xi32>
    %add3A_816 = arith.addi %add3A_815, %iota3A_814 : vector<16xi32>
    %jit3A_817 = arith.constant 240 : i32
    %eq3A_818 = arith.constant 0 : i32
    %eq3A_819 = arith.cmpi eq, %jit3A_817, %eq3A_818 : i32
    %jit3A_820 = arith.constant 1 : i32
    %select_n3A_821 = arith.select %eq3A_819, %jit3A_820, %jit3A_817 : i32
    %rem3A_822 = vector.broadcast %select_n3A_821 : i32 to vector<16xi32>
    %rem3A_823 = arith.remsi %add3A_816, %rem3A_822 : vector<16xi32>
    %ne3A_824 = arith.constant 0 : i32
    %ne3A_825 = vector.broadcast %ne3A_824 : i32 to vector<16xi32>
    %ne3A_826 = arith.cmpi ne, %rem3A_823, %ne3A_825 : vector<16xi32>
    %lt3A_827 = arith.constant 0 : i32
    %lt3A_828 = vector.broadcast %lt3A_827 : i32 to vector<16xi32>
    %lt3A_829 = arith.cmpi slt, %rem3A_823, %lt3A_828 : vector<16xi32>
    %lt3A_830 = arith.constant 0 : i32
    %lt3A_831 = arith.cmpi slt, %select_n3A_821, %lt3A_830 : i32
    %ne3A_832 = vector.broadcast %lt3A_831 : i1 to vector<16xi1>
    %ne3A_833 = vector.broadcast %ne3A_832 : vector<16xi1> to vector<16xi1>
    %ne3A_834 = arith.xori %lt3A_829, %ne3A_833 : vector<16xi1>
    %and3A_835 = arith.andi %ne3A_834, %ne3A_826 : vector<16xi1>
    %add3A_836 = vector.broadcast %select_n3A_821 : i32 to vector<16xi32>
    %add3A_837 = arith.addi %rem3A_823, %add3A_836 : vector<16xi32>
    %select_n3A_838 = arith.select %and3A_835, %add3A_837, %rem3A_823 : vector<16xi1>, vector<16xi32>
    %add3A_839 = arith.constant 10000 : i32
    %add3A_840 = vector.broadcast %add3A_839 : i32 to vector<16xi32>
    %add3A_841 = arith.addi %add3A_840, %select_n3A_838 : vector<16xi32>
    %swap3A_842 = arith.constant 79 : i32
    %swap3A_843 = arith.index_cast %swap3A_842 : i32 to index
    %swap3A_844 = arith.constant 16 : index
    %swap3A_845 = tpu.vector_load %arg7[%swap3A_843, %swap3A_844] {strides = array<i32>} : memref<80x128xi32, #tpu.memory_space<vmem>>, vector<1x16xi32>,
    %swap3A_846 = vector.shape_cast %swap3A_845 : vector<1x16xi32> to vector<16xi32>
    %swap3A_847 = vector.shape_cast %add3A_841 : vector<16xi32> to vector<1x16xi32>
    tpu.vector_store %arg7[%swap3A_843, %swap3A_844], %swap3A_847 {strides = array<i32>} : memref<80x128xi32, #tpu.memory_space<vmem>>, vector<1x16xi32>,
    %mul3A_848 = arith.constant 31 : i32
    %mul3A_849 = arith.muli %arg1, %mul3A_848 : i32
    %add3A_850 = arith.constant 128 : i32
    %add3A_851 = arith.addi %mul3A_849, %add3A_850 : i32
    %add3A_852 = arith.constant 32 : i32
    %add3A_853 = arith.addi %add3A_851, %add3A_852 : i32
    %iota3A_854 = tpu.iota {dimensions = array<i32: 0>} : vector<16xi32>
    %add3A_855 = vector.broadcast %add3A_853 : i32 to vector<16xi32>
    %add3A_856 = arith.addi %add3A_855, %iota3A_854 : vector<16xi32>
    %jit3A_857 = arith.constant 240 : i32
    %eq3A_858 = arith.constant 0 : i32
    %eq3A_859 = arith.cmpi eq, %jit3A_857, %eq3A_858 : i32
    %jit3A_860 = arith.constant 1 : i32
    %select_n3A_861 = arith.select %eq3A_859, %jit3A_860, %jit3A_857 : i32
    %rem3A_862 = vector.broadcast %select_n3A_861 : i32 to vector<16xi32>
    %rem3A_863 = arith.remsi %add3A_856, %rem3A_862 : vector<16xi32>
    %ne3A_864 = arith.constant 0 : i32
    %ne3A_865 = vector.broadcast %ne3A_864 : i32 to vector<16xi32>
    %ne3A_866 = arith.cmpi ne, %rem3A_863, %ne3A_865 : vector<16xi32>
    %lt3A_867 = arith.constant 0 : i32
    %lt3A_868 = vector.broadcast %lt3A_867 : i32 to vector<16xi32>
    %lt3A_869 = arith.cmpi slt, %rem3A_863, %lt3A_868 : vector<16xi32>
    %lt3A_870 = arith.constant 0 : i32
    %lt3A_871 = arith.cmpi slt, %select_n3A_861, %lt3A_870 : i32
    %ne3A_872 = vector.broadcast %lt3A_871 : i1 to vector<16xi1>
    %ne3A_873 = vector.broadcast %ne3A_872 : vector<16xi1> to vector<16xi1>
    %ne3A_874 = arith.xori %lt3A_869, %ne3A_873 : vector<16xi1>
    %and3A_875 = arith.andi %ne3A_874, %ne3A_866 : vector<16xi1>
    %add3A_876 = vector.broadcast %select_n3A_861 : i32 to vector<16xi32>
    %add3A_877 = arith.addi %rem3A_863, %add3A_876 : vector<16xi32>
    %select_n3A_878 = arith.select %and3A_875, %add3A_877, %rem3A_863 : vector<16xi1>, vector<16xi32>
    %add3A_879 = arith.constant 10000 : i32
    %add3A_880 = vector.broadcast %add3A_879 : i32 to vector<16xi32>
    %add3A_881 = arith.addi %add3A_880, %select_n3A_878 : vector<16xi32>
    %swap3A_882 = arith.constant 79 : i32
    %swap3A_883 = arith.index_cast %swap3A_882 : i32 to index
    %swap3A_884 = arith.constant 32 : index
    %swap3A_885 = tpu.vector_load %arg7[%swap3A_883, %swap3A_884] {strides = array<i32>} : memref<80x128xi32, #tpu.memory_space<vmem>>, vector<1x16xi32>,
    %swap3A_886 = vector.shape_cast %swap3A_885 : vector<1x16xi32> to vector<16xi32>
    %swap3A_887 = vector.shape_cast %add3A_881 : vector<16xi32> to vector<1x16xi32>
    tpu.vector_store %arg7[%swap3A_883, %swap3A_884], %swap3A_887 {strides = array<i32>} : memref<80x128xi32, #tpu.memory_space<vmem>>, vector<1x16xi32>,
    %mul3A_888 = arith.constant 31 : i32
    %mul3A_889 = arith.muli %arg1, %mul3A_888 : i32
    %add3A_890 = arith.constant 128 : i32
    %add3A_891 = arith.addi %mul3A_889, %add3A_890 : i32
    %add3A_892 = arith.constant 48 : i32
    %add3A_893 = arith.addi %add3A_891, %add3A_892 : i32
    %iota3A_894 = tpu.iota {dimensions = array<i32: 0>} : vector<16xi32>
    %add3A_895 = vector.broadcast %add3A_893 : i32 to vector<16xi32>
    %add3A_896 = arith.addi %add3A_895, %iota3A_894 : vector<16xi32>
    %jit3A_897 = arith.constant 240 : i32
    %eq3A_898 = arith.constant 0 : i32
    %eq3A_899 = arith.cmpi eq, %jit3A_897, %eq3A_898 : i32
    %jit3A_900 = arith.constant 1 : i32
    %select_n3A_901 = arith.select %eq3A_899, %jit3A_900, %jit3A_897 : i32
    %rem3A_902 = vector.broadcast %select_n3A_901 : i32 to vector<16xi32>
    %rem3A_903 = arith.remsi %add3A_896, %rem3A_902 : vector<16xi32>
    %ne3A_904 = arith.constant 0 : i32
    %ne3A_905 = vector.broadcast %ne3A_904 : i32 to vector<16xi32>
    %ne3A_906 = arith.cmpi ne, %rem3A_903, %ne3A_905 : vector<16xi32>
    %lt3A_907 = arith.constant 0 : i32
    %lt3A_908 = vector.broadcast %lt3A_907 : i32 to vector<16xi32>
    %lt3A_909 = arith.cmpi slt, %rem3A_903, %lt3A_908 : vector<16xi32>
    %lt3A_910 = arith.constant 0 : i32
    %lt3A_911 = arith.cmpi slt, %select_n3A_901, %lt3A_910 : i32
    %ne3A_912 = vector.broadcast %lt3A_911 : i1 to vector<16xi1>
    %ne3A_913 = vector.broadcast %ne3A_912 : vector<16xi1> to vector<16xi1>
    %ne3A_914 = arith.xori %lt3A_909, %ne3A_913 : vector<16xi1>
    %and3A_915 = arith.andi %ne3A_914, %ne3A_906 : vector<16xi1>
    %add3A_916 = vector.broadcast %select_n3A_901 : i32 to vector<16xi32>
    %add3A_917 = arith.addi %rem3A_903, %add3A_916 : vector<16xi32>
    %select_n3A_918 = arith.select %and3A_915, %add3A_917, %rem3A_903 : vector<16xi1>, vector<16xi32>
    %add3A_919 = arith.constant 10000 : i32
    %add3A_920 = vector.broadcast %add3A_919 : i32 to vector<16xi32>
    %add3A_921 = arith.addi %add3A_920, %select_n3A_918 : vector<16xi32>
    %swap3A_922 = arith.constant 79 : i32
    %swap3A_923 = arith.index_cast %swap3A_922 : i32 to index
    %swap3A_924 = arith.constant 48 : index
    %swap3A_925 = tpu.vector_load %arg7[%swap3A_923, %swap3A_924] {strides = array<i32>} : memref<80x128xi32, #tpu.memory_space<vmem>>, vector<1x16xi32>,
    %swap3A_926 = vector.shape_cast %swap3A_925 : vector<1x16xi32> to vector<16xi32>
    %swap3A_927 = vector.shape_cast %add3A_921 : vector<16xi32> to vector<1x16xi32>
    tpu.vector_store %arg7[%swap3A_923, %swap3A_924], %swap3A_927 {strides = array<i32>} : memref<80x128xi32, #tpu.memory_space<vmem>>, vector<1x16xi32>,
    %mul3A_928 = arith.constant 31 : i32
    %mul3A_929 = arith.muli %arg1, %mul3A_928 : i32
    %add3A_930 = arith.constant 128 : i32
    %add3A_931 = arith.addi %mul3A_929, %add3A_930 : i32
    %add3A_932 = arith.constant 64 : i32
    %add3A_933 = arith.addi %add3A_931, %add3A_932 : i32
    %iota3A_934 = tpu.iota {dimensions = array<i32: 0>} : vector<16xi32>
    %add3A_935 = vector.broadcast %add3A_933 : i32 to vector<16xi32>
    %add3A_936 = arith.addi %add3A_935, %iota3A_934 : vector<16xi32>
    %jit3A_937 = arith.constant 240 : i32
    %eq3A_938 = arith.constant 0 : i32
    %eq3A_939 = arith.cmpi eq, %jit3A_937, %eq3A_938 : i32
    %jit3A_940 = arith.constant 1 : i32
    %select_n3A_941 = arith.select %eq3A_939, %jit3A_940, %jit3A_937 : i32
    %rem3A_942 = vector.broadcast %select_n3A_941 : i32 to vector<16xi32>
    %rem3A_943 = arith.remsi %add3A_936, %rem3A_942 : vector<16xi32>
    %ne3A_944 = arith.constant 0 : i32
    %ne3A_945 = vector.broadcast %ne3A_944 : i32 to vector<16xi32>
    %ne3A_946 = arith.cmpi ne, %rem3A_943, %ne3A_945 : vector<16xi32>
    %lt3A_947 = arith.constant 0 : i32
    %lt3A_948 = vector.broadcast %lt3A_947 : i32 to vector<16xi32>
    %lt3A_949 = arith.cmpi slt, %rem3A_943, %lt3A_948 : vector<16xi32>
    %lt3A_950 = arith.constant 0 : i32
    %lt3A_951 = arith.cmpi slt, %select_n3A_941, %lt3A_950 : i32
    %ne3A_952 = vector.broadcast %lt3A_951 : i1 to vector<16xi1>
    %ne3A_953 = vector.broadcast %ne3A_952 : vector<16xi1> to vector<16xi1>
    %ne3A_954 = arith.xori %lt3A_949, %ne3A_953 : vector<16xi1>
    %and3A_955 = arith.andi %ne3A_954, %ne3A_946 : vector<16xi1>
    %add3A_956 = vector.broadcast %select_n3A_941 : i32 to vector<16xi32>
    %add3A_957 = arith.addi %rem3A_943, %add3A_956 : vector<16xi32>
    %select_n3A_958 = arith.select %and3A_955, %add3A_957, %rem3A_943 : vector<16xi1>, vector<16xi32>
    %add3A_959 = arith.constant 10000 : i32
    %add3A_960 = vector.broadcast %add3A_959 : i32 to vector<16xi32>
    %add3A_961 = arith.addi %add3A_960, %select_n3A_958 : vector<16xi32>
    %swap3A_962 = arith.constant 79 : i32
    %swap3A_963 = arith.index_cast %swap3A_962 : i32 to index
    %swap3A_964 = arith.constant 64 : index
    %swap3A_965 = tpu.vector_load %arg7[%swap3A_963, %swap3A_964] {strides = array<i32>} : memref<80x128xi32, #tpu.memory_space<vmem>>, vector<1x16xi32>,
    %swap3A_966 = vector.shape_cast %swap3A_965 : vector<1x16xi32> to vector<16xi32>
    %swap3A_967 = vector.shape_cast %add3A_961 : vector<16xi32> to vector<1x16xi32>
    tpu.vector_store %arg7[%swap3A_963, %swap3A_964], %swap3A_967 {strides = array<i32>} : memref<80x128xi32, #tpu.memory_space<vmem>>, vector<1x16xi32>,
    %mul3A_968 = arith.constant 31 : i32
    %mul3A_969 = arith.muli %arg1, %mul3A_968 : i32
    %add3A_970 = arith.constant 128 : i32
    %add3A_971 = arith.addi %mul3A_969, %add3A_970 : i32
    %add3A_972 = arith.constant 80 : i32
    %add3A_973 = arith.addi %add3A_971, %add3A_972 : i32
    %iota3A_974 = tpu.iota {dimensions = array<i32: 0>} : vector<16xi32>
    %add3A_975 = vector.broadcast %add3A_973 : i32 to vector<16xi32>
    %add3A_976 = arith.addi %add3A_975, %iota3A_974 : vector<16xi32>
    %jit3A_977 = arith.constant 240 : i32
    %eq3A_978 = arith.constant 0 : i32
    %eq3A_979 = arith.cmpi eq, %jit3A_977, %eq3A_978 : i32
    %jit3A_980 = arith.constant 1 : i32
    %select_n3A_981 = arith.select %eq3A_979, %jit3A_980, %jit3A_977 : i32
    %rem3A_982 = vector.broadcast %select_n3A_981 : i32 to vector<16xi32>
    %rem3A_983 = arith.remsi %add3A_976, %rem3A_982 : vector<16xi32>
    %ne3A_984 = arith.constant 0 : i32
    %ne3A_985 = vector.broadcast %ne3A_984 : i32 to vector<16xi32>
    %ne3A_986 = arith.cmpi ne, %rem3A_983, %ne3A_985 : vector<16xi32>
    %lt3A_987 = arith.constant 0 : i32
    %lt3A_988 = vector.broadcast %lt3A_987 : i32 to vector<16xi32>
    %lt3A_989 = arith.cmpi slt, %rem3A_983, %lt3A_988 : vector<16xi32>
    %lt3A_990 = arith.constant 0 : i32
    %lt3A_991 = arith.cmpi slt, %select_n3A_981, %lt3A_990 : i32
    %ne3A_992 = vector.broadcast %lt3A_991 : i1 to vector<16xi1>
    %ne3A_993 = vector.broadcast %ne3A_992 : vector<16xi1> to vector<16xi1>
    %ne3A_994 = arith.xori %lt3A_989, %ne3A_993 : vector<16xi1>
    %and3A_995 = arith.andi %ne3A_994, %ne3A_986 : vector<16xi1>
    %add3A_996 = vector.broadcast %select_n3A_981 : i32 to vector<16xi32>
    %add3A_997 = arith.addi %rem3A_983, %add3A_996 : vector<16xi32>
    %select_n3A_998 = arith.select %and3A_995, %add3A_997, %rem3A_983 : vector<16xi1>, vector<16xi32>
    %add3A_999 = arith.constant 10000 : i32
    %add3A_1000 = vector.broadcast %add3A_999 : i32 to vector<16xi32>
    %add3A_1001 = arith.addi %add3A_1000, %select_n3A_998 : vector<16xi32>
    %swap3A_1002 = arith.constant 79 : i32
    %swap3A_1003 = arith.index_cast %swap3A_1002 : i32 to index
    %swap3A_1004 = arith.constant 80 : index
    %swap3A_1005 = tpu.vector_load %arg7[%swap3A_1003, %swap3A_1004] {strides = array<i32>} : memref<80x128xi32, #tpu.memory_space<vmem>>, vector<1x16xi32>,
    %swap3A_1006 = vector.shape_cast %swap3A_1005 : vector<1x16xi32> to vector<16xi32>
    %swap3A_1007 = vector.shape_cast %add3A_1001 : vector<16xi32> to vector<1x16xi32>
    tpu.vector_store %arg7[%swap3A_1003, %swap3A_1004], %swap3A_1007 {strides = array<i32>} : memref<80x128xi32, #tpu.memory_space<vmem>>, vector<1x16xi32>,
    %mul3A_1008 = arith.constant 31 : i32
    %mul3A_1009 = arith.muli %arg1, %mul3A_1008 : i32
    %add3A_1010 = arith.constant 128 : i32
    %add3A_1011 = arith.addi %mul3A_1009, %add3A_1010 : i32
    %add3A_1012 = arith.constant 96 : i32
    %add3A_1013 = arith.addi %add3A_1011, %add3A_1012 : i32
    %iota3A_1014 = tpu.iota {dimensions = array<i32: 0>} : vector<16xi32>
    %add3A_1015 = vector.broadcast %add3A_1013 : i32 to vector<16xi32>
    %add3A_1016 = arith.addi %add3A_1015, %iota3A_1014 : vector<16xi32>
    %jit3A_1017 = arith.constant 240 : i32
    %eq3A_1018 = arith.constant 0 : i32
    %eq3A_1019 = arith.cmpi eq, %jit3A_1017, %eq3A_1018 : i32
    %jit3A_1020 = arith.constant 1 : i32
    %select_n3A_1021 = arith.select %eq3A_1019, %jit3A_1020, %jit3A_1017 : i32
    %rem3A_1022 = vector.broadcast %select_n3A_1021 : i32 to vector<16xi32>
    %rem3A_1023 = arith.remsi %add3A_1016, %rem3A_1022 : vector<16xi32>
    %ne3A_1024 = arith.constant 0 : i32
    %ne3A_1025 = vector.broadcast %ne3A_1024 : i32 to vector<16xi32>
    %ne3A_1026 = arith.cmpi ne, %rem3A_1023, %ne3A_1025 : vector<16xi32>
    %lt3A_1027 = arith.constant 0 : i32
    %lt3A_1028 = vector.broadcast %lt3A_1027 : i32 to vector<16xi32>
    %lt3A_1029 = arith.cmpi slt, %rem3A_1023, %lt3A_1028 : vector<16xi32>
    %lt3A_1030 = arith.constant 0 : i32
    %lt3A_1031 = arith.cmpi slt, %select_n3A_1021, %lt3A_1030 : i32
    %ne3A_1032 = vector.broadcast %lt3A_1031 : i1 to vector<16xi1>
    %ne3A_1033 = vector.broadcast %ne3A_1032 : vector<16xi1> to vector<16xi1>
    %ne3A_1034 = arith.xori %lt3A_1029, %ne3A_1033 : vector<16xi1>
    %and3A_1035 = arith.andi %ne3A_1034, %ne3A_1026 : vector<16xi1>
    %add3A_1036 = vector.broadcast %select_n3A_1021 : i32 to vector<16xi32>
    %add3A_1037 = arith.addi %rem3A_1023, %add3A_1036 : vector<16xi32>
    %select_n3A_1038 = arith.select %and3A_1035, %add3A_1037, %rem3A_1023 : vector<16xi1>, vector<16xi32>
    %add3A_1039 = arith.constant 10000 : i32
    %add3A_1040 = vector.broadcast %add3A_1039 : i32 to vector<16xi32>
    %add3A_1041 = arith.addi %add3A_1040, %select_n3A_1038 : vector<16xi32>
    %swap3A_1042 = arith.constant 79 : i32
    %swap3A_1043 = arith.index_cast %swap3A_1042 : i32 to index
    %swap3A_1044 = arith.constant 96 : index
    %swap3A_1045 = tpu.vector_load %arg7[%swap3A_1043, %swap3A_1044] {strides = array<i32>} : memref<80x128xi32, #tpu.memory_space<vmem>>, vector<1x16xi32>,
    %swap3A_1046 = vector.shape_cast %swap3A_1045 : vector<1x16xi32> to vector<16xi32>
    %swap3A_1047 = vector.shape_cast %add3A_1041 : vector<16xi32> to vector<1x16xi32>
    tpu.vector_store %arg7[%swap3A_1043, %swap3A_1044], %swap3A_1047 {strides = array<i32>} : memref<80x128xi32, #tpu.memory_space<vmem>>, vector<1x16xi32>,
    %mul3A_1048 = arith.constant 31 : i32
    %mul3A_1049 = arith.muli %arg1, %mul3A_1048 : i32
    %add3A_1050 = arith.constant 128 : i32
    %add3A_1051 = arith.addi %mul3A_1049, %add3A_1050 : i32
    %add3A_1052 = arith.constant 112 : i32
    %add3A_1053 = arith.addi %add3A_1051, %add3A_1052 : i32
    %iota3A_1054 = tpu.iota {dimensions = array<i32: 0>} : vector<16xi32>
    %add3A_1055 = vector.broadcast %add3A_1053 : i32 to vector<16xi32>
    %add3A_1056 = arith.addi %add3A_1055, %iota3A_1054 : vector<16xi32>
    %jit3A_1057 = arith.constant 240 : i32
    %eq3A_1058 = arith.constant 0 : i32
    %eq3A_1059 = arith.cmpi eq, %jit3A_1057, %eq3A_1058 : i32
    %jit3A_1060 = arith.constant 1 : i32
    %select_n3A_1061 = arith.select %eq3A_1059, %jit3A_1060, %jit3A_1057 : i32
    %rem3A_1062 = vector.broadcast %select_n3A_1061 : i32 to vector<16xi32>
    %rem3A_1063 = arith.remsi %add3A_1056, %rem3A_1062 : vector<16xi32>
    %ne3A_1064 = arith.constant 0 : i32
    %ne3A_1065 = vector.broadcast %ne3A_1064 : i32 to vector<16xi32>
    %ne3A_1066 = arith.cmpi ne, %rem3A_1063, %ne3A_1065 : vector<16xi32>
    %lt3A_1067 = arith.constant 0 : i32
    %lt3A_1068 = vector.broadcast %lt3A_1067 : i32 to vector<16xi32>
    %lt3A_1069 = arith.cmpi slt, %rem3A_1063, %lt3A_1068 : vector<16xi32>
    %lt3A_1070 = arith.constant 0 : i32
    %lt3A_1071 = arith.cmpi slt, %select_n3A_1061, %lt3A_1070 : i32
    %ne3A_1072 = vector.broadcast %lt3A_1071 : i1 to vector<16xi1>
    %ne3A_1073 = vector.broadcast %ne3A_1072 : vector<16xi1> to vector<16xi1>
    %ne3A_1074 = arith.xori %lt3A_1069, %ne3A_1073 : vector<16xi1>
    %and3A_1075 = arith.andi %ne3A_1074, %ne3A_1066 : vector<16xi1>
    %add3A_1076 = vector.broadcast %select_n3A_1061 : i32 to vector<16xi32>
    %add3A_1077 = arith.addi %rem3A_1063, %add3A_1076 : vector<16xi32>
    %select_n3A_1078 = arith.select %and3A_1075, %add3A_1077, %rem3A_1063 : vector<16xi1>, vector<16xi32>
    %add3A_1079 = arith.constant 10000 : i32
    %add3A_1080 = vector.broadcast %add3A_1079 : i32 to vector<16xi32>
    %add3A_1081 = arith.addi %add3A_1080, %select_n3A_1078 : vector<16xi32>
    %swap3A_1082 = arith.constant 79 : i32
    %swap3A_1083 = arith.index_cast %swap3A_1082 : i32 to index
    %swap3A_1084 = arith.constant 112 : index
    %swap3A_1085 = tpu.vector_load %arg7[%swap3A_1083, %swap3A_1084] {strides = array<i32>} : memref<80x128xi32, #tpu.memory_space<vmem>>, vector<1x16xi32>,
    %swap3A_1086 = vector.shape_cast %swap3A_1085 : vector<1x16xi32> to vector<16xi32>
    %swap3A_1087 = vector.shape_cast %add3A_1081 : vector<16xi32> to vector<1x16xi32>
    tpu.vector_store %arg7[%swap3A_1083, %swap3A_1084], %swap3A_1087 {strides = array<i32>} : memref<80x128xi32, #tpu.memory_space<vmem>>, vector<1x16xi32>,
    %barrier3A = arith.constant 0 : index
    tpu.barrier barrier_id(%barrier3A)
    %dma_start3A_1088 = arith.constant 0 : i32
    %dma_start3A_1089 = arith.constant 0 : i32
    %dma_start3A_1090 = arith.constant 0 : i32
    %dma_start3A_1091 = tpu.memref_slice %arg8[%dma_start3A_1088, %dma_start3A_1089, %dma_start3A_1090] : memref<8x128x16xf32, #tpu.memory_space<vmem>> -> memref<1x128x16xf32, #tpu.memory_space<vmem>>
    %dma_start3A_1092 = tpu.memref_squeeze %dma_start3A_1091 : memref<1x128x16xf32, #tpu.memory_space<vmem>> -> memref<128x16xf32, #tpu.memory_space<vmem>>
    %dma_start3A_1093 = arith.constant 0 : i32
    %dma_start3A_1094 = tpu.memref_slice %arg5[%dma_start3A_1093] : memref<10240xi32, #tpu.memory_space<vmem>> -> memref<128xi32, #tpu.memory_space<vmem>>
    %dma_start3A_1095 = arith.constant 0 : i32
    %dma_start3A_1096 = arith.constant 0 : i32
    %dma_start3A_1097 = tpu.memref_slice %arg2[%dma_start3A_1095, %dma_start3A_1096] : memref<10000x16xf32, #tpu.memory_space<hbm>> -> memref<10000x16xf32, #tpu.memory_space<hbm>>
    tpu.enqueue_indirect_dma source(%dma_start3A_1097 : memref<10000x16xf32, #tpu.memory_space<hbm>>) target(%dma_start3A_1092 : memref<128x16xf32, #tpu.memory_space<vmem>>) offsets(%dma_start3A_1094 : memref<128xi32, #tpu.memory_space<vmem>>) semaphore(%arg12 : memref<!tpu.dma_semaphore, #tpu.memory_space<semaphore_mem>>)
    %dma_start3A_1098 = arith.constant 1 : i32
    %dma_start3A_1099 = arith.constant 0 : i32
    %dma_start3A_1100 = arith.constant 0 : i32
    %dma_start3A_1101 = tpu.memref_slice %arg8[%dma_start3A_1098, %dma_start3A_1099, %dma_start3A_1100] : memref<8x128x16xf32, #tpu.memory_space<vmem>> -> memref<1x128x16xf32, #tpu.memory_space<vmem>>
    %dma_start3A_1102 = tpu.memref_squeeze %dma_start3A_1101 : memref<1x128x16xf32, #tpu.memory_space<vmem>> -> memref<128x16xf32, #tpu.memory_space<vmem>>
    %dma_start3A_1103 = arith.constant 128 : i32
    %dma_start3A_1104 = tpu.memref_slice %arg5[%dma_start3A_1103] : memref<10240xi32, #tpu.memory_space<vmem>> -> memref<128xi32, #tpu.memory_space<vmem>>
    %dma_start3A_1105 = arith.constant 0 : i32
    %dma_start3A_1106 = arith.constant 0 : i32
    %dma_start3A_1107 = tpu.memref_slice %arg2[%dma_start3A_1105, %dma_start3A_1106] : memref<10000x16xf32, #tpu.memory_space<hbm>> -> memref<10000x16xf32, #tpu.memory_space<hbm>>
    tpu.enqueue_indirect_dma source(%dma_start3A_1107 : memref<10000x16xf32, #tpu.memory_space<hbm>>) target(%dma_start3A_1102 : memref<128x16xf32, #tpu.memory_space<vmem>>) offsets(%dma_start3A_1104 : memref<128xi32, #tpu.memory_space<vmem>>) semaphore(%arg13 : memref<!tpu.dma_semaphore, #tpu.memory_space<semaphore_mem>>)
    %dma_start3A_1108 = arith.constant 2 : i32
    %dma_start3A_1109 = arith.constant 0 : i32
    %dma_start3A_1110 = arith.constant 0 : i32
    %dma_start3A_1111 = tpu.memref_slice %arg8[%dma_start3A_1108, %dma_start3A_1109, %dma_start3A_1110] : memref<8x128x16xf32, #tpu.memory_space<vmem>> -> memref<1x128x16xf32, #tpu.memory_space<vmem>>
    %dma_start3A_1112 = tpu.memref_squeeze %dma_start3A_1111 : memref<1x128x16xf32, #tpu.memory_space<vmem>> -> memref<128x16xf32, #tpu.memory_space<vmem>>
    %dma_start3A_1113 = arith.constant 256 : i32
    %dma_start3A_1114 = tpu.memref_slice %arg5[%dma_start3A_1113] : memref<10240xi32, #tpu.memory_space<vmem>> -> memref<128xi32, #tpu.memory_space<vmem>>
    %dma_start3A_1115 = arith.constant 0 : i32
    %dma_start3A_1116 = arith.constant 0 : i32
    %dma_start3A_1117 = tpu.memref_slice %arg2[%dma_start3A_1115, %dma_start3A_1116] : memref<10000x16xf32, #tpu.memory_space<hbm>> -> memref<10000x16xf32, #tpu.memory_space<hbm>>
    tpu.enqueue_indirect_dma source(%dma_start3A_1117 : memref<10000x16xf32, #tpu.memory_space<hbm>>) target(%dma_start3A_1112 : memref<128x16xf32, #tpu.memory_space<vmem>>) offsets(%dma_start3A_1114 : memref<128xi32, #tpu.memory_space<vmem>>) semaphore(%arg14 : memref<!tpu.dma_semaphore, #tpu.memory_space<semaphore_mem>>)
    %dma_start3A_1118 = arith.constant 3 : i32
    %dma_start3A_1119 = arith.constant 0 : i32
    %dma_start3A_1120 = arith.constant 0 : i32
    %dma_start3A_1121 = tpu.memref_slice %arg8[%dma_start3A_1118, %dma_start3A_1119, %dma_start3A_1120] : memref<8x128x16xf32, #tpu.memory_space<vmem>> -> memref<1x128x16xf32, #tpu.memory_space<vmem>>
    %dma_start3A_1122 = tpu.memref_squeeze %dma_start3A_1121 : memref<1x128x16xf32, #tpu.memory_space<vmem>> -> memref<128x16xf32, #tpu.memory_space<vmem>>
    %dma_start3A_1123 = arith.constant 384 : i32
    %dma_start3A_1124 = tpu.memref_slice %arg5[%dma_start3A_1123] : memref<10240xi32, #tpu.memory_space<vmem>> -> memref<128xi32, #tpu.memory_space<vmem>>
    %dma_start3A_1125 = arith.constant 0 : i32
    %dma_start3A_1126 = arith.constant 0 : i32
    %dma_start3A_1127 = tpu.memref_slice %arg2[%dma_start3A_1125, %dma_start3A_1126] : memref<10000x16xf32, #tpu.memory_space<hbm>> -> memref<10000x16xf32, #tpu.memory_space<hbm>>
    tpu.enqueue_indirect_dma source(%dma_start3A_1127 : memref<10000x16xf32, #tpu.memory_space<hbm>>) target(%dma_start3A_1122 : memref<128x16xf32, #tpu.memory_space<vmem>>) offsets(%dma_start3A_1124 : memref<128xi32, #tpu.memory_space<vmem>>) semaphore(%arg15 : memref<!tpu.dma_semaphore, #tpu.memory_space<semaphore_mem>>)
    %dma_start3A_1128 = arith.constant 4 : i32
    %dma_start3A_1129 = arith.constant 0 : i32
    %dma_start3A_1130 = arith.constant 0 : i32
    %dma_start3A_1131 = tpu.memref_slice %arg8[%dma_start3A_1128, %dma_start3A_1129, %dma_start3A_1130] : memref<8x128x16xf32, #tpu.memory_space<vmem>> -> memref<1x128x16xf32, #tpu.memory_space<vmem>>
    %dma_start3A_1132 = tpu.memref_squeeze %dma_start3A_1131 : memref<1x128x16xf32, #tpu.memory_space<vmem>> -> memref<128x16xf32, #tpu.memory_space<vmem>>
    %dma_start3A_1133 = arith.constant 512 : i32
    %dma_start3A_1134 = tpu.memref_slice %arg5[%dma_start3A_1133] : memref<10240xi32, #tpu.memory_space<vmem>> -> memref<128xi32, #tpu.memory_space<vmem>>
    %dma_start3A_1135 = arith.constant 0 : i32
    %dma_start3A_1136 = arith.constant 0 : i32
    %dma_start3A_1137 = tpu.memref_slice %arg2[%dma_start3A_1135, %dma_start3A_1136] : memref<10000x16xf32, #tpu.memory_space<hbm>> -> memref<10000x16xf32, #tpu.memory_space<hbm>>
    tpu.enqueue_indirect_dma source(%dma_start3A_1137 : memref<10000x16xf32, #tpu.memory_space<hbm>>) target(%dma_start3A_1132 : memref<128x16xf32, #tpu.memory_space<vmem>>) offsets(%dma_start3A_1134 : memref<128xi32, #tpu.memory_space<vmem>>) semaphore(%arg16 : memref<!tpu.dma_semaphore, #tpu.memory_space<semaphore_mem>>)
    %dma_start3A_1138 = arith.constant 5 : i32
    %dma_start3A_1139 = arith.constant 0 : i32
    %dma_start3A_1140 = arith.constant 0 : i32
    %dma_start3A_1141 = tpu.memref_slice %arg8[%dma_start3A_1138, %dma_start3A_1139, %dma_start3A_1140] : memref<8x128x16xf32, #tpu.memory_space<vmem>> -> memref<1x128x16xf32, #tpu.memory_space<vmem>>
    %dma_start3A_1142 = tpu.memref_squeeze %dma_start3A_1141 : memref<1x128x16xf32, #tpu.memory_space<vmem>> -> memref<128x16xf32, #tpu.memory_space<vmem>>
    %dma_start3A_1143 = arith.constant 640 : i32
    %dma_start3A_1144 = tpu.memref_slice %arg5[%dma_start3A_1143] : memref<10240xi32, #tpu.memory_space<vmem>> -> memref<128xi32, #tpu.memory_space<vmem>>
    %dma_start3A_1145 = arith.constant 0 : i32
    %dma_start3A_1146 = arith.constant 0 : i32
    %dma_start3A_1147 = tpu.memref_slice %arg2[%dma_start3A_1145, %dma_start3A_1146] : memref<10000x16xf32, #tpu.memory_space<hbm>> -> memref<10000x16xf32, #tpu.memory_space<hbm>>
    tpu.enqueue_indirect_dma source(%dma_start3A_1147 : memref<10000x16xf32, #tpu.memory_space<hbm>>) target(%dma_start3A_1142 : memref<128x16xf32, #tpu.memory_space<vmem>>) offsets(%dma_start3A_1144 : memref<128xi32, #tpu.memory_space<vmem>>) semaphore(%arg17 : memref<!tpu.dma_semaphore, #tpu.memory_space<semaphore_mem>>)
    %dma_start3A_1148 = arith.constant 6 : i32
    %dma_start3A_1149 = arith.constant 0 : i32
    %dma_start3A_1150 = arith.constant 0 : i32
    %dma_start3A_1151 = tpu.memref_slice %arg8[%dma_start3A_1148, %dma_start3A_1149, %dma_start3A_1150] : memref<8x128x16xf32, #tpu.memory_space<vmem>> -> memref<1x128x16xf32, #tpu.memory_space<vmem>>
    %dma_start3A_1152 = tpu.memref_squeeze %dma_start3A_1151 : memref<1x128x16xf32, #tpu.memory_space<vmem>> -> memref<128x16xf32, #tpu.memory_space<vmem>>
    %dma_start3A_1153 = arith.constant 768 : i32
    %dma_start3A_1154 = tpu.memref_slice %arg5[%dma_start3A_1153] : memref<10240xi32, #tpu.memory_space<vmem>> -> memref<128xi32, #tpu.memory_space<vmem>>
    %dma_start3A_1155 = arith.constant 0 : i32
    %dma_start3A_1156 = arith.constant 0 : i32
    %dma_start3A_1157 = tpu.memref_slice %arg2[%dma_start3A_1155, %dma_start3A_1156] : memref<10000x16xf32, #tpu.memory_space<hbm>> -> memref<10000x16xf32, #tpu.memory_space<hbm>>
    tpu.enqueue_indirect_dma source(%dma_start3A_1157 : memref<10000x16xf32, #tpu.memory_space<hbm>>) target(%dma_start3A_1152 : memref<128x16xf32, #tpu.memory_space<vmem>>) offsets(%dma_start3A_1154 : memref<128xi32, #tpu.memory_space<vmem>>) semaphore(%arg18 : memref<!tpu.dma_semaphore, #tpu.memory_space<semaphore_mem>>)
    %dma_start3A_1158 = arith.constant 7 : i32
    %dma_start3A_1159 = arith.constant 0 : i32
    %dma_start3A_1160 = arith.constant 0 : i32
    %dma_start3A_1161 = tpu.memref_slice %arg8[%dma_start3A_1158, %dma_start3A_1159, %dma_start3A_1160] : memref<8x128x16xf32, #tpu.memory_space<vmem>> -> memref<1x128x16xf32, #tpu.memory_space<vmem>>
    %dma_start3A_1162 = tpu.memref_squeeze %dma_start3A_1161 : memref<1x128x16xf32, #tpu.memory_space<vmem>> -> memref<128x16xf32, #tpu.memory_space<vmem>>
    %dma_start3A_1163 = arith.constant 896 : i32
    %dma_start3A_1164 = tpu.memref_slice %arg5[%dma_start3A_1163] : memref<10240xi32, #tpu.memory_space<vmem>> -> memref<128xi32, #tpu.memory_space<vmem>>
    %dma_start3A_1165 = arith.constant 0 : i32
    %dma_start3A_1166 = arith.constant 0 : i32
    %dma_start3A_1167 = tpu.memref_slice %arg2[%dma_start3A_1165, %dma_start3A_1166] : memref<10000x16xf32, #tpu.memory_space<hbm>> -> memref<10000x16xf32, #tpu.memory_space<hbm>>
    tpu.enqueue_indirect_dma source(%dma_start3A_1167 : memref<10000x16xf32, #tpu.memory_space<hbm>>) target(%dma_start3A_1162 : memref<128x16xf32, #tpu.memory_space<vmem>>) offsets(%dma_start3A_1164 : memref<128xi32, #tpu.memory_space<vmem>>) semaphore(%arg19 : memref<!tpu.dma_semaphore, #tpu.memory_space<semaphore_mem>>)
    %scan3A_1168 = arith.constant 0 : i32
    %scan3A_1169 = arith.constant 0 : i32
    %scan3A_1170 = arith.constant 10 : i32
    %scan3A_1171 = arith.addi %scan3A_1169, %scan3A_1170 : i32
    %scan3A_1172 = arith.constant 1 : i32
    scf.for %scan3A_1190 = %scan3A_1169 to %scan3A_1171 step %scan3A_1172  : i32 {
      %mul3A_1191 = arith.constant 8 : i32
      %mul3A_1192 = arith.muli %scan3A_1190, %mul3A_1191 : i32
      %dma_wait3A_1193 = arith.constant 0 : i32
      %dma_wait3A_1194 = arith.constant 0 : i32
      %dma_wait3A_1195 = arith.constant 0 : i32
      %dma_wait3A_1196 = tpu.memref_slice %arg8[%dma_wait3A_1193, %dma_wait3A_1194, %dma_wait3A_1195] : memref<8x128x16xf32, #tpu.memory_space<vmem>> -> memref<1x128x16xf32, #tpu.memory_space<vmem>>
      %dma_wait3A_1197 = tpu.memref_squeeze %dma_wait3A_1196 : memref<1x128x16xf32, #tpu.memory_space<vmem>> -> memref<128x16xf32, #tpu.memory_space<vmem>>
      %dma_wait3A_1198 = arith.constant 0 : i32
      %dma_wait3A_1199 = tpu.memref_slice %arg5[%dma_wait3A_1198] : memref<10240xi32, #tpu.memory_space<vmem>> -> memref<128xi32, #tpu.memory_space<vmem>>
      %dma_wait3A_1200 = arith.constant 0 : i32
      %dma_wait3A_1201 = arith.constant 0 : i32
      %dma_wait3A_1202 = tpu.memref_slice %arg2[%dma_wait3A_1200, %dma_wait3A_1201] : memref<10000x16xf32, #tpu.memory_space<hbm>> -> memref<10000x16xf32, #tpu.memory_space<hbm>>
      tpu.wait_indirect_dma semaphore(%arg12 : memref<!tpu.dma_semaphore, #tpu.memory_space<semaphore_mem>>) src(%dma_wait3A_1202 : memref<10000x16xf32, #tpu.memory_space<hbm>>) dst(%dma_wait3A_1197 : memref<128x16xf32, #tpu.memory_space<vmem>>)
      %add3A_1203 = arith.constant 0 : i32
      %add3A_1204 = arith.addi %mul3A_1192, %add3A_1203 : i32
      %dma_start3A_1205 = arith.constant 0 : i32
      %dma_start3A_1206 = arith.constant 0 : i32
      %dma_start3A_1207 = arith.constant 0 : i32
      %dma_start3A_1208 = tpu.memref_slice %arg8[%dma_start3A_1205, %dma_start3A_1206, %dma_start3A_1207] : memref<8x128x16xf32, #tpu.memory_space<vmem>> -> memref<1x128x16xf32, #tpu.memory_space<vmem>>
      %dma_start3A_1209 = tpu.memref_squeeze %dma_start3A_1208 : memref<1x128x16xf32, #tpu.memory_space<vmem>> -> memref<128x16xf32, #tpu.memory_space<vmem>>
      %dma_start3A_1210 = arith.constant 0 : i32
      %dma_start3A_1211 = tpu.memref_slice %arg7[%add3A_1204, %dma_start3A_1210] : memref<80x128xi32, #tpu.memory_space<vmem>> -> memref<1x128xi32, #tpu.memory_space<vmem>>
      %dma_start3A_1212 = tpu.memref_squeeze %dma_start3A_1211 : memref<1x128xi32, #tpu.memory_space<vmem>> -> memref<128xi32, #tpu.memory_space<vmem>>
      %dma_start3A_1213 = arith.constant 0 : i32
      %dma_start3A_1214 = arith.constant 0 : i32
      %dma_start3A_1215 = tpu.memref_slice %arg11[%dma_start3A_1213, %dma_start3A_1214] : memref<10240x16xf32, #tpu.memory_space<vmem_shared>> -> memref<10240x16xf32, #tpu.memory_space<vmem_shared>>
      tpu.enqueue_indirect_dma source(%dma_start3A_1209 : memref<128x16xf32, #tpu.memory_space<vmem>>) target(%dma_start3A_1215 : memref<10240x16xf32, #tpu.memory_space<vmem_shared>>) offsets(%dma_start3A_1212 : memref<128xi32, #tpu.memory_space<vmem>>) semaphore(%arg20 : memref<!tpu.dma_semaphore, #tpu.memory_space<semaphore_mem>>) {add = true}
      %dma_wait3A_1216 = arith.constant 1 : i32
      %dma_wait3A_1217 = arith.constant 0 : i32
      %dma_wait3A_1218 = arith.constant 0 : i32
      %dma_wait3A_1219 = tpu.memref_slice %arg8[%dma_wait3A_1216, %dma_wait3A_1217, %dma_wait3A_1218] : memref<8x128x16xf32, #tpu.memory_space<vmem>> -> memref<1x128x16xf32, #tpu.memory_space<vmem>>
      %dma_wait3A_1220 = tpu.memref_squeeze %dma_wait3A_1219 : memref<1x128x16xf32, #tpu.memory_space<vmem>> -> memref<128x16xf32, #tpu.memory_space<vmem>>
      %dma_wait3A_1221 = arith.constant 0 : i32
      %dma_wait3A_1222 = tpu.memref_slice %arg5[%dma_wait3A_1221] : memref<10240xi32, #tpu.memory_space<vmem>> -> memref<128xi32, #tpu.memory_space<vmem>>
      %dma_wait3A_1223 = arith.constant 0 : i32
      %dma_wait3A_1224 = arith.constant 0 : i32
      %dma_wait3A_1225 = tpu.memref_slice %arg2[%dma_wait3A_1223, %dma_wait3A_1224] : memref<10000x16xf32, #tpu.memory_space<hbm>> -> memref<10000x16xf32, #tpu.memory_space<hbm>>
      tpu.wait_indirect_dma semaphore(%arg13 : memref<!tpu.dma_semaphore, #tpu.memory_space<semaphore_mem>>) src(%dma_wait3A_1225 : memref<10000x16xf32, #tpu.memory_space<hbm>>) dst(%dma_wait3A_1220 : memref<128x16xf32, #tpu.memory_space<vmem>>)
      %add3A_1226 = arith.constant 1 : i32
      %add3A_1227 = arith.addi %mul3A_1192, %add3A_1226 : i32
      %dma_start3A_1228 = arith.constant 1 : i32
      %dma_start3A_1229 = arith.constant 0 : i32
      %dma_start3A_1230 = arith.constant 0 : i32
      %dma_start3A_1231 = tpu.memref_slice %arg8[%dma_start3A_1228, %dma_start3A_1229, %dma_start3A_1230] : memref<8x128x16xf32, #tpu.memory_space<vmem>> -> memref<1x128x16xf32, #tpu.memory_space<vmem>>
      %dma_start3A_1232 = tpu.memref_squeeze %dma_start3A_1231 : memref<1x128x16xf32, #tpu.memory_space<vmem>> -> memref<128x16xf32, #tpu.memory_space<vmem>>
      %dma_start3A_1233 = arith.constant 0 : i32
      %dma_start3A_1234 = tpu.memref_slice %arg7[%add3A_1227, %dma_start3A_1233] : memref<80x128xi32, #tpu.memory_space<vmem>> -> memref<1x128xi32, #tpu.memory_space<vmem>>
      %dma_start3A_1235 = tpu.memref_squeeze %dma_start3A_1234 : memref<1x128xi32, #tpu.memory_space<vmem>> -> memref<128xi32, #tpu.memory_space<vmem>>
      %dma_start3A_1236 = arith.constant 0 : i32
      %dma_start3A_1237 = arith.constant 0 : i32
      %dma_start3A_1238 = tpu.memref_slice %arg11[%dma_start3A_1236, %dma_start3A_1237] : memref<10240x16xf32, #tpu.memory_space<vmem_shared>> -> memref<10240x16xf32, #tpu.memory_space<vmem_shared>>
      tpu.enqueue_indirect_dma source(%dma_start3A_1232 : memref<128x16xf32, #tpu.memory_space<vmem>>) target(%dma_start3A_1238 : memref<10240x16xf32, #tpu.memory_space<vmem_shared>>) offsets(%dma_start3A_1235 : memref<128xi32, #tpu.memory_space<vmem>>) semaphore(%arg21 : memref<!tpu.dma_semaphore, #tpu.memory_space<semaphore_mem>>) {add = true}
      %dma_wait3A_1239 = arith.constant 2 : i32
      %dma_wait3A_1240 = arith.constant 0 : i32
      %dma_wait3A_1241 = arith.constant 0 : i32
      %dma_wait3A_1242 = tpu.memref_slice %arg8[%dma_wait3A_1239, %dma_wait3A_1240, %dma_wait3A_1241] : memref<8x128x16xf32, #tpu.memory_space<vmem>> -> memref<1x128x16xf32, #tpu.memory_space<vmem>>
      %dma_wait3A_1243 = tpu.memref_squeeze %dma_wait3A_1242 : memref<1x128x16xf32, #tpu.memory_space<vmem>> -> memref<128x16xf32, #tpu.memory_space<vmem>>
      %dma_wait3A_1244 = arith.constant 0 : i32
      %dma_wait3A_1245 = tpu.memref_slice %arg5[%dma_wait3A_1244] : memref<10240xi32, #tpu.memory_space<vmem>> -> memref<128xi32, #tpu.memory_space<vmem>>
      %dma_wait3A_1246 = arith.constant 0 : i32
      %dma_wait3A_1247 = arith.constant 0 : i32
      %dma_wait3A_1248 = tpu.memref_slice %arg2[%dma_wait3A_1246, %dma_wait3A_1247] : memref<10000x16xf32, #tpu.memory_space<hbm>> -> memref<10000x16xf32, #tpu.memory_space<hbm>>
      tpu.wait_indirect_dma semaphore(%arg14 : memref<!tpu.dma_semaphore, #tpu.memory_space<semaphore_mem>>) src(%dma_wait3A_1248 : memref<10000x16xf32, #tpu.memory_space<hbm>>) dst(%dma_wait3A_1243 : memref<128x16xf32, #tpu.memory_space<vmem>>)
      %add3A_1249 = arith.constant 2 : i32
      %add3A_1250 = arith.addi %mul3A_1192, %add3A_1249 : i32
      %dma_start3A_1251 = arith.constant 2 : i32
      %dma_start3A_1252 = arith.constant 0 : i32
      %dma_start3A_1253 = arith.constant 0 : i32
      %dma_start3A_1254 = tpu.memref_slice %arg8[%dma_start3A_1251, %dma_start3A_1252, %dma_start3A_1253] : memref<8x128x16xf32, #tpu.memory_space<vmem>> -> memref<1x128x16xf32, #tpu.memory_space<vmem>>
      %dma_start3A_1255 = tpu.memref_squeeze %dma_start3A_1254 : memref<1x128x16xf32, #tpu.memory_space<vmem>> -> memref<128x16xf32, #tpu.memory_space<vmem>>
      %dma_start3A_1256 = arith.constant 0 : i32
      %dma_start3A_1257 = tpu.memref_slice %arg7[%add3A_1250, %dma_start3A_1256] : memref<80x128xi32, #tpu.memory_space<vmem>> -> memref<1x128xi32, #tpu.memory_space<vmem>>
      %dma_start3A_1258 = tpu.memref_squeeze %dma_start3A_1257 : memref<1x128xi32, #tpu.memory_space<vmem>> -> memref<128xi32, #tpu.memory_space<vmem>>
      %dma_start3A_1259 = arith.constant 0 : i32
      %dma_start3A_1260 = arith.constant 0 : i32
      %dma_start3A_1261 = tpu.memref_slice %arg11[%dma_start3A_1259, %dma_start3A_1260] : memref<10240x16xf32, #tpu.memory_space<vmem_shared>> -> memref<10240x16xf32, #tpu.memory_space<vmem_shared>>
      tpu.enqueue_indirect_dma source(%dma_start3A_1255 : memref<128x16xf32, #tpu.memory_space<vmem>>) target(%dma_start3A_1261 : memref<10240x16xf32, #tpu.memory_space<vmem_shared>>) offsets(%dma_start3A_1258 : memref<128xi32, #tpu.memory_space<vmem>>) semaphore(%arg22 : memref<!tpu.dma_semaphore, #tpu.memory_space<semaphore_mem>>) {add = true}
      %dma_wait3A_1262 = arith.constant 3 : i32
      %dma_wait3A_1263 = arith.constant 0 : i32
      %dma_wait3A_1264 = arith.constant 0 : i32
      %dma_wait3A_1265 = tpu.memref_slice %arg8[%dma_wait3A_1262, %dma_wait3A_1263, %dma_wait3A_1264] : memref<8x128x16xf32, #tpu.memory_space<vmem>> -> memref<1x128x16xf32, #tpu.memory_space<vmem>>
      %dma_wait3A_1266 = tpu.memref_squeeze %dma_wait3A_1265 : memref<1x128x16xf32, #tpu.memory_space<vmem>> -> memref<128x16xf32, #tpu.memory_space<vmem>>
      %dma_wait3A_1267 = arith.constant 0 : i32
      %dma_wait3A_1268 = tpu.memref_slice %arg5[%dma_wait3A_1267] : memref<10240xi32, #tpu.memory_space<vmem>> -> memref<128xi32, #tpu.memory_space<vmem>>
      %dma_wait3A_1269 = arith.constant 0 : i32
      %dma_wait3A_1270 = arith.constant 0 : i32
      %dma_wait3A_1271 = tpu.memref_slice %arg2[%dma_wait3A_1269, %dma_wait3A_1270] : memref<10000x16xf32, #tpu.memory_space<hbm>> -> memref<10000x16xf32, #tpu.memory_space<hbm>>
      tpu.wait_indirect_dma semaphore(%arg15 : memref<!tpu.dma_semaphore, #tpu.memory_space<semaphore_mem>>) src(%dma_wait3A_1271 : memref<10000x16xf32, #tpu.memory_space<hbm>>) dst(%dma_wait3A_1266 : memref<128x16xf32, #tpu.memory_space<vmem>>)
      %add3A_1272 = arith.constant 3 : i32
      %add3A_1273 = arith.addi %mul3A_1192, %add3A_1272 : i32
      %dma_start3A_1274 = arith.constant 3 : i32
      %dma_start3A_1275 = arith.constant 0 : i32
      %dma_start3A_1276 = arith.constant 0 : i32
      %dma_start3A_1277 = tpu.memref_slice %arg8[%dma_start3A_1274, %dma_start3A_1275, %dma_start3A_1276] : memref<8x128x16xf32, #tpu.memory_space<vmem>> -> memref<1x128x16xf32, #tpu.memory_space<vmem>>
      %dma_start3A_1278 = tpu.memref_squeeze %dma_start3A_1277 : memref<1x128x16xf32, #tpu.memory_space<vmem>> -> memref<128x16xf32, #tpu.memory_space<vmem>>
      %dma_start3A_1279 = arith.constant 0 : i32
      %dma_start3A_1280 = tpu.memref_slice %arg7[%add3A_1273, %dma_start3A_1279] : memref<80x128xi32, #tpu.memory_space<vmem>> -> memref<1x128xi32, #tpu.memory_space<vmem>>
      %dma_start3A_1281 = tpu.memref_squeeze %dma_start3A_1280 : memref<1x128xi32, #tpu.memory_space<vmem>> -> memref<128xi32, #tpu.memory_space<vmem>>
      %dma_start3A_1282 = arith.constant 0 : i32
      %dma_start3A_1283 = arith.constant 0 : i32
      %dma_start3A_1284 = tpu.memref_slice %arg11[%dma_start3A_1282, %dma_start3A_1283] : memref<10240x16xf32, #tpu.memory_space<vmem_shared>> -> memref<10240x16xf32, #tpu.memory_space<vmem_shared>>
      tpu.enqueue_indirect_dma source(%dma_start3A_1278 : memref<128x16xf32, #tpu.memory_space<vmem>>) target(%dma_start3A_1284 : memref<10240x16xf32, #tpu.memory_space<vmem_shared>>) offsets(%dma_start3A_1281 : memref<128xi32, #tpu.memory_space<vmem>>) semaphore(%arg23 : memref<!tpu.dma_semaphore, #tpu.memory_space<semaphore_mem>>) {add = true}
      %dma_wait3A_1285 = arith.constant 4 : i32
      %dma_wait3A_1286 = arith.constant 0 : i32
      %dma_wait3A_1287 = arith.constant 0 : i32
      %dma_wait3A_1288 = tpu.memref_slice %arg8[%dma_wait3A_1285, %dma_wait3A_1286, %dma_wait3A_1287] : memref<8x128x16xf32, #tpu.memory_space<vmem>> -> memref<1x128x16xf32, #tpu.memory_space<vmem>>
      %dma_wait3A_1289 = tpu.memref_squeeze %dma_wait3A_1288 : memref<1x128x16xf32, #tpu.memory_space<vmem>> -> memref<128x16xf32, #tpu.memory_space<vmem>>
      %dma_wait3A_1290 = arith.constant 0 : i32
      %dma_wait3A_1291 = tpu.memref_slice %arg5[%dma_wait3A_1290] : memref<10240xi32, #tpu.memory_space<vmem>> -> memref<128xi32, #tpu.memory_space<vmem>>
      %dma_wait3A_1292 = arith.constant 0 : i32
      %dma_wait3A_1293 = arith.constant 0 : i32
      %dma_wait3A_1294 = tpu.memref_slice %arg2[%dma_wait3A_1292, %dma_wait3A_1293] : memref<10000x16xf32, #tpu.memory_space<hbm>> -> memref<10000x16xf32, #tpu.memory_space<hbm>>
      tpu.wait_indirect_dma semaphore(%arg16 : memref<!tpu.dma_semaphore, #tpu.memory_space<semaphore_mem>>) src(%dma_wait3A_1294 : memref<10000x16xf32, #tpu.memory_space<hbm>>) dst(%dma_wait3A_1289 : memref<128x16xf32, #tpu.memory_space<vmem>>)
      %add3A_1295 = arith.constant 4 : i32
      %add3A_1296 = arith.addi %mul3A_1192, %add3A_1295 : i32
      %dma_start3A_1297 = arith.constant 4 : i32
      %dma_start3A_1298 = arith.constant 0 : i32
      %dma_start3A_1299 = arith.constant 0 : i32
      %dma_start3A_1300 = tpu.memref_slice %arg8[%dma_start3A_1297, %dma_start3A_1298, %dma_start3A_1299] : memref<8x128x16xf32, #tpu.memory_space<vmem>> -> memref<1x128x16xf32, #tpu.memory_space<vmem>>
      %dma_start3A_1301 = tpu.memref_squeeze %dma_start3A_1300 : memref<1x128x16xf32, #tpu.memory_space<vmem>> -> memref<128x16xf32, #tpu.memory_space<vmem>>
      %dma_start3A_1302 = arith.constant 0 : i32
      %dma_start3A_1303 = tpu.memref_slice %arg7[%add3A_1296, %dma_start3A_1302] : memref<80x128xi32, #tpu.memory_space<vmem>> -> memref<1x128xi32, #tpu.memory_space<vmem>>
      %dma_start3A_1304 = tpu.memref_squeeze %dma_start3A_1303 : memref<1x128xi32, #tpu.memory_space<vmem>> -> memref<128xi32, #tpu.memory_space<vmem>>
      %dma_start3A_1305 = arith.constant 0 : i32
      %dma_start3A_1306 = arith.constant 0 : i32
      %dma_start3A_1307 = tpu.memref_slice %arg11[%dma_start3A_1305, %dma_start3A_1306] : memref<10240x16xf32, #tpu.memory_space<vmem_shared>> -> memref<10240x16xf32, #tpu.memory_space<vmem_shared>>
      tpu.enqueue_indirect_dma source(%dma_start3A_1301 : memref<128x16xf32, #tpu.memory_space<vmem>>) target(%dma_start3A_1307 : memref<10240x16xf32, #tpu.memory_space<vmem_shared>>) offsets(%dma_start3A_1304 : memref<128xi32, #tpu.memory_space<vmem>>) semaphore(%arg24 : memref<!tpu.dma_semaphore, #tpu.memory_space<semaphore_mem>>) {add = true}
      %dma_wait3A_1308 = arith.constant 5 : i32
      %dma_wait3A_1309 = arith.constant 0 : i32
      %dma_wait3A_1310 = arith.constant 0 : i32
      %dma_wait3A_1311 = tpu.memref_slice %arg8[%dma_wait3A_1308, %dma_wait3A_1309, %dma_wait3A_1310] : memref<8x128x16xf32, #tpu.memory_space<vmem>> -> memref<1x128x16xf32, #tpu.memory_space<vmem>>
      %dma_wait3A_1312 = tpu.memref_squeeze %dma_wait3A_1311 : memref<1x128x16xf32, #tpu.memory_space<vmem>> -> memref<128x16xf32, #tpu.memory_space<vmem>>
      %dma_wait3A_1313 = arith.constant 0 : i32
      %dma_wait3A_1314 = tpu.memref_slice %arg5[%dma_wait3A_1313] : memref<10240xi32, #tpu.memory_space<vmem>> -> memref<128xi32, #tpu.memory_space<vmem>>
      %dma_wait3A_1315 = arith.constant 0 : i32
      %dma_wait3A_1316 = arith.constant 0 : i32
      %dma_wait3A_1317 = tpu.memref_slice %arg2[%dma_wait3A_1315, %dma_wait3A_1316] : memref<10000x16xf32, #tpu.memory_space<hbm>> -> memref<10000x16xf32, #tpu.memory_space<hbm>>
      tpu.wait_indirect_dma semaphore(%arg17 : memref<!tpu.dma_semaphore, #tpu.memory_space<semaphore_mem>>) src(%dma_wait3A_1317 : memref<10000x16xf32, #tpu.memory_space<hbm>>) dst(%dma_wait3A_1312 : memref<128x16xf32, #tpu.memory_space<vmem>>)
      %add3A_1318 = arith.constant 5 : i32
      %add3A_1319 = arith.addi %mul3A_1192, %add3A_1318 : i32
      %dma_start3A_1320 = arith.constant 5 : i32
      %dma_start3A_1321 = arith.constant 0 : i32
      %dma_start3A_1322 = arith.constant 0 : i32
      %dma_start3A_1323 = tpu.memref_slice %arg8[%dma_start3A_1320, %dma_start3A_1321, %dma_start3A_1322] : memref<8x128x16xf32, #tpu.memory_space<vmem>> -> memref<1x128x16xf32, #tpu.memory_space<vmem>>
      %dma_start3A_1324 = tpu.memref_squeeze %dma_start3A_1323 : memref<1x128x16xf32, #tpu.memory_space<vmem>> -> memref<128x16xf32, #tpu.memory_space<vmem>>
      %dma_start3A_1325 = arith.constant 0 : i32
      %dma_start3A_1326 = tpu.memref_slice %arg7[%add3A_1319, %dma_start3A_1325] : memref<80x128xi32, #tpu.memory_space<vmem>> -> memref<1x128xi32, #tpu.memory_space<vmem>>
      %dma_start3A_1327 = tpu.memref_squeeze %dma_start3A_1326 : memref<1x128xi32, #tpu.memory_space<vmem>> -> memref<128xi32, #tpu.memory_space<vmem>>
      %dma_start3A_1328 = arith.constant 0 : i32
      %dma_start3A_1329 = arith.constant 0 : i32
      %dma_start3A_1330 = tpu.memref_slice %arg11[%dma_start3A_1328, %dma_start3A_1329] : memref<10240x16xf32, #tpu.memory_space<vmem_shared>> -> memref<10240x16xf32, #tpu.memory_space<vmem_shared>>
      tpu.enqueue_indirect_dma source(%dma_start3A_1324 : memref<128x16xf32, #tpu.memory_space<vmem>>) target(%dma_start3A_1330 : memref<10240x16xf32, #tpu.memory_space<vmem_shared>>) offsets(%dma_start3A_1327 : memref<128xi32, #tpu.memory_space<vmem>>) semaphore(%arg25 : memref<!tpu.dma_semaphore, #tpu.memory_space<semaphore_mem>>) {add = true}
      %dma_wait3A_1331 = arith.constant 6 : i32
      %dma_wait3A_1332 = arith.constant 0 : i32
      %dma_wait3A_1333 = arith.constant 0 : i32
      %dma_wait3A_1334 = tpu.memref_slice %arg8[%dma_wait3A_1331, %dma_wait3A_1332, %dma_wait3A_1333] : memref<8x128x16xf32, #tpu.memory_space<vmem>> -> memref<1x128x16xf32, #tpu.memory_space<vmem>>
      %dma_wait3A_1335 = tpu.memref_squeeze %dma_wait3A_1334 : memref<1x128x16xf32, #tpu.memory_space<vmem>> -> memref<128x16xf32, #tpu.memory_space<vmem>>
      %dma_wait3A_1336 = arith.constant 0 : i32
      %dma_wait3A_1337 = tpu.memref_slice %arg5[%dma_wait3A_1336] : memref<10240xi32, #tpu.memory_space<vmem>> -> memref<128xi32, #tpu.memory_space<vmem>>
      %dma_wait3A_1338 = arith.constant 0 : i32
      %dma_wait3A_1339 = arith.constant 0 : i32
      %dma_wait3A_1340 = tpu.memref_slice %arg2[%dma_wait3A_1338, %dma_wait3A_1339] : memref<10000x16xf32, #tpu.memory_space<hbm>> -> memref<10000x16xf32, #tpu.memory_space<hbm>>
      tpu.wait_indirect_dma semaphore(%arg18 : memref<!tpu.dma_semaphore, #tpu.memory_space<semaphore_mem>>) src(%dma_wait3A_1340 : memref<10000x16xf32, #tpu.memory_space<hbm>>) dst(%dma_wait3A_1335 : memref<128x16xf32, #tpu.memory_space<vmem>>)
      %add3A_1341 = arith.constant 6 : i32
      %add3A_1342 = arith.addi %mul3A_1192, %add3A_1341 : i32
      %dma_start3A_1343 = arith.constant 6 : i32
      %dma_start3A_1344 = arith.constant 0 : i32
      %dma_start3A_1345 = arith.constant 0 : i32
      %dma_start3A_1346 = tpu.memref_slice %arg8[%dma_start3A_1343, %dma_start3A_1344, %dma_start3A_1345] : memref<8x128x16xf32, #tpu.memory_space<vmem>> -> memref<1x128x16xf32, #tpu.memory_space<vmem>>
      %dma_start3A_1347 = tpu.memref_squeeze %dma_start3A_1346 : memref<1x128x16xf32, #tpu.memory_space<vmem>> -> memref<128x16xf32, #tpu.memory_space<vmem>>
      %dma_start3A_1348 = arith.constant 0 : i32
      %dma_start3A_1349 = tpu.memref_slice %arg7[%add3A_1342, %dma_start3A_1348] : memref<80x128xi32, #tpu.memory_space<vmem>> -> memref<1x128xi32, #tpu.memory_space<vmem>>
      %dma_start3A_1350 = tpu.memref_squeeze %dma_start3A_1349 : memref<1x128xi32, #tpu.memory_space<vmem>> -> memref<128xi32, #tpu.memory_space<vmem>>
      %dma_start3A_1351 = arith.constant 0 : i32
      %dma_start3A_1352 = arith.constant 0 : i32
      %dma_start3A_1353 = tpu.memref_slice %arg11[%dma_start3A_1351, %dma_start3A_1352] : memref<10240x16xf32, #tpu.memory_space<vmem_shared>> -> memref<10240x16xf32, #tpu.memory_space<vmem_shared>>
      tpu.enqueue_indirect_dma source(%dma_start3A_1347 : memref<128x16xf32, #tpu.memory_space<vmem>>) target(%dma_start3A_1353 : memref<10240x16xf32, #tpu.memory_space<vmem_shared>>) offsets(%dma_start3A_1350 : memref<128xi32, #tpu.memory_space<vmem>>) semaphore(%arg26 : memref<!tpu.dma_semaphore, #tpu.memory_space<semaphore_mem>>) {add = true}
      %dma_wait3A_1354 = arith.constant 7 : i32
      %dma_wait3A_1355 = arith.constant 0 : i32
      %dma_wait3A_1356 = arith.constant 0 : i32
      %dma_wait3A_1357 = tpu.memref_slice %arg8[%dma_wait3A_1354, %dma_wait3A_1355, %dma_wait3A_1356] : memref<8x128x16xf32, #tpu.memory_space<vmem>> -> memref<1x128x16xf32, #tpu.memory_space<vmem>>
      %dma_wait3A_1358 = tpu.memref_squeeze %dma_wait3A_1357 : memref<1x128x16xf32, #tpu.memory_space<vmem>> -> memref<128x16xf32, #tpu.memory_space<vmem>>
      %dma_wait3A_1359 = arith.constant 0 : i32
      %dma_wait3A_1360 = tpu.memref_slice %arg5[%dma_wait3A_1359] : memref<10240xi32, #tpu.memory_space<vmem>> -> memref<128xi32, #tpu.memory_space<vmem>>
      %dma_wait3A_1361 = arith.constant 0 : i32
      %dma_wait3A_1362 = arith.constant 0 : i32
      %dma_wait3A_1363 = tpu.memref_slice %arg2[%dma_wait3A_1361, %dma_wait3A_1362] : memref<10000x16xf32, #tpu.memory_space<hbm>> -> memref<10000x16xf32, #tpu.memory_space<hbm>>
      tpu.wait_indirect_dma semaphore(%arg19 : memref<!tpu.dma_semaphore, #tpu.memory_space<semaphore_mem>>) src(%dma_wait3A_1363 : memref<10000x16xf32, #tpu.memory_space<hbm>>) dst(%dma_wait3A_1358 : memref<128x16xf32, #tpu.memory_space<vmem>>)
      %add3A_1364 = arith.constant 7 : i32
      %add3A_1365 = arith.addi %mul3A_1192, %add3A_1364 : i32
      %dma_start3A_1366 = arith.constant 7 : i32
      %dma_start3A_1367 = arith.constant 0 : i32
      %dma_start3A_1368 = arith.constant 0 : i32
      %dma_start3A_1369 = tpu.memref_slice %arg8[%dma_start3A_1366, %dma_start3A_1367, %dma_start3A_1368] : memref<8x128x16xf32, #tpu.memory_space<vmem>> -> memref<1x128x16xf32, #tpu.memory_space<vmem>>
      %dma_start3A_1370 = tpu.memref_squeeze %dma_start3A_1369 : memref<1x128x16xf32, #tpu.memory_space<vmem>> -> memref<128x16xf32, #tpu.memory_space<vmem>>
      %dma_start3A_1371 = arith.constant 0 : i32
      %dma_start3A_1372 = tpu.memref_slice %arg7[%add3A_1365, %dma_start3A_1371] : memref<80x128xi32, #tpu.memory_space<vmem>> -> memref<1x128xi32, #tpu.memory_space<vmem>>
      %dma_start3A_1373 = tpu.memref_squeeze %dma_start3A_1372 : memref<1x128xi32, #tpu.memory_space<vmem>> -> memref<128xi32, #tpu.memory_space<vmem>>
      %dma_start3A_1374 = arith.constant 0 : i32
      %dma_start3A_1375 = arith.constant 0 : i32
      %dma_start3A_1376 = tpu.memref_slice %arg11[%dma_start3A_1374, %dma_start3A_1375] : memref<10240x16xf32, #tpu.memory_space<vmem_shared>> -> memref<10240x16xf32, #tpu.memory_space<vmem_shared>>
      tpu.enqueue_indirect_dma source(%dma_start3A_1370 : memref<128x16xf32, #tpu.memory_space<vmem>>) target(%dma_start3A_1376 : memref<10240x16xf32, #tpu.memory_space<vmem_shared>>) offsets(%dma_start3A_1373 : memref<128xi32, #tpu.memory_space<vmem>>) semaphore(%arg27 : memref<!tpu.dma_semaphore, #tpu.memory_space<semaphore_mem>>) {add = true}
      %dma_wait3A_1377 = arith.constant 0 : i32
      %dma_wait3A_1378 = arith.constant 0 : i32
      %dma_wait3A_1379 = arith.constant 0 : i32
      %dma_wait3A_1380 = arith.constant 0 : i32
      %dma_wait3A_1381 = tpu.memref_slice %arg8[%dma_wait3A_1377, %dma_wait3A_1379, %dma_wait3A_1380] : memref<8x128x16xf32, #tpu.memory_space<vmem>> -> memref<1x128x16xf32, #tpu.memory_space<vmem>>
      %dma_wait3A_1382 = tpu.memref_squeeze %dma_wait3A_1381 : memref<1x128x16xf32, #tpu.memory_space<vmem>> -> memref<128x16xf32, #tpu.memory_space<vmem>>
      %dma_wait3A_1383 = arith.constant 0 : i32
      %dma_wait3A_1384 = tpu.memref_slice %arg7[%dma_wait3A_1378, %dma_wait3A_1383] : memref<80x128xi32, #tpu.memory_space<vmem>> -> memref<1x128xi32, #tpu.memory_space<vmem>>
      %dma_wait3A_1385 = tpu.memref_squeeze %dma_wait3A_1384 : memref<1x128xi32, #tpu.memory_space<vmem>> -> memref<128xi32, #tpu.memory_space<vmem>>
      %dma_wait3A_1386 = arith.constant 0 : i32
      %dma_wait3A_1387 = arith.constant 0 : i32
      %dma_wait3A_1388 = tpu.memref_slice %arg11[%dma_wait3A_1386, %dma_wait3A_1387] : memref<10240x16xf32, #tpu.memory_space<vmem_shared>> -> memref<10240x16xf32, #tpu.memory_space<vmem_shared>>
      tpu.wait_indirect_dma semaphore(%arg20 : memref<!tpu.dma_semaphore, #tpu.memory_space<semaphore_mem>>) src(%dma_wait3A_1382 : memref<128x16xf32, #tpu.memory_space<vmem>>) dst(%dma_wait3A_1388 : memref<10240x16xf32, #tpu.memory_space<vmem_shared>>)
      %lt3A_1389 = arith.constant 9 : i32
      %lt3A_1390 = arith.cmpi slt, %scan3A_1190, %lt3A_1389 : i32
      %convert_element_type3A = arith.extui %lt3A_1390 : i1 to i32
      %cond3A = arith.constant 0 : i32
      %cond3A_1391 = arith.cmpi ne, %convert_element_type3A, %cond3A : i32
      scf.if %cond3A_1391 {
        %add3A_1511 = arith.constant 8 : i32
        %add3A_1512 = arith.addi %mul3A_1192, %add3A_1511 : i32
        %add3A_1513 = arith.constant 0 : i32
        %add3A_1514 = arith.addi %add3A_1512, %add3A_1513 : i32
        %mul3A_1515 = arith.constant 128 : i32
        %mul3A_1516 = arith.muli %add3A_1514, %mul3A_1515 : i32
        %dma_start3A_1517 = arith.constant 0 : i32
        %dma_start3A_1518 = arith.constant 0 : i32
        %dma_start3A_1519 = arith.constant 0 : i32
        %dma_start3A_1520 = tpu.memref_slice %arg8[%dma_start3A_1517, %dma_start3A_1518, %dma_start3A_1519] : memref<8x128x16xf32, #tpu.memory_space<vmem>> -> memref<1x128x16xf32, #tpu.memory_space<vmem>>
        %dma_start3A_1521 = tpu.memref_squeeze %dma_start3A_1520 : memref<1x128x16xf32, #tpu.memory_space<vmem>> -> memref<128x16xf32, #tpu.memory_space<vmem>>
        %dma_start3A_1522 = tpu.memref_slice %arg5[%mul3A_1516] : memref<10240xi32, #tpu.memory_space<vmem>> -> memref<128xi32, #tpu.memory_space<vmem>>
        %dma_start3A_1523 = arith.constant 0 : i32
        %dma_start3A_1524 = arith.constant 0 : i32
        %dma_start3A_1525 = tpu.memref_slice %arg2[%dma_start3A_1523, %dma_start3A_1524] : memref<10000x16xf32, #tpu.memory_space<hbm>> -> memref<10000x16xf32, #tpu.memory_space<hbm>>
        tpu.enqueue_indirect_dma source(%dma_start3A_1525 : memref<10000x16xf32, #tpu.memory_space<hbm>>) target(%dma_start3A_1521 : memref<128x16xf32, #tpu.memory_space<vmem>>) offsets(%dma_start3A_1522 : memref<128xi32, #tpu.memory_space<vmem>>) semaphore(%arg12 : memref<!tpu.dma_semaphore, #tpu.memory_space<semaphore_mem>>)
      } else {
      }
      %dma_wait3A_1392 = arith.constant 1 : i32
      %dma_wait3A_1393 = arith.constant 0 : i32
      %dma_wait3A_1394 = arith.constant 0 : i32
      %dma_wait3A_1395 = arith.constant 0 : i32
      %dma_wait3A_1396 = tpu.memref_slice %arg8[%dma_wait3A_1392, %dma_wait3A_1394, %dma_wait3A_1395] : memref<8x128x16xf32, #tpu.memory_space<vmem>> -> memref<1x128x16xf32, #tpu.memory_space<vmem>>
      %dma_wait3A_1397 = tpu.memref_squeeze %dma_wait3A_1396 : memref<1x128x16xf32, #tpu.memory_space<vmem>> -> memref<128x16xf32, #tpu.memory_space<vmem>>
      %dma_wait3A_1398 = arith.constant 0 : i32
      %dma_wait3A_1399 = tpu.memref_slice %arg7[%dma_wait3A_1393, %dma_wait3A_1398] : memref<80x128xi32, #tpu.memory_space<vmem>> -> memref<1x128xi32, #tpu.memory_space<vmem>>
      %dma_wait3A_1400 = tpu.memref_squeeze %dma_wait3A_1399 : memref<1x128xi32, #tpu.memory_space<vmem>> -> memref<128xi32, #tpu.memory_space<vmem>>
      %dma_wait3A_1401 = arith.constant 0 : i32
      %dma_wait3A_1402 = arith.constant 0 : i32
      %dma_wait3A_1403 = tpu.memref_slice %arg11[%dma_wait3A_1401, %dma_wait3A_1402] : memref<10240x16xf32, #tpu.memory_space<vmem_shared>> -> memref<10240x16xf32, #tpu.memory_space<vmem_shared>>
      tpu.wait_indirect_dma semaphore(%arg21 : memref<!tpu.dma_semaphore, #tpu.memory_space<semaphore_mem>>) src(%dma_wait3A_1397 : memref<128x16xf32, #tpu.memory_space<vmem>>) dst(%dma_wait3A_1403 : memref<10240x16xf32, #tpu.memory_space<vmem_shared>>)
      %lt3A_1404 = arith.constant 9 : i32
      %lt3A_1405 = arith.cmpi slt, %scan3A_1190, %lt3A_1404 : i32
      %convert_element_type3A_1406 = arith.extui %lt3A_1405 : i1 to i32
      %cond3A_1407 = arith.constant 0 : i32
      %cond3A_1408 = arith.cmpi ne, %convert_element_type3A_1406, %cond3A_1407 : i32
      scf.if %cond3A_1408 {
        %add3A_1511 = arith.constant 8 : i32
        %add3A_1512 = arith.addi %mul3A_1192, %add3A_1511 : i32
        %add3A_1513 = arith.constant 1 : i32
        %add3A_1514 = arith.addi %add3A_1512, %add3A_1513 : i32
        %mul3A_1515 = arith.constant 128 : i32
        %mul3A_1516 = arith.muli %add3A_1514, %mul3A_1515 : i32
        %dma_start3A_1517 = arith.constant 1 : i32
        %dma_start3A_1518 = arith.constant 0 : i32
        %dma_start3A_1519 = arith.constant 0 : i32
        %dma_start3A_1520 = tpu.memref_slice %arg8[%dma_start3A_1517, %dma_start3A_1518, %dma_start3A_1519] : memref<8x128x16xf32, #tpu.memory_space<vmem>> -> memref<1x128x16xf32, #tpu.memory_space<vmem>>
        %dma_start3A_1521 = tpu.memref_squeeze %dma_start3A_1520 : memref<1x128x16xf32, #tpu.memory_space<vmem>> -> memref<128x16xf32, #tpu.memory_space<vmem>>
        %dma_start3A_1522 = tpu.memref_slice %arg5[%mul3A_1516] : memref<10240xi32, #tpu.memory_space<vmem>> -> memref<128xi32, #tpu.memory_space<vmem>>
        %dma_start3A_1523 = arith.constant 0 : i32
        %dma_start3A_1524 = arith.constant 0 : i32
        %dma_start3A_1525 = tpu.memref_slice %arg2[%dma_start3A_1523, %dma_start3A_1524] : memref<10000x16xf32, #tpu.memory_space<hbm>> -> memref<10000x16xf32, #tpu.memory_space<hbm>>
        tpu.enqueue_indirect_dma source(%dma_start3A_1525 : memref<10000x16xf32, #tpu.memory_space<hbm>>) target(%dma_start3A_1521 : memref<128x16xf32, #tpu.memory_space<vmem>>) offsets(%dma_start3A_1522 : memref<128xi32, #tpu.memory_space<vmem>>) semaphore(%arg13 : memref<!tpu.dma_semaphore, #tpu.memory_space<semaphore_mem>>)
      } else {
      }
      %dma_wait3A_1409 = arith.constant 2 : i32
      %dma_wait3A_1410 = arith.constant 0 : i32
      %dma_wait3A_1411 = arith.constant 0 : i32
      %dma_wait3A_1412 = arith.constant 0 : i32
      %dma_wait3A_1413 = tpu.memref_slice %arg8[%dma_wait3A_1409, %dma_wait3A_1411, %dma_wait3A_1412] : memref<8x128x16xf32, #tpu.memory_space<vmem>> -> memref<1x128x16xf32, #tpu.memory_space<vmem>>
      %dma_wait3A_1414 = tpu.memref_squeeze %dma_wait3A_1413 : memref<1x128x16xf32, #tpu.memory_space<vmem>> -> memref<128x16xf32, #tpu.memory_space<vmem>>
      %dma_wait3A_1415 = arith.constant 0 : i32
      %dma_wait3A_1416 = tpu.memref_slice %arg7[%dma_wait3A_1410, %dma_wait3A_1415] : memref<80x128xi32, #tpu.memory_space<vmem>> -> memref<1x128xi32, #tpu.memory_space<vmem>>
      %dma_wait3A_1417 = tpu.memref_squeeze %dma_wait3A_1416 : memref<1x128xi32, #tpu.memory_space<vmem>> -> memref<128xi32, #tpu.memory_space<vmem>>
      %dma_wait3A_1418 = arith.constant 0 : i32
      %dma_wait3A_1419 = arith.constant 0 : i32
      %dma_wait3A_1420 = tpu.memref_slice %arg11[%dma_wait3A_1418, %dma_wait3A_1419] : memref<10240x16xf32, #tpu.memory_space<vmem_shared>> -> memref<10240x16xf32, #tpu.memory_space<vmem_shared>>
      tpu.wait_indirect_dma semaphore(%arg22 : memref<!tpu.dma_semaphore, #tpu.memory_space<semaphore_mem>>) src(%dma_wait3A_1414 : memref<128x16xf32, #tpu.memory_space<vmem>>) dst(%dma_wait3A_1420 : memref<10240x16xf32, #tpu.memory_space<vmem_shared>>)
      %lt3A_1421 = arith.constant 9 : i32
      %lt3A_1422 = arith.cmpi slt, %scan3A_1190, %lt3A_1421 : i32
      %convert_element_type3A_1423 = arith.extui %lt3A_1422 : i1 to i32
      %cond3A_1424 = arith.constant 0 : i32
      %cond3A_1425 = arith.cmpi ne, %convert_element_type3A_1423, %cond3A_1424 : i32
      scf.if %cond3A_1425 {
        %add3A_1511 = arith.constant 8 : i32
        %add3A_1512 = arith.addi %mul3A_1192, %add3A_1511 : i32
        %add3A_1513 = arith.constant 2 : i32
        %add3A_1514 = arith.addi %add3A_1512, %add3A_1513 : i32
        %mul3A_1515 = arith.constant 128 : i32
        %mul3A_1516 = arith.muli %add3A_1514, %mul3A_1515 : i32
        %dma_start3A_1517 = arith.constant 2 : i32
        %dma_start3A_1518 = arith.constant 0 : i32
        %dma_start3A_1519 = arith.constant 0 : i32
        %dma_start3A_1520 = tpu.memref_slice %arg8[%dma_start3A_1517, %dma_start3A_1518, %dma_start3A_1519] : memref<8x128x16xf32, #tpu.memory_space<vmem>> -> memref<1x128x16xf32, #tpu.memory_space<vmem>>
        %dma_start3A_1521 = tpu.memref_squeeze %dma_start3A_1520 : memref<1x128x16xf32, #tpu.memory_space<vmem>> -> memref<128x16xf32, #tpu.memory_space<vmem>>
        %dma_start3A_1522 = tpu.memref_slice %arg5[%mul3A_1516] : memref<10240xi32, #tpu.memory_space<vmem>> -> memref<128xi32, #tpu.memory_space<vmem>>
        %dma_start3A_1523 = arith.constant 0 : i32
        %dma_start3A_1524 = arith.constant 0 : i32
        %dma_start3A_1525 = tpu.memref_slice %arg2[%dma_start3A_1523, %dma_start3A_1524] : memref<10000x16xf32, #tpu.memory_space<hbm>> -> memref<10000x16xf32, #tpu.memory_space<hbm>>
        tpu.enqueue_indirect_dma source(%dma_start3A_1525 : memref<10000x16xf32, #tpu.memory_space<hbm>>) target(%dma_start3A_1521 : memref<128x16xf32, #tpu.memory_space<vmem>>) offsets(%dma_start3A_1522 : memref<128xi32, #tpu.memory_space<vmem>>) semaphore(%arg14 : memref<!tpu.dma_semaphore, #tpu.memory_space<semaphore_mem>>)
      } else {
      }
      %dma_wait3A_1426 = arith.constant 3 : i32
      %dma_wait3A_1427 = arith.constant 0 : i32
      %dma_wait3A_1428 = arith.constant 0 : i32
      %dma_wait3A_1429 = arith.constant 0 : i32
      %dma_wait3A_1430 = tpu.memref_slice %arg8[%dma_wait3A_1426, %dma_wait3A_1428, %dma_wait3A_1429] : memref<8x128x16xf32, #tpu.memory_space<vmem>> -> memref<1x128x16xf32, #tpu.memory_space<vmem>>
      %dma_wait3A_1431 = tpu.memref_squeeze %dma_wait3A_1430 : memref<1x128x16xf32, #tpu.memory_space<vmem>> -> memref<128x16xf32, #tpu.memory_space<vmem>>
      %dma_wait3A_1432 = arith.constant 0 : i32
      %dma_wait3A_1433 = tpu.memref_slice %arg7[%dma_wait3A_1427, %dma_wait3A_1432] : memref<80x128xi32, #tpu.memory_space<vmem>> -> memref<1x128xi32, #tpu.memory_space<vmem>>
      %dma_wait3A_1434 = tpu.memref_squeeze %dma_wait3A_1433 : memref<1x128xi32, #tpu.memory_space<vmem>> -> memref<128xi32, #tpu.memory_space<vmem>>
      %dma_wait3A_1435 = arith.constant 0 : i32
      %dma_wait3A_1436 = arith.constant 0 : i32
      %dma_wait3A_1437 = tpu.memref_slice %arg11[%dma_wait3A_1435, %dma_wait3A_1436] : memref<10240x16xf32, #tpu.memory_space<vmem_shared>> -> memref<10240x16xf32, #tpu.memory_space<vmem_shared>>
      tpu.wait_indirect_dma semaphore(%arg23 : memref<!tpu.dma_semaphore, #tpu.memory_space<semaphore_mem>>) src(%dma_wait3A_1431 : memref<128x16xf32, #tpu.memory_space<vmem>>) dst(%dma_wait3A_1437 : memref<10240x16xf32, #tpu.memory_space<vmem_shared>>)
      %lt3A_1438 = arith.constant 9 : i32
      %lt3A_1439 = arith.cmpi slt, %scan3A_1190, %lt3A_1438 : i32
      %convert_element_type3A_1440 = arith.extui %lt3A_1439 : i1 to i32
      %cond3A_1441 = arith.constant 0 : i32
      %cond3A_1442 = arith.cmpi ne, %convert_element_type3A_1440, %cond3A_1441 : i32
      scf.if %cond3A_1442 {
        %add3A_1511 = arith.constant 8 : i32
        %add3A_1512 = arith.addi %mul3A_1192, %add3A_1511 : i32
        %add3A_1513 = arith.constant 3 : i32
        %add3A_1514 = arith.addi %add3A_1512, %add3A_1513 : i32
        %mul3A_1515 = arith.constant 128 : i32
        %mul3A_1516 = arith.muli %add3A_1514, %mul3A_1515 : i32
        %dma_start3A_1517 = arith.constant 3 : i32
        %dma_start3A_1518 = arith.constant 0 : i32
        %dma_start3A_1519 = arith.constant 0 : i32
        %dma_start3A_1520 = tpu.memref_slice %arg8[%dma_start3A_1517, %dma_start3A_1518, %dma_start3A_1519] : memref<8x128x16xf32, #tpu.memory_space<vmem>> -> memref<1x128x16xf32, #tpu.memory_space<vmem>>
        %dma_start3A_1521 = tpu.memref_squeeze %dma_start3A_1520 : memref<1x128x16xf32, #tpu.memory_space<vmem>> -> memref<128x16xf32, #tpu.memory_space<vmem>>
        %dma_start3A_1522 = tpu.memref_slice %arg5[%mul3A_1516] : memref<10240xi32, #tpu.memory_space<vmem>> -> memref<128xi32, #tpu.memory_space<vmem>>
        %dma_start3A_1523 = arith.constant 0 : i32
        %dma_start3A_1524 = arith.constant 0 : i32
        %dma_start3A_1525 = tpu.memref_slice %arg2[%dma_start3A_1523, %dma_start3A_1524] : memref<10000x16xf32, #tpu.memory_space<hbm>> -> memref<10000x16xf32, #tpu.memory_space<hbm>>
        tpu.enqueue_indirect_dma source(%dma_start3A_1525 : memref<10000x16xf32, #tpu.memory_space<hbm>>) target(%dma_start3A_1521 : memref<128x16xf32, #tpu.memory_space<vmem>>) offsets(%dma_start3A_1522 : memref<128xi32, #tpu.memory_space<vmem>>) semaphore(%arg15 : memref<!tpu.dma_semaphore, #tpu.memory_space<semaphore_mem>>)
      } else {
      }
      %dma_wait3A_1443 = arith.constant 4 : i32
      %dma_wait3A_1444 = arith.constant 0 : i32
      %dma_wait3A_1445 = arith.constant 0 : i32
      %dma_wait3A_1446 = arith.constant 0 : i32
      %dma_wait3A_1447 = tpu.memref_slice %arg8[%dma_wait3A_1443, %dma_wait3A_1445, %dma_wait3A_1446] : memref<8x128x16xf32, #tpu.memory_space<vmem>> -> memref<1x128x16xf32, #tpu.memory_space<vmem>>
      %dma_wait3A_1448 = tpu.memref_squeeze %dma_wait3A_1447 : memref<1x128x16xf32, #tpu.memory_space<vmem>> -> memref<128x16xf32, #tpu.memory_space<vmem>>
      %dma_wait3A_1449 = arith.constant 0 : i32
      %dma_wait3A_1450 = tpu.memref_slice %arg7[%dma_wait3A_1444, %dma_wait3A_1449] : memref<80x128xi32, #tpu.memory_space<vmem>> -> memref<1x128xi32, #tpu.memory_space<vmem>>
      %dma_wait3A_1451 = tpu.memref_squeeze %dma_wait3A_1450 : memref<1x128xi32, #tpu.memory_space<vmem>> -> memref<128xi32, #tpu.memory_space<vmem>>
      %dma_wait3A_1452 = arith.constant 0 : i32
      %dma_wait3A_1453 = arith.constant 0 : i32
      %dma_wait3A_1454 = tpu.memref_slice %arg11[%dma_wait3A_1452, %dma_wait3A_1453] : memref<10240x16xf32, #tpu.memory_space<vmem_shared>> -> memref<10240x16xf32, #tpu.memory_space<vmem_shared>>
      tpu.wait_indirect_dma semaphore(%arg24 : memref<!tpu.dma_semaphore, #tpu.memory_space<semaphore_mem>>) src(%dma_wait3A_1448 : memref<128x16xf32, #tpu.memory_space<vmem>>) dst(%dma_wait3A_1454 : memref<10240x16xf32, #tpu.memory_space<vmem_shared>>)
      %lt3A_1455 = arith.constant 9 : i32
      %lt3A_1456 = arith.cmpi slt, %scan3A_1190, %lt3A_1455 : i32
      %convert_element_type3A_1457 = arith.extui %lt3A_1456 : i1 to i32
      %cond3A_1458 = arith.constant 0 : i32
      %cond3A_1459 = arith.cmpi ne, %convert_element_type3A_1457, %cond3A_1458 : i32
      scf.if %cond3A_1459 {
        %add3A_1511 = arith.constant 8 : i32
        %add3A_1512 = arith.addi %mul3A_1192, %add3A_1511 : i32
        %add3A_1513 = arith.constant 4 : i32
        %add3A_1514 = arith.addi %add3A_1512, %add3A_1513 : i32
        %mul3A_1515 = arith.constant 128 : i32
        %mul3A_1516 = arith.muli %add3A_1514, %mul3A_1515 : i32
        %dma_start3A_1517 = arith.constant 4 : i32
        %dma_start3A_1518 = arith.constant 0 : i32
        %dma_start3A_1519 = arith.constant 0 : i32
        %dma_start3A_1520 = tpu.memref_slice %arg8[%dma_start3A_1517, %dma_start3A_1518, %dma_start3A_1519] : memref<8x128x16xf32, #tpu.memory_space<vmem>> -> memref<1x128x16xf32, #tpu.memory_space<vmem>>
        %dma_start3A_1521 = tpu.memref_squeeze %dma_start3A_1520 : memref<1x128x16xf32, #tpu.memory_space<vmem>> -> memref<128x16xf32, #tpu.memory_space<vmem>>
        %dma_start3A_1522 = tpu.memref_slice %arg5[%mul3A_1516] : memref<10240xi32, #tpu.memory_space<vmem>> -> memref<128xi32, #tpu.memory_space<vmem>>
        %dma_start3A_1523 = arith.constant 0 : i32
        %dma_start3A_1524 = arith.constant 0 : i32
        %dma_start3A_1525 = tpu.memref_slice %arg2[%dma_start3A_1523, %dma_start3A_1524] : memref<10000x16xf32, #tpu.memory_space<hbm>> -> memref<10000x16xf32, #tpu.memory_space<hbm>>
        tpu.enqueue_indirect_dma source(%dma_start3A_1525 : memref<10000x16xf32, #tpu.memory_space<hbm>>) target(%dma_start3A_1521 : memref<128x16xf32, #tpu.memory_space<vmem>>) offsets(%dma_start3A_1522 : memref<128xi32, #tpu.memory_space<vmem>>) semaphore(%arg16 : memref<!tpu.dma_semaphore, #tpu.memory_space<semaphore_mem>>)
      } else {
      }
      %dma_wait3A_1460 = arith.constant 5 : i32
      %dma_wait3A_1461 = arith.constant 0 : i32
      %dma_wait3A_1462 = arith.constant 0 : i32
      %dma_wait3A_1463 = arith.constant 0 : i32
      %dma_wait3A_1464 = tpu.memref_slice %arg8[%dma_wait3A_1460, %dma_wait3A_1462, %dma_wait3A_1463] : memref<8x128x16xf32, #tpu.memory_space<vmem>> -> memref<1x128x16xf32, #tpu.memory_space<vmem>>
      %dma_wait3A_1465 = tpu.memref_squeeze %dma_wait3A_1464 : memref<1x128x16xf32, #tpu.memory_space<vmem>> -> memref<128x16xf32, #tpu.memory_space<vmem>>
      %dma_wait3A_1466 = arith.constant 0 : i32
      %dma_wait3A_1467 = tpu.memref_slice %arg7[%dma_wait3A_1461, %dma_wait3A_1466] : memref<80x128xi32, #tpu.memory_space<vmem>> -> memref<1x128xi32, #tpu.memory_space<vmem>>
      %dma_wait3A_1468 = tpu.memref_squeeze %dma_wait3A_1467 : memref<1x128xi32, #tpu.memory_space<vmem>> -> memref<128xi32, #tpu.memory_space<vmem>>
      %dma_wait3A_1469 = arith.constant 0 : i32
      %dma_wait3A_1470 = arith.constant 0 : i32
      %dma_wait3A_1471 = tpu.memref_slice %arg11[%dma_wait3A_1469, %dma_wait3A_1470] : memref<10240x16xf32, #tpu.memory_space<vmem_shared>> -> memref<10240x16xf32, #tpu.memory_space<vmem_shared>>
      tpu.wait_indirect_dma semaphore(%arg25 : memref<!tpu.dma_semaphore, #tpu.memory_space<semaphore_mem>>) src(%dma_wait3A_1465 : memref<128x16xf32, #tpu.memory_space<vmem>>) dst(%dma_wait3A_1471 : memref<10240x16xf32, #tpu.memory_space<vmem_shared>>)
      %lt3A_1472 = arith.constant 9 : i32
      %lt3A_1473 = arith.cmpi slt, %scan3A_1190, %lt3A_1472 : i32
      %convert_element_type3A_1474 = arith.extui %lt3A_1473 : i1 to i32
      %cond3A_1475 = arith.constant 0 : i32
      %cond3A_1476 = arith.cmpi ne, %convert_element_type3A_1474, %cond3A_1475 : i32
      scf.if %cond3A_1476 {
        %add3A_1511 = arith.constant 8 : i32
        %add3A_1512 = arith.addi %mul3A_1192, %add3A_1511 : i32
        %add3A_1513 = arith.constant 5 : i32
        %add3A_1514 = arith.addi %add3A_1512, %add3A_1513 : i32
        %mul3A_1515 = arith.constant 128 : i32
        %mul3A_1516 = arith.muli %add3A_1514, %mul3A_1515 : i32
        %dma_start3A_1517 = arith.constant 5 : i32
        %dma_start3A_1518 = arith.constant 0 : i32
        %dma_start3A_1519 = arith.constant 0 : i32
        %dma_start3A_1520 = tpu.memref_slice %arg8[%dma_start3A_1517, %dma_start3A_1518, %dma_start3A_1519] : memref<8x128x16xf32, #tpu.memory_space<vmem>> -> memref<1x128x16xf32, #tpu.memory_space<vmem>>
        %dma_start3A_1521 = tpu.memref_squeeze %dma_start3A_1520 : memref<1x128x16xf32, #tpu.memory_space<vmem>> -> memref<128x16xf32, #tpu.memory_space<vmem>>
        %dma_start3A_1522 = tpu.memref_slice %arg5[%mul3A_1516] : memref<10240xi32, #tpu.memory_space<vmem>> -> memref<128xi32, #tpu.memory_space<vmem>>
        %dma_start3A_1523 = arith.constant 0 : i32
        %dma_start3A_1524 = arith.constant 0 : i32
        %dma_start3A_1525 = tpu.memref_slice %arg2[%dma_start3A_1523, %dma_start3A_1524] : memref<10000x16xf32, #tpu.memory_space<hbm>> -> memref<10000x16xf32, #tpu.memory_space<hbm>>
        tpu.enqueue_indirect_dma source(%dma_start3A_1525 : memref<10000x16xf32, #tpu.memory_space<hbm>>) target(%dma_start3A_1521 : memref<128x16xf32, #tpu.memory_space<vmem>>) offsets(%dma_start3A_1522 : memref<128xi32, #tpu.memory_space<vmem>>) semaphore(%arg17 : memref<!tpu.dma_semaphore, #tpu.memory_space<semaphore_mem>>)
      } else {
      }
      %dma_wait3A_1477 = arith.constant 6 : i32
      %dma_wait3A_1478 = arith.constant 0 : i32
      %dma_wait3A_1479 = arith.constant 0 : i32
      %dma_wait3A_1480 = arith.constant 0 : i32
      %dma_wait3A_1481 = tpu.memref_slice %arg8[%dma_wait3A_1477, %dma_wait3A_1479, %dma_wait3A_1480] : memref<8x128x16xf32, #tpu.memory_space<vmem>> -> memref<1x128x16xf32, #tpu.memory_space<vmem>>
      %dma_wait3A_1482 = tpu.memref_squeeze %dma_wait3A_1481 : memref<1x128x16xf32, #tpu.memory_space<vmem>> -> memref<128x16xf32, #tpu.memory_space<vmem>>
      %dma_wait3A_1483 = arith.constant 0 : i32
      %dma_wait3A_1484 = tpu.memref_slice %arg7[%dma_wait3A_1478, %dma_wait3A_1483] : memref<80x128xi32, #tpu.memory_space<vmem>> -> memref<1x128xi32, #tpu.memory_space<vmem>>
      %dma_wait3A_1485 = tpu.memref_squeeze %dma_wait3A_1484 : memref<1x128xi32, #tpu.memory_space<vmem>> -> memref<128xi32, #tpu.memory_space<vmem>>
      %dma_wait3A_1486 = arith.constant 0 : i32
      %dma_wait3A_1487 = arith.constant 0 : i32
      %dma_wait3A_1488 = tpu.memref_slice %arg11[%dma_wait3A_1486, %dma_wait3A_1487] : memref<10240x16xf32, #tpu.memory_space<vmem_shared>> -> memref<10240x16xf32, #tpu.memory_space<vmem_shared>>
      tpu.wait_indirect_dma semaphore(%arg26 : memref<!tpu.dma_semaphore, #tpu.memory_space<semaphore_mem>>) src(%dma_wait3A_1482 : memref<128x16xf32, #tpu.memory_space<vmem>>) dst(%dma_wait3A_1488 : memref<10240x16xf32, #tpu.memory_space<vmem_shared>>)
      %lt3A_1489 = arith.constant 9 : i32
      %lt3A_1490 = arith.cmpi slt, %scan3A_1190, %lt3A_1489 : i32
      %convert_element_type3A_1491 = arith.extui %lt3A_1490 : i1 to i32
      %cond3A_1492 = arith.constant 0 : i32
      %cond3A_1493 = arith.cmpi ne, %convert_element_type3A_1491, %cond3A_1492 : i32
      scf.if %cond3A_1493 {
        %add3A_1511 = arith.constant 8 : i32
        %add3A_1512 = arith.addi %mul3A_1192, %add3A_1511 : i32
        %add3A_1513 = arith.constant 6 : i32
        %add3A_1514 = arith.addi %add3A_1512, %add3A_1513 : i32
        %mul3A_1515 = arith.constant 128 : i32
        %mul3A_1516 = arith.muli %add3A_1514, %mul3A_1515 : i32
        %dma_start3A_1517 = arith.constant 6 : i32
        %dma_start3A_1518 = arith.constant 0 : i32
        %dma_start3A_1519 = arith.constant 0 : i32
        %dma_start3A_1520 = tpu.memref_slice %arg8[%dma_start3A_1517, %dma_start3A_1518, %dma_start3A_1519] : memref<8x128x16xf32, #tpu.memory_space<vmem>> -> memref<1x128x16xf32, #tpu.memory_space<vmem>>
        %dma_start3A_1521 = tpu.memref_squeeze %dma_start3A_1520 : memref<1x128x16xf32, #tpu.memory_space<vmem>> -> memref<128x16xf32, #tpu.memory_space<vmem>>
        %dma_start3A_1522 = tpu.memref_slice %arg5[%mul3A_1516] : memref<10240xi32, #tpu.memory_space<vmem>> -> memref<128xi32, #tpu.memory_space<vmem>>
        %dma_start3A_1523 = arith.constant 0 : i32
        %dma_start3A_1524 = arith.constant 0 : i32
        %dma_start3A_1525 = tpu.memref_slice %arg2[%dma_start3A_1523, %dma_start3A_1524] : memref<10000x16xf32, #tpu.memory_space<hbm>> -> memref<10000x16xf32, #tpu.memory_space<hbm>>
        tpu.enqueue_indirect_dma source(%dma_start3A_1525 : memref<10000x16xf32, #tpu.memory_space<hbm>>) target(%dma_start3A_1521 : memref<128x16xf32, #tpu.memory_space<vmem>>) offsets(%dma_start3A_1522 : memref<128xi32, #tpu.memory_space<vmem>>) semaphore(%arg18 : memref<!tpu.dma_semaphore, #tpu.memory_space<semaphore_mem>>)
      } else {
      }
      %dma_wait3A_1494 = arith.constant 7 : i32
      %dma_wait3A_1495 = arith.constant 0 : i32
      %dma_wait3A_1496 = arith.constant 0 : i32
      %dma_wait3A_1497 = arith.constant 0 : i32
      %dma_wait3A_1498 = tpu.memref_slice %arg8[%dma_wait3A_1494, %dma_wait3A_1496, %dma_wait3A_1497] : memref<8x128x16xf32, #tpu.memory_space<vmem>> -> memref<1x128x16xf32, #tpu.memory_space<vmem>>
      %dma_wait3A_1499 = tpu.memref_squeeze %dma_wait3A_1498 : memref<1x128x16xf32, #tpu.memory_space<vmem>> -> memref<128x16xf32, #tpu.memory_space<vmem>>
      %dma_wait3A_1500 = arith.constant 0 : i32
      %dma_wait3A_1501 = tpu.memref_slice %arg7[%dma_wait3A_1495, %dma_wait3A_1500] : memref<80x128xi32, #tpu.memory_space<vmem>> -> memref<1x128xi32, #tpu.memory_space<vmem>>
      %dma_wait3A_1502 = tpu.memref_squeeze %dma_wait3A_1501 : memref<1x128xi32, #tpu.memory_space<vmem>> -> memref<128xi32, #tpu.memory_space<vmem>>
      %dma_wait3A_1503 = arith.constant 0 : i32
      %dma_wait3A_1504 = arith.constant 0 : i32
      %dma_wait3A_1505 = tpu.memref_slice %arg11[%dma_wait3A_1503, %dma_wait3A_1504] : memref<10240x16xf32, #tpu.memory_space<vmem_shared>> -> memref<10240x16xf32, #tpu.memory_space<vmem_shared>>
      tpu.wait_indirect_dma semaphore(%arg27 : memref<!tpu.dma_semaphore, #tpu.memory_space<semaphore_mem>>) src(%dma_wait3A_1499 : memref<128x16xf32, #tpu.memory_space<vmem>>) dst(%dma_wait3A_1505 : memref<10240x16xf32, #tpu.memory_space<vmem_shared>>)
      %lt3A_1506 = arith.constant 9 : i32
      %lt3A_1507 = arith.cmpi slt, %scan3A_1190, %lt3A_1506 : i32
      %convert_element_type3A_1508 = arith.extui %lt3A_1507 : i1 to i32
      %cond3A_1509 = arith.constant 0 : i32
      %cond3A_1510 = arith.cmpi ne, %convert_element_type3A_1508, %cond3A_1509 : i32
      scf.if %cond3A_1510 {
        %add3A_1511 = arith.constant 8 : i32
        %add3A_1512 = arith.addi %mul3A_1192, %add3A_1511 : i32
        %add3A_1513 = arith.constant 7 : i32
        %add3A_1514 = arith.addi %add3A_1512, %add3A_1513 : i32
        %mul3A_1515 = arith.constant 128 : i32
        %mul3A_1516 = arith.muli %add3A_1514, %mul3A_1515 : i32
        %dma_start3A_1517 = arith.constant 7 : i32
        %dma_start3A_1518 = arith.constant 0 : i32
        %dma_start3A_1519 = arith.constant 0 : i32
        %dma_start3A_1520 = tpu.memref_slice %arg8[%dma_start3A_1517, %dma_start3A_1518, %dma_start3A_1519] : memref<8x128x16xf32, #tpu.memory_space<vmem>> -> memref<1x128x16xf32, #tpu.memory_space<vmem>>
        %dma_start3A_1521 = tpu.memref_squeeze %dma_start3A_1520 : memref<1x128x16xf32, #tpu.memory_space<vmem>> -> memref<128x16xf32, #tpu.memory_space<vmem>>
        %dma_start3A_1522 = tpu.memref_slice %arg5[%mul3A_1516] : memref<10240xi32, #tpu.memory_space<vmem>> -> memref<128xi32, #tpu.memory_space<vmem>>
        %dma_start3A_1523 = arith.constant 0 : i32
        %dma_start3A_1524 = arith.constant 0 : i32
        %dma_start3A_1525 = tpu.memref_slice %arg2[%dma_start3A_1523, %dma_start3A_1524] : memref<10000x16xf32, #tpu.memory_space<hbm>> -> memref<10000x16xf32, #tpu.memory_space<hbm>>
        tpu.enqueue_indirect_dma source(%dma_start3A_1525 : memref<10000x16xf32, #tpu.memory_space<hbm>>) target(%dma_start3A_1521 : memref<128x16xf32, #tpu.memory_space<vmem>>) offsets(%dma_start3A_1522 : memref<128xi32, #tpu.memory_space<vmem>>) semaphore(%arg19 : memref<!tpu.dma_semaphore, #tpu.memory_space<semaphore_mem>>)
      } else {
      }
    }
    %scan3A_1173 = arith.constant 10 : i32
    %barrier3A_1174 = arith.constant 0 : index
    tpu.barrier barrier_id(%barrier3A_1174)
    %mul3A_1175 = arith.constant 640 : i32
    %mul3A_1176 = arith.muli %arg1, %mul3A_1175 : i32
    "tpu.region"() ({
      %run_scoped3A = tpu.sem_alloc : memref<!tpu.dma_semaphore, #tpu.memory_space<semaphore_mem>>
      %dma_start3A_1190 = arith.constant 0 : i32
      %dma_start3A_1191 = tpu.memref_slice %arg11[%mul3A_1176, %dma_start3A_1190] : memref<10240x16xf32, #tpu.memory_space<vmem_shared>> -> memref<640x16xf32, #tpu.memory_space<vmem_shared>>
      %dma_start3A_1192 = arith.constant 0 : i32
      %dma_start3A_1193 = tpu.memref_slice %arg11[%mul3A_1176, %dma_start3A_1192] : memref<10240x16xf32, #tpu.memory_space<vmem_shared>> -> memref<640x16xf32, #tpu.memory_space<vmem_shared>>
      tpu.enqueue_dma source(%dma_start3A_1193 : memref<640x16xf32, #tpu.memory_space<vmem_shared>>) target(%arg9 : memref<640x16xf32, #tpu.memory_space<vmem>>) target_semaphore(%run_scoped3A : memref<!tpu.dma_semaphore, #tpu.memory_space<semaphore_mem>>)
      %dma_wait3A_1194 = arith.constant 0 : i32
      %dma_wait3A_1195 = tpu.memref_slice %arg11[%mul3A_1176, %dma_wait3A_1194] : memref<10240x16xf32, #tpu.memory_space<vmem_shared>> -> memref<640x16xf32, #tpu.memory_space<vmem_shared>>
      %dma_wait3A_1196 = arith.constant 0 : i32
      %dma_wait3A_1197 = tpu.memref_slice %arg11[%mul3A_1176, %dma_wait3A_1196] : memref<10240x16xf32, #tpu.memory_space<vmem_shared>> -> memref<640x16xf32, #tpu.memory_space<vmem_shared>>
      tpu.wait_dma2 semaphore(%run_scoped3A : memref<!tpu.dma_semaphore, #tpu.memory_space<semaphore_mem>>) src(%dma_wait3A_1197 : memref<640x16xf32, #tpu.memory_space<vmem_shared>>) dst(%arg9 : memref<640x16xf32, #tpu.memory_space<vmem>>)
      tpu.yield
    }) : () -> ()
    %scan3A_1177 = arith.constant 0 : i32
    %scan3A_1178 = arith.constant 0 : i32
    %scan3A_1179 = arith.constant 80 : i32
    %scan3A_1180 = arith.addi %scan3A_1178, %scan3A_1179 : i32
    %scan3A_1181 = arith.constant 1 : i32
    scf.for %scan3A_1190 = %scan3A_1178 to %scan3A_1180 step %scan3A_1181  : i32 {
      %mul3A_1191 = arith.constant 8 : i32
      %mul3A_1192 = arith.muli %scan3A_1190, %mul3A_1191 : i32
      %add3A_1193 = arith.constant 0 : i32
      %add3A_1194 = arith.addi %mul3A_1192, %add3A_1193 : i32
      %get3A_1195 = arith.index_cast %add3A_1194 : i32 to index
      %get3A_1196 = arith.constant 0 : index
      %get3A_1197 = tpu.vector_load %arg9[%get3A_1195, %get3A_1196] {strides = array<i32>} : memref<640x16xf32, #tpu.memory_space<vmem>>, vector<1x16xf32>,
      %get3A_1198 = vector.shape_cast %get3A_1197 : vector<1x16xf32> to vector<16xf32>
      %swap3A_1199 = arith.index_cast %scan3A_1190 : i32 to index
      %swap3A_1200 = arith.constant 0 : index
      %swap3A_1201 = tpu.vector_load %arg10[%swap3A_1199, %swap3A_1200] {strides = array<i32>} : memref<80x128xf32, #tpu.memory_space<vmem>>, vector<1x16xf32>,
      %swap3A_1202 = vector.shape_cast %swap3A_1201 : vector<1x16xf32> to vector<16xf32>
      %swap3A_1203 = vector.shape_cast %get3A_1198 : vector<16xf32> to vector<1x16xf32>
      tpu.vector_store %arg10[%swap3A_1199, %swap3A_1200], %swap3A_1203 {strides = array<i32>} : memref<80x128xf32, #tpu.memory_space<vmem>>, vector<1x16xf32>,
      %mul3A_1204 = arith.constant 8 : i32
      %mul3A_1205 = arith.muli %scan3A_1190, %mul3A_1204 : i32
      %add3A_1206 = arith.constant 1 : i32
      %add3A_1207 = arith.addi %mul3A_1205, %add3A_1206 : i32
      %get3A_1208 = arith.index_cast %add3A_1207 : i32 to index
      %get3A_1209 = arith.constant 0 : index
      %get3A_1210 = tpu.vector_load %arg9[%get3A_1208, %get3A_1209] {strides = array<i32>} : memref<640x16xf32, #tpu.memory_space<vmem>>, vector<1x16xf32>,
      %get3A_1211 = vector.shape_cast %get3A_1210 : vector<1x16xf32> to vector<16xf32>
      %swap3A_1212 = arith.index_cast %scan3A_1190 : i32 to index
      %swap3A_1213 = arith.constant 16 : index
      %swap3A_1214 = tpu.vector_load %arg10[%swap3A_1212, %swap3A_1213] {strides = array<i32>} : memref<80x128xf32, #tpu.memory_space<vmem>>, vector<1x16xf32>,
      %swap3A_1215 = vector.shape_cast %swap3A_1214 : vector<1x16xf32> to vector<16xf32>
      %swap3A_1216 = vector.shape_cast %get3A_1211 : vector<16xf32> to vector<1x16xf32>
      tpu.vector_store %arg10[%swap3A_1212, %swap3A_1213], %swap3A_1216 {strides = array<i32>} : memref<80x128xf32, #tpu.memory_space<vmem>>, vector<1x16xf32>,
      %mul3A_1217 = arith.constant 8 : i32
      %mul3A_1218 = arith.muli %scan3A_1190, %mul3A_1217 : i32
      %add3A_1219 = arith.constant 2 : i32
      %add3A_1220 = arith.addi %mul3A_1218, %add3A_1219 : i32
      %get3A_1221 = arith.index_cast %add3A_1220 : i32 to index
      %get3A_1222 = arith.constant 0 : index
      %get3A_1223 = tpu.vector_load %arg9[%get3A_1221, %get3A_1222] {strides = array<i32>} : memref<640x16xf32, #tpu.memory_space<vmem>>, vector<1x16xf32>,
      %get3A_1224 = vector.shape_cast %get3A_1223 : vector<1x16xf32> to vector<16xf32>
      %swap3A_1225 = arith.index_cast %scan3A_1190 : i32 to index
      %swap3A_1226 = arith.constant 32 : index
      %swap3A_1227 = tpu.vector_load %arg10[%swap3A_1225, %swap3A_1226] {strides = array<i32>} : memref<80x128xf32, #tpu.memory_space<vmem>>, vector<1x16xf32>,
      %swap3A_1228 = vector.shape_cast %swap3A_1227 : vector<1x16xf32> to vector<16xf32>
      %swap3A_1229 = vector.shape_cast %get3A_1224 : vector<16xf32> to vector<1x16xf32>
      tpu.vector_store %arg10[%swap3A_1225, %swap3A_1226], %swap3A_1229 {strides = array<i32>} : memref<80x128xf32, #tpu.memory_space<vmem>>, vector<1x16xf32>,
      %mul3A_1230 = arith.constant 8 : i32
      %mul3A_1231 = arith.muli %scan3A_1190, %mul3A_1230 : i32
      %add3A_1232 = arith.constant 3 : i32
      %add3A_1233 = arith.addi %mul3A_1231, %add3A_1232 : i32
      %get3A_1234 = arith.index_cast %add3A_1233 : i32 to index
      %get3A_1235 = arith.constant 0 : index
      %get3A_1236 = tpu.vector_load %arg9[%get3A_1234, %get3A_1235] {strides = array<i32>} : memref<640x16xf32, #tpu.memory_space<vmem>>, vector<1x16xf32>,
      %get3A_1237 = vector.shape_cast %get3A_1236 : vector<1x16xf32> to vector<16xf32>
      %swap3A_1238 = arith.index_cast %scan3A_1190 : i32 to index
      %swap3A_1239 = arith.constant 48 : index
      %swap3A_1240 = tpu.vector_load %arg10[%swap3A_1238, %swap3A_1239] {strides = array<i32>} : memref<80x128xf32, #tpu.memory_space<vmem>>, vector<1x16xf32>,
      %swap3A_1241 = vector.shape_cast %swap3A_1240 : vector<1x16xf32> to vector<16xf32>
      %swap3A_1242 = vector.shape_cast %get3A_1237 : vector<16xf32> to vector<1x16xf32>
      tpu.vector_store %arg10[%swap3A_1238, %swap3A_1239], %swap3A_1242 {strides = array<i32>} : memref<80x128xf32, #tpu.memory_space<vmem>>, vector<1x16xf32>,
      %mul3A_1243 = arith.constant 8 : i32
      %mul3A_1244 = arith.muli %scan3A_1190, %mul3A_1243 : i32
      %add3A_1245 = arith.constant 4 : i32
      %add3A_1246 = arith.addi %mul3A_1244, %add3A_1245 : i32
      %get3A_1247 = arith.index_cast %add3A_1246 : i32 to index
      %get3A_1248 = arith.constant 0 : index
      %get3A_1249 = tpu.vector_load %arg9[%get3A_1247, %get3A_1248] {strides = array<i32>} : memref<640x16xf32, #tpu.memory_space<vmem>>, vector<1x16xf32>,
      %get3A_1250 = vector.shape_cast %get3A_1249 : vector<1x16xf32> to vector<16xf32>
      %swap3A_1251 = arith.index_cast %scan3A_1190 : i32 to index
      %swap3A_1252 = arith.constant 64 : index
      %swap3A_1253 = tpu.vector_load %arg10[%swap3A_1251, %swap3A_1252] {strides = array<i32>} : memref<80x128xf32, #tpu.memory_space<vmem>>, vector<1x16xf32>,
      %swap3A_1254 = vector.shape_cast %swap3A_1253 : vector<1x16xf32> to vector<16xf32>
      %swap3A_1255 = vector.shape_cast %get3A_1250 : vector<16xf32> to vector<1x16xf32>
      tpu.vector_store %arg10[%swap3A_1251, %swap3A_1252], %swap3A_1255 {strides = array<i32>} : memref<80x128xf32, #tpu.memory_space<vmem>>, vector<1x16xf32>,
      %mul3A_1256 = arith.constant 8 : i32
      %mul3A_1257 = arith.muli %scan3A_1190, %mul3A_1256 : i32
      %add3A_1258 = arith.constant 5 : i32
      %add3A_1259 = arith.addi %mul3A_1257, %add3A_1258 : i32
      %get3A_1260 = arith.index_cast %add3A_1259 : i32 to index
      %get3A_1261 = arith.constant 0 : index
      %get3A_1262 = tpu.vector_load %arg9[%get3A_1260, %get3A_1261] {strides = array<i32>} : memref<640x16xf32, #tpu.memory_space<vmem>>, vector<1x16xf32>,
      %get3A_1263 = vector.shape_cast %get3A_1262 : vector<1x16xf32> to vector<16xf32>
      %swap3A_1264 = arith.index_cast %scan3A_1190 : i32 to index
      %swap3A_1265 = arith.constant 80 : index
      %swap3A_1266 = tpu.vector_load %arg10[%swap3A_1264, %swap3A_1265] {strides = array<i32>} : memref<80x128xf32, #tpu.memory_space<vmem>>, vector<1x16xf32>,
      %swap3A_1267 = vector.shape_cast %swap3A_1266 : vector<1x16xf32> to vector<16xf32>
      %swap3A_1268 = vector.shape_cast %get3A_1263 : vector<16xf32> to vector<1x16xf32>
      tpu.vector_store %arg10[%swap3A_1264, %swap3A_1265], %swap3A_1268 {strides = array<i32>} : memref<80x128xf32, #tpu.memory_space<vmem>>, vector<1x16xf32>,
      %mul3A_1269 = arith.constant 8 : i32
      %mul3A_1270 = arith.muli %scan3A_1190, %mul3A_1269 : i32
      %add3A_1271 = arith.constant 6 : i32
      %add3A_1272 = arith.addi %mul3A_1270, %add3A_1271 : i32
      %get3A_1273 = arith.index_cast %add3A_1272 : i32 to index
      %get3A_1274 = arith.constant 0 : index
      %get3A_1275 = tpu.vector_load %arg9[%get3A_1273, %get3A_1274] {strides = array<i32>} : memref<640x16xf32, #tpu.memory_space<vmem>>, vector<1x16xf32>,
      %get3A_1276 = vector.shape_cast %get3A_1275 : vector<1x16xf32> to vector<16xf32>
      %swap3A_1277 = arith.index_cast %scan3A_1190 : i32 to index
      %swap3A_1278 = arith.constant 96 : index
      %swap3A_1279 = tpu.vector_load %arg10[%swap3A_1277, %swap3A_1278] {strides = array<i32>} : memref<80x128xf32, #tpu.memory_space<vmem>>, vector<1x16xf32>,
      %swap3A_1280 = vector.shape_cast %swap3A_1279 : vector<1x16xf32> to vector<16xf32>
      %swap3A_1281 = vector.shape_cast %get3A_1276 : vector<16xf32> to vector<1x16xf32>
      tpu.vector_store %arg10[%swap3A_1277, %swap3A_1278], %swap3A_1281 {strides = array<i32>} : memref<80x128xf32, #tpu.memory_space<vmem>>, vector<1x16xf32>,
      %mul3A_1282 = arith.constant 8 : i32
      %mul3A_1283 = arith.muli %scan3A_1190, %mul3A_1282 : i32
      %add3A_1284 = arith.constant 7 : i32
      %add3A_1285 = arith.addi %mul3A_1283, %add3A_1284 : i32
      %get3A_1286 = arith.index_cast %add3A_1285 : i32 to index
      %get3A_1287 = arith.constant 0 : index
      %get3A_1288 = tpu.vector_load %arg9[%get3A_1286, %get3A_1287] {strides = array<i32>} : memref<640x16xf32, #tpu.memory_space<vmem>>, vector<1x16xf32>,
      %get3A_1289 = vector.shape_cast %get3A_1288 : vector<1x16xf32> to vector<16xf32>
      %swap3A_1290 = arith.index_cast %scan3A_1190 : i32 to index
      %swap3A_1291 = arith.constant 112 : index
      %swap3A_1292 = tpu.vector_load %arg10[%swap3A_1290, %swap3A_1291] {strides = array<i32>} : memref<80x128xf32, #tpu.memory_space<vmem>>, vector<1x16xf32>,
      %swap3A_1293 = vector.shape_cast %swap3A_1292 : vector<1x16xf32> to vector<16xf32>
      %swap3A_1294 = vector.shape_cast %get3A_1289 : vector<16xf32> to vector<1x16xf32>
      tpu.vector_store %arg10[%swap3A_1290, %swap3A_1291], %swap3A_1294 {strides = array<i32>} : memref<80x128xf32, #tpu.memory_space<vmem>>, vector<1x16xf32>,
    }
    %scan3A_1182 = arith.constant 80 : i32
    %mul3A_1183 = arith.constant 80 : i32
    %mul3A_1184 = arith.muli %arg0, %mul3A_1183 : i32
    %mul3A_1185 = arith.constant 16 : i32
    %mul3A_1186 = arith.muli %mul3A_1184, %mul3A_1185 : i32
    %mul3A_1187 = arith.constant 80 : i32
    %mul3A_1188 = arith.muli %arg1, %mul3A_1187 : i32
    %add3A_1189 = arith.addi %mul3A_1186, %mul3A_1188 : i32
    "tpu.region"() ({
      %run_scoped3A = tpu.sem_alloc : memref<!tpu.dma_semaphore, #tpu.memory_space<semaphore_mem>>
      %dma_start3A_1190 = arith.constant 0 : i32
      %dma_start3A_1191 = tpu.memref_slice %arg4[%add3A_1189, %dma_start3A_1190] : memref<2560x128xf32, #tpu.memory_space<hbm>> -> memref<80x128xf32, #tpu.memory_space<hbm>>
      %dma_start3A_1192 = arith.constant 0 : i32
      %dma_start3A_1193 = tpu.memref_slice %arg4[%add3A_1189, %dma_start3A_1192] : memref<2560x128xf32, #tpu.memory_space<hbm>> -> memref<80x128xf32, #tpu.memory_space<hbm>>
      tpu.enqueue_dma source(%arg10 : memref<80x128xf32, #tpu.memory_space<vmem>>) target(%dma_start3A_1193 : memref<80x128xf32, #tpu.memory_space<hbm>>) target_semaphore(%run_scoped3A : memref<!tpu.dma_semaphore, #tpu.memory_space<semaphore_mem>>)
      %dma_wait3A_1194 = arith.constant 0 : i32
      %dma_wait3A_1195 = tpu.memref_slice %arg4[%add3A_1189, %dma_wait3A_1194] : memref<2560x128xf32, #tpu.memory_space<hbm>> -> memref<80x128xf32, #tpu.memory_space<hbm>>
      %dma_wait3A_1196 = arith.constant 0 : i32
      %dma_wait3A_1197 = tpu.memref_slice %arg4[%add3A_1189, %dma_wait3A_1196] : memref<2560x128xf32, #tpu.memory_space<hbm>> -> memref<80x128xf32, #tpu.memory_space<hbm>>
      tpu.wait_dma2 semaphore(%run_scoped3A : memref<!tpu.dma_semaphore, #tpu.memory_space<semaphore_mem>>) src(%arg10 : memref<80x128xf32, #tpu.memory_space<vmem>>) dst(%dma_wait3A_1197 : memref<80x128xf32, #tpu.memory_space<hbm>>)
      tpu.yield
    }) : () -> ()
    return
  }
}

module attributes {stable_mosaic.version = 14 : i64} {
  func.func @_mm1_body(%arg0: memref<1250x1024xf32, #tpu.memory_space<vmem>>, %arg1: memref<1024x128xf32, #tpu.memory_space<vmem>>, %arg2: memref<1250x128xf32, #tpu.memory_space<vmem>>) attributes {dimension_semantics = [], scalar_prefetch = 0 : i64, scratch_operands = 0 : i64, tpu.core_type = #tpu.core_type<tc>} {
    %get3A = arith.constant 0 : index
    %get3A_0 = arith.constant 0 : index
    %get3A_1 = vector.load %arg0[%get3A, %get3A_0] : memref<1250x1024xf32, #tpu.memory_space<vmem>>, vector<1250x1024xf32>
    %get3A_2 = arith.constant 0 : index
    %get3A_3 = arith.constant 0 : index
    %get3A_4 = vector.load %arg1[%get3A_2, %get3A_3] : memref<1024x128xf32, #tpu.memory_space<vmem>>, vector<1024x128xf32>
    %dot_general3A = arith.constant dense<0.000000e+00> : vector<1250x128xf32>
    %dot_general3A_5 = tpu.matmul %get3A_1, %get3A_4, %dot_general3A {dimension_numbers = #tpu.dot_dimension_numbers<[1], [0], [0], [1], [0, 0, 1, 1], [], []>, transpose_lhs_hint = false} : vector<1250x1024xf32>, vector<1024x128xf32>, vector<1250x128xf32> -> vector<1250x128xf32>
    %swap3A = arith.constant 0 : index
    %swap3A_6 = arith.constant 0 : index
    %swap3A_7 = vector.load %arg2[%swap3A, %swap3A_6] : memref<1250x128xf32, #tpu.memory_space<vmem>>, vector<1250x128xf32>
    tpu.vector_store %arg2[%swap3A, %swap3A_6], %dot_general3A_5 {strides = array<i32>} : memref<1250x128xf32, #tpu.memory_space<vmem>>, vector<1250x128xf32>,
    return
  }
}

module attributes {stable_mosaic.version = 14 : i64} {
  func.func @_scale_body(%arg0: memref<2560x128xf32, #tpu.memory_space<vmem>>, %arg1: memref<1250x128xf32, #tpu.memory_space<vmem>>, %arg2: memref<1250x128xf32, #tpu.memory_space<vmem>>, %arg3: memref<1250x128xf32, #tpu.memory_space<vmem>>) attributes {dimension_semantics = [], scalar_prefetch = 0 : i64, scratch_operands = 0 : i64, tpu.core_type = #tpu.core_type<tc>} {
    %get3A = arith.constant 0 : index
    %get3A_0 = arith.constant 0 : index
    %get3A_1 = vector.load %arg0[%get3A, %get3A_0] : memref<2560x128xf32, #tpu.memory_space<vmem>>, vector<1250x128xf32>
    %get3A_2 = arith.constant 1280 : index
    %get3A_3 = arith.constant 0 : index
    %get3A_4 = vector.load %arg0[%get3A_2, %get3A_3] : memref<2560x128xf32, #tpu.memory_space<vmem>>, vector<1250x128xf32>
    %add3A = arith.addf %get3A_1, %get3A_4 : vector<1250x128xf32>
    %add3A_5 = arith.constant 1.000000e+00 : f32
    %add3A_6 = vector.broadcast %add3A_5 : f32 to vector<1250x128xf32>
    %add3A_7 = arith.addf %add3A, %add3A_6 : vector<1250x128xf32>
    %rsqrt3A = math.rsqrt %add3A_7 : vector<1250x128xf32>
    %swap3A = arith.constant 0 : index
    %swap3A_8 = arith.constant 0 : index
    %swap3A_9 = vector.load %arg2[%swap3A, %swap3A_8] : memref<1250x128xf32, #tpu.memory_space<vmem>>, vector<1250x128xf32>
    tpu.vector_store %arg2[%swap3A, %swap3A_8], %rsqrt3A {strides = array<i32>} : memref<1250x128xf32, #tpu.memory_space<vmem>>, vector<1250x128xf32>,
    %get3A_10 = arith.constant 0 : index
    %get3A_11 = arith.constant 0 : index
    %get3A_12 = vector.load %arg1[%get3A_10, %get3A_11] : memref<1250x128xf32, #tpu.memory_space<vmem>>, vector<1250x128xf32>
    %mul3A = arith.mulf %get3A_12, %rsqrt3A : vector<1250x128xf32>
    %swap3A_13 = arith.constant 0 : index
    %swap3A_14 = arith.constant 0 : index
    %swap3A_15 = vector.load %arg3[%swap3A_13, %swap3A_14] : memref<1250x128xf32, #tpu.memory_space<vmem>>, vector<1250x128xf32>
    tpu.vector_store %arg3[%swap3A_13, %swap3A_14], %mul3A {strides = array<i32>} : memref<1250x128xf32, #tpu.memory_space<vmem>>, vector<1250x128xf32>,
    return
  }
}

module attributes {stable_mosaic.version = 14 : i64} {
  func.func @_mid_body(%arg0: memref<2560x128xf32, #tpu.memory_space<vmem>>, %arg1: memref<1250x128xf32, #tpu.memory_space<vmem>>, %arg2: memref<1250x128xf32, #tpu.memory_space<vmem>>, %arg3: memref<128x128xf32, #tpu.memory_space<vmem>>, %arg4: memref<1x128xf32, #tpu.memory_space<vmem>>, %arg5: memref<1250x128xf32, #tpu.memory_space<vmem>>) attributes {dimension_semantics = [], scalar_prefetch = 0 : i64, scratch_operands = 0 : i64, tpu.core_type = #tpu.core_type<tc>} {
    %get3A = arith.constant 0 : index
    %get3A_0 = arith.constant 0 : index
    %get3A_1 = vector.load %arg2[%get3A, %get3A_0] : memref<1250x128xf32, #tpu.memory_space<vmem>>, vector<1250x128xf32>
    %get3A_2 = arith.constant 0 : index
    %get3A_3 = arith.constant 0 : index
    %get3A_4 = vector.load %arg1[%get3A_2, %get3A_3] : memref<1250x128xf32, #tpu.memory_space<vmem>>, vector<1250x128xf32>
    %get3A_5 = arith.constant 0 : index
    %get3A_6 = arith.constant 0 : index
    %get3A_7 = vector.load %arg0[%get3A_5, %get3A_6] : memref<2560x128xf32, #tpu.memory_space<vmem>>, vector<1250x128xf32>
    %add3A = arith.addf %get3A_4, %get3A_7 : vector<1250x128xf32>
    %get3A_8 = arith.constant 1280 : index
    %get3A_9 = arith.constant 0 : index
    %get3A_10 = vector.load %arg0[%get3A_8, %get3A_9] : memref<2560x128xf32, #tpu.memory_space<vmem>>, vector<1250x128xf32>
    %add3A_11 = arith.addf %add3A, %get3A_10 : vector<1250x128xf32>
    %mul3A = arith.mulf %get3A_1, %add3A_11 : vector<1250x128xf32>
    %get3A_12 = arith.constant 0 : index
    %get3A_13 = arith.constant 0 : index
    %get3A_14 = vector.load %arg4[%get3A_12, %get3A_13] : memref<1x128xf32, #tpu.memory_space<vmem>>, vector<1x128xf32>
    %add3A_15 = vector.broadcast %get3A_14 : vector<1x128xf32> to vector<1250x128xf32>
    %add3A_16 = arith.addf %mul3A, %add3A_15 : vector<1250x128xf32>
    %max3A = arith.constant 0.000000e+00 : f32
    %max3A_17 = vector.broadcast %max3A : f32 to vector<1250x128xf32>
    %max3A_18 = arith.maximumf %add3A_16, %max3A_17 : vector<1250x128xf32>
    %get3A_19 = arith.constant 0 : index
    %get3A_20 = arith.constant 0 : index
    %get3A_21 = vector.load %arg3[%get3A_19, %get3A_20] : memref<128x128xf32, #tpu.memory_space<vmem>>, vector<128x128xf32>
    %dot_general3A = arith.constant dense<0.000000e+00> : vector<1250x128xf32>
    %dot_general3A_22 = tpu.matmul %max3A_18, %get3A_21, %dot_general3A {dimension_numbers = #tpu.dot_dimension_numbers<[1], [0], [0], [1], [0, 0, 1, 1], [], []>, transpose_lhs_hint = false} : vector<1250x128xf32>, vector<128x128xf32>, vector<1250x128xf32> -> vector<1250x128xf32>
    %mul3A_23 = arith.mulf %dot_general3A_22, %get3A_1 : vector<1250x128xf32>
    %swap3A = arith.constant 0 : index
    %swap3A_24 = arith.constant 0 : index
    %swap3A_25 = vector.load %arg5[%swap3A, %swap3A_24] : memref<1250x128xf32, #tpu.memory_space<vmem>>, vector<1250x128xf32>
    tpu.vector_store %arg5[%swap3A, %swap3A_24], %mul3A_23 {strides = array<i32>} : memref<1250x128xf32, #tpu.memory_space<vmem>>, vector<1250x128xf32>,
    return
  }
}

module attributes {stable_mosaic.version = 14 : i64} {
  func.func @_out_body(%arg0: memref<2560x128xf32, #tpu.memory_space<vmem>>, %arg1: memref<1250x128xf32, #tpu.memory_space<vmem>>, %arg2: memref<1250x128xf32, #tpu.memory_space<vmem>>, %arg3: memref<1x128xf32, #tpu.memory_space<vmem>>, %arg4: memref<128x128xf32, #tpu.memory_space<vmem>>, %arg5: memref<1250x128xf32, #tpu.memory_space<vmem>>) attributes {dimension_semantics = [], scalar_prefetch = 0 : i64, scratch_operands = 0 : i64, tpu.core_type = #tpu.core_type<tc>} {
    %get3A = arith.constant 0 : index
    %get3A_0 = arith.constant 0 : index
    %get3A_1 = vector.load %arg2[%get3A, %get3A_0] : memref<1250x128xf32, #tpu.memory_space<vmem>>, vector<1250x128xf32>
    %get3A_2 = arith.constant 0 : index
    %get3A_3 = arith.constant 0 : index
    %get3A_4 = vector.load %arg1[%get3A_2, %get3A_3] : memref<1250x128xf32, #tpu.memory_space<vmem>>, vector<1250x128xf32>
    %get3A_5 = arith.constant 0 : index
    %get3A_6 = arith.constant 0 : index
    %get3A_7 = vector.load %arg0[%get3A_5, %get3A_6] : memref<2560x128xf32, #tpu.memory_space<vmem>>, vector<1250x128xf32>
    %add3A = arith.addf %get3A_4, %get3A_7 : vector<1250x128xf32>
    %get3A_8 = arith.constant 1280 : index
    %get3A_9 = arith.constant 0 : index
    %get3A_10 = vector.load %arg0[%get3A_8, %get3A_9] : memref<2560x128xf32, #tpu.memory_space<vmem>>, vector<1250x128xf32>
    %add3A_11 = arith.addf %add3A, %get3A_10 : vector<1250x128xf32>
    %mul3A = arith.mulf %get3A_1, %add3A_11 : vector<1250x128xf32>
    %get3A_12 = arith.constant 0 : index
    %get3A_13 = arith.constant 0 : index
    %get3A_14 = vector.load %arg3[%get3A_12, %get3A_13] : memref<1x128xf32, #tpu.memory_space<vmem>>, vector<1x128xf32>
    %add3A_15 = vector.broadcast %get3A_14 : vector<1x128xf32> to vector<1250x128xf32>
    %add3A_16 = arith.addf %mul3A, %add3A_15 : vector<1250x128xf32>
    %reduce_max3A = arith.constant dense<0xFF800000> : vector<1250xf32>
    %reduce_max3A_17 = vector.multi_reduction <maximumf>, %add3A_16, %reduce_max3A [1] : vector<1250x128xf32> to vector<1250xf32>
    %broadcast_in_dim3A = vector.shape_cast %reduce_max3A_17 : vector<1250xf32> to vector<1250x1xf32>
    %sub3A = vector.broadcast %broadcast_in_dim3A : vector<1250x1xf32> to vector<1250x128xf32>
    %sub3A_18 = arith.subf %add3A_16, %sub3A : vector<1250x128xf32>
    %exp3A = math.exp %sub3A_18 : vector<1250x128xf32>
    %get3A_19 = arith.constant 0 : index
    %get3A_20 = arith.constant 0 : index
    %get3A_21 = vector.load %arg4[%get3A_19, %get3A_20] : memref<128x128xf32, #tpu.memory_space<vmem>>, vector<128x128xf32>
    %dot_general3A = arith.constant dense<0.000000e+00> : vector<1250x128xf32>
    %dot_general3A_22 = tpu.matmul %exp3A, %get3A_21, %dot_general3A {dimension_numbers = #tpu.dot_dimension_numbers<[1], [0], [0], [1], [0, 0, 1, 1], [], []>, transpose_lhs_hint = false} : vector<1250x128xf32>, vector<128x128xf32>, vector<1250x128xf32> -> vector<1250x128xf32>
    %sub3A_23 = vector.broadcast %broadcast_in_dim3A : vector<1250x1xf32> to vector<1250x128xf32>
    %sub3A_24 = arith.subf %add3A_16, %sub3A_23 : vector<1250x128xf32>
    %log3A = math.log %dot_general3A_22 : vector<1250x128xf32>
    %sub3A_25 = arith.subf %sub3A_24, %log3A : vector<1250x128xf32>
    %swap3A = arith.constant 0 : index
    %swap3A_26 = arith.constant 0 : index
    %swap3A_27 = vector.load %arg5[%swap3A, %swap3A_26] : memref<1250x128xf32, #tpu.memory_space<vmem>>, vector<1250x128xf32>
    tpu.vector_store %arg5[%swap3A, %swap3A_26], %sub3A_25 {strides = array<i32>} : memref<1250x128xf32, #tpu.memory_space<vmem>>, vector<1250x128xf32>,
    return
  }
}

</mosaic_0001>

<sc_bundles>
// kernel: kernel.12.cloned.1.call-start
scs
__scs_entry_jumppad:
0x0: {  	(pc) =	sbr.rel $0x88, $3  }
0x1: {  	(tag) =	ssettag $0x0;
	lr =	simm.s32 $0x1  }
0x2: {  	[smem:$0x3F9B] =	sst lr;
	_ =	strace $0xD0000000  }
0x3: {  	_ = 	snop  }
0x4: {  	_ = 	snop  }
0x5: {  	_ = 	snop  }
0x6: {  	_ = 	snop  }
0x7: {  	_ = 	snop  }
__scs_overlays_trampoline_lowered:
0x8: {  	[smem:$0x3FAA] =	sst s0  }
0x9: {  	[smem:$0x3FAB] =	sst s1  }
0xa: {  	[smem:$0x3FAC] =	sst s2  }
0xb: {  	[smem:$0x3FAD] =	sst s3  }
0xc: {  	[smem:$0x3FAE] =	sst s4  }
0xd: {  	[smem:$0x3FAF] =	sst s5  }
0xe: {  	[smem:$0x3FB0] =	sst s6  }
0xf: {  	[smem:$0x3FB1] =	sst s7  }
0x10: {  	[smem:$0x3FB2] =	sst s8  }
0x11: {  	[smem:$0x3FB3] =	sst s9;
	s0 =	simm.s32 @!p0 $0x0  }
0x12: {  	s1 =	sld [smem:$0x3F99];
	s0 =	simm.s32 @p0 $0x1  }
0x13: {  	[smem:$0x3FB4] =	sst s0;
	s0 =	simm.s32 @!p1 $0x0  }
0x14: {  	s2 =	sld [smem:$0x3F98];
	s0 =	simm.s32 @p1 $0x1  }
0x15: {  	[smem:$0x3FB5] =	sst s0;
	s0 =	simm.s32 @!p2 $0x0  }
0x16: {  	s3 =	sld [smem:$0x3FDB];
	s0 =	simm.s32 @p2 $0x1  }
0x17: {  	s4 =	simm.s32 $0x1BF5;
	[smem:$0x3FB7] =	sst s0  }
0x18: {  	s0 =	sld [smem:$0x3F9A];
	_ =	swait.ge [sflag:s4], $0x0  }
0x19: {  	s7 =	sld [smem:$0x3F9B]  }
0x1a: {  	s8 =	sadd.s32 $0xFFFFE003, lr  }
0x1b: {  	s9 =	sadd.s32 $0xFFFFFEF7, lr;
	s5 =	simm.s32 $0xFFFFFFFF;
	p2 =	slt.u32 s8, $0xFFFFF086  }
0x1c: {  	p1 =	slt.u32 s9, $0xF7A;
	s5 =	simm.s32 @!p2 $0x0  }
0x1d: {  	s5 =	simm.s32 @p1 $0x1;
	p0 =	seq.s32 s7, s2  }
0x1e: {  	s7 =	smul.u32 @!p0 $0xF7A, s2;
	p2 =	seq.s32 @!p0 s5, $0x0  }
0x1f: {  	s9 =	smul.u32 $0xF7A, s1;
	s8 =	simm.s32 @!p0 $0x1BF5;
	p2 =	por !p2, p0  }
0x20: {  	[sflag:s8] =	ssyncset.s32 @!p0 $0xFFFFF086;
	s6 =	sadd.s32 @!p0 s3, s7;
	s7 =	simm.s32 @!p0 $0x108  }
0x21: {  	s3 =	sadd.s32 s3, s9;
	s6 =	sadd.s32 @!p0 $0x88, s6;
	s7 =	simm.s32 @p2 $0x1082  }
0x22: {  	[simem:s7], [sflag:s8] =	dma.local @!p0 [hbm:s6], $0xF7A  }
0x23: {  	s9 =	sor.u32 $0xD0000000, s2;
	s6 =	simm.s32 $0x108;
	_ =	swait.ge @!p0 [sflag:s8], $0x0  }
0x24: {  	s3 =	sadd.s32 $0x88, s3;
	s6 =	simm.s32 @!p1 $0x1082;
	[sflag:s4] =	ssyncset.s32 $0xFFFFF086  }
0x25: {  	[simem:s6], [sflag:s4] =	dma.local [hbm:s3], $0xF7A  }
0x26: {  	[smem:$0x3F9B] =	sst s1;
	(tag) =	ssettag s2;
	_ =	strace s9  }
0x27: {  	s1 =	sld [smem:$0x3FAB]  }
0x28: {  	s2 =	sld [smem:$0x3FAC]  }
0x29: {  	s4 =	sld [smem:$0x3FAE]  }
0x2a: {  	p0 =	seq.s32 s5, $0x0;
	s5 =	sld [smem:$0x3FAF]  }
0x2b: {  	s6 =	sld [smem:$0x3FB0]  }
0x2c: {  	s7 =	sld [smem:$0x3FB1]  }
0x2d: {  	s3 =	simm.s32 $0x108;
	s8 =	sld [smem:$0x3FB2]  }
0x2e: {  	s3 =	simm.s32 @!p0 $0x1082;
	s9 =	sld [smem:$0x3FB3]  }
0x2f: {  	lr =	sadd.s32 s0, s3;
	s0 =	sld [smem:$0x3FAA]  }
0x30: {  	s3 =	sld [smem:$0x3FAD]  }
0x31: {  	[smem:$0x3FB6] =	sst s10  }
0x32: {  	s10 =	sld [smem:$0x3FB4];
	_ =	sdelay $0x3  }
0x33: {  	p0 =	seq.s32 s10, $0x1;
	s10 =	sld [smem:$0x3FB6];
	_ =	sdelay $0x3  }
0x34: {  	[smem:$0x3FB6] =	sst s10  }
0x35: {  	s10 =	sld [smem:$0x3FB5];
	_ =	sdelay $0x3  }
0x36: {  	p1 =	seq.s32 s10, $0x1;
	s10 =	sld [smem:$0x3FB6];
	_ =	sdelay $0x3  }
0x37: {  	[smem:$0x3FB6] =	sst s10  }
0x38: {  	s10 =	sld [smem:$0x3FB7]  }
0x39: {  	_ = 	snop;
	(pc) =	sbr.ind lr, $3  }
0x3a: {  	_ = 	snop  }
0x3b: {  	_ = 	snop  }
0x3c: {  	p2 =	seq.s32 s10, $0x1;
	s10 =	sld [smem:$0x3FB6]  }
0x3d: {  	_ =	shalt  }
0x3e: {  	_ =	shalt  }
0x3f: {  	_ =	shalt  }
0x40: {  	_ =	shalt  }
0x41: {  	_ =	shalt  }
0x42: {  	_ =	shalt  }
0x43: {  	_ =	shalt  }
0x44: {  	_ =	shalt  }
0x45: {  	_ =	shalt  }
0x46: {  	_ =	shalt  }
0x47: {  	_ =	shalt  }
0x48: {  	_ =	shalt  }
0x49: {  	_ =	shalt  }
0x4a: {  	_ =	shalt  }
0x4b: {  	_ =	shalt  }
0x4c: {  	_ =	shalt  }
0x4d: {  	_ =	shalt  }
0x4e: {  	_ =	shalt  }
0x4f: {  	_ =	shalt  }
0x50: {  	_ =	shalt  }
0x51: {  	_ =	shalt  }
0x52: {  	_ =	shalt  }
0x53: {  	_ =	shalt  }
0x54: {  	_ =	shalt  }
0x55: {  	_ =	shalt  }
0x56: {  	_ =	shalt  }
0x57: {  	_ =	shalt  }
0x58: {  	_ =	shalt  }
0x59: {  	_ =	shalt  }
0x5a: {  	_ =	shalt  }
0x5b: {  	_ =	shalt  }
0x5c: {  	_ =	shalt  }
0x5d: {  	_ =	shalt  }
0x5e: {  	_ =	shalt  }
0x5f: {  	_ =	shalt  }
0x60: {  	_ =	shalt  }
0x61: {  	_ =	shalt  }
0x62: {  	_ =	shalt  }
0x63: {  	_ =	shalt  }
0x64: {  	_ =	shalt  }
0x65: {  	_ =	shalt  }
0x66: {  	_ =	shalt  }
0x67: {  	_ =	shalt  }
0x68: {  	_ =	shalt  }
0x69: {  	_ =	shalt  }
0x6a: {  	_ =	shalt  }
0x6b: {  	_ =	shalt  }
0x6c: {  	_ =	shalt  }
0x6d: {  	_ =	shalt  }
0x6e: {  	_ =	shalt  }
0x6f: {  	_ =	shalt  }
0x70: {  	_ =	shalt  }
0x71: {  	_ =	shalt  }
0x72: {  	_ =	shalt  }
0x73: {  	_ =	shalt  }
0x74: {  	_ =	shalt  }
0x75: {  	_ =	shalt  }
0x76: {  	_ =	shalt  }
0x77: {  	_ =	shalt  }
0x78: {  	_ =	shalt  }
0x79: {  	_ =	shalt  }
0x7a: {  	_ =	shalt  }
0x7b: {  	_ =	shalt  }
0x7c: {  	_ =	shalt  }
0x7d: {  	_ =	shalt  }
0x7e: {  	_ =	shalt  }
0x7f: {  	_ =	shalt  }
0x80: {  	_ =	shalt  }
0x81: {  	_ =	shalt  }
0x82: {  	_ =	shalt  }
0x83: {  	_ =	shalt  }
0x84: {  	_ =	shalt  }
0x85: {  	_ =	shalt  }
0x86: {  	_ =	shalt  }
0x87: {  	_ =	shalt  }
.Lfunc_end0:
.L_simem_size_0:
called_computation.1_lowered:
.L_overlay_start_0:
0x88: {  	s2 =	sld [smem:$0x3FD9]  }
0x89: {  	s3 =	sld [smem:$0x3FFE];
	_ =	sdelay $0x1  }
0x8a: {  	s1 =	srdreg.scid  }
0x8b: {  	s0 =	sand.u32 $0x1, s1  }
0x8c: {  	s17 =	sshll.u32 s0, $0xA;
	s2 =	sadd.s32 s3, s2  }
0x8d: {  	s2 =	sadd.s32 s2, s17  }
0x8e: {  	[smem:$0x3FC2] =	sst s2  }
0x8f: {  	_ = 	snop  }
0x90: {  	s2 =	sld [smem:$0x3FD0];
	(tm) =	ssettm $0x1  }
0x91: {  	s18 =	sld [smem:$0x3FFB];
	_ =	sdelay $0x3  }
0x92: {  	_ =	strace s18  }
0x93: {  	s3 =	sld [smem:$0x3FFC];
	_ =	sdelay $0x3  }
0x94: {  	_ =	strace s3  }
0x95: {  	s3 =	sld [smem:$0x3FFD];
	_ =	sdelay $0x3  }
0x96: {  	_ =	strace s3  }
0x97: {  	_ =	strace $0x8FFFFFFF  }
0x98: {  	s19 =	sld [smem:$0x3FDB];
	_ =	sdelay $0x1  }
0x99: {  	s4 =	simm.s32 $_scs_section_size  }
0x9a: {  	s5 =	simm.s32 $_size__tile_overlayer_lowered;
	s6 =	simm.s32 $_tile_overlayer_lowered  }
0x9b: {  	s22 =	simm.s32 $0x1BFF;
	s21 =	sshll.u32 s6, $0x1;
	s3 =	sadd.s32 s4, s19  }
0x9c: {  	s7 =	simm.s32 $0x0;
	s20 =	sshll.u32 s5, $0x1;
	s5 =	sadd.s32 s21, s3  }
0x9d: {  	[timem:s7], [sflag:s22] =	dma.local [hbm:s5], s20  }
0x9e: {  	_ =	swait.ge [sflag:s22], s20  }
0x9f: {  	s4 =	ssub.s32 $0x0, s20;
	[sflag:s22] =	ssyncset.done $0x0  }
0xa0: {  	[sflag:s22] =	ssyncadd.s32 s4;
	_ =	sdelay $0x1  }
0xa1: {  	s23 =	simm.s32 $0x1B8B  }
0xa2: {  	_ =	swait.ge [sflag:s23], $0x1  }
0xa3: {  	[sflag:s23] =	ssyncset.done $0x0  }
0xa4: {  	s25 =	simm.s32 $0x1B8E;
	s24 =	sld [smem:$0x3FFE];
	[sflag:s23] =	ssyncadd.s32 $0xFFFFFFFF  }
0xa5: {  	s26 =	simm.s32 $execute0_lowered;
	[smem:$0x3FD2] =	sst s25  }
0xa6: {  	s5 =	sshll.u32 s26, $0x1;
	_ =	strace $0x80000049;
	[dreg:$0x1] =	wrdreg $0xFFFFFFFF  }
0xa7: {  	s28 =	simm.s32 $_size_execute0_lowered;
	s3 =	sadd.s32 s3, s5;
	[dreg:$0x0] =	wrdreg $0x0  }
0xa8: {  	s5 =	sshll.u32 s28, $0x1;
	[dreg:$0x2] =	wrdreg s3  }
0xa9: {  	[dreg:$0x3] =	wrdreg s5  }
0xaa: {  	[dreg:$0x4] =	wrdreg $0xC0  }
0xab: {  	_ =	task [dreg:s7], $0x5FFFF  }
0xac: {  	[dreg:$0x1] =	wrdreg $0xFFFFFFFF  }
0xad: {  	[dreg:$0x0] =	wrdreg $0x60  }
0xae: {  	[dreg:$0x2] =	wrdreg s2  }
0xaf: {  	[dreg:$0x3] =	wrdreg s24  }
0xb0: {  	[dreg:$0x4] =	wrdreg $0x108000  }
0xb1: {  	[dreg:$0x5] =	wrdreg $0x9  }
0xb2: {  	_ =	task.clear_ibuf [dreg:s7], $0x6FFFF;
	_ =	strace $0x90000049  }
0xb3: {  	s29 =	simm.s32 $0x9;
	_ =	strace $0x8000004B  }
0xb4: {  	_ =	swait.ge [sflag:s29], $0x1  }
0xb5: {  	[sflag:s29] =	ssyncadd.s32 $0xFFFFFFFF  }
0xb6: {  	_ =	strace $0x9000004B  }
0xb7: {  	_ =	sfence  }
0xb8: {  	s30 =	sld [smem:$0x0];
	_ =	sdelay $0x2  }
0xb9: {  	s31 =	sshll.u32 s1, $0xD;
	s1 =	sshrl.u32 s1, $0x2  }
0xba: {  	s3 =	sand.u32 $0x4000, s31;
	s1 =	sadd.s32 s1, s30  }
0xbb: {  	s0 =	sor.u32 s3, s0;
	s1 =	sshll.u32 s1, $0x11  }
0xbc: {  	s0 =	sor.u32 s1, s0  }
0xbd: {  	s0 =	sadd.s32 $0x8F2B, s0  }
0xbe: {  	[sflag:s0] =	ssyncadd.remote.s32 $0x1  }
0xbf: {  	_ =	sfence.sel $0xFFFF  }
0xc0: {  	[dreg:$0x0] =	wrdreg $0xFFFFFFFF;
	(pc) =	sbr.abs _section_cstart, $3  }
0xc1: {  	[dreg:$0x1] =	wrdreg $0xFFFFFFFF  }
0xc2: {  	_ =	task.clear_ibuf [dreg:s7], $0x2FFFF;
	_ =	strace $0x9FFFFFFF  }
0xc3: {  	(tm) =	ssettm $0x7FFFFFFF  }
tec
execute0_lowered:
.L_overlay_start_1:
0x0: {  	(tag) =	ssettag $0x1  }
0x1: {  	s9 =	stileid.u32  }
0x2: {  	s0 =	smul.u32 $0x1F, s9;
	_ =	sdelay $0x1  }
0x3: {  	v0 =	vlaneseq.u32;
	s1 =	sadd.s32 $0x10, s0  }
0x4: {  	v1 =	vadd.s32 s1, v0  }
0x5: {  	s11 =	sadd.s32 $0x20, s0;
	v2 =	vmulhi.u32 $0x1111112, v1  }
0x6: {  	s12 =	sadd.s32 $0x30, s0;
	v3 =	vadd.s32 s11, v0  }
0x7: {  	s25 =	sadd.s32 $0xD0, s0;
	v5 =	vadd.s32 s12, v0;
	v4 =	vmulhi.u32 $0x1111112, v3;
	v2 =	vmul.u32 $0xF0, v2  }
0x8: {  	s13 =	sadd.s32 $0x50, s0;
	v15 =	vadd.s32 s25, v0;
	v6 =	vmulhi.u32 $0x1111112, v5  }
0x9: {  	s4 =	sadd.s32 $0x40, s0;
	v8 =	vadd.s32 s13, v0;
	v16 =	vmulhi.u32 $0x1111112, v15;
	v1 =	vsub.s32 v1, v2  }
0xa: {  	s15 =	sadd.s32 $0x70, s0;
	s26 =	sadd.s32 $0xE0, s0;
	v2 =	vmul.u32 $0xF0, v4;
	v4 =	vmul.u32 $0xF0, v6;
	v6 =	vadd.s32 s4, v0  }
0xb: {  	v11 =	vadd.s32 s15, v0;
	v17 =	vadd.s32 s26, v0;
	v7 =	vmulhi.u32 $0x1111112, v6  }
0xc: {  	s2 =	srdreg.scid;
	s7 =	sadd.s32 $0x60, s0;
	v2 =	vsub.s32 v3, v2;
	v3 =	vsub.s32 v5, v4;
	v4 =	vmulhi.u32 $0x1111112, v8  }
0xd: {  	s5 =	rddreg [dreg:$0x1];
	s28 =	simm.s32 $0xA800;
	s18 =	sadd.s32 $0x90, s0;
	v18 =	vmulhi.u32 $0x1111112, v17;
	v5 =	vmul.u32 $0xF0, v7;
	v7 =	vadd.s32 s7, v0  }
0xe: {  	s30 =	simm.s32 $0xB000;
	s16 =	sadd.s32 $0x80, s0;
	s21 =	sadd.s32 $0xA0, s0;
	v13 =	vadd.s32 s18, v0;
	v9 =	vmul.u32 $0xF0, v4;
	v10 =	vmulhi.u32 $0x1111112, v7  }
0xf: {  	s23 =	sadd.s32 $0xB0, s0;
	s24 =	sadd.s32 $0xC0, s0;
	s0 =	sadd.s32 $0xF0, s0;
	v4 =	vsub.s32 v6, v5;
	v5 =	vmulhi.u32 $0x1111112, v11;
	v6 =	vadd.s32 s16, v0  }
0x10: {  	s31 =	simm.s32 $0x1;
	s10 =	simm.s32 $0x4;
	s29 =	simm.s32 $0xA;
	v19 =	vadd.s32 s0, v0;
	v8 =	vsub.s32 v8, v9;
	v9 =	vmulhi.u32 $0x1111112, v6  }
0x11: {  	s2 =	sand.u32 $0x1, s2;
	s3 =	sshll.u32 s9, $0x1;
	s8 =	smul.u32 $0x500, s9;
	v21 =	vmulhi.u32 $0x1111112, v19;
	v10 =	vmul.u32 $0xF0, v10;
	v12 =	vmul.u32 $0xF0, v5  }
0x12: {  	s17 =	smul.u32 $0xA000, s9;
	s9 =	simm.s32 $0xF;
	s6 =	sor.u32 s2, s3;
	v5 =	vadd.s32 $0x2710, v8;
	v8 =	vmul.u32 $0xF0, v9;
	v9 =	vmulhi.u32 $0x1111112, v13  }
0x13: {  	s3 =	rddreg [dreg:$0x2];
	s14 =	smul.u32 $0x5000, s2;
	s2 =	ssub.s32 $0x2, s2;
	v7 =	vsub.s32 v7, v10;
	v10 =	vsub.s32 v11, v12;
	v11 =	vadd.s32 s21, v0  }
0x14: {  	v22 =	vor.u32 $0x60, v0;
	v23 =	vor.u32 $0x70, v0;
	s6 =	smul.u32 $0x2710, s6;
	s19 =	sshrl.u32 s2, $0x1;
	s20 =	sshrl.u32 s17, $0x2;
	v12 =	vmulhi.u32 $0x1111112, v11  }
0x15: {  	s17 =	simm.s32 $0x8000;
	s1 =	rddreg [dreg:$0x0];
	s12 =	simm.s32 $0x0;
	v8 =	vsub.s32 v6, v8;
	v9 =	vmul.u32 $0xF0, v9;
	v6 =	vadd.s32 $0x2710, v7  }
0x16: {  	s2 =	ssub.s32 s2, s19;
	s15 =	simm.s32 $0x80;
	s19 =	simm.s32 $0x8800;
	v7 =	vadd.s32 $0x2710, v10;
	v10 =	vmul.u32 $0xF0, v12;
	v12 =	vadd.s32 s23, v0  }
0x17: {  	v14 =	vadd.s32 s24, v0;
	s25 =	simm.s32 $0xA000;
	s0 =	simm.s32 $0x3;
	s18 =	simm.s32 $0x5;
	v9 =	vsub.s32 v13, v9;
	v13 =	vmulhi.u32 $0x1111112, v12  }
0x18: {  	s24 =	simm.s32 $0x8;
	s26 =	simm.s32 $0x9;
	s6 =	sshrl.u32 s6, $0x3;
	v1 =	vadd.s32 $0x2710, v1;
	v2 =	vadd.s32 $0x2710, v2;
	v3 =	vadd.s32 $0x2710, v3  }
0x19: {  	[smem:$0x7FF] =	sst s12;
	s2 =	smax.u32 s2, $0x1;
	s6 =	sadd.s32 s6, s5;
	v10 =	vsub.s32 v11, v10;
	v11 =	vmulhi.u32 $0x1111112, v14;
	v13 =	vmul.u32 $0xF0, v13  }
0x1a: {  	_ =	strace $0x8000004A;
	[dreg:$0x8] =	wrdreg s2;
	s22 =	sadd.s32 $0x2C00, s6;
	v4 =	vadd.s32 $0x2710, v4;
	v8 =	vadd.s32 $0x2710, v8;
	v9 =	vadd.s32 $0x2710, v9  }
0x1b: {  	s11 =	simm.s32 $0xD;
	s6 =	sadd.s32 $0xC840, s6;
	[dreg:$0x4] =	wrdreg s22;
	v10 =	vadd.s32 $0x2710, v10;
	v20 =	vmul.u32 $0xF0, v11;
	v11 =	vsub.s32 v12, v13  }
0x1c: {  	s13 =	simm.s32 $0x0;
	s2 =	simm.s32 $0x2;
	[dreg:$0x5] =	wrdreg s6;
	v13 =	vmul.u32 $0xF0, v16;
	v16 =	vmul.u32 $0xF0, v18;
	v18 =	vmul.u32 $0xF0, v21  }
0x1d: {  	s22 =	simm.s32 $0x7;
	s6 =	simm.s32 $0xC;
	s4 =	sadd.s32 s8, s14;
	v21 =	vor.u32 $0x50, v0;
	v11 =	vadd.s32 $0x2710, v11;
	v12 =	vsub.s32 v14, v20  }
0x1e: {  	s8 =	simm.s32 $0xE;
	s4 =	sadd.s32 s4, s5;
	s5 =	sadd.s32 s20, s3;
	v20 =	vor.u32 $0x40, v0;
	v12 =	vadd.s32 $0x2710, v12;
	v13 =	vsub.s32 v15, v13  }
0x1f: {  	s20 =	simm.s32 $0x6;
	[dreg:$0x6] =	wrdreg s5;
	s4 =	sadd.s32 $0x16600, s4;
	v14 =	vsub.s32 v17, v16;
	v15 =	vsub.s32 v19, v18;
	v16 =	vimm.f32 $0.0e+00  }
0x20: {  	s5 =	simm.s32 $0xB;
	[dreg:$0x7] =	wrdreg s4;
	s4 =	simm.s32 $0x10;
	v17 =	vor.u32 $0x10, v0;
	v18 =	vor.u32 $0x20, v0;
	v19 =	vor.u32 $0x30, v0  }
0x21: {  	s16 =	simm.s32 $0x7800;
	s21 =	simm.s32 $0x9000;
	s23 =	simm.s32 $0x9800;
	v13 =	vadd.s32 $0x2710, v13;
	v14 =	vadd.s32 $0x2710, v14;
	v15 =	vadd.s32 $0x2710, v15  }
.LBB2_1:
0x22: {  	s7 =	rddreg [dreg:$0x4]  }
0x23: {  	[tilespmem:s12], [sflag:$0x11] =	stream.linear.gather [hbm4b:s7+s12], $0x2710, $0x38;
	[tilespmem:$0x13000] =	vst v63  }
0x24: {  	s14 =	simm.s32 $0x2800;
	s7 =	rddreg [dreg:$0x5]  }
0x25: {  	[tilespmem:s14], [sflag:$0x12] =	stream.linear.gather [hbm4b:s7+s12], $0x2710, $0x38;
	[tilespmem:$0x13000] =	vst v63  }
0x26: {  	s7 =	simm.s32 $0x40;
	s12 =	simm.s32 $0x0  }
.LBB2_2:
0x27: {  	p0 =	sne.s32 s7, $0x9FC0;
	[tilespmem:s12+$0xB800] =	vst v16;
	s12 =	smov.u32 s7;
	s7 =	sadd.s32 $0x40, s7  }
.Ltmp0:
0x28: {  	(pc) =	sbr.rel @p0 .LBB2_2-.Ltmp0, $2  }
0x29: {  	_ =	sdelay $0x2  }
0x2a: {  	s12 =	sshra.s32 s12, $0x2  }
0x2b: {  	[tilespmem:s12+$0xB800] =	vst v16;
	s7 =	rddreg [dreg:$0x6];
	s14 =	simm.s32 $0xB800  }
0x2c: {  	[spmem:s7] =	stream.linear.scatter [tilespmem:s14], [sflag:$0x13], $0x2800, $0x38;
	[tilespmem:$0x13000] =	vst v63  }
0x2d: {  	s14 =	simm.s32 $0x13  }
0x2e: {  	_ =	swait.ge [sflag:s14], $0x2800  }
0x2f: {  	[sflag:s14] =	ssyncset.done $0x0  }
0x30: {  	s12 =	simm.s32 $0x11;
	[sflag:s14] =	ssyncadd.s32 $0xFFFFD800  }
0x31: {  	_ =	swait.ge [sflag:s12], $0x2710  }
0x32: {  	[sflag:s12] =	ssyncset.done $0x0  }
0x33: {  	s14 =	simm.s32 $0x12;
	[sflag:s12] =	ssyncadd.s32 $0xFFFFD8F0  }
0x34: {  	_ =	swait.ge [sflag:s14], $0x2710  }
0x35: {  	[sflag:s14] =	ssyncset.done $0x0  }
0x36: {  	[sflag:s14] =	ssyncadd.s32 $0xFFFFD8F0  }
0x37: {  	[tilespmem:$0x2710] =	vst v17  }
0x38: {  	[tilespmem:$0x2720] =	vst v18  }
0x39: {  	[tilespmem:$0x2730] =	vst v19  }
0x3a: {  	[tilespmem:$0x2740] =	vst v20  }
0x3b: {  	[tilespmem:$0x2750] =	vst v21  }
0x3c: {  	[tilespmem:$0x2760] =	vst v22  }
0x3d: {  	[tilespmem:$0x2770] =	vst v23  }
0x3e: {  	[tilespmem:$0x2780] =	vst v0  }
0x3f: {  	[tilespmem:$0x2790] =	vst v17  }
0x40: {  	[tilespmem:$0x27A0] =	vst v18  }
0x41: {  	[tilespmem:$0x27B0] =	vst v19  }
0x42: {  	[tilespmem:$0x27C0] =	vst v20  }
0x43: {  	[tilespmem:$0x27D0] =	vst v21  }
0x44: {  	[tilespmem:$0x27E0] =	vst v22  }
0x45: {  	s7 =	simm.s32 $0x0;
	[tilespmem:$0x27F0] =	vst v23  }
0x46: {  	v27 =	vld [tilespmem:s7+$0x2870]  }
0x47: {  	v28 =	vld [tilespmem:s7+$0x2800]  }
0x48: {  	v29 =	vld [tilespmem:s7+$0x2810]  }
0x49: {  	v26 =	vld [tilespmem:s7+$0x2820]  }
0x4a: {  	v24 =	vld [tilespmem:s7+$0x2830]  }
0x4b: {  	v25 =	vld [tilespmem:s7+$0x2840];
	[tilespmem:s7+$0x5070] =	vst v27  }
0x4c: {  	[tilespmem:s7+$0x5000] =	vst v28;
	v27 =	vld [tilespmem:s7+$0x2850]  }
0x4d: {  	s12 =	simm.s32 $0x400;
	s14 =	simm.s32 $0x80;
	[tilespmem:s7+$0x5010] =	vst v29;
	v28 =	vld [tilespmem:s7+$0x2860]  }
.LBB2_4:
0x4e: {  	p0 =	sne.s32 s12, $0x9A00;
	v29 =	vld [tilespmem:s14+$0x2870];
	[tilespmem:s7+$0x5020] =	vst v26  }
0x4f: {  	v30 =	vld [tilespmem:s14+$0x2800];
	[tilespmem:s7+$0x5030] =	vst v24  }
0x50: {  	v31 =	vld [tilespmem:s14+$0x2810];
	[tilespmem:s7+$0x5040] =	vst v25  }
.Ltmp1:
0x51: {  	v26 =	vld [tilespmem:s14+$0x2820];
	[tilespmem:s7+$0x5050] =	vst v27;
	(pc) =	sbr.rel @p0 .LBB2_4-.Ltmp1, $4  }
0x52: {  	v24 =	vld [tilespmem:s14+$0x2830];
	[tilespmem:s7+$0x5060] =	vst v28;
	s7 =	smov.u32 s14  }
0x53: {  	v25 =	vld [tilespmem:s7+$0x2840];
	[tilespmem:s7+$0x5070] =	vst v29  }
0x54: {  	[tilespmem:s7+$0x5000] =	vst v30;
	v27 =	vld [tilespmem:s7+$0x2850]  }
0x55: {  	s14 =	sshra.s32 s12, $0x2;
	s12 =	sadd.s32 $0x200, s12;
	[tilespmem:s7+$0x5010] =	vst v31;
	v28 =	vld [tilespmem:s7+$0x2860]  }
0x56: {  	v29 =	vld [tilespmem:s14+$0x2870];
	[tilespmem:s7+$0x5020] =	vst v26  }
0x57: {  	v26 =	vld [tilespmem:s14+$0x2800];
	[tilespmem:s7+$0x5030] =	vst v24  }
0x58: {  	v24 =	vld [tilespmem:s14+$0x2810];
	[tilespmem:s7+$0x5040] =	vst v25  }
0x59: {  	v25 =	vld [tilespmem:s14+$0x2820];
	[tilespmem:s7+$0x5050] =	vst v27  }
0x5a: {  	v27 =	vld [tilespmem:s14+$0x2830];
	[tilespmem:s7+$0x5060] =	vst v28  }
0x5b: {  	v28 =	vld [tilespmem:s14+$0x2840];
	[tilespmem:s14+$0x5070] =	vst v29  }
0x5c: {  	v62 =	vld [tilespmem:s14+$0x2850];
	[tilespmem:s14+$0x5000] =	vst v26  }
0x5d: {  	v63 =	vld [tilespmem:s14+$0x2860];
	[tilespmem:s14+$0x5010] =	vst v24  }
0x5e: {  	[tilespmem:s14+$0x5020] =	vst v25  }
0x5f: {  	[tilespmem:s14+$0x5030] =	vst v27  }
0x60: {  	[tilespmem:s14+$0x5040] =	vst v28  }
0x61: {  	[tilespmem:s14+$0x5050] =	vst v62  }
0x62: {  	[tilespmem:s14+$0x5060] =	vst v63  }
0x63: {  	[tilespmem:$0x7710] =	vst v1  }
0x64: {  	[tilespmem:$0x7720] =	vst v2  }
0x65: {  	[tilespmem:$0x7730] =	vst v3  }
0x66: {  	[tilespmem:$0x7740] =	vst v4  }
0x67: {  	[tilespmem:$0x7750] =	vst v5  }
0x68: {  	[tilespmem:$0x7760] =	vst v6  }
0x69: {  	[tilespmem:$0x7770] =	vst v7  }
0x6a: {  	[tilespmem:$0x7780] =	vst v8  }
0x6b: {  	[tilespmem:$0x7790] =	vst v9  }
0x6c: {  	[tilespmem:$0x77A0] =	vst v10  }
0x6d: {  	v24 =	vld [tilespmem:$0x4F00];
	[tilespmem:$0x77B0] =	vst v11  }
0x6e: {  	[tilespmem:$0x77C0] =	vst v12  }
0x6f: {  	[tilespmem:$0x77D0] =	vst v13  }
0x70: {  	[tilespmem:$0x77E0] =	vst v14  }
0x71: {  	[tilespmem:$0x77F0] =	vst v15  }
0x72: {  	[tilespmem:$0x7700] =	vst v24  }
0x73: {  	s14 =	simm.s32 $0x0;
	[bflag:$0x0] =	sbarrier.arrive $0xFFFF  }
0x74: {  	[tilespmem:s16], [sflag:$0x1] =	stream.indirect.gather [hbm4b:s1+s15], $0x10, s14, s15, $0xb8;
	[tilespmem:$0x13000] =	vst v63  }
0x75: {  	_ = 	snop  }
0x76: {  	[tilespmem:s17], [sflag:$0x2] =	stream.indirect.gather [hbm4b:s1+s15], $0x10, s15, s15, $0xb8;
	[tilespmem:$0x13000] =	vst v63  }
0x77: {  	s12 =	simm.s32 $0x100  }
0x78: {  	[tilespmem:s19], [sflag:$0x3] =	stream.indirect.gather [hbm4b:s1+s15], $0x10, s12, s15, $0xb8;
	[tilespmem:$0x13000] =	vst v63  }
0x79: {  	s12 =	simm.s32 $0x180  }
0x7a: {  	[tilespmem:s21], [sflag:$0x4] =	stream.indirect.gather [hbm4b:s1+s15], $0x10, s12, s15, $0xb8;
	[tilespmem:$0x13000] =	vst v63  }
0x7b: {  	s12 =	simm.s32 $0x200  }
0x7c: {  	[tilespmem:s23], [sflag:$0x5] =	stream.indirect.gather [hbm4b:s1+s15], $0x10, s12, s15, $0xb8;
	[tilespmem:$0x13000] =	vst v63  }
0x7d: {  	s12 =	simm.s32 $0x280  }
0x7e: {  	[tilespmem:s25], [sflag:$0x6] =	stream.indirect.gather [hbm4b:s1+s15], $0x10, s12, s15, $0xb8;
	[tilespmem:$0x13000] =	vst v63  }
0x7f: {  	s12 =	simm.s32 $0x300  }
0x80: {  	[tilespmem:s28], [sflag:$0x7] =	stream.indirect.gather [hbm4b:s1+s15], $0x10, s12, s15, $0xb8;
	[tilespmem:$0x13000] =	vst v63  }
0x81: {  	s12 =	simm.s32 $0x380  }
0x82: {  	[tilespmem:s30], [sflag:$0x8] =	stream.indirect.gather [hbm4b:s1+s15], $0x10, s12, s15, $0xb8;
	[tilespmem:$0x13000] =	vst v63  }
.LBB2_6:
0x83: {  	_ =	swait.ge [sflag:s31], $0x800  }
0x84: {  	s7 =	sshra.s32 s14, $0x2;
	[sflag:s31] =	ssyncset.done $0x0  }
0x85: {  	s12 =	sadd.s32 $0x5000, s7;
	[sflag:s31] =	ssyncadd.s32 $0xFFFFF800  }
0x86: {  	[spmem:s3] =	stream.indirect.scatter.add.f32 [tilespmem:s16], [sflag:$0x9], $0x10, s12, s15, $0xb8;
	[tilespmem:$0x13000] =	vst v63  }
0x87: {  	_ =	swait.ge [sflag:s2], $0x800  }
0x88: {  	[sflag:s2] =	ssyncset.done $0x0  }
0x89: {  	s12 =	sadd.s32 $0x5080, s7;
	[sflag:s2] =	ssyncadd.s32 $0xFFFFF800  }
0x8a: {  	[spmem:s3] =	stream.indirect.scatter.add.f32 [tilespmem:s17], [sflag:$0xA], $0x10, s12, s15, $0xb8;
	[tilespmem:$0x13000] =	vst v63  }
0x8b: {  	_ =	swait.ge [sflag:s0], $0x800  }
0x8c: {  	[sflag:s0] =	ssyncset.done $0x0  }
0x8d: {  	s12 =	sadd.s32 $0x5100, s7;
	[sflag:s0] =	ssyncadd.s32 $0xFFFFF800  }
0x8e: {  	[spmem:s3] =	stream.indirect.scatter.add.f32 [tilespmem:s19], [sflag:$0xB], $0x10, s12, s15, $0xb8;
	[tilespmem:$0x13000] =	vst v63  }
0x8f: {  	_ =	swait.ge [sflag:s10], $0x800  }
0x90: {  	[sflag:s10] =	ssyncset.done $0x0  }
0x91: {  	s12 =	sadd.s32 $0x5180, s7;
	[sflag:s10] =	ssyncadd.s32 $0xFFFFF800  }
0x92: {  	[spmem:s3] =	stream.indirect.scatter.add.f32 [tilespmem:s21], [sflag:$0xC], $0x10, s12, s15, $0xb8;
	[tilespmem:$0x13000] =	vst v63  }
0x93: {  	_ =	swait.ge [sflag:s18], $0x800  }
0x94: {  	[sflag:s18] =	ssyncset.done $0x0  }
0x95: {  	s12 =	sadd.s32 $0x5200, s7;
	[sflag:s18] =	ssyncadd.s32 $0xFFFFF800  }
0x96: {  	[spmem:s3] =	stream.indirect.scatter.add.f32 [tilespmem:s23], [sflag:$0xD], $0x10, s12, s15, $0xb8;
	[tilespmem:$0x13000] =	vst v63  }
0x97: {  	_ =	swait.ge [sflag:s20], $0x800  }
0x98: {  	[sflag:s20] =	ssyncset.done $0x0  }
0x99: {  	s12 =	sadd.s32 $0x5280, s7;
	[sflag:s20] =	ssyncadd.s32 $0xFFFFF800  }
0x9a: {  	[spmem:s3] =	stream.indirect.scatter.add.f32 [tilespmem:s25], [sflag:$0xE], $0x10, s12, s15, $0xb8;
	[tilespmem:$0x13000] =	vst v63  }
0x9b: {  	_ =	swait.ge [sflag:s22], $0x800  }
0x9c: {  	[sflag:s22] =	ssyncset.done $0x0  }
0x9d: {  	s12 =	sadd.s32 $0x5300, s7;
	[sflag:s22] =	ssyncadd.s32 $0xFFFFF800  }
0x9e: {  	[spmem:s3] =	stream.indirect.scatter.add.f32 [tilespmem:s28], [sflag:$0xF], $0x10, s12, s15, $0xb8;
	[tilespmem:$0x13000] =	vst v63  }
0x9f: {  	_ =	swait.ge [sflag:s24], $0x800  }
0xa0: {  	p0 =	seq.s32 s14, $0x9000;
	[sflag:s24] =	ssyncset.done $0x0  }
.Ltmp2:
0xa1: {  	s12 =	sadd.s32 $0x5380, s7;
	[sflag:s24] =	ssyncadd.s32 $0xFFFFF800;
	(pc) =	sbr.rel @p0 .LBB2_8-.Ltmp2, $4  }
0xa2: {  	[spmem:s3] =	stream.indirect.scatter.add.f32 [tilespmem:s30], [sflag:$0x10], $0x10, s12, s15, $0xb8;
	[tilespmem:$0x13000] =	vst v63  }
0xa3: {  	_ =	swait.ge [sflag:s26], $0x800  }
0xa4: {  	[sflag:s26] =	ssyncset.done $0x0  }
0xa5: {  	[sflag:s26] =	ssyncadd.s32 $0xFFFFF800  }
0xa6: {  	s12 =	sadd.s32 $0x400, s7  }
0xa7: {  	[tilespmem:s16], [sflag:$0x1] =	stream.indirect.gather [hbm4b:s1+s15], $0x10, s12, s15, $0xb8;
	[tilespmem:$0x13000] =	vst v63  }
0xa8: {  	_ =	swait.ge [sflag:s29], $0x800  }
0xa9: {  	[sflag:s29] =	ssyncset.done $0x0  }
0xaa: {  	s12 =	sadd.s32 $0x480, s7;
	[sflag:s29] =	ssyncadd.s32 $0xFFFFF800  }
0xab: {  	[tilespmem:s17], [sflag:$0x2] =	stream.indirect.gather [hbm4b:s1+s15], $0x10, s12, s15, $0xb8;
	[tilespmem:$0x13000] =	vst v63  }
0xac: {  	_ =	swait.ge [sflag:s5], $0x800  }
0xad: {  	[sflag:s5] =	ssyncset.done $0x0  }
0xae: {  	s12 =	sadd.s32 $0x500, s7;
	[sflag:s5] =	ssyncadd.s32 $0xFFFFF800  }
0xaf: {  	[tilespmem:s19], [sflag:$0x3] =	stream.indirect.gather [hbm4b:s1+s15], $0x10, s12, s15, $0xb8;
	[tilespmem:$0x13000] =	vst v63  }
0xb0: {  	_ =	swait.ge [sflag:s6], $0x800  }
0xb1: {  	[sflag:s6] =	ssyncset.done $0x0  }
0xb2: {  	s12 =	sadd.s32 $0x580, s7;
	[sflag:s6] =	ssyncadd.s32 $0xFFFFF800  }
0xb3: {  	[tilespmem:s21], [sflag:$0x4] =	stream.indirect.gather [hbm4b:s1+s15], $0x10, s12, s15, $0xb8;
	[tilespmem:$0x13000] =	vst v63  }
0xb4: {  	_ =	swait.ge [sflag:s11], $0x800  }
0xb5: {  	[sflag:s11] =	ssyncset.done $0x0  }
0xb6: {  	s12 =	sadd.s32 $0x600, s7;
	[sflag:s11] =	ssyncadd.s32 $0xFFFFF800  }
0xb7: {  	[tilespmem:s23], [sflag:$0x5] =	stream.indirect.gather [hbm4b:s1+s15], $0x10, s12, s15, $0xb8;
	[tilespmem:$0x13000] =	vst v63  }
0xb8: {  	_ =	swait.ge [sflag:s8], $0x800  }
0xb9: {  	[sflag:s8] =	ssyncset.done $0x0  }
0xba: {  	s12 =	sadd.s32 $0x680, s7;
	[sflag:s8] =	ssyncadd.s32 $0xFFFFF800  }
0xbb: {  	[tilespmem:s25], [sflag:$0x6] =	stream.indirect.gather [hbm4b:s1+s15], $0x10, s12, s15, $0xb8;
	[tilespmem:$0x13000] =	vst v63  }
0xbc: {  	_ =	swait.ge [sflag:s9], $0x800  }
0xbd: {  	[sflag:s9] =	ssyncset.done $0x0  }
0xbe: {  	s12 =	sadd.s32 $0x700, s7;
	[sflag:s9] =	ssyncadd.s32 $0xFFFFF800  }
0xbf: {  	[tilespmem:s28], [sflag:$0x7] =	stream.indirect.gather [hbm4b:s1+s15], $0x10, s12, s15, $0xb8;
	[tilespmem:$0x13000] =	vst v63  }
.Ltmp3:
0xc0: {  	_ = 	snop;
	(pc) =	sbr.rel .LBB2_6-.Ltmp3, $4  }
0xc1: {  	_ =	swait.ge [sflag:s4], $0x800  }
0xc2: {  	[sflag:s4] =	ssyncset.done $0x0  }
0xc3: {  	s14 =	sadd.s32 $0x1000, s14;
	s12 =	sadd.s32 $0x780, s7;
	[sflag:s4] =	ssyncadd.s32 $0xFFFFF800  }
0xc4: {  	[tilespmem:s30], [sflag:$0x8] =	stream.indirect.gather [hbm4b:s1+s15], $0x10, s12, s15, $0xb8;
	[tilespmem:$0x13000] =	vst v63  }
.LBB2_8:
0xc5: {  	_ =	swait.ge [sflag:s29], $0x800  }
0xc6: {  	[sflag:s29] =	ssyncset.done $0x0  }
0xc7: {  	[sflag:s29] =	ssyncadd.s32 $0xFFFFF800  }
0xc8: {  	_ =	swait.ge [sflag:s5], $0x800  }
0xc9: {  	[sflag:s5] =	ssyncset.done $0x0  }
0xca: {  	[sflag:s5] =	ssyncadd.s32 $0xFFFFF800  }
0xcb: {  	_ =	swait.ge [sflag:s6], $0x800  }
0xcc: {  	[sflag:s6] =	ssyncset.done $0x0  }
0xcd: {  	[sflag:s6] =	ssyncadd.s32 $0xFFFFF800  }
0xce: {  	_ =	swait.ge [sflag:s11], $0x800  }
0xcf: {  	[sflag:s11] =	ssyncset.done $0x0  }
0xd0: {  	[sflag:s11] =	ssyncadd.s32 $0xFFFFF800  }
0xd1: {  	_ =	swait.ge [sflag:s8], $0x800  }
0xd2: {  	[sflag:s8] =	ssyncset.done $0x0  }
0xd3: {  	[sflag:s8] =	ssyncadd.s32 $0xFFFFF800  }
0xd4: {  	_ =	swait.ge [sflag:s9], $0x800  }
0xd5: {  	[sflag:s9] =	ssyncset.done $0x0  }
0xd6: {  	[sflag:s9] =	ssyncadd.s32 $0xFFFFF800  }
0xd7: {  	_ =	swait.ge [sflag:s4], $0x800  }
0xd8: {  	[sflag:s4] =	ssyncset.done $0x0  }
0xd9: {  	[sflag:s4] =	ssyncadd.s32 $0xFFFFF800  }
0xda: {  	[bflag:$0x0] =	sbarrier.arrive $0xFFFF  }
0xdb: {  	s12 =	simm.s32 $0xB800;
	s14 =	simm.s32 $0x13;
	s7 =	rddreg [dreg:$0x6]  }
0xdc: {  	[tilespmem:s12], [sflag:$0x13] =	stream.linear.gather [spmem:s7], $0x2800, $0x38;
	[tilespmem:$0x13000] =	vst v63  }
0xdd: {  	_ =	swait.ge [sflag:s14], $0x2800  }
0xde: {  	[sflag:s14] =	ssyncset.done $0x0  }
0xdf: {  	s7 =	simm.s32 $0x0;
	[sflag:s14] =	ssyncadd.s32 $0xFFFFD800  }
0xe0: {  	v27 =	vld [tilespmem:s7+$0xB870]  }
0xe1: {  	v28 =	vld [tilespmem:s7+$0xB800]  }
0xe2: {  	v29 =	vld [tilespmem:s7+$0xB810]  }
0xe3: {  	v26 =	vld [tilespmem:s7+$0xB820]  }
0xe4: {  	v24 =	vld [tilespmem:s7+$0xB830]  }
0xe5: {  	v25 =	vld [tilespmem:s7+$0xB840];
	[tilespmem:s7+$0xE070] =	vst v27  }
0xe6: {  	[tilespmem:s7+$0xE000] =	vst v28;
	v27 =	vld [tilespmem:s7+$0xB850]  }
0xe7: {  	s12 =	simm.s32 $0x400;
	s14 =	simm.s32 $0x80;
	[tilespmem:s7+$0xE010] =	vst v29;
	v28 =	vld [tilespmem:s7+$0xB860]  }
.LBB2_9:
0xe8: {  	p0 =	sne.s32 s12, $0x9E00;
	v29 =	vld [tilespmem:s14+$0xB870];
	[tilespmem:s7+$0xE020] =	vst v26  }
0xe9: {  	v30 =	vld [tilespmem:s14+$0xB800];
	[tilespmem:s7+$0xE030] =	vst v24  }
0xea: {  	v31 =	vld [tilespmem:s14+$0xB810];
	[tilespmem:s7+$0xE040] =	vst v25  }
.Ltmp4:
0xeb: {  	v26 =	vld [tilespmem:s14+$0xB820];
	[tilespmem:s7+$0xE050] =	vst v27;
	(pc) =	sbr.rel @p0 .LBB2_9-.Ltmp4, $4  }
0xec: {  	v24 =	vld [tilespmem:s14+$0xB830];
	[tilespmem:s7+$0xE060] =	vst v28;
	s7 =	smov.u32 s14  }
0xed: {  	v25 =	vld [tilespmem:s7+$0xB840];
	[tilespmem:s7+$0xE070] =	vst v29  }
0xee: {  	[tilespmem:s7+$0xE000] =	vst v30;
	v27 =	vld [tilespmem:s7+$0xB850]  }
0xef: {  	s14 =	sshra.s32 s12, $0x2;
	s12 =	sadd.s32 $0x200, s12;
	[tilespmem:s7+$0xE010] =	vst v31;
	v28 =	vld [tilespmem:s7+$0xB860]  }
0xf0: {  	v29 =	vld [tilespmem:s14+$0xB870];
	[tilespmem:s7+$0xE020] =	vst v26  }
0xf1: {  	v26 =	vld [tilespmem:s14+$0xB800];
	[tilespmem:s7+$0xE030] =	vst v24  }
0xf2: {  	v24 =	vld [tilespmem:s14+$0xB810];
	[tilespmem:s7+$0xE040] =	vst v25  }
0xf3: {  	v25 =	vld [tilespmem:s14+$0xB820];
	[tilespmem:s7+$0xE050] =	vst v27  }
0xf4: {  	v27 =	vld [tilespmem:s14+$0xB830];
	[tilespmem:s7+$0xE060] =	vst v28  }
0xf5: {  	v28 =	vld [tilespmem:s14+$0xB840];
	[tilespmem:s14+$0xE070] =	vst v29  }
0xf6: {  	v62 =	vld [tilespmem:s14+$0xB850];
	[tilespmem:s14+$0xE000] =	vst v26  }
0xf7: {  	v63 =	vld [tilespmem:s14+$0xB860];
	[tilespmem:s14+$0xE010] =	vst v24  }
0xf8: {  	[tilespmem:s14+$0xE020] =	vst v25  }
0xf9: {  	[tilespmem:s14+$0xE030] =	vst v27  }
0xfa: {  	[tilespmem:s14+$0xE040] =	vst v28  }
0xfb: {  	[tilespmem:s14+$0xE050] =	vst v62  }
0xfc: {  	s12 =	simm.s32 $0x0;
	s7 =	rddreg [dreg:$0x7];
	[tilespmem:s14+$0xE060] =	vst v63;
	s14 =	simm.s32 $0xE000  }
0xfd: {  	[hbm4b:s7+s12] =	stream.linear.scatter [tilespmem:s14], [sflag:$0x13], $0x2800, $0x38;
	[tilespmem:$0x13000] =	vst v63  }
0xfe: {  	s14 =	simm.s32 $0x13  }
0xff: {  	_ =	swait.ge [sflag:s14], $0x2800  }
0x100: {  	s13 =	sadd.s32 $0x1, s13;
	s7 =	rddreg [dreg:$0x8]  }
0x101: {  	p0 =	sne.s32 s13, s7  }
.Ltmp5:
0x102: {  	_ = 	snop;
	(pc) =	sbr.rel @p0 .LBB2_1-.Ltmp5, $3  }
0x103: {  	_ =	sdelay $0x1  }
0x104: {  	[sflag:s14] =	ssyncset.done $0x0  }
0x105: {  	[sflag:s14] =	ssyncadd.s32 $0xFFFFD800  }
0x106: {  	_ =	sfence.sel $0x180000  }
0x107: {  	[bflag:$0x0] =	sbarrier.arrive $0xFFFF  }
0x108: {  	_ =	strace $0x9000004A  }
0x109: {  	s0 =	stileid.u32;
	[bflag:$0x2] =	sbarrier.arrive $0xFFFF  }
0x10a: {  	p0 =	sne.s32 s0, $0x0;
	s0 =	rddreg [dreg:$0x3]  }
0x10b: {  	s0 =	sadd.s32 @!p0 $0x100000, s0  }
0x10c: {  	[sflag:s0] =	ssyncadd.tile.s32 @!p0 $0x1;
	_ =	shalt  }
.Lfunc_end2:
_tile_overlayer_lowered:
.L_overlay_start_2:
0x10d: {  	(tag) =	ssettag $0x2  }
0x10e: {  	s0 =	rddreg [dreg:$0x0];
	s2 =	stileid.u32  }
0x10f: {  	s1 =	rddreg [dreg:$0x1];
	p0 =	sne.s32 s2, $0x0  }
0x110: {  	s3 =	rddreg [dreg:$0x2];
	[bflag:$0x3] =	sbarrier.arrive $0xFFFF;
	s2 =	simm.s32 @!p0 $0x1C13  }
0x111: {  	[timem:s3], [sflag:s2] =	dma.local @!p0 [hbm:s0], s1  }
0x112: {  	s0 =	simm.s32 @!p0 $0x13  }
0x113: {  	_ =	swait.ge @!p0 [sflag:s0], s1  }
0x114: {  	s1 =	ssub.s32 @!p0 $0x0, s1;
	[sflag:s0] =	ssyncset.done @!p0 $0x0  }
0x115: {  	[sflag:s0] =	ssyncadd.s32 @!p0 s1  }
0x116: {  	[bflag:$0x3] =	sbarrier.arrive $0xFFFF  }
0x117: {  	_ =	shalt  }

// kernel: kernel.15.cloned.1.call-start
scs
__scs_entry_jumppad:
0x0: {  	(pc) =	sbr.rel $0x88, $3  }
0x1: {  	(tag) =	ssettag $0x0;
	lr =	simm.s32 $0x1  }
0x2: {  	[smem:$0x3F9B] =	sst lr;
	_ =	strace $0xD0000000  }
0x3: {  	_ = 	snop  }
0x4: {  	_ = 	snop  }
0x5: {  	_ = 	snop  }
0x6: {  	_ = 	snop  }
0x7: {  	_ = 	snop  }
__scs_overlays_trampoline_lowered:
0x8: {  	[smem:$0x3FAA] =	sst s0  }
0x9: {  	[smem:$0x3FAB] =	sst s1  }
0xa: {  	[smem:$0x3FAC] =	sst s2  }
0xb: {  	[smem:$0x3FAD] =	sst s3  }
0xc: {  	[smem:$0x3FAE] =	sst s4  }
0xd: {  	[smem:$0x3FAF] =	sst s5  }
0xe: {  	[smem:$0x3FB0] =	sst s6  }
0xf: {  	[smem:$0x3FB1] =	sst s7  }
0x10: {  	[smem:$0x3FB2] =	sst s8  }
0x11: {  	[smem:$0x3FB3] =	sst s9;
	s0 =	simm.s32 @!p0 $0x0  }
0x12: {  	s1 =	sld [smem:$0x3F99];
	s0 =	simm.s32 @p0 $0x1  }
0x13: {  	[smem:$0x3FB4] =	sst s0;
	s0 =	simm.s32 @!p1 $0x0  }
0x14: {  	s2 =	sld [smem:$0x3F98];
	s0 =	simm.s32 @p1 $0x1  }
0x15: {  	[smem:$0x3FB5] =	sst s0;
	s0 =	simm.s32 @!p2 $0x0  }
0x16: {  	s3 =	sld [smem:$0x3FDB];
	s0 =	simm.s32 @p2 $0x1  }
0x17: {  	s4 =	simm.s32 $0x1BF5;
	[smem:$0x3FB7] =	sst s0  }
0x18: {  	s0 =	sld [smem:$0x3F9A];
	_ =	swait.ge [sflag:s4], $0x0  }
0x19: {  	s7 =	sld [smem:$0x3F9B]  }
0x1a: {  	s8 =	sadd.s32 $0xFFFFE003, lr  }
0x1b: {  	s9 =	sadd.s32 $0xFFFFFEF7, lr;
	s5 =	simm.s32 $0xFFFFFFFF;
	p2 =	slt.u32 s8, $0xFFFFF086  }
0x1c: {  	p1 =	slt.u32 s9, $0xF7A;
	s5 =	simm.s32 @!p2 $0x0  }
0x1d: {  	s5 =	simm.s32 @p1 $0x1;
	p0 =	seq.s32 s7, s2  }
0x1e: {  	s7 =	smul.u32 @!p0 $0xF7A, s2;
	p2 =	seq.s32 @!p0 s5, $0x0  }
0x1f: {  	s9 =	smul.u32 $0xF7A, s1;
	s8 =	simm.s32 @!p0 $0x1BF5;
	p2 =	por !p2, p0  }
0x20: {  	[sflag:s8] =	ssyncset.s32 @!p0 $0xFFFFF086;
	s6 =	sadd.s32 @!p0 s3, s7;
	s7 =	simm.s32 @!p0 $0x108  }
0x21: {  	s3 =	sadd.s32 s3, s9;
	s6 =	sadd.s32 @!p0 $0x88, s6;
	s7 =	simm.s32 @p2 $0x1082  }
0x22: {  	[simem:s7], [sflag:s8] =	dma.local @!p0 [hbm:s6], $0xF7A  }
0x23: {  	s9 =	sor.u32 $0xD0000000, s2;
	s6 =	simm.s32 $0x108;
	_ =	swait.ge @!p0 [sflag:s8], $0x0  }
0x24: {  	s3 =	sadd.s32 $0x88, s3;
	s6 =	simm.s32 @!p1 $0x1082;
	[sflag:s4] =	ssyncset.s32 $0xFFFFF086  }
0x25: {  	[simem:s6], [sflag:s4] =	dma.local [hbm:s3], $0xF7A  }
0x26: {  	[smem:$0x3F9B] =	sst s1;
	(tag) =	ssettag s2;
	_ =	strace s9  }
0x27: {  	s1 =	sld [smem:$0x3FAB]  }
0x28: {  	s2 =	sld [smem:$0x3FAC]  }
0x29: {  	s4 =	sld [smem:$0x3FAE]  }
0x2a: {  	p0 =	seq.s32 s5, $0x0;
	s5 =	sld [smem:$0x3FAF]  }
0x2b: {  	s6 =	sld [smem:$0x3FB0]  }
0x2c: {  	s7 =	sld [smem:$0x3FB1]  }
0x2d: {  	s3 =	simm.s32 $0x108;
	s8 =	sld [smem:$0x3FB2]  }
0x2e: {  	s3 =	simm.s32 @!p0 $0x1082;
	s9 =	sld [smem:$0x3FB3]  }
0x2f: {  	lr =	sadd.s32 s0, s3;
	s0 =	sld [smem:$0x3FAA]  }
0x30: {  	s3 =	sld [smem:$0x3FAD]  }
0x31: {  	[smem:$0x3FB6] =	sst s10  }
0x32: {  	s10 =	sld [smem:$0x3FB4];
	_ =	sdelay $0x3  }
0x33: {  	p0 =	seq.s32 s10, $0x1;
	s10 =	sld [smem:$0x3FB6];
	_ =	sdelay $0x3  }
0x34: {  	[smem:$0x3FB6] =	sst s10  }
0x35: {  	s10 =	sld [smem:$0x3FB5];
	_ =	sdelay $0x3  }
0x36: {  	p1 =	seq.s32 s10, $0x1;
	s10 =	sld [smem:$0x3FB6];
	_ =	sdelay $0x3  }
0x37: {  	[smem:$0x3FB6] =	sst s10  }
0x38: {  	s10 =	sld [smem:$0x3FB7]  }
0x39: {  	_ = 	snop;
	(pc) =	sbr.ind lr, $3  }
0x3a: {  	_ = 	snop  }
0x3b: {  	_ = 	snop  }
0x3c: {  	p2 =	seq.s32 s10, $0x1;
	s10 =	sld [smem:$0x3FB6]  }
0x3d: {  	_ =	shalt  }
0x3e: {  	_ =	shalt  }
0x3f: {  	_ =	shalt  }
0x40: {  	_ =	shalt  }
0x41: {  	_ =	shalt  }
0x42: {  	_ =	shalt  }
0x43: {  	_ =	shalt  }
0x44: {  	_ =	shalt  }
0x45: {  	_ =	shalt  }
0x46: {  	_ =	shalt  }
0x47: {  	_ =	shalt  }
0x48: {  	_ =	shalt  }
0x49: {  	_ =	shalt  }
0x4a: {  	_ =	shalt  }
0x4b: {  	_ =	shalt  }
0x4c: {  	_ =	shalt  }
0x4d: {  	_ =	shalt  }
0x4e: {  	_ =	shalt  }
0x4f: {  	_ =	shalt  }
0x50: {  	_ =	shalt  }
0x51: {  	_ =	shalt  }
0x52: {  	_ =	shalt  }
0x53: {  	_ =	shalt  }
0x54: {  	_ =	shalt  }
0x55: {  	_ =	shalt  }
0x56: {  	_ =	shalt  }
0x57: {  	_ =	shalt  }
0x58: {  	_ =	shalt  }
0x59: {  	_ =	shalt  }
0x5a: {  	_ =	shalt  }
0x5b: {  	_ =	shalt  }
0x5c: {  	_ =	shalt  }
0x5d: {  	_ =	shalt  }
0x5e: {  	_ =	shalt  }
0x5f: {  	_ =	shalt  }
0x60: {  	_ =	shalt  }
0x61: {  	_ =	shalt  }
0x62: {  	_ =	shalt  }
0x63: {  	_ =	shalt  }
0x64: {  	_ =	shalt  }
0x65: {  	_ =	shalt  }
0x66: {  	_ =	shalt  }
0x67: {  	_ =	shalt  }
0x68: {  	_ =	shalt  }
0x69: {  	_ =	shalt  }
0x6a: {  	_ =	shalt  }
0x6b: {  	_ =	shalt  }
0x6c: {  	_ =	shalt  }
0x6d: {  	_ =	shalt  }
0x6e: {  	_ =	shalt  }
0x6f: {  	_ =	shalt  }
0x70: {  	_ =	shalt  }
0x71: {  	_ =	shalt  }
0x72: {  	_ =	shalt  }
0x73: {  	_ =	shalt  }
0x74: {  	_ =	shalt  }
0x75: {  	_ =	shalt  }
0x76: {  	_ =	shalt  }
0x77: {  	_ =	shalt  }
0x78: {  	_ =	shalt  }
0x79: {  	_ =	shalt  }
0x7a: {  	_ =	shalt  }
0x7b: {  	_ =	shalt  }
0x7c: {  	_ =	shalt  }
0x7d: {  	_ =	shalt  }
0x7e: {  	_ =	shalt  }
0x7f: {  	_ =	shalt  }
0x80: {  	_ =	shalt  }
0x81: {  	_ =	shalt  }
0x82: {  	_ =	shalt  }
0x83: {  	_ =	shalt  }
0x84: {  	_ =	shalt  }
0x85: {  	_ =	shalt  }
0x86: {  	_ =	shalt  }
0x87: {  	_ =	shalt  }
.Lfunc_end0:
.L_simem_size_0:
called_computation.2_lowered:
.L_overlay_start_0:
0x88: {  	s2 =	sld [smem:$0x3FD9]  }
0x89: {  	s3 =	sld [smem:$0x3FFE];
	_ =	sdelay $0x1  }
0x8a: {  	s1 =	srdreg.scid  }
0x8b: {  	s0 =	sand.u32 $0x1, s1  }
0x8c: {  	s17 =	sshll.u32 s0, $0xA;
	s2 =	sadd.s32 s3, s2  }
0x8d: {  	s2 =	sadd.s32 s2, s17  }
0x8e: {  	[smem:$0x3FC2] =	sst s2  }
0x8f: {  	_ = 	snop  }
0x90: {  	s2 =	sld [smem:$0x3FD0];
	(tm) =	ssettm $0x1  }
0x91: {  	s18 =	sld [smem:$0x3FFB];
	_ =	sdelay $0x3  }
0x92: {  	_ =	strace s18  }
0x93: {  	s3 =	sld [smem:$0x3FFC];
	_ =	sdelay $0x3  }
0x94: {  	_ =	strace s3  }
0x95: {  	s3 =	sld [smem:$0x3FFD];
	_ =	sdelay $0x3  }
0x96: {  	_ =	strace s3  }
0x97: {  	_ =	strace $0x8FFFFFFF  }
0x98: {  	s19 =	sld [smem:$0x3FDB];
	_ =	sdelay $0x1  }
0x99: {  	s4 =	simm.s32 $_scs_section_size  }
0x9a: {  	s5 =	simm.s32 $_size__tile_overlayer_lowered;
	s6 =	simm.s32 $_tile_overlayer_lowered  }
0x9b: {  	s22 =	simm.s32 $0x1BFF;
	s21 =	sshll.u32 s6, $0x1;
	s3 =	sadd.s32 s4, s19  }
0x9c: {  	s7 =	simm.s32 $0x0;
	s20 =	sshll.u32 s5, $0x1;
	s5 =	sadd.s32 s21, s3  }
0x9d: {  	[timem:s7], [sflag:s22] =	dma.local [hbm:s5], s20  }
0x9e: {  	_ =	swait.ge [sflag:s22], s20  }
0x9f: {  	s4 =	ssub.s32 $0x0, s20;
	[sflag:s22] =	ssyncset.done $0x0  }
0xa0: {  	[sflag:s22] =	ssyncadd.s32 s4;
	_ =	sdelay $0x1  }
0xa1: {  	s23 =	simm.s32 $0x1B8B  }
0xa2: {  	_ =	swait.ge [sflag:s23], $0x1  }
0xa3: {  	[sflag:s23] =	ssyncset.done $0x0  }
0xa4: {  	s25 =	simm.s32 $0x1B8E;
	s24 =	sld [smem:$0x3FFE];
	[sflag:s23] =	ssyncadd.s32 $0xFFFFFFFF  }
0xa5: {  	s26 =	simm.s32 $execute0_lowered;
	[smem:$0x3FD2] =	sst s25  }
0xa6: {  	s5 =	sshll.u32 s26, $0x1;
	_ =	strace $0x8000004C;
	[dreg:$0x1] =	wrdreg $0xFFFFFFFF  }
0xa7: {  	s28 =	simm.s32 $_size_execute0_lowered;
	s3 =	sadd.s32 s3, s5;
	[dreg:$0x0] =	wrdreg $0x0  }
0xa8: {  	s5 =	sshll.u32 s28, $0x1;
	[dreg:$0x2] =	wrdreg s3  }
0xa9: {  	[dreg:$0x3] =	wrdreg s5  }
0xaa: {  	[dreg:$0x4] =	wrdreg $0xC0  }
0xab: {  	_ =	task [dreg:s7], $0x5FFFF  }
0xac: {  	[dreg:$0x1] =	wrdreg $0xFFFFFFFF  }
0xad: {  	[dreg:$0x0] =	wrdreg $0x60  }
0xae: {  	[dreg:$0x2] =	wrdreg s2  }
0xaf: {  	[dreg:$0x3] =	wrdreg s24  }
0xb0: {  	[dreg:$0x4] =	wrdreg $0x108000  }
0xb1: {  	[dreg:$0x5] =	wrdreg $0x9  }
0xb2: {  	_ =	task.clear_ibuf [dreg:s7], $0x6FFFF;
	_ =	strace $0x9000004C  }
0xb3: {  	s29 =	simm.s32 $0x9;
	_ =	strace $0x8000004E  }
0xb4: {  	_ =	swait.ge [sflag:s29], $0x1  }
0xb5: {  	[sflag:s29] =	ssyncadd.s32 $0xFFFFFFFF  }
0xb6: {  	_ =	strace $0x9000004E  }
0xb7: {  	_ =	sfence  }
0xb8: {  	s30 =	sld [smem:$0x0];
	_ =	sdelay $0x2  }
0xb9: {  	s31 =	sshll.u32 s1, $0xD;
	s1 =	sshrl.u32 s1, $0x2  }
0xba: {  	s3 =	sand.u32 $0x4000, s31;
	s1 =	sadd.s32 s1, s30  }
0xbb: {  	s0 =	sor.u32 s3, s0;
	s1 =	sshll.u32 s1, $0x11  }
0xbc: {  	s0 =	sor.u32 s1, s0  }
0xbd: {  	s0 =	sadd.s32 $0x8F2B, s0  }
0xbe: {  	[sflag:s0] =	ssyncadd.remote.s32 $0x1  }
0xbf: {  	_ =	sfence.sel $0xFFFF  }
0xc0: {  	[dreg:$0x0] =	wrdreg $0xFFFFFFFF;
	(pc) =	sbr.abs _section_cstart, $3  }
0xc1: {  	[dreg:$0x1] =	wrdreg $0xFFFFFFFF  }
0xc2: {  	_ =	task.clear_ibuf [dreg:s7], $0x2FFFF;
	_ =	strace $0x9FFFFFFF  }
0xc3: {  	(tm) =	ssettm $0x7FFFFFFF  }
tec
execute0_lowered:
.L_overlay_start_1:
0x0: {  	(tag) =	ssettag $0x1  }
0x1: {  	s9 =	stileid.u32  }
0x2: {  	s0 =	smul.u32 $0x1F, s9;
	_ =	sdelay $0x1  }
0x3: {  	v0 =	vlaneseq.u32;
	s1 =	sadd.s32 $0x10, s0  }
0x4: {  	v1 =	vadd.s32 s1, v0  }
0x5: {  	s11 =	sadd.s32 $0x20, s0;
	v2 =	vmulhi.u32 $0x1111112, v1  }
0x6: {  	s12 =	sadd.s32 $0x30, s0;
	v3 =	vadd.s32 s11, v0  }
0x7: {  	s25 =	sadd.s32 $0xD0, s0;
	v5 =	vadd.s32 s12, v0;
	v4 =	vmulhi.u32 $0x1111112, v3;
	v2 =	vmul.u32 $0xF0, v2  }
0x8: {  	s13 =	sadd.s32 $0x50, s0;
	v15 =	vadd.s32 s25, v0;
	v6 =	vmulhi.u32 $0x1111112, v5  }
0x9: {  	s4 =	sadd.s32 $0x40, s0;
	v8 =	vadd.s32 s13, v0;
	v16 =	vmulhi.u32 $0x1111112, v15;
	v1 =	vsub.s32 v1, v2  }
0xa: {  	s15 =	sadd.s32 $0x70, s0;
	s26 =	sadd.s32 $0xE0, s0;
	v2 =	vmul.u32 $0xF0, v4;
	v4 =	vmul.u32 $0xF0, v6;
	v6 =	vadd.s32 s4, v0  }
0xb: {  	v11 =	vadd.s32 s15, v0;
	v17 =	vadd.s32 s26, v0;
	v7 =	vmulhi.u32 $0x1111112, v6  }
0xc: {  	s2 =	srdreg.scid;
	s7 =	sadd.s32 $0x60, s0;
	v2 =	vsub.s32 v3, v2;
	v3 =	vsub.s32 v5, v4;
	v4 =	vmulhi.u32 $0x1111112, v8  }
0xd: {  	s5 =	rddreg [dreg:$0x1];
	s28 =	simm.s32 $0xA800;
	s18 =	sadd.s32 $0x90, s0;
	v18 =	vmulhi.u32 $0x1111112, v17;
	v5 =	vmul.u32 $0xF0, v7;
	v7 =	vadd.s32 s7, v0  }
0xe: {  	s30 =	simm.s32 $0xB000;
	s16 =	sadd.s32 $0x80, s0;
	s21 =	sadd.s32 $0xA0, s0;
	v13 =	vadd.s32 s18, v0;
	v9 =	vmul.u32 $0xF0, v4;
	v10 =	vmulhi.u32 $0x1111112, v7  }
0xf: {  	s23 =	sadd.s32 $0xB0, s0;
	s24 =	sadd.s32 $0xC0, s0;
	s0 =	sadd.s32 $0xF0, s0;
	v4 =	vsub.s32 v6, v5;
	v5 =	vmulhi.u32 $0x1111112, v11;
	v6 =	vadd.s32 s16, v0  }
0x10: {  	s31 =	simm.s32 $0x1;
	s10 =	simm.s32 $0x4;
	s29 =	simm.s32 $0xA;
	v19 =	vadd.s32 s0, v0;
	v8 =	vsub.s32 v8, v9;
	v9 =	vmulhi.u32 $0x1111112, v6  }
0x11: {  	s2 =	sand.u32 $0x1, s2;
	s3 =	sshll.u32 s9, $0x1;
	s8 =	smul.u32 $0x500, s9;
	v21 =	vmulhi.u32 $0x1111112, v19;
	v10 =	vmul.u32 $0xF0, v10;
	v12 =	vmul.u32 $0xF0, v5  }
0x12: {  	s17 =	smul.u32 $0xA000, s9;
	s9 =	simm.s32 $0xF;
	s6 =	sor.u32 s2, s3;
	v5 =	vadd.s32 $0x2710, v8;
	v8 =	vmul.u32 $0xF0, v9;
	v9 =	vmulhi.u32 $0x1111112, v13  }
0x13: {  	s3 =	rddreg [dreg:$0x2];
	s14 =	smul.u32 $0x5000, s2;
	s2 =	ssub.s32 $0x2, s2;
	v7 =	vsub.s32 v7, v10;
	v10 =	vsub.s32 v11, v12;
	v11 =	vadd.s32 s21, v0  }
0x14: {  	v22 =	vor.u32 $0x60, v0;
	v23 =	vor.u32 $0x70, v0;
	s6 =	smul.u32 $0x2710, s6;
	s19 =	sshrl.u32 s2, $0x1;
	s20 =	sshrl.u32 s17, $0x2;
	v12 =	vmulhi.u32 $0x1111112, v11  }
0x15: {  	s17 =	simm.s32 $0x8000;
	s1 =	rddreg [dreg:$0x0];
	s12 =	simm.s32 $0x0;
	v8 =	vsub.s32 v6, v8;
	v9 =	vmul.u32 $0xF0, v9;
	v6 =	vadd.s32 $0x2710, v7  }
0x16: {  	s2 =	ssub.s32 s2, s19;
	s15 =	simm.s32 $0x80;
	s19 =	simm.s32 $0x8800;
	v7 =	vadd.s32 $0x2710, v10;
	v10 =	vmul.u32 $0xF0, v12;
	v12 =	vadd.s32 s23, v0  }
0x17: {  	v14 =	vadd.s32 s24, v0;
	s25 =	simm.s32 $0xA000;
	s0 =	simm.s32 $0x3;
	s18 =	simm.s32 $0x5;
	v9 =	vsub.s32 v13, v9;
	v13 =	vmulhi.u32 $0x1111112, v12  }
0x18: {  	s24 =	simm.s32 $0x8;
	s26 =	simm.s32 $0x9;
	s6 =	sshrl.u32 s6, $0x3;
	v1 =	vadd.s32 $0x2710, v1;
	v2 =	vadd.s32 $0x2710, v2;
	v3 =	vadd.s32 $0x2710, v3  }
0x19: {  	[smem:$0x7FF] =	sst s12;
	s2 =	smax.u32 s2, $0x1;
	s6 =	sadd.s32 s6, s5;
	v10 =	vsub.s32 v11, v10;
	v11 =	vmulhi.u32 $0x1111112, v14;
	v13 =	vmul.u32 $0xF0, v13  }
0x1a: {  	_ =	strace $0x8000004D;
	[dreg:$0x8] =	wrdreg s2;
	s22 =	sadd.s32 $0x2C00, s6;
	v4 =	vadd.s32 $0x2710, v4;
	v8 =	vadd.s32 $0x2710, v8;
	v9 =	vadd.s32 $0x2710, v9  }
0x1b: {  	s11 =	simm.s32 $0xD;
	s6 =	sadd.s32 $0xC840, s6;
	[dreg:$0x4] =	wrdreg s22;
	v10 =	vadd.s32 $0x2710, v10;
	v20 =	vmul.u32 $0xF0, v11;
	v11 =	vsub.s32 v12, v13  }
0x1c: {  	s13 =	simm.s32 $0x0;
	s2 =	simm.s32 $0x2;
	[dreg:$0x5] =	wrdreg s6;
	v13 =	vmul.u32 $0xF0, v16;
	v16 =	vmul.u32 $0xF0, v18;
	v18 =	vmul.u32 $0xF0, v21  }
0x1d: {  	s22 =	simm.s32 $0x7;
	s6 =	simm.s32 $0xC;
	s4 =	sadd.s32 s8, s14;
	v21 =	vor.u32 $0x50, v0;
	v11 =	vadd.s32 $0x2710, v11;
	v12 =	vsub.s32 v14, v20  }
0x1e: {  	s8 =	simm.s32 $0xE;
	s4 =	sadd.s32 s4, s5;
	s5 =	sadd.s32 s20, s3;
	v20 =	vor.u32 $0x40, v0;
	v12 =	vadd.s32 $0x2710, v12;
	v13 =	vsub.s32 v15, v13  }
0x1f: {  	s20 =	simm.s32 $0x6;
	[dreg:$0x6] =	wrdreg s5;
	s4 =	sadd.s32 $0x16600, s4;
	v14 =	vsub.s32 v17, v16;
	v15 =	vsub.s32 v19, v18;
	v16 =	vimm.f32 $0.0e+00  }
0x20: {  	s5 =	simm.s32 $0xB;
	[dreg:$0x7] =	wrdreg s4;
	s4 =	simm.s32 $0x10;
	v17 =	vor.u32 $0x10, v0;
	v18 =	vor.u32 $0x20, v0;
	v19 =	vor.u32 $0x30, v0  }
0x21: {  	s16 =	simm.s32 $0x7800;
	s21 =	simm.s32 $0x9000;
	s23 =	simm.s32 $0x9800;
	v13 =	vadd.s32 $0x2710, v13;
	v14 =	vadd.s32 $0x2710, v14;
	v15 =	vadd.s32 $0x2710, v15  }
.LBB2_1:
0x22: {  	s7 =	rddreg [dreg:$0x4]  }
0x23: {  	[tilespmem:s12], [sflag:$0x11] =	stream.linear.gather [hbm4b:s7+s12], $0x2710, $0x38;
	[tilespmem:$0x13000] =	vst v63  }
0x24: {  	s14 =	simm.s32 $0x2800;
	s7 =	rddreg [dreg:$0x5]  }
0x25: {  	[tilespmem:s14], [sflag:$0x12] =	stream.linear.gather [hbm4b:s7+s12], $0x2710, $0x38;
	[tilespmem:$0x13000] =	vst v63  }
0x26: {  	s7 =	simm.s32 $0x40;
	s12 =	simm.s32 $0x0  }
.LBB2_2:
0x27: {  	p0 =	sne.s32 s7, $0x9FC0;
	[tilespmem:s12+$0xB800] =	vst v16;
	s12 =	smov.u32 s7;
	s7 =	sadd.s32 $0x40, s7  }
.Ltmp0:
0x28: {  	(pc) =	sbr.rel @p0 .LBB2_2-.Ltmp0, $2  }
0x29: {  	_ =	sdelay $0x2  }
0x2a: {  	s12 =	sshra.s32 s12, $0x2  }
0x2b: {  	[tilespmem:s12+$0xB800] =	vst v16;
	s7 =	rddreg [dreg:$0x6];
	s14 =	simm.s32 $0xB800  }
0x2c: {  	[spmem:s7] =	stream.linear.scatter [tilespmem:s14], [sflag:$0x13], $0x2800, $0x38;
	[tilespmem:$0x13000] =	vst v63  }
0x2d: {  	s14 =	simm.s32 $0x13  }
0x2e: {  	_ =	swait.ge [sflag:s14], $0x2800  }
0x2f: {  	[sflag:s14] =	ssyncset.done $0x0  }
0x30: {  	s12 =	simm.s32 $0x11;
	[sflag:s14] =	ssyncadd.s32 $0xFFFFD800  }
0x31: {  	_ =	swait.ge [sflag:s12], $0x2710  }
0x32: {  	[sflag:s12] =	ssyncset.done $0x0  }
0x33: {  	s14 =	simm.s32 $0x12;
	[sflag:s12] =	ssyncadd.s32 $0xFFFFD8F0  }
0x34: {  	_ =	swait.ge [sflag:s14], $0x2710  }
0x35: {  	[sflag:s14] =	ssyncset.done $0x0  }
0x36: {  	[sflag:s14] =	ssyncadd.s32 $0xFFFFD8F0  }
0x37: {  	[tilespmem:$0x2710] =	vst v17  }
0x38: {  	[tilespmem:$0x2720] =	vst v18  }
0x39: {  	[tilespmem:$0x2730] =	vst v19  }
0x3a: {  	[tilespmem:$0x2740] =	vst v20  }
0x3b: {  	[tilespmem:$0x2750] =	vst v21  }
0x3c: {  	[tilespmem:$0x2760] =	vst v22  }
0x3d: {  	[tilespmem:$0x2770] =	vst v23  }
0x3e: {  	[tilespmem:$0x2780] =	vst v0  }
0x3f: {  	[tilespmem:$0x2790] =	vst v17  }
0x40: {  	[tilespmem:$0x27A0] =	vst v18  }
0x41: {  	[tilespmem:$0x27B0] =	vst v19  }
0x42: {  	[tilespmem:$0x27C0] =	vst v20  }
0x43: {  	[tilespmem:$0x27D0] =	vst v21  }
0x44: {  	[tilespmem:$0x27E0] =	vst v22  }
0x45: {  	s7 =	simm.s32 $0x0;
	[tilespmem:$0x27F0] =	vst v23  }
0x46: {  	v27 =	vld [tilespmem:s7+$0x2870]  }
0x47: {  	v28 =	vld [tilespmem:s7+$0x2800]  }
0x48: {  	v29 =	vld [tilespmem:s7+$0x2810]  }
0x49: {  	v26 =	vld [tilespmem:s7+$0x2820]  }
0x4a: {  	v24 =	vld [tilespmem:s7+$0x2830]  }
0x4b: {  	v25 =	vld [tilespmem:s7+$0x2840];
	[tilespmem:s7+$0x5070] =	vst v27  }
0x4c: {  	[tilespmem:s7+$0x5000] =	vst v28;
	v27 =	vld [tilespmem:s7+$0x2850]  }
0x4d: {  	s12 =	simm.s32 $0x400;
	s14 =	simm.s32 $0x80;
	[tilespmem:s7+$0x5010] =	vst v29;
	v28 =	vld [tilespmem:s7+$0x2860]  }
.LBB2_4:
0x4e: {  	p0 =	sne.s32 s12, $0x9A00;
	v29 =	vld [tilespmem:s14+$0x2870];
	[tilespmem:s7+$0x5020] =	vst v26  }
0x4f: {  	v30 =	vld [tilespmem:s14+$0x2800];
	[tilespmem:s7+$0x5030] =	vst v24  }
0x50: {  	v31 =	vld [tilespmem:s14+$0x2810];
	[tilespmem:s7+$0x5040] =	vst v25  }
.Ltmp1:
0x51: {  	v26 =	vld [tilespmem:s14+$0x2820];
	[tilespmem:s7+$0x5050] =	vst v27;
	(pc) =	sbr.rel @p0 .LBB2_4-.Ltmp1, $4  }
0x52: {  	v24 =	vld [tilespmem:s14+$0x2830];
	[tilespmem:s7+$0x5060] =	vst v28;
	s7 =	smov.u32 s14  }
0x53: {  	v25 =	vld [tilespmem:s7+$0x2840];
	[tilespmem:s7+$0x5070] =	vst v29  }
0x54: {  	[tilespmem:s7+$0x5000] =	vst v30;
	v27 =	vld [tilespmem:s7+$0x2850]  }
0x55: {  	s14 =	sshra.s32 s12, $0x2;
	s12 =	sadd.s32 $0x200, s12;
	[tilespmem:s7+$0x5010] =	vst v31;
	v28 =	vld [tilespmem:s7+$0x2860]  }
0x56: {  	v29 =	vld [tilespmem:s14+$0x2870];
	[tilespmem:s7+$0x5020] =	vst v26  }
0x57: {  	v26 =	vld [tilespmem:s14+$0x2800];
	[tilespmem:s7+$0x5030] =	vst v24  }
0x58: {  	v24 =	vld [tilespmem:s14+$0x2810];
	[tilespmem:s7+$0x5040] =	vst v25  }
0x59: {  	v25 =	vld [tilespmem:s14+$0x2820];
	[tilespmem:s7+$0x5050] =	vst v27  }
0x5a: {  	v27 =	vld [tilespmem:s14+$0x2830];
	[tilespmem:s7+$0x5060] =	vst v28  }
0x5b: {  	v28 =	vld [tilespmem:s14+$0x2840];
	[tilespmem:s14+$0x5070] =	vst v29  }
0x5c: {  	v62 =	vld [tilespmem:s14+$0x2850];
	[tilespmem:s14+$0x5000] =	vst v26  }
0x5d: {  	v63 =	vld [tilespmem:s14+$0x2860];
	[tilespmem:s14+$0x5010] =	vst v24  }
0x5e: {  	[tilespmem:s14+$0x5020] =	vst v25  }
0x5f: {  	[tilespmem:s14+$0x5030] =	vst v27  }
0x60: {  	[tilespmem:s14+$0x5040] =	vst v28  }
0x61: {  	[tilespmem:s14+$0x5050] =	vst v62  }
0x62: {  	[tilespmem:s14+$0x5060] =	vst v63  }
0x63: {  	[tilespmem:$0x7710] =	vst v1  }
0x64: {  	[tilespmem:$0x7720] =	vst v2  }
0x65: {  	[tilespmem:$0x7730] =	vst v3  }
0x66: {  	[tilespmem:$0x7740] =	vst v4  }
0x67: {  	[tilespmem:$0x7750] =	vst v5  }
0x68: {  	[tilespmem:$0x7760] =	vst v6  }
0x69: {  	[tilespmem:$0x7770] =	vst v7  }
0x6a: {  	[tilespmem:$0x7780] =	vst v8  }
0x6b: {  	[tilespmem:$0x7790] =	vst v9  }
0x6c: {  	[tilespmem:$0x77A0] =	vst v10  }
0x6d: {  	v24 =	vld [tilespmem:$0x4F00];
	[tilespmem:$0x77B0] =	vst v11  }
0x6e: {  	[tilespmem:$0x77C0] =	vst v12  }
0x6f: {  	[tilespmem:$0x77D0] =	vst v13  }
0x70: {  	[tilespmem:$0x77E0] =	vst v14  }
0x71: {  	[tilespmem:$0x77F0] =	vst v15  }
0x72: {  	[tilespmem:$0x7700] =	vst v24  }
0x73: {  	s14 =	simm.s32 $0x0;
	[bflag:$0x0] =	sbarrier.arrive $0xFFFF  }
0x74: {  	[tilespmem:s16], [sflag:$0x1] =	stream.indirect.gather [hbm4b:s1+s15], $0x10, s14, s15, $0xb8;
	[tilespmem:$0x13000] =	vst v63  }
0x75: {  	_ = 	snop  }
0x76: {  	[tilespmem:s17], [sflag:$0x2] =	stream.indirect.gather [hbm4b:s1+s15], $0x10, s15, s15, $0xb8;
	[tilespmem:$0x13000] =	vst v63  }
0x77: {  	s12 =	simm.s32 $0x100  }
0x78: {  	[tilespmem:s19], [sflag:$0x3] =	stream.indirect.gather [hbm4b:s1+s15], $0x10, s12, s15, $0xb8;
	[tilespmem:$0x13000] =	vst v63  }
0x79: {  	s12 =	simm.s32 $0x180  }
0x7a: {  	[tilespmem:s21], [sflag:$0x4] =	stream.indirect.gather [hbm4b:s1+s15], $0x10, s12, s15, $0xb8;
	[tilespmem:$0x13000] =	vst v63  }
0x7b: {  	s12 =	simm.s32 $0x200  }
0x7c: {  	[tilespmem:s23], [sflag:$0x5] =	stream.indirect.gather [hbm4b:s1+s15], $0x10, s12, s15, $0xb8;
	[tilespmem:$0x13000] =	vst v63  }
0x7d: {  	s12 =	simm.s32 $0x280  }
0x7e: {  	[tilespmem:s25], [sflag:$0x6] =	stream.indirect.gather [hbm4b:s1+s15], $0x10, s12, s15, $0xb8;
	[tilespmem:$0x13000] =	vst v63  }
0x7f: {  	s12 =	simm.s32 $0x300  }
0x80: {  	[tilespmem:s28], [sflag:$0x7] =	stream.indirect.gather [hbm4b:s1+s15], $0x10, s12, s15, $0xb8;
	[tilespmem:$0x13000] =	vst v63  }
0x81: {  	s12 =	simm.s32 $0x380  }
0x82: {  	[tilespmem:s30], [sflag:$0x8] =	stream.indirect.gather [hbm4b:s1+s15], $0x10, s12, s15, $0xb8;
	[tilespmem:$0x13000] =	vst v63  }
.LBB2_6:
0x83: {  	_ =	swait.ge [sflag:s31], $0x800  }
0x84: {  	s7 =	sshra.s32 s14, $0x2;
	[sflag:s31] =	ssyncset.done $0x0  }
0x85: {  	s12 =	sadd.s32 $0x5000, s7;
	[sflag:s31] =	ssyncadd.s32 $0xFFFFF800  }
0x86: {  	[spmem:s3] =	stream.indirect.scatter.add.f32 [tilespmem:s16], [sflag:$0x9], $0x10, s12, s15, $0xb8;
	[tilespmem:$0x13000] =	vst v63  }
0x87: {  	_ =	swait.ge [sflag:s2], $0x800  }
0x88: {  	[sflag:s2] =	ssyncset.done $0x0  }
0x89: {  	s12 =	sadd.s32 $0x5080, s7;
	[sflag:s2] =	ssyncadd.s32 $0xFFFFF800  }
0x8a: {  	[spmem:s3] =	stream.indirect.scatter.add.f32 [tilespmem:s17], [sflag:$0xA], $0x10, s12, s15, $0xb8;
	[tilespmem:$0x13000] =	vst v63  }
0x8b: {  	_ =	swait.ge [sflag:s0], $0x800  }
0x8c: {  	[sflag:s0] =	ssyncset.done $0x0  }
0x8d: {  	s12 =	sadd.s32 $0x5100, s7;
	[sflag:s0] =	ssyncadd.s32 $0xFFFFF800  }
0x8e: {  	[spmem:s3] =	stream.indirect.scatter.add.f32 [tilespmem:s19], [sflag:$0xB], $0x10, s12, s15, $0xb8;
	[tilespmem:$0x13000] =	vst v63  }
0x8f: {  	_ =	swait.ge [sflag:s10], $0x800  }
0x90: {  	[sflag:s10] =	ssyncset.done $0x0  }
0x91: {  	s12 =	sadd.s32 $0x5180, s7;
	[sflag:s10] =	ssyncadd.s32 $0xFFFFF800  }
0x92: {  	[spmem:s3] =	stream.indirect.scatter.add.f32 [tilespmem:s21], [sflag:$0xC], $0x10, s12, s15, $0xb8;
	[tilespmem:$0x13000] =	vst v63  }
0x93: {  	_ =	swait.ge [sflag:s18], $0x800  }
0x94: {  	[sflag:s18] =	ssyncset.done $0x0  }
0x95: {  	s12 =	sadd.s32 $0x5200, s7;
	[sflag:s18] =	ssyncadd.s32 $0xFFFFF800  }
0x96: {  	[spmem:s3] =	stream.indirect.scatter.add.f32 [tilespmem:s23], [sflag:$0xD], $0x10, s12, s15, $0xb8;
	[tilespmem:$0x13000] =	vst v63  }
0x97: {  	_ =	swait.ge [sflag:s20], $0x800  }
0x98: {  	[sflag:s20] =	ssyncset.done $0x0  }
0x99: {  	s12 =	sadd.s32 $0x5280, s7;
	[sflag:s20] =	ssyncadd.s32 $0xFFFFF800  }
0x9a: {  	[spmem:s3] =	stream.indirect.scatter.add.f32 [tilespmem:s25], [sflag:$0xE], $0x10, s12, s15, $0xb8;
	[tilespmem:$0x13000] =	vst v63  }
0x9b: {  	_ =	swait.ge [sflag:s22], $0x800  }
0x9c: {  	[sflag:s22] =	ssyncset.done $0x0  }
0x9d: {  	s12 =	sadd.s32 $0x5300, s7;
	[sflag:s22] =	ssyncadd.s32 $0xFFFFF800  }
0x9e: {  	[spmem:s3] =	stream.indirect.scatter.add.f32 [tilespmem:s28], [sflag:$0xF], $0x10, s12, s15, $0xb8;
	[tilespmem:$0x13000] =	vst v63  }
0x9f: {  	_ =	swait.ge [sflag:s24], $0x800  }
0xa0: {  	p0 =	seq.s32 s14, $0x9000;
	[sflag:s24] =	ssyncset.done $0x0  }
.Ltmp2:
0xa1: {  	s12 =	sadd.s32 $0x5380, s7;
	[sflag:s24] =	ssyncadd.s32 $0xFFFFF800;
	(pc) =	sbr.rel @p0 .LBB2_8-.Ltmp2, $4  }
0xa2: {  	[spmem:s3] =	stream.indirect.scatter.add.f32 [tilespmem:s30], [sflag:$0x10], $0x10, s12, s15, $0xb8;
	[tilespmem:$0x13000] =	vst v63  }
0xa3: {  	_ =	swait.ge [sflag:s26], $0x800  }
0xa4: {  	[sflag:s26] =	ssyncset.done $0x0  }
0xa5: {  	[sflag:s26] =	ssyncadd.s32 $0xFFFFF800  }
0xa6: {  	s12 =	sadd.s32 $0x400, s7  }
0xa7: {  	[tilespmem:s16], [sflag:$0x1] =	stream.indirect.gather [hbm4b:s1+s15], $0x10, s12, s15, $0xb8;
	[tilespmem:$0x13000] =	vst v63  }
0xa8: {  	_ =	swait.ge [sflag:s29], $0x800  }
0xa9: {  	[sflag:s29] =	ssyncset.done $0x0  }
0xaa: {  	s12 =	sadd.s32 $0x480, s7;
	[sflag:s29] =	ssyncadd.s32 $0xFFFFF800  }
0xab: {  	[tilespmem:s17], [sflag:$0x2] =	stream.indirect.gather [hbm4b:s1+s15], $0x10, s12, s15, $0xb8;
	[tilespmem:$0x13000] =	vst v63  }
0xac: {  	_ =	swait.ge [sflag:s5], $0x800  }
0xad: {  	[sflag:s5] =	ssyncset.done $0x0  }
0xae: {  	s12 =	sadd.s32 $0x500, s7;
	[sflag:s5] =	ssyncadd.s32 $0xFFFFF800  }
0xaf: {  	[tilespmem:s19], [sflag:$0x3] =	stream.indirect.gather [hbm4b:s1+s15], $0x10, s12, s15, $0xb8;
	[tilespmem:$0x13000] =	vst v63  }
0xb0: {  	_ =	swait.ge [sflag:s6], $0x800  }
0xb1: {  	[sflag:s6] =	ssyncset.done $0x0  }
0xb2: {  	s12 =	sadd.s32 $0x580, s7;
	[sflag:s6] =	ssyncadd.s32 $0xFFFFF800  }
0xb3: {  	[tilespmem:s21], [sflag:$0x4] =	stream.indirect.gather [hbm4b:s1+s15], $0x10, s12, s15, $0xb8;
	[tilespmem:$0x13000] =	vst v63  }
0xb4: {  	_ =	swait.ge [sflag:s11], $0x800  }
0xb5: {  	[sflag:s11] =	ssyncset.done $0x0  }
0xb6: {  	s12 =	sadd.s32 $0x600, s7;
	[sflag:s11] =	ssyncadd.s32 $0xFFFFF800  }
0xb7: {  	[tilespmem:s23], [sflag:$0x5] =	stream.indirect.gather [hbm4b:s1+s15], $0x10, s12, s15, $0xb8;
	[tilespmem:$0x13000] =	vst v63  }
0xb8: {  	_ =	swait.ge [sflag:s8], $0x800  }
0xb9: {  	[sflag:s8] =	ssyncset.done $0x0  }
0xba: {  	s12 =	sadd.s32 $0x680, s7;
	[sflag:s8] =	ssyncadd.s32 $0xFFFFF800  }
0xbb: {  	[tilespmem:s25], [sflag:$0x6] =	stream.indirect.gather [hbm4b:s1+s15], $0x10, s12, s15, $0xb8;
	[tilespmem:$0x13000] =	vst v63  }
0xbc: {  	_ =	swait.ge [sflag:s9], $0x800  }
0xbd: {  	[sflag:s9] =	ssyncset.done $0x0  }
0xbe: {  	s12 =	sadd.s32 $0x700, s7;
	[sflag:s9] =	ssyncadd.s32 $0xFFFFF800  }
0xbf: {  	[tilespmem:s28], [sflag:$0x7] =	stream.indirect.gather [hbm4b:s1+s15], $0x10, s12, s15, $0xb8;
	[tilespmem:$0x13000] =	vst v63  }
.Ltmp3:
0xc0: {  	_ = 	snop;
	(pc) =	sbr.rel .LBB2_6-.Ltmp3, $4  }
0xc1: {  	_ =	swait.ge [sflag:s4], $0x800  }
0xc2: {  	[sflag:s4] =	ssyncset.done $0x0  }
0xc3: {  	s14 =	sadd.s32 $0x1000, s14;
	s12 =	sadd.s32 $0x780, s7;
	[sflag:s4] =	ssyncadd.s32 $0xFFFFF800  }
0xc4: {  	[tilespmem:s30], [sflag:$0x8] =	stream.indirect.gather [hbm4b:s1+s15], $0x10, s12, s15, $0xb8;
	[tilespmem:$0x13000] =	vst v63  }
.LBB2_8:
0xc5: {  	_ =	swait.ge [sflag:s29], $0x800  }
0xc6: {  	[sflag:s29] =	ssyncset.done $0x0  }
0xc7: {  	[sflag:s29] =	ssyncadd.s32 $0xFFFFF800  }
0xc8: {  	_ =	swait.ge [sflag:s5], $0x800  }
0xc9: {  	[sflag:s5] =	ssyncset.done $0x0  }
0xca: {  	[sflag:s5] =	ssyncadd.s32 $0xFFFFF800  }
0xcb: {  	_ =	swait.ge [sflag:s6], $0x800  }
0xcc: {  	[sflag:s6] =	ssyncset.done $0x0  }
0xcd: {  	[sflag:s6] =	ssyncadd.s32 $0xFFFFF800  }
0xce: {  	_ =	swait.ge [sflag:s11], $0x800  }
0xcf: {  	[sflag:s11] =	ssyncset.done $0x0  }
0xd0: {  	[sflag:s11] =	ssyncadd.s32 $0xFFFFF800  }
0xd1: {  	_ =	swait.ge [sflag:s8], $0x800  }
0xd2: {  	[sflag:s8] =	ssyncset.done $0x0  }
0xd3: {  	[sflag:s8] =	ssyncadd.s32 $0xFFFFF800  }
0xd4: {  	_ =	swait.ge [sflag:s9], $0x800  }
0xd5: {  	[sflag:s9] =	ssyncset.done $0x0  }
0xd6: {  	[sflag:s9] =	ssyncadd.s32 $0xFFFFF800  }
0xd7: {  	_ =	swait.ge [sflag:s4], $0x800  }
0xd8: {  	[sflag:s4] =	ssyncset.done $0x0  }
0xd9: {  	[sflag:s4] =	ssyncadd.s32 $0xFFFFF800  }
0xda: {  	[bflag:$0x0] =	sbarrier.arrive $0xFFFF  }
0xdb: {  	s12 =	simm.s32 $0xB800;
	s14 =	simm.s32 $0x13;
	s7 =	rddreg [dreg:$0x6]  }
0xdc: {  	[tilespmem:s12], [sflag:$0x13] =	stream.linear.gather [spmem:s7], $0x2800, $0x38;
	[tilespmem:$0x13000] =	vst v63  }
0xdd: {  	_ =	swait.ge [sflag:s14], $0x2800  }
0xde: {  	[sflag:s14] =	ssyncset.done $0x0  }
0xdf: {  	s7 =	simm.s32 $0x0;
	[sflag:s14] =	ssyncadd.s32 $0xFFFFD800  }
0xe0: {  	v27 =	vld [tilespmem:s7+$0xB870]  }
0xe1: {  	v28 =	vld [tilespmem:s7+$0xB800]  }
0xe2: {  	v29 =	vld [tilespmem:s7+$0xB810]  }
0xe3: {  	v26 =	vld [tilespmem:s7+$0xB820]  }
0xe4: {  	v24 =	vld [tilespmem:s7+$0xB830]  }
0xe5: {  	v25 =	vld [tilespmem:s7+$0xB840];
	[tilespmem:s7+$0xE070] =	vst v27  }
0xe6: {  	[tilespmem:s7+$0xE000] =	vst v28;
	v27 =	vld [tilespmem:s7+$0xB850]  }
0xe7: {  	s12 =	simm.s32 $0x400;
	s14 =	simm.s32 $0x80;
	[tilespmem:s7+$0xE010] =	vst v29;
	v28 =	vld [tilespmem:s7+$0xB860]  }
.LBB2_9:
0xe8: {  	p0 =	sne.s32 s12, $0x9E00;
	v29 =	vld [tilespmem:s14+$0xB870];
	[tilespmem:s7+$0xE020] =	vst v26  }
0xe9: {  	v30 =	vld [tilespmem:s14+$0xB800];
	[tilespmem:s7+$0xE030] =	vst v24  }
0xea: {  	v31 =	vld [tilespmem:s14+$0xB810];
	[tilespmem:s7+$0xE040] =	vst v25  }
.Ltmp4:
0xeb: {  	v26 =	vld [tilespmem:s14+$0xB820];
	[tilespmem:s7+$0xE050] =	vst v27;
	(pc) =	sbr.rel @p0 .LBB2_9-.Ltmp4, $4  }
0xec: {  	v24 =	vld [tilespmem:s14+$0xB830];
	[tilespmem:s7+$0xE060] =	vst v28;
	s7 =	smov.u32 s14  }
0xed: {  	v25 =	vld [tilespmem:s7+$0xB840];
	[tilespmem:s7+$0xE070] =	vst v29  }
0xee: {  	[tilespmem:s7+$0xE000] =	vst v30;
	v27 =	vld [tilespmem:s7+$0xB850]  }
0xef: {  	s14 =	sshra.s32 s12, $0x2;
	s12 =	sadd.s32 $0x200, s12;
	[tilespmem:s7+$0xE010] =	vst v31;
	v28 =	vld [tilespmem:s7+$0xB860]  }
0xf0: {  	v29 =	vld [tilespmem:s14+$0xB870];
	[tilespmem:s7+$0xE020] =	vst v26  }
0xf1: {  	v26 =	vld [tilespmem:s14+$0xB800];
	[tilespmem:s7+$0xE030] =	vst v24  }
0xf2: {  	v24 =	vld [tilespmem:s14+$0xB810];
	[tilespmem:s7+$0xE040] =	vst v25  }
0xf3: {  	v25 =	vld [tilespmem:s14+$0xB820];
	[tilespmem:s7+$0xE050] =	vst v27  }
0xf4: {  	v27 =	vld [tilespmem:s14+$0xB830];
	[tilespmem:s7+$0xE060] =	vst v28  }
0xf5: {  	v28 =	vld [tilespmem:s14+$0xB840];
	[tilespmem:s14+$0xE070] =	vst v29  }
0xf6: {  	v62 =	vld [tilespmem:s14+$0xB850];
	[tilespmem:s14+$0xE000] =	vst v26  }
0xf7: {  	v63 =	vld [tilespmem:s14+$0xB860];
	[tilespmem:s14+$0xE010] =	vst v24  }
0xf8: {  	[tilespmem:s14+$0xE020] =	vst v25  }
0xf9: {  	[tilespmem:s14+$0xE030] =	vst v27  }
0xfa: {  	[tilespmem:s14+$0xE040] =	vst v28  }
0xfb: {  	[tilespmem:s14+$0xE050] =	vst v62  }
0xfc: {  	s12 =	simm.s32 $0x0;
	s7 =	rddreg [dreg:$0x7];
	[tilespmem:s14+$0xE060] =	vst v63;
	s14 =	simm.s32 $0xE000  }
0xfd: {  	[hbm4b:s7+s12] =	stream.linear.scatter [tilespmem:s14], [sflag:$0x13], $0x2800, $0x38;
	[tilespmem:$0x13000] =	vst v63  }
0xfe: {  	s14 =	simm.s32 $0x13  }
0xff: {  	_ =	swait.ge [sflag:s14], $0x2800  }
0x100: {  	s13 =	sadd.s32 $0x1, s13;
	s7 =	rddreg [dreg:$0x8]  }
0x101: {  	p0 =	sne.s32 s13, s7  }
.Ltmp5:
0x102: {  	_ = 	snop;
	(pc) =	sbr.rel @p0 .LBB2_1-.Ltmp5, $3  }
0x103: {  	_ =	sdelay $0x1  }
0x104: {  	[sflag:s14] =	ssyncset.done $0x0  }
0x105: {  	[sflag:s14] =	ssyncadd.s32 $0xFFFFD800  }
0x106: {  	_ =	sfence.sel $0x180000  }
0x107: {  	[bflag:$0x0] =	sbarrier.arrive $0xFFFF  }
0x108: {  	_ =	strace $0x9000004D  }
0x109: {  	s0 =	stileid.u32;
	[bflag:$0x2] =	sbarrier.arrive $0xFFFF  }
0x10a: {  	p0 =	sne.s32 s0, $0x0;
	s0 =	rddreg [dreg:$0x3]  }
0x10b: {  	s0 =	sadd.s32 @!p0 $0x100000, s0  }
0x10c: {  	[sflag:s0] =	ssyncadd.tile.s32 @!p0 $0x1;
	_ =	shalt  }
.Lfunc_end2:
_tile_overlayer_lowered:
.L_overlay_start_2:
0x10d: {  	(tag) =	ssettag $0x2  }
0x10e: {  	s0 =	rddreg [dreg:$0x0];
	s2 =	stileid.u32  }
0x10f: {  	s1 =	rddreg [dreg:$0x1];
	p0 =	sne.s32 s2, $0x0  }
0x110: {  	s3 =	rddreg [dreg:$0x2];
	[bflag:$0x3] =	sbarrier.arrive $0xFFFF;
	s2 =	simm.s32 @!p0 $0x1C13  }
0x111: {  	[timem:s3], [sflag:s2] =	dma.local @!p0 [hbm:s0], s1  }
0x112: {  	s0 =	simm.s32 @!p0 $0x13  }
0x113: {  	_ =	swait.ge @!p0 [sflag:s0], s1  }
0x114: {  	s1 =	ssub.s32 @!p0 $0x0, s1;
	[sflag:s0] =	ssyncset.done @!p0 $0x0  }
0x115: {  	[sflag:s0] =	ssyncadd.s32 @!p0 s1  }
0x116: {  	[bflag:$0x3] =	sbarrier.arrive $0xFFFF  }
0x117: {  	_ =	shalt  }

// kernel: kernel.9.cloned.1.call-start
scs
__scs_entry_jumppad:
0x0: {  	(pc) =	sbr.rel $0x88, $3  }
0x1: {  	(tag) =	ssettag $0x0;
	lr =	simm.s32 $0x1  }
0x2: {  	[smem:$0x3F9B] =	sst lr;
	_ =	strace $0xD0000000  }
0x3: {  	_ = 	snop  }
0x4: {  	_ = 	snop  }
0x5: {  	_ = 	snop  }
0x6: {  	_ = 	snop  }
0x7: {  	_ = 	snop  }
__scs_overlays_trampoline_lowered:
0x8: {  	[smem:$0x3FAA] =	sst s0  }
0x9: {  	[smem:$0x3FAB] =	sst s1  }
0xa: {  	[smem:$0x3FAC] =	sst s2  }
0xb: {  	[smem:$0x3FAD] =	sst s3  }
0xc: {  	[smem:$0x3FAE] =	sst s4  }
0xd: {  	[smem:$0x3FAF] =	sst s5  }
0xe: {  	[smem:$0x3FB0] =	sst s6  }
0xf: {  	[smem:$0x3FB1] =	sst s7  }
0x10: {  	[smem:$0x3FB2] =	sst s8  }
0x11: {  	[smem:$0x3FB3] =	sst s9;
	s0 =	simm.s32 @!p0 $0x0  }
0x12: {  	s1 =	sld [smem:$0x3F99];
	s0 =	simm.s32 @p0 $0x1  }
0x13: {  	[smem:$0x3FB4] =	sst s0;
	s0 =	simm.s32 @!p1 $0x0  }
0x14: {  	s2 =	sld [smem:$0x3F98];
	s0 =	simm.s32 @p1 $0x1  }
0x15: {  	[smem:$0x3FB5] =	sst s0;
	s0 =	simm.s32 @!p2 $0x0  }
0x16: {  	s3 =	sld [smem:$0x3FDB];
	s0 =	simm.s32 @p2 $0x1  }
0x17: {  	s4 =	simm.s32 $0x1BF5;
	[smem:$0x3FB7] =	sst s0  }
0x18: {  	s0 =	sld [smem:$0x3F9A];
	_ =	swait.ge [sflag:s4], $0x0  }
0x19: {  	s7 =	sld [smem:$0x3F9B]  }
0x1a: {  	s8 =	sadd.s32 $0xFFFFE003, lr  }
0x1b: {  	s9 =	sadd.s32 $0xFFFFFEF7, lr;
	s5 =	simm.s32 $0xFFFFFFFF;
	p2 =	slt.u32 s8, $0xFFFFF086  }
0x1c: {  	p1 =	slt.u32 s9, $0xF7A;
	s5 =	simm.s32 @!p2 $0x0  }
0x1d: {  	s5 =	simm.s32 @p1 $0x1;
	p0 =	seq.s32 s7, s2  }
0x1e: {  	s7 =	smul.u32 @!p0 $0xF7A, s2;
	p2 =	seq.s32 @!p0 s5, $0x0  }
0x1f: {  	s9 =	smul.u32 $0xF7A, s1;
	s8 =	simm.s32 @!p0 $0x1BF5;
	p2 =	por !p2, p0  }
0x20: {  	[sflag:s8] =	ssyncset.s32 @!p0 $0xFFFFF086;
	s6 =	sadd.s32 @!p0 s3, s7;
	s7 =	simm.s32 @!p0 $0x108  }
0x21: {  	s3 =	sadd.s32 s3, s9;
	s6 =	sadd.s32 @!p0 $0x88, s6;
	s7 =	simm.s32 @p2 $0x1082  }
0x22: {  	[simem:s7], [sflag:s8] =	dma.local @!p0 [hbm:s6], $0xF7A  }
0x23: {  	s9 =	sor.u32 $0xD0000000, s2;
	s6 =	simm.s32 $0x108;
	_ =	swait.ge @!p0 [sflag:s8], $0x0  }
0x24: {  	s3 =	sadd.s32 $0x88, s3;
	s6 =	simm.s32 @!p1 $0x1082;
	[sflag:s4] =	ssyncset.s32 $0xFFFFF086  }
0x25: {  	[simem:s6], [sflag:s4] =	dma.local [hbm:s3], $0xF7A  }
0x26: {  	[smem:$0x3F9B] =	sst s1;
	(tag) =	ssettag s2;
	_ =	strace s9  }
0x27: {  	s1 =	sld [smem:$0x3FAB]  }
0x28: {  	s2 =	sld [smem:$0x3FAC]  }
0x29: {  	s4 =	sld [smem:$0x3FAE]  }
0x2a: {  	p0 =	seq.s32 s5, $0x0;
	s5 =	sld [smem:$0x3FAF]  }
0x2b: {  	s6 =	sld [smem:$0x3FB0]  }
0x2c: {  	s7 =	sld [smem:$0x3FB1]  }
0x2d: {  	s3 =	simm.s32 $0x108;
	s8 =	sld [smem:$0x3FB2]  }
0x2e: {  	s3 =	simm.s32 @!p0 $0x1082;
	s9 =	sld [smem:$0x3FB3]  }
0x2f: {  	lr =	sadd.s32 s0, s3;
	s0 =	sld [smem:$0x3FAA]  }
0x30: {  	s3 =	sld [smem:$0x3FAD]  }
0x31: {  	[smem:$0x3FB6] =	sst s10  }
0x32: {  	s10 =	sld [smem:$0x3FB4];
	_ =	sdelay $0x3  }
0x33: {  	p0 =	seq.s32 s10, $0x1;
	s10 =	sld [smem:$0x3FB6];
	_ =	sdelay $0x3  }
0x34: {  	[smem:$0x3FB6] =	sst s10  }
0x35: {  	s10 =	sld [smem:$0x3FB5];
	_ =	sdelay $0x3  }
0x36: {  	p1 =	seq.s32 s10, $0x1;
	s10 =	sld [smem:$0x3FB6];
	_ =	sdelay $0x3  }
0x37: {  	[smem:$0x3FB6] =	sst s10  }
0x38: {  	s10 =	sld [smem:$0x3FB7]  }
0x39: {  	_ = 	snop;
	(pc) =	sbr.ind lr, $3  }
0x3a: {  	_ = 	snop  }
0x3b: {  	_ = 	snop  }
0x3c: {  	p2 =	seq.s32 s10, $0x1;
	s10 =	sld [smem:$0x3FB6]  }
0x3d: {  	_ =	shalt  }
0x3e: {  	_ =	shalt  }
0x3f: {  	_ =	shalt  }
0x40: {  	_ =	shalt  }
0x41: {  	_ =	shalt  }
0x42: {  	_ =	shalt  }
0x43: {  	_ =	shalt  }
0x44: {  	_ =	shalt  }
0x45: {  	_ =	shalt  }
0x46: {  	_ =	shalt  }
0x47: {  	_ =	shalt  }
0x48: {  	_ =	shalt  }
0x49: {  	_ =	shalt  }
0x4a: {  	_ =	shalt  }
0x4b: {  	_ =	shalt  }
0x4c: {  	_ =	shalt  }
0x4d: {  	_ =	shalt  }
0x4e: {  	_ =	shalt  }
0x4f: {  	_ =	shalt  }
0x50: {  	_ =	shalt  }
0x51: {  	_ =	shalt  }
0x52: {  	_ =	shalt  }
0x53: {  	_ =	shalt  }
0x54: {  	_ =	shalt  }
0x55: {  	_ =	shalt  }
0x56: {  	_ =	shalt  }
0x57: {  	_ =	shalt  }
0x58: {  	_ =	shalt  }
0x59: {  	_ =	shalt  }
0x5a: {  	_ =	shalt  }
0x5b: {  	_ =	shalt  }
0x5c: {  	_ =	shalt  }
0x5d: {  	_ =	shalt  }
0x5e: {  	_ =	shalt  }
0x5f: {  	_ =	shalt  }
0x60: {  	_ =	shalt  }
0x61: {  	_ =	shalt  }
0x62: {  	_ =	shalt  }
0x63: {  	_ =	shalt  }
0x64: {  	_ =	shalt  }
0x65: {  	_ =	shalt  }
0x66: {  	_ =	shalt  }
0x67: {  	_ =	shalt  }
0x68: {  	_ =	shalt  }
0x69: {  	_ =	shalt  }
0x6a: {  	_ =	shalt  }
0x6b: {  	_ =	shalt  }
0x6c: {  	_ =	shalt  }
0x6d: {  	_ =	shalt  }
0x6e: {  	_ =	shalt  }
0x6f: {  	_ =	shalt  }
0x70: {  	_ =	shalt  }
0x71: {  	_ =	shalt  }
0x72: {  	_ =	shalt  }
0x73: {  	_ =	shalt  }
0x74: {  	_ =	shalt  }
0x75: {  	_ =	shalt  }
0x76: {  	_ =	shalt  }
0x77: {  	_ =	shalt  }
0x78: {  	_ =	shalt  }
0x79: {  	_ =	shalt  }
0x7a: {  	_ =	shalt  }
0x7b: {  	_ =	shalt  }
0x7c: {  	_ =	shalt  }
0x7d: {  	_ =	shalt  }
0x7e: {  	_ =	shalt  }
0x7f: {  	_ =	shalt  }
0x80: {  	_ =	shalt  }
0x81: {  	_ =	shalt  }
0x82: {  	_ =	shalt  }
0x83: {  	_ =	shalt  }
0x84: {  	_ =	shalt  }
0x85: {  	_ =	shalt  }
0x86: {  	_ =	shalt  }
0x87: {  	_ =	shalt  }
.Lfunc_end0:
.L_simem_size_0:
called_computation_lowered:
.L_overlay_start_0:
0x88: {  	s2 =	sld [smem:$0x3FD9]  }
0x89: {  	s3 =	sld [smem:$0x3FFE];
	_ =	sdelay $0x1  }
0x8a: {  	s1 =	srdreg.scid  }
0x8b: {  	s0 =	sand.u32 $0x1, s1  }
0x8c: {  	s16 =	sshll.u32 s0, $0xA;
	s2 =	sadd.s32 s3, s2  }
0x8d: {  	s2 =	sadd.s32 s2, s16  }
0x8e: {  	[smem:$0x3FC2] =	sst s2  }
0x8f: {  	_ = 	snop  }
0x90: {  	(tm) =	ssettm $0x1  }
0x91: {  	s17 =	sld [smem:$0x3FFB];
	_ =	sdelay $0x3  }
0x92: {  	_ =	strace s17  }
0x93: {  	s2 =	sld [smem:$0x3FFC];
	_ =	sdelay $0x3  }
0x94: {  	_ =	strace s2  }
0x95: {  	s2 =	sld [smem:$0x3FFD];
	_ =	sdelay $0x3  }
0x96: {  	_ =	strace s2  }
0x97: {  	_ =	strace $0x8FFFFFFF  }
0x98: {  	s18 =	sld [smem:$0x3FDB];
	_ =	sdelay $0x1  }
0x99: {  	s19 =	simm.s32 $_scs_section_size  }
0x9a: {  	s4 =	simm.s32 $_size__tile_overlayer_lowered;
	s5 =	simm.s32 $_tile_overlayer_lowered  }
0x9b: {  	s22 =	simm.s32 $0x1BFF;
	s21 =	sshll.u32 s5, $0x1;
	s2 =	sadd.s32 s19, s18  }
0x9c: {  	s6 =	simm.s32 $0x0;
	s20 =	sshll.u32 s4, $0x1;
	s4 =	sadd.s32 s21, s2  }
0x9d: {  	[timem:s6], [sflag:s22] =	dma.local [hbm:s4], s20  }
0x9e: {  	_ =	swait.ge [sflag:s22], s20  }
0x9f: {  	s3 =	ssub.s32 $0x0, s20;
	[sflag:s22] =	ssyncset.done $0x0  }
0xa0: {  	[sflag:s22] =	ssyncadd.s32 s3;
	_ =	sdelay $0x1  }
0xa1: {  	s23 =	simm.s32 $0x1B8B  }
0xa2: {  	_ =	swait.ge [sflag:s23], $0x1  }
0xa3: {  	[sflag:s23] =	ssyncset.done $0x0  }
0xa4: {  	s25 =	simm.s32 $0x1B8E;
	s24 =	sld [smem:$0x3FFE];
	[sflag:s23] =	ssyncadd.s32 $0xFFFFFFFF  }
0xa5: {  	s26 =	simm.s32 $execute0_lowered;
	[smem:$0x3FD2] =	sst s25  }
0xa6: {  	s4 =	sshll.u32 s26, $0x1;
	_ =	strace $0x80000046;
	[dreg:$0x1] =	wrdreg $0xFFFFFFFF  }
0xa7: {  	s28 =	simm.s32 $_size_execute0_lowered;
	s2 =	sadd.s32 s2, s4;
	[dreg:$0x0] =	wrdreg $0x0  }
0xa8: {  	s4 =	sshll.u32 s28, $0x1;
	[dreg:$0x2] =	wrdreg s2  }
0xa9: {  	[dreg:$0x3] =	wrdreg s4  }
0xaa: {  	[dreg:$0x4] =	wrdreg $0xC0  }
0xab: {  	_ =	task [dreg:s6], $0x5FFFF  }
0xac: {  	[dreg:$0x1] =	wrdreg $0xFFFFFFFF  }
0xad: {  	[dreg:$0x0] =	wrdreg $0x60  }
0xae: {  	[dreg:$0x2] =	wrdreg s24  }
0xaf: {  	[dreg:$0x3] =	wrdreg $0x7B000  }
0xb0: {  	[dreg:$0x4] =	wrdreg $0x9  }
0xb1: {  	_ =	task.clear_ibuf [dreg:s6], $0x5FFFF;
	_ =	strace $0x90000046  }
0xb2: {  	s29 =	simm.s32 $0x9;
	_ =	strace $0x80000048  }
0xb3: {  	_ =	swait.ge [sflag:s29], $0x1  }
0xb4: {  	[sflag:s29] =	ssyncadd.s32 $0xFFFFFFFF  }
0xb5: {  	_ =	strace $0x90000048  }
0xb6: {  	_ =	sfence  }
0xb7: {  	s30 =	sld [smem:$0x0];
	_ =	sdelay $0x2  }
0xb8: {  	s31 =	sshll.u32 s1, $0xD;
	s1 =	sshrl.u32 s1, $0x2  }
0xb9: {  	s3 =	sand.u32 $0x4000, s31;
	s1 =	sadd.s32 s1, s30  }
0xba: {  	s0 =	sor.u32 s3, s0;
	s1 =	sshll.u32 s1, $0x11  }
0xbb: {  	s0 =	sor.u32 s1, s0  }
0xbc: {  	s0 =	sadd.s32 $0x8F2B, s0  }
0xbd: {  	[sflag:s0] =	ssyncadd.remote.s32 $0x1  }
0xbe: {  	_ =	sfence.sel $0xFFFF  }
0xbf: {  	[dreg:$0x0] =	wrdreg $0xFFFFFFFF;
	(pc) =	sbr.abs _section_cstart, $3  }
0xc0: {  	[dreg:$0x1] =	wrdreg $0xFFFFFFFF  }
0xc1: {  	_ =	task.clear_ibuf [dreg:s6], $0x2FFFF;
	_ =	strace $0x9FFFFFFF  }
0xc2: {  	(tm) =	ssettm $0x7FFFFFFF  }
0xc3: {  	_ =	shalt  }
tec
execute0_lowered:
.L_overlay_start_1:
0x0: {  	(tag) =	ssettag $0x1  }
0x1: {  	s0 =	stileid.u32  }
0x2: {  	s4 =	smul.u32 $0x1F, s0;
	_ =	sdelay $0x1  }
0x3: {  	v5 =	vlaneseq.u32;
	s1 =	sadd.s32 $0x10, s4  }
0x4: {  	s14 =	sadd.s32 $0x20, s4;
	v0 =	vadd.s32 s1, v5  }
0x5: {  	v2 =	vadd.s32 s14, v5;
	v1 =	vmulhi.u32 $0x1111112, v0  }
0x6: {  	s15 =	sadd.s32 $0x30, s4;
	s17 =	sadd.s32 $0x50, s4;
	v3 =	vmulhi.u32 $0x1111112, v2  }
0x7: {  	v4 =	vadd.s32 s15, v5;
	v7 =	vadd.s32 s17, v5  }
0x8: {  	s19 =	sadd.s32 $0x70, s4;
	v6 =	vmulhi.u32 $0x1111112, v4;
	v1 =	vmul.u32 $0xF0, v1;
	v3 =	vmul.u32 $0xF0, v3  }
0x9: {  	s16 =	sadd.s32 $0x40, s4;
	v10 =	vadd.s32 s19, v5;
	v8 =	vmulhi.u32 $0x1111112, v7  }
0xa: {  	s20 =	sadd.s32 $0x80, s4;
	v0 =	vsub.s32 v0, v1;
	v1 =	vsub.s32 v2, v3;
	v3 =	vadd.s32 s16, v5  }
0xb: {  	s22 =	sadd.s32 $0xA0, s4;
	v12 =	vadd.s32 s20, v5;
	v2 =	vmul.u32 $0xF0, v6;
	v6 =	vmulhi.u32 $0x1111112, v3  }
0xc: {  	s18 =	sadd.s32 $0x60, s4;
	v14 =	vadd.s32 s22, v5;
	v11 =	vmulhi.u32 $0x1111112, v10;
	v8 =	vmul.u32 $0xF0, v8  }
0xd: {  	s24 =	sadd.s32 $0xC0, s4;
	s6 =	sadd.s32 $0xD0, s4;
	v2 =	vsub.s32 v4, v2;
	v4 =	vmul.u32 $0xF0, v6;
	v6 =	vadd.s32 s18, v5  }
0xe: {  	v15 =	vadd.s32 s24, v5;
	v16 =	vadd.s32 s6, v5;
	v9 =	vmulhi.u32 $0x1111112, v6  }
0xf: {  	s21 =	sadd.s32 $0x90, s4;
	v3 =	vsub.s32 v3, v4;
	v4 =	vsub.s32 v7, v8;
	v7 =	vmulhi.u32 $0x1111112, v12  }
0x10: {  	s23 =	sadd.s32 $0xB0, s4;
	s10 =	sadd.s32 $0xE0, s4;
	s4 =	sadd.s32 $0xF0, s4;
	v8 =	vmul.u32 $0xF0, v9;
	v9 =	vmul.u32 $0xF0, v11;
	v11 =	vadd.s32 s21, v5  }
0x11: {  	v17 =	vadd.s32 s4, v5;
	v7 =	vmul.u32 $0xF0, v7;
	v13 =	vmulhi.u32 $0x1111112, v11  }
0x12: {  	v6 =	vsub.s32 v6, v8;
	v8 =	vsub.s32 v10, v9;
	v9 =	vmulhi.u32 $0x1111112, v14  }
0x13: {  	v7 =	vsub.s32 v12, v7;
	v10 =	vmul.u32 $0xF0, v13;
	v12 =	vadd.s32 s23, v5  }
0x14: {  	s5 =	rddreg [dreg:$0x0];
	v0 =	vadd.s32 $0x2710, v0;
	v9 =	vmul.u32 $0xF0, v9;
	v13 =	vmulhi.u32 $0x1111112, v12  }
0x15: {  	s2 =	rddreg [dreg:$0x1];
	s3 =	srdreg.scid;
	v1 =	vadd.s32 $0x2710, v1;
	v10 =	vsub.s32 v11, v10;
	v11 =	vmulhi.u32 $0x1111112, v15  }
0x16: {  	s11 =	simm.s32 $0x5000;
	s12 =	simm.s32 $0x1;
	s9 =	smul.u32 $0x500, s0;
	v9 =	vsub.s32 v14, v9;
	v13 =	vmul.u32 $0xF0, v13;
	v14 =	vmulhi.u32 $0x1111112, v16  }
0x17: {  	s13 =	simm.s32 $0x5300;
	s7 =	sand.u32 $0x1, s3;
	s26 =	smul.u32 $0xA00, s0;
	v2 =	vadd.s32 $0x2710, v2;
	v3 =	vadd.s32 $0x2710, v3;
	v11 =	vmul.u32 $0xF0, v11  }
0x18: {  	s3 =	simm.s32 $0x0;
	s8 =	sshll.u32 s0, $0x1;
	s25 =	smul.u32 $0x5000, s7;
	v12 =	vsub.s32 v12, v13;
	v13 =	vmul.u32 $0xF0, v14;
	v14 =	vadd.s32 s10, v5  }
0x19: {  	s8 =	sor.u32 s7, s8;
	[smem:$0x7FF] =	sst s3;
	s28 =	ssub.s32 $0x2, s7;
	v4 =	vadd.s32 $0x2710, v4;
	v11 =	vsub.s32 v15, v11;
	v15 =	vmulhi.u32 $0x1111112, v14  }
0x1a: {  	s8 =	smul.u32 $0x2710, s8;
	s30 =	sshrl.u32 s28, $0x1;
	s1 =	rddreg [dreg:$0x2];
	v7 =	vadd.s32 $0x2710, v7;
	v13 =	vsub.s32 v16, v13;
	v16 =	vmulhi.u32 $0x1111112, v17  }
0x1b: {  	_ =	strace $0x80000047;
	s6 =	sadd.s32 s9, s25;
	s9 =	sshrl.u32 s26, $0x2;
	v9 =	vadd.s32 $0x2710, v9;
	v5 =	vadd.s32 $0x2710, v6;
	v15 =	vmul.u32 $0xF0, v15  }
0x1c: {  	s31 =	ssub.s32 s28, s30;
	s14 =	simm.s32 $0x0;
	s6 =	sadd.s32 s6, s5;
	v6 =	vadd.s32 $0x2710, v8;
	v8 =	vadd.s32 $0x2710, v10;
	v16 =	vmul.u32 $0xF0, v16  }
0x1d: {  	s29 =	sshrl.u32 s8, $0x3;
	s4 =	sadd.s32 s9, s2;
	s7 =	smax.u32 s31, $0x1;
	v10 =	vadd.s32 $0x2710, v12;
	v11 =	vadd.s32 $0x2710, v11;
	v14 =	vsub.s32 v14, v15  }
0x1e: {  	s8 =	simm.s32 $0x5080;
	s9 =	simm.s32 $0x2;
	s5 =	sadd.s32 s5, s29;
	v12 =	vadd.s32 $0x2710, v13;
	v13 =	vadd.s32 $0x2710, v14;
	v14 =	vsub.s32 v17, v16  }
0x1f: {  	s6 =	sadd.s32 $0x16600, s6;
	s5 =	sadd.s32 $0xC840, s5;
	s10 =	simm.s32 $0x80;
	v15 =	vimm.f32 $1.000000000e+00;
	v16 =	vimm.f32 $0.0e+00;
	v14 =	vadd.s32 $0x2710, v14  }
.LBB2_1:
0x20: {  	[tilespmem:$0x5000] =	vst v15  }
0x21: {  	[tilespmem:$0x5010] =	vst v15  }
0x22: {  	[tilespmem:$0x5020] =	vst v15  }
0x23: {  	[tilespmem:$0x5030] =	vst v15  }
0x24: {  	[tilespmem:$0x5040] =	vst v15  }
0x25: {  	[tilespmem:$0x5050] =	vst v15  }
0x26: {  	[tilespmem:$0x5060] =	vst v15  }
0x27: {  	[tilespmem:$0x5070] =	vst v15  }
0x28: {  	[tilespmem:$0x5080] =	vst v16  }
0x29: {  	[tilespmem:$0x5090] =	vst v16  }
0x2a: {  	[tilespmem:$0x50A0] =	vst v16  }
0x2b: {  	[tilespmem:$0x50B0] =	vst v16  }
0x2c: {  	[tilespmem:$0x50C0] =	vst v16  }
0x2d: {  	[tilespmem:$0x50D0] =	vst v16  }
0x2e: {  	[tilespmem:$0x50E0] =	vst v16  }
0x2f: {  	[tilespmem:$0x50F0] =	vst v16  }
0x30: {  	[tilespmem:$0x5100] =	vst v16  }
0x31: {  	[tilespmem:$0x5110] =	vst v16  }
0x32: {  	[tilespmem:$0x5120] =	vst v16  }
0x33: {  	[tilespmem:$0x5130] =	vst v16  }
0x34: {  	[tilespmem:$0x5140] =	vst v16  }
0x35: {  	[tilespmem:$0x5150] =	vst v16  }
0x36: {  	[tilespmem:$0x5160] =	vst v16  }
0x37: {  	[tilespmem:$0x5170] =	vst v16  }
0x38: {  	[tilespmem:$0x5180] =	vst v16  }
0x39: {  	[tilespmem:$0x5190] =	vst v16  }
0x3a: {  	[tilespmem:$0x51A0] =	vst v16  }
0x3b: {  	[tilespmem:$0x51B0] =	vst v16  }
0x3c: {  	[tilespmem:$0x51C0] =	vst v16  }
0x3d: {  	[tilespmem:$0x51D0] =	vst v16  }
0x3e: {  	[tilespmem:$0x51E0] =	vst v16  }
0x3f: {  	[tilespmem:$0x51F0] =	vst v16  }
0x40: {  	[tilespmem:$0x5200] =	vst v16  }
0x41: {  	[tilespmem:$0x5210] =	vst v16  }
0x42: {  	[tilespmem:$0x5220] =	vst v16  }
0x43: {  	[tilespmem:$0x5230] =	vst v16  }
0x44: {  	[tilespmem:$0x5240] =	vst v16  }
0x45: {  	[tilespmem:$0x5250] =	vst v16  }
0x46: {  	[tilespmem:$0x5260] =	vst v16  }
0x47: {  	[tilespmem:$0x5270] =	vst v16  }
0x48: {  	[tilespmem:$0x5280] =	vst v16  }
0x49: {  	[tilespmem:$0x5290] =	vst v16  }
0x4a: {  	[tilespmem:$0x52A0] =	vst v16  }
0x4b: {  	[tilespmem:$0x52B0] =	vst v16  }
0x4c: {  	[tilespmem:$0x52C0] =	vst v16  }
0x4d: {  	[tilespmem:$0x52D0] =	vst v16  }
0x4e: {  	[tilespmem:$0x52E0] =	vst v16  }
0x4f: {  	[tilespmem:$0x52F0] =	vst v16  }
0x50: {  	[spmem:s4] =	stream.linear.scatter [tilespmem:s8], [sflag:$0x2], $0x280, $0x38;
	[tilespmem:$0x7D80] =	vst v63  }
0x51: {  	_ =	swait.ge [sflag:s9], $0x280  }
0x52: {  	[sflag:s9] =	ssyncset.done $0x0  }
0x53: {  	[sflag:s9] =	ssyncadd.s32 $0xFFFFFD80  }
0x54: {  	[tilespmem:s3], [sflag:$0x2] =	stream.linear.gather [hbm4b:s5+s3], $0x2710, $0x38;
	[tilespmem:$0x7D80] =	vst v63  }
0x55: {  	_ =	swait.ge [sflag:s9], $0x2710  }
0x56: {  	[sflag:s9] =	ssyncset.done $0x0  }
0x57: {  	s15 =	simm.s32 $0x0;
	[sflag:s9] =	ssyncadd.s32 $0xFFFFD8F0  }
0x58: {  	v20 =	vld [tilespmem:s15+$0x70]  }
0x59: {  	v21 =	vld [tilespmem:s15+$0x0]  }
0x5a: {  	v22 =	vld [tilespmem:s15+$0x10]  }
0x5b: {  	v19 =	vld [tilespmem:s15+$0x20]  }
0x5c: {  	v17 =	vld [tilespmem:s15+$0x30]  }
0x5d: {  	v18 =	vld [tilespmem:s15+$0x40];
	[tilespmem:s15+$0x2870] =	vst v20  }
0x5e: {  	[tilespmem:s15+$0x2800] =	vst v21;
	v20 =	vld [tilespmem:s15+$0x50]  }
0x5f: {  	s16 =	simm.s32 $0x80;
	s17 =	simm.s32 $0x400;
	[tilespmem:s15+$0x2810] =	vst v22;
	v21 =	vld [tilespmem:s15+$0x60]  }
.LBB2_2:
0x60: {  	p0 =	sne.s32 s17, $0x9A00;
	v22 =	vld [tilespmem:s16+$0x70];
	[tilespmem:s15+$0x2820] =	vst v19  }
0x61: {  	v23 =	vld [tilespmem:s16+$0x0];
	[tilespmem:s15+$0x2830] =	vst v17  }
0x62: {  	v24 =	vld [tilespmem:s16+$0x10];
	[tilespmem:s15+$0x2840] =	vst v18  }
.Ltmp0:
0x63: {  	v19 =	vld [tilespmem:s16+$0x20];
	[tilespmem:s15+$0x2850] =	vst v20;
	(pc) =	sbr.rel @p0 .LBB2_2-.Ltmp0, $4  }
0x64: {  	v17 =	vld [tilespmem:s16+$0x30];
	[tilespmem:s15+$0x2860] =	vst v21;
	s15 =	smov.u32 s16  }
0x65: {  	v18 =	vld [tilespmem:s15+$0x40];
	[tilespmem:s15+$0x2870] =	vst v22  }
0x66: {  	[tilespmem:s15+$0x2800] =	vst v23;
	v20 =	vld [tilespmem:s15+$0x50]  }
0x67: {  	s16 =	sshra.s32 s17, $0x2;
	s17 =	sadd.s32 $0x200, s17;
	[tilespmem:s15+$0x2810] =	vst v24;
	v21 =	vld [tilespmem:s15+$0x60]  }
0x68: {  	v22 =	vld [tilespmem:s16+$0x70];
	[tilespmem:s15+$0x2820] =	vst v19  }
0x69: {  	v19 =	vld [tilespmem:s16+$0x0];
	[tilespmem:s15+$0x2830] =	vst v17  }
0x6a: {  	v17 =	vld [tilespmem:s16+$0x10];
	[tilespmem:s15+$0x2840] =	vst v18  }
0x6b: {  	v18 =	vld [tilespmem:s16+$0x20];
	[tilespmem:s15+$0x2850] =	vst v20  }
0x6c: {  	v20 =	vld [tilespmem:s16+$0x30];
	[tilespmem:s15+$0x2860] =	vst v21  }
0x6d: {  	v21 =	vld [tilespmem:s16+$0x40];
	[tilespmem:s16+$0x2870] =	vst v22  }
0x6e: {  	[tilespmem:s16+$0x2800] =	vst v19;
	v19 =	vld [tilespmem:s16+$0x50]  }
0x6f: {  	[tilespmem:s16+$0x2810] =	vst v17;
	v17 =	vld [tilespmem:s16+$0x60]  }
0x70: {  	[tilespmem:s16+$0x2820] =	vst v18  }
0x71: {  	[tilespmem:s16+$0x2830] =	vst v20  }
0x72: {  	[tilespmem:s16+$0x2840] =	vst v21  }
0x73: {  	[tilespmem:s16+$0x2850] =	vst v19  }
0x74: {  	[tilespmem:s16+$0x2860] =	vst v17  }
0x75: {  	[tilespmem:$0x4F10] =	vst v0  }
0x76: {  	[tilespmem:$0x4F20] =	vst v1  }
0x77: {  	[tilespmem:$0x4F30] =	vst v2  }
0x78: {  	[tilespmem:$0x4F40] =	vst v3  }
0x79: {  	[tilespmem:$0x4F50] =	vst v4  }
0x7a: {  	[tilespmem:$0x4F60] =	vst v5  }
0x7b: {  	[tilespmem:$0x4F70] =	vst v6  }
0x7c: {  	[tilespmem:$0x4F80] =	vst v7  }
0x7d: {  	[tilespmem:$0x4F90] =	vst v8  }
0x7e: {  	[tilespmem:$0x4FA0] =	vst v9  }
0x7f: {  	v17 =	vld [tilespmem:$0x2700];
	[tilespmem:$0x4FB0] =	vst v10  }
0x80: {  	[tilespmem:$0x4FC0] =	vst v11  }
0x81: {  	[tilespmem:$0x4FD0] =	vst v12  }
0x82: {  	[tilespmem:$0x4FE0] =	vst v13  }
0x83: {  	[tilespmem:$0x4FF0] =	vst v14  }
0x84: {  	[tilespmem:$0x4F00] =	vst v17  }
0x85: {  	s15 =	simm.s32 $0x0;
	[bflag:$0x0] =	sbarrier.arrive $0xFFFF  }
.LBB2_4:
0x86: {  	p0 =	sne.s32 s15, $0x9E00  }
.Ltmp1:
0x87: {  	_ = 	snop;
	(pc) =	sbr.rel @p0 .LBB2_4-.Ltmp1, $4  }
0x88: {  	_ = 	snop  }
0x89: {  	s16 =	sshra.s32 s15, $0x2  }
0x8a: {  	s15 =	sadd.s32 $0x200, s15;
	s16 =	sadd.s32 $0x2800, s16  }
0x8b: {  	[spmem:s2] =	stream.indirect.scatter.add.f32 [tilespmem:s11], [sflag:$0x1], $0x1, s16, s10, $0xb8;
	[tilespmem:$0x7D80] =	vst v63  }
0x8c: {  	_ =	swait.ge [sflag:s12], $0x80  }
0x8d: {  	s15 =	simm.s32 $0x4F;
	[sflag:s12] =	ssyncset.done $0x0  }
.LBB2_6:
0x8e: {  	p0 =	sne.s32 s15, $0x1;
	s15 =	sadd.s32 $0xFFFFFFFF, s15;
	[sflag:s12] =	ssyncadd.s32 $0xFFFFFF80  }
.Ltmp2:
0x8f: {  	(pc) =	sbr.rel @p0 .LBB2_6-.Ltmp2, $3  }
0x90: {  	_ =	sdelay $0x1  }
0x91: {  	_ =	swait.ge [sflag:s12], $0x80  }
0x92: {  	[sflag:s12] =	ssyncset.done $0x0  }
0x93: {  	[sflag:s12] =	ssyncadd.s32 $0xFFFFFF80  }
0x94: {  	[bflag:$0x0] =	sbarrier.arrive $0xFFFF  }
0x95: {  	[tilespmem:s8], [sflag:$0x2] =	stream.linear.gather [spmem:s4], $0x280, $0x38;
	[tilespmem:$0x7D80] =	vst v63  }
0x96: {  	_ =	swait.ge [sflag:s9], $0x280  }
0x97: {  	[sflag:s9] =	ssyncset.done $0x0  }
0x98: {  	s15 =	simm.s32 $0x0;
	[sflag:s9] =	ssyncadd.s32 $0xFFFFFD80  }
0x99: {  	v17 =	vld [tilespmem:s15+$0x5080];
	_ =	sdelay $0x4  }
0x9a: {  	v18 =	vbroadcast v17, $0x0  }
0x9b: {  	s15 =	simm.s32 $0x5380;
	v19 =	vbroadcast v17, $0x8  }
0x9c: {  	v20 =	vbroadcast v17, $0x1;
	[tilespmem:s15+$0xFFFFFF80] =	vst v18  }
0x9d: {  	v60 =	vbroadcast v17, $0xA;
	[tilespmem:s15+$0x0] =	vst v19  }
0x9e: {  	v61 =	vbroadcast v17, $0x4;
	[tilespmem:s15+$0xFFFFFF90] =	vst v20  }
0x9f: {  	v62 =	vbroadcast v17, $0xD;
	[tilespmem:s15+$0x20] =	vst v60  }
0xa0: {  	v63 =	vbroadcast v17, $0x7;
	[tilespmem:s15+$0xFFFFFFC0] =	vst v61  }
0xa1: {  	v18 =	vbroadcast v17, $0x9;
	[tilespmem:s15+$0x50] =	vst v62  }
0xa2: {  	v19 =	vbroadcast v17, $0x2;
	[tilespmem:s15+$0xFFFFFFF0] =	vst v63  }
0xa3: {  	[tilespmem:s15+$0x10] =	vst v18;
	v18 =	vbroadcast v17, $0x3  }
0xa4: {  	[tilespmem:s15+$0xFFFFFFA0] =	vst v19;
	v19 =	vbroadcast v17, $0xB  }
0xa5: {  	[tilespmem:s15+$0xFFFFFFB0] =	vst v18;
	v18 =	vbroadcast v17, $0xC  }
0xa6: {  	[tilespmem:s15+$0x30] =	vst v19;
	v19 =	vbroadcast v17, $0x5  }
0xa7: {  	[tilespmem:s15+$0x40] =	vst v18;
	v18 =	vbroadcast v17, $0x6  }
0xa8: {  	[tilespmem:s15+$0xFFFFFFD0] =	vst v19;
	v19 =	vbroadcast v17, $0xE  }
0xa9: {  	v17 =	vbroadcast v17, $0xF;
	[tilespmem:s15+$0xFFFFFFE0] =	vst v18  }
0xaa: {  	[tilespmem:s15+$0x60] =	vst v19  }
0xab: {  	s17 =	simm.s32 $0x10;
	s16 =	simm.s32 $0x80;
	[tilespmem:s15+$0x70] =	vst v17  }
.LBB2_8:
0xac: {  	p0 =	sne.s32 s16, $0x9C0;
	v17 =	vld [tilespmem:s17+$0x5080];
	_ =	sdelay $0x4  }
0xad: {  	v18 =	vbroadcast v17, $0x0;
	v19 =	vbroadcast v17, $0x8  }
0xae: {  	s15 =	sadd.s32 $0x100, s15;
	v20 =	vbroadcast v17, $0x1;
	v21 =	vbroadcast v17, $0x9  }
0xaf: {  	v22 =	vbroadcast v17, $0xA;
	[tilespmem:s15+$0xFFFFFF80] =	vst v18;
	v18 =	vbroadcast v17, $0x2  }
0xb0: {  	v23 =	vbroadcast v17, $0xB;
	[tilespmem:s15+$0x0] =	vst v19;
	v19 =	vbroadcast v17, $0x3  }
0xb1: {  	v24 =	vbroadcast v17, $0xC;
	[tilespmem:s15+$0xFFFFFF90] =	vst v20;
	v20 =	vbroadcast v17, $0x4  }
0xb2: {  	v25 =	vbroadcast v17, $0xD;
	[tilespmem:s15+$0x10] =	vst v21;
	v21 =	vbroadcast v17, $0x5  }
0xb3: {  	v26 =	vbroadcast v17, $0xE;
	[tilespmem:s15+$0xFFFFFFA0] =	vst v18;
	v18 =	vbroadcast v17, $0x6  }
0xb4: {  	[tilespmem:s15+$0x20] =	vst v22;
	v22 =	vbroadcast v17, $0x7;
	v17 =	vbroadcast v17, $0xF  }
0xb5: {  	[tilespmem:s15+$0xFFFFFFB0] =	vst v19  }
0xb6: {  	[tilespmem:s15+$0x30] =	vst v23  }
0xb7: {  	[tilespmem:s15+$0xFFFFFFC0] =	vst v20  }
0xb8: {  	[tilespmem:s15+$0x40] =	vst v24  }
0xb9: {  	[tilespmem:s15+$0xFFFFFFD0] =	vst v21  }
.Ltmp3:
0xba: {  	[tilespmem:s15+$0x50] =	vst v25;
	(pc) =	sbr.rel @p0 .LBB2_8-.Ltmp3, $4  }
0xbb: {  	[tilespmem:s15+$0xFFFFFFE0] =	vst v18  }
0xbc: {  	[tilespmem:s15+$0x60] =	vst v26  }
0xbd: {  	[tilespmem:s15+$0xFFFFFFF0] =	vst v22  }
0xbe: {  	s17 =	sshra.s32 s16, $0x2;
	s16 =	sadd.s32 $0x40, s16;
	[tilespmem:s15+$0x70] =	vst v17  }
0xbf: {  	v17 =	vld [tilespmem:s17+$0x5080];
	_ =	sdelay $0x4  }
0xc0: {  	v18 =	vbroadcast v17, $0x0  }
0xc1: {  	s15 =	sadd.s32 $0x100, s15;
	v19 =	vbroadcast v17, $0x8  }
0xc2: {  	v20 =	vbroadcast v17, $0x1;
	[tilespmem:s15+$0xFFFFFF80] =	vst v18  }
0xc3: {  	v60 =	vbroadcast v17, $0xA;
	[tilespmem:s15+$0x0] =	vst v19  }
0xc4: {  	v61 =	vbroadcast v17, $0x4;
	[tilespmem:s15+$0xFFFFFF90] =	vst v20  }
0xc5: {  	v62 =	vbroadcast v17, $0xD;
	[tilespmem:s15+$0x20] =	vst v60  }
0xc6: {  	v63 =	vbroadcast v17, $0x7;
	[tilespmem:s15+$0xFFFFFFC0] =	vst v61  }
0xc7: {  	v18 =	vbroadcast v17, $0x9;
	[tilespmem:s15+$0x50] =	vst v62  }
0xc8: {  	v19 =	vbroadcast v17, $0x2;
	[tilespmem:s15+$0xFFFFFFF0] =	vst v63  }
0xc9: {  	[tilespmem:s15+$0x10] =	vst v18;
	v18 =	vbroadcast v17, $0x3  }
0xca: {  	[tilespmem:s15+$0xFFFFFFA0] =	vst v19;
	v19 =	vbroadcast v17, $0xB  }
0xcb: {  	[tilespmem:s15+$0xFFFFFFB0] =	vst v18;
	v18 =	vbroadcast v17, $0xC  }
0xcc: {  	[tilespmem:s15+$0x30] =	vst v19;
	v19 =	vbroadcast v17, $0x5  }
0xcd: {  	[tilespmem:s15+$0x40] =	vst v18;
	v18 =	vbroadcast v17, $0x6  }
0xce: {  	[tilespmem:s15+$0xFFFFFFD0] =	vst v19;
	v19 =	vbroadcast v17, $0xE  }
0xcf: {  	s14 =	sadd.s32 $0x1, s14;
	v17 =	vbroadcast v17, $0xF;
	[tilespmem:s15+$0xFFFFFFE0] =	vst v18  }
0xd0: {  	p0 =	sne.s32 s14, s7;
	[tilespmem:s15+$0x60] =	vst v19  }
.Ltmp4:
0xd1: {  	[tilespmem:s15+$0x70] =	vst v17;
	(pc) =	sbr.rel @p0 .LBB2_1-.Ltmp4, $4  }
0xd2: {  	[hbm4b:s6+s3] =	stream.linear.scatter [tilespmem:s13], [sflag:$0x2], $0x2800, $0x38;
	[tilespmem:$0x7D80] =	vst v63  }
0xd3: {  	_ =	swait.ge [sflag:s9], $0x2800  }
0xd4: {  	[sflag:s9] =	ssyncset.done $0x0  }
0xd5: {  	[sflag:s9] =	ssyncadd.s32 $0xFFFFD800  }
0xd6: {  	_ =	sfence.sel $0x180000  }
0xd7: {  	[bflag:$0x0] =	sbarrier.arrive $0xFFFF  }
0xd8: {  	p0 =	sne.s32 s0, $0x0;
	_ =	strace $0x90000047  }
0xd9: {  	s0 =	sadd.s32 @!p0 $0x100000, s1;
	[bflag:$0x2] =	sbarrier.arrive $0xFFFF  }
0xda: {  	[sflag:s0] =	ssyncadd.tile.s32 @!p0 $0x1;
	_ =	shalt  }
.Lfunc_end2:
_tile_overlayer_lowered:
.L_overlay_start_2:
0xdb: {  	(tag) =	ssettag $0x2  }
0xdc: {  	s0 =	rddreg [dreg:$0x0];
	s2 =	stileid.u32  }
0xdd: {  	s1 =	rddreg [dreg:$0x1];
	p0 =	sne.s32 s2, $0x0  }
0xde: {  	s3 =	rddreg [dreg:$0x2];
	[bflag:$0x3] =	sbarrier.arrive $0xFFFF;
	s2 =	simm.s32 @!p0 $0x1C02  }
0xdf: {  	[timem:s3], [sflag:s2] =	dma.local @!p0 [hbm:s0], s1  }
0xe0: {  	s0 =	simm.s32 @!p0 $0x2  }
0xe1: {  	_ =	swait.ge @!p0 [sflag:s0], s1  }
0xe2: {  	s1 =	ssub.s32 @!p0 $0x0, s1;
	[sflag:s0] =	ssyncset.done @!p0 $0x0  }
0xe3: {  	[sflag:s0] =	ssyncadd.s32 @!p0 s1  }
0xe4: {  	[bflag:$0x3] =	sbarrier.arrive $0xFFFF  }
0xe5: {  	_ =	shalt  }

</sc_bundles>
